<compile_context>
chip_gen: v7x
topology: tpu7x:2x2x1
jax: 0.10.2.dev20260603
libtpu: 0.0.44.dev20260713+nightly
codegen_flags: <defaults>
</compile_context>

<pallas_src>
import functools

import jax
import jax.numpy as jnp
import numpy as np
from jax import lax
from jax.experimental import pallas as pl
from jax.experimental.pallas import tpu as pltpu
from jax.experimental.pallas import tpu_sc as plsc

N_NODES = 10000
N_EDGES = 320000
D = 128
P_DROP = 0.5

NC = 2
NS = 16
NT = NC * NS
G = 128

SINK = N_NODES
NPAD = 10240
RPT = NPAD // NS
NPM = 10112
RPM = NPM // NS
ROWB = 1024
NBLK = NPAD // ROWB


def _rotl32(x, d):
    return ((x << np.uint32(d)) | (x >> np.uint32(32 - d))).astype(np.uint32)


def _threefry2x32(k0, k1, x0, x1):
    ks = [np.uint32(k0), np.uint32(k1),
          np.uint32(np.uint32(k0) ^ np.uint32(k1) ^ np.uint32(0x1BD11BDA))]
    rotations = [(13, 15, 26, 6), (17, 29, 16, 24)]
    x0 = (x0 + ks[0]).astype(np.uint32)
    x1 = (x1 + ks[1]).astype(np.uint32)
    for i in range(5):
        for r in rotations[i % 2]:
            x0 = (x0 + x1).astype(np.uint32)
            x1 = _rotl32(x1, r)
            x1 = (x1 ^ x0).astype(np.uint32)
        x0 = (x0 + ks[(i + 1) % 3]).astype(np.uint32)
        x1 = (x1 + ks[(i + 2) % 3] + np.uint32(i + 1)).astype(np.uint32)
    return x0, x1


def _drop_edge_mask(seed, n, p_keep):
    b1, b2 = _threefry2x32(np.uint32(0), np.uint32(seed),
                           np.zeros(n, dtype=np.uint32),
                           np.arange(n, dtype=np.uint32))
    bits = (b1 ^ b2).astype(np.uint32)
    u = ((bits >> np.uint32(9)) | np.uint32(0x3F800000)).view(np.float32)
    return (u - np.float32(1.0)) < np.float32(p_keep)


_MASK = _drop_edge_mask(42, N_EDGES, 1.0 - P_DROP)
_POS = np.nonzero(_MASK)[0].astype(np.int32)
K = _POS.shape[0]
NCH = -(-K // (NT * G))
K_PAD = NT * G * NCH
_POS_PAD = np.concatenate(
    [_POS, np.full(K_PAD - K, N_EDGES, dtype=np.int32)])

NCH0 = 76
NCH1 = 2 * NCH - NCH0

NCHD = -(-N_EDGES // (NT * G))
E_PAD = NT * G * NCHD


_sc_mesh = plsc.VectorSubcoreMesh(
    core_axis_name="c", subcore_axis_name="s", num_cores=NC, num_subcores=NS)


@functools.partial(
    pl.kernel,
    out_type=jax.ShapeDtypeStruct((NC * 2 * NPAD,), jnp.float32),
    mesh=_sc_mesh,
    scratch_types=[
        pltpu.VMEM((NCHD, G), jnp.int32),
        pltpu.VMEM((NCHD, G), jnp.int32),
        pltpu.VMEM((G,), jnp.float32),
        pltpu.VMEM((RPT,), jnp.float32),
        pltpu.VMEM_SHARED((NPAD,), jnp.float32),
        pltpu.VMEM_SHARED((NPAD,), jnp.float32),
    ],
)
def _deg_kernel(srcd, dstd, out, sidx, didx, ones1, zb, hs, hd):
    c = lax.axis_index("c")
    s = lax.axis_index("s")
    w = c * NS + s

    pltpu.sync_copy(srcd.at[w], sidx)
    pltpu.sync_copy(dstd.at[w], didx)

    def _fill_ones(i, _):
        ones1[pl.ds(i * 16, 16)] = jnp.ones((16,), jnp.float32)
        return 0

    def _fill_zeros(i, _):
        zb[pl.ds(i * 16, 16)] = jnp.zeros((16,), jnp.float32)
        return 0

    lax.fori_loop(0, G // 16, _fill_ones, 0)
    lax.fori_loop(0, RPT // 16, _fill_zeros, 0)

    base = s * RPT
    pltpu.sync_copy(zb, hs.at[pl.ds(base, RPT)])
    pltpu.sync_copy(zb, hd.at[pl.ds(base, RPT)])
    plsc.subcore_barrier()

    def _chunk(j, _):
        pltpu.sync_copy(ones1, hs.at[sidx.at[j]], add=True)
        pltpu.sync_copy(ones1, hd.at[didx.at[j]], add=True)
        return 0

    lax.fori_loop(0, NCHD, _chunk, 0)
    plsc.subcore_barrier()

    pltpu.sync_copy(hs.at[pl.ds(base, RPT)],
                    out.at[pl.ds(c * 2 * NPAD + base, RPT)])
    pltpu.sync_copy(hd.at[pl.ds(base, RPT)],
                    out.at[pl.ds(c * 2 * NPAD + NPAD + base, RPT)])


@functools.partial(
    pl.kernel,
    out_type=jax.ShapeDtypeStruct((NC, NPM, D), jnp.float32),
    mesh=_sc_mesh,
    scratch_types=[
        pltpu.VMEM((NCH0, G), jnp.int32),
        pltpu.VMEM((2, G), jnp.int32),
        pltpu.VMEM((2, G), jnp.int32),
        pltpu.VMEM((G, D), jnp.float32),
        pltpu.VMEM((G, D), jnp.float32),
        pltpu.VMEM_SHARED((NPM, D), jnp.float32),
        pltpu.SemaphoreType.DMA,
        pltpu.SemaphoreType.DMA,
    ],
)
def _mp_kernel(h, kept0, kept1, out,
               pval, sbuf, dbuf, rows0, rows1, agg, gsem, isem):
    c = lax.axis_index("c")
    s = lax.axis_index("s")
    ncx = jnp.where(c == 0, NCH0, NCH1)

    @pl.when(c == 0)
    def _():
        pltpu.async_copy(kept0.at[s], pval.at[pl.ds(0, NCH0)], isem)

    @pl.when(c == 1)
    def _():
        pltpu.async_copy(kept1.at[s], pval.at[pl.ds(0, NCH1)], isem)

    def _zero_row(i, _):
        for l in range(D // 16):
            rows0[i, pl.ds(l * 16, 16)] = jnp.zeros((16,), jnp.float32)
        return 0

    lax.fori_loop(0, G, _zero_row, 0)

    base = s * RPM
    for k in range(RPM // G):
        pltpu.sync_copy(rows0, agg.at[pl.ds(base + k * G, G)])
    rem = RPM % G
    if rem:
        off = base + (RPM // G) * G
        pltpu.sync_copy(rows0.at[pl.ds(0, rem)], agg.at[pl.ds(off, rem)])

    @pl.when(c == 0)
    def _():
        pltpu.make_async_copy(kept0.at[s], pval.at[pl.ds(0, NCH0)], isem).wait()

    @pl.when(c == 1)
    def _():
        pltpu.make_async_copy(kept1.at[s], pval.at[pl.ds(0, NCH1)], isem).wait()

    plsc.subcore_barrier()

    def _decode(j, b):
        for l in range(G // 16):
            v = pval[j, pl.ds(l * 16, 16)]
            sbuf[b, pl.ds(l * 16, 16)] = v & jnp.int32(0x3FFF)
            dbuf[b, pl.ds(l * 16, 16)] = lax.shift_right_logical(
                v, jnp.int32(14))

    _decode(0, 0)
    pltpu.async_copy(h.at[sbuf.at[0]], rows0, gsem)
    _decode(1, 1)
    npair = ncx // 2

    def _pair(jj, _):
        j0 = 2 * jj
        j1 = j0 + 1
        pltpu.async_copy(h.at[sbuf.at[1]], rows1, gsem)
        pltpu.make_async_copy(h.at[sbuf.at[0]], rows0, gsem).wait()
        pltpu.sync_copy(rows0, agg.at[dbuf.at[0]], add=True)

        @pl.when(jj < npair - 1)
        def _():
            _decode(j0 + 2, 0)
            pltpu.async_copy(h.at[sbuf.at[0]], rows0, gsem)

        pltpu.make_async_copy(h.at[sbuf.at[1]], rows1, gsem).wait()
        pltpu.sync_copy(rows1, agg.at[dbuf.at[1]], add=True)

        @pl.when(jj < npair - 1)
        def _():
            _decode(j1 + 2, 1)
        return 0

    lax.fori_loop(0, npair, _pair, 0)
    plsc.subcore_barrier()

    pltpu.sync_copy(agg.at[pl.ds(base, RPM)],
                    out.at[c].at[pl.ds(base, RPM)])


def _norm_col(deg_row):
    deg = jnp.reshape(deg_row, (ROWB, 1))
    return jnp.where(deg > 0, lax.rsqrt(jnp.maximum(deg, 1.0)), 0.0)


def _prescale_body(feat_ref, dsrc_ref, o_ref):
    o_ref[...] = feat_ref[...] * _norm_col(dsrc_ref[...])


def _post1_body(aggs_ref, dsrc_ref, ddst_ref, w_ref, b_ref, o_ref):
    a = aggs_ref[0] + aggs_ref[1]
    z = jnp.dot(a * _norm_col(ddst_ref[...]), w_ref[...],
                preferred_element_type=jnp.float32)
    z = z + b_ref[...]
    o_ref[...] = jax.nn.silu(z) * _norm_col(dsrc_ref[...])


def _post2_body(aggs_ref, ddst_ref, w_ref, b_ref, o_ref):
    a = aggs_ref[0] + aggs_ref[1]
    z = jnp.dot(a * _norm_col(ddst_ref[...]), w_ref[...],
                preferred_element_type=jnp.float32)
    o_ref[...] = z + b_ref[...]


_deg_spec = pl.BlockSpec((1, 1, ROWB), lambda i: (i, 0, 0))
_aggs_spec = pl.BlockSpec((NC, ROWB, D), lambda i: (0, i, 0))
_rows_spec = pl.BlockSpec((ROWB, D), lambda i: (i, 0))
_w_spec = pl.BlockSpec((D, D), lambda i: (0, 0))
_b_spec = pl.BlockSpec((1, D), lambda i: (0, 0))
_out_struct = jax.ShapeDtypeStruct((N_NODES, D), jnp.float32)

_prescale = pl.pallas_call(
    _prescale_body, grid=(NBLK,),
    in_specs=[_rows_spec, _deg_spec],
    out_specs=_rows_spec, out_shape=_out_struct)

_post1 = pl.pallas_call(
    _post1_body, grid=(NBLK,),
    in_specs=[_aggs_spec, _deg_spec, _deg_spec, _w_spec, _b_spec],
    out_specs=_rows_spec, out_shape=_out_struct)

_post2 = pl.pallas_call(
    _post2_body, grid=(NBLK,),
    in_specs=[_aggs_spec, _deg_spec, _w_spec, _b_spec],
    out_specs=_rows_spec, out_shape=_out_struct)


def kernel(feat, edge_index, W1, b1, W2, b2):
    src = edge_index[0].astype(jnp.int32)
    dst = edge_index[1].astype(jnp.int32)

    pad_d = jnp.full((E_PAD - N_EDGES,), SINK, dtype=jnp.int32)
    srcd = jnp.concatenate([src, pad_d]).reshape(NT, NCHD, G)
    dstd = jnp.concatenate([dst, pad_d]).reshape(NT, NCHD, G)

    packed = src | (dst << 14)
    packed_ext = jnp.concatenate(
        [packed, jnp.full((1,), SINK << 14, jnp.int32)])
    kept = packed_ext[jnp.asarray(_POS_PAD)]
    kept0 = kept[: NS * NCH0 * G].reshape(NS, NCH0, G)
    kept1 = kept[NS * NCH0 * G:].reshape(NS, NCH1, G)

    degs = _deg_kernel(srcd, dstd).reshape(NC, 2, NPAD)
    deg = degs[0] + degs[1]
    dsrc = deg[0].reshape(NBLK, 1, ROWB)
    ddst = deg[1].reshape(NBLK, 1, ROWB)

    h1 = _prescale(feat, dsrc)
    agg1 = _mp_kernel(h1, kept0, kept1)
    h2 = _post1(agg1, dsrc, ddst, W1, b1.reshape(1, D))
    agg2 = _mp_kernel(h2, kept0, kept1)
    return _post2(agg2, ddst, W2, b2.reshape(1, D))

# --- scband reference (transcript-rebuilt; emitter-appended) ---
"""Pipeline reference for scband-drop-edge-15178414424505 (READ-ONLY COPY).

The authoritative reference and input builder live on the scoring server;
editing this copy changes nothing except your own understanding.
"""

import jax, jax.numpy as jnp
import numpy as np

N_NODES = 10000
N_EDGES = 320000
D_IN = 128
D_HID = 128
D_OUT = 128
P_DROP = 0.5


def setup_inputs(seed: int = 0) -> dict:
    key = jax.random.key(seed)
    k_feat, k_ei, k_w1, k_b1, k_w2, k_b2 = jax.random.split(key, 6)
    feat = jax.random.normal(k_feat, (N_NODES, D_IN), dtype=jnp.float32)
    edge_index = jax.random.randint(k_ei, (2, N_EDGES), 0, N_NODES, dtype=jnp.int64)
    W1 = jax.random.normal(k_w1, (D_IN, D_HID), dtype=jnp.float32) * 0.05
    b1 = jnp.zeros((D_HID,), dtype=jnp.float32)
    W2 = jax.random.normal(k_w2, (D_HID, D_OUT), dtype=jnp.float32) * 0.05
    b2 = jnp.zeros((D_OUT,), dtype=jnp.float32)
    return {"feat": feat, "edge_index": edge_index, "W1": W1, "b1": b1, "W2": W2, "b2": b2}


def reference(feat, edge_index, W1, b1, W2, b2):
    # DropEdge: one shared Bernoulli(1-p) edge mask applied to every GraphConv layer.
    E = edge_index.shape[1]
    N = feat.shape[0]
    mask_key = jax.random.key(42)
    edge_weight = jax.random.bernoulli(mask_key, 1.0 - P_DROP, (E,)).astype(feat.dtype)
    src = edge_index[0]
    dst = edge_index[1]
    # DGL GraphConv norm='both': symmetric degree normalization (unweighted degrees)
    out_deg = jnp.zeros((N,), dtype=feat.dtype).at[src].add(1.0)
    in_deg = jnp.zeros((N,), dtype=feat.dtype).at[dst].add(1.0)
    norm_src = jnp.where(out_deg > 0, jax.lax.rsqrt(jnp.maximum(out_deg, 1.0)), 0.0)
    norm_dst = jnp.where(in_deg > 0, jax.lax.rsqrt(jnp.maximum(in_deg, 1.0)), 0.0)

    def graph_conv(h, W, b):
        h = h * norm_src[:, None]
        msgs = jnp.take(h, src, axis=0) * edge_weight[:, None]
        agg = jnp.zeros((N, h.shape[1]), dtype=h.dtype).at[dst].add(msgs)
        agg = agg * norm_dst[:, None]
        return agg @ W + b

    h = graph_conv(feat, W1, b1)
    h = jax.nn.silu(h)
    h = graph_conv(h, W2, b2)
    return h

if __name__ == "__main__":
    import jax
    _d = setup_inputs()
    print(jax.jit(kernel)(*tuple(_d.values())))

</pallas_src>

<mosaic_0001>
#map = affine_map<(d0, d1) -> (0, 0, 0)>
#map1 = affine_map<(d0, d1) -> (0)>
module attributes {stable_mosaic.version = 14 : i64} {
  func.func @_deg_kernel(%arg0: i32, %arg1: i32, %arg2: memref<32x79x128xi32, #tpu.memory_space<hbm>>, %arg3: memref<32x79x128xi32, #tpu.memory_space<hbm>>, %arg4: memref<40960xf32, #tpu.memory_space<hbm>>, %arg5: memref<79x128xi32, #tpu.memory_space<vmem>>, %arg6: memref<79x128xi32, #tpu.memory_space<vmem>>, %arg7: memref<128xf32, #tpu.memory_space<vmem>>, %arg8: memref<640xf32, #tpu.memory_space<vmem>>, %arg9: memref<10240xf32, #tpu.memory_space<vmem_shared>>, %arg10: memref<10240xf32, #tpu.memory_space<vmem_shared>>) attributes {dimension_semantics = [#tpu.dimension_semantics<core_parallel>, #tpu.dimension_semantics<subcore_parallel>], iteration_bounds = array<i64: 2, 16>, scalar_prefetch = 0 : i64, scratch_operands = 6 : i64, tpu.core_type = #tpu.core_type<sc_vector_subcore>, window_params = [{transform_indices = #map}, {transform_indices = #map}, {transform_indices = #map1}]} {
    %mul3A = arith.constant 16 : i32
    %mul3A_0 = arith.muli %arg0, %mul3A : i32
    %add3A = arith.addi %mul3A_0, %arg1 : i32
    "tpu.region"() ({
      %run_scoped3A = tpu.sem_alloc : memref<!tpu.dma_semaphore, #tpu.memory_space<semaphore_mem>>
      %dma_start3A = arith.constant 0 : i32
      %dma_start3A_36 = arith.constant 0 : i32
      %dma_start3A_37 = tpu.memref_slice %arg2[%add3A, %dma_start3A, %dma_start3A_36] : memref<32x79x128xi32, #tpu.memory_space<hbm>> -> memref<1x79x128xi32, #tpu.memory_space<hbm>>
      %dma_start3A_38 = tpu.memref_squeeze %dma_start3A_37 : memref<1x79x128xi32, #tpu.memory_space<hbm>> -> memref<79x128xi32, #tpu.memory_space<hbm>>
      %dma_start3A_39 = arith.constant 0 : i32
      %dma_start3A_40 = arith.constant 0 : i32
      %dma_start3A_41 = tpu.memref_slice %arg2[%add3A, %dma_start3A_39, %dma_start3A_40] : memref<32x79x128xi32, #tpu.memory_space<hbm>> -> memref<1x79x128xi32, #tpu.memory_space<hbm>>
      %dma_start3A_42 = tpu.memref_squeeze %dma_start3A_41 : memref<1x79x128xi32, #tpu.memory_space<hbm>> -> memref<79x128xi32, #tpu.memory_space<hbm>>
      tpu.enqueue_dma source(%dma_start3A_42 : memref<79x128xi32, #tpu.memory_space<hbm>>) target(%arg5 : memref<79x128xi32, #tpu.memory_space<vmem>>) target_semaphore(%run_scoped3A : memref<!tpu.dma_semaphore, #tpu.memory_space<semaphore_mem>>)
      %dma_wait3A = arith.constant 0 : i32
      %dma_wait3A_43 = arith.constant 0 : i32
      %dma_wait3A_44 = tpu.memref_slice %arg2[%add3A, %dma_wait3A, %dma_wait3A_43] : memref<32x79x128xi32, #tpu.memory_space<hbm>> -> memref<1x79x128xi32, #tpu.memory_space<hbm>>
      %dma_wait3A_45 = tpu.memref_squeeze %dma_wait3A_44 : memref<1x79x128xi32, #tpu.memory_space<hbm>> -> memref<79x128xi32, #tpu.memory_space<hbm>>
      %dma_wait3A_46 = arith.constant 0 : i32
      %dma_wait3A_47 = arith.constant 0 : i32
      %dma_wait3A_48 = tpu.memref_slice %arg2[%add3A, %dma_wait3A_46, %dma_wait3A_47] : memref<32x79x128xi32, #tpu.memory_space<hbm>> -> memref<1x79x128xi32, #tpu.memory_space<hbm>>
      %dma_wait3A_49 = tpu.memref_squeeze %dma_wait3A_48 : memref<1x79x128xi32, #tpu.memory_space<hbm>> -> memref<79x128xi32, #tpu.memory_space<hbm>>
      tpu.wait_dma2 semaphore(%run_scoped3A : memref<!tpu.dma_semaphore, #tpu.memory_space<semaphore_mem>>) src(%dma_wait3A_49 : memref<79x128xi32, #tpu.memory_space<hbm>>) dst(%arg5 : memref<79x128xi32, #tpu.memory_space<vmem>>)
      tpu.yield
    }) : () -> ()
    "tpu.region"() ({
      %run_scoped3A = tpu.sem_alloc : memref<!tpu.dma_semaphore, #tpu.memory_space<semaphore_mem>>
      %dma_start3A = arith.constant 0 : i32
      %dma_start3A_36 = arith.constant 0 : i32
      %dma_start3A_37 = tpu.memref_slice %arg3[%add3A, %dma_start3A, %dma_start3A_36] : memref<32x79x128xi32, #tpu.memory_space<hbm>> -> memref<1x79x128xi32, #tpu.memory_space<hbm>>
      %dma_start3A_38 = tpu.memref_squeeze %dma_start3A_37 : memref<1x79x128xi32, #tpu.memory_space<hbm>> -> memref<79x128xi32, #tpu.memory_space<hbm>>
      %dma_start3A_39 = arith.constant 0 : i32
      %dma_start3A_40 = arith.constant 0 : i32
      %dma_start3A_41 = tpu.memref_slice %arg3[%add3A, %dma_start3A_39, %dma_start3A_40] : memref<32x79x128xi32, #tpu.memory_space<hbm>> -> memref<1x79x128xi32, #tpu.memory_space<hbm>>
      %dma_start3A_42 = tpu.memref_squeeze %dma_start3A_41 : memref<1x79x128xi32, #tpu.memory_space<hbm>> -> memref<79x128xi32, #tpu.memory_space<hbm>>
      tpu.enqueue_dma source(%dma_start3A_42 : memref<79x128xi32, #tpu.memory_space<hbm>>) target(%arg6 : memref<79x128xi32, #tpu.memory_space<vmem>>) target_semaphore(%run_scoped3A : memref<!tpu.dma_semaphore, #tpu.memory_space<semaphore_mem>>)
      %dma_wait3A = arith.constant 0 : i32
      %dma_wait3A_43 = arith.constant 0 : i32
      %dma_wait3A_44 = tpu.memref_slice %arg3[%add3A, %dma_wait3A, %dma_wait3A_43] : memref<32x79x128xi32, #tpu.memory_space<hbm>> -> memref<1x79x128xi32, #tpu.memory_space<hbm>>
      %dma_wait3A_45 = tpu.memref_squeeze %dma_wait3A_44 : memref<1x79x128xi32, #tpu.memory_space<hbm>> -> memref<79x128xi32, #tpu.memory_space<hbm>>
      %dma_wait3A_46 = arith.constant 0 : i32
      %dma_wait3A_47 = arith.constant 0 : i32
      %dma_wait3A_48 = tpu.memref_slice %arg3[%add3A, %dma_wait3A_46, %dma_wait3A_47] : memref<32x79x128xi32, #tpu.memory_space<hbm>> -> memref<1x79x128xi32, #tpu.memory_space<hbm>>
      %dma_wait3A_49 = tpu.memref_squeeze %dma_wait3A_48 : memref<1x79x128xi32, #tpu.memory_space<hbm>> -> memref<79x128xi32, #tpu.memory_space<hbm>>
      tpu.wait_dma2 semaphore(%run_scoped3A : memref<!tpu.dma_semaphore, #tpu.memory_space<semaphore_mem>>) src(%dma_wait3A_49 : memref<79x128xi32, #tpu.memory_space<hbm>>) dst(%arg6 : memref<79x128xi32, #tpu.memory_space<vmem>>)
      tpu.yield
    }) : () -> ()
    %scan3A = arith.constant 0 : i32
    %scan3A_1 = arith.constant 0 : i32
    %scan3A_2 = arith.constant 8 : i32
    %scan3A_3 = arith.addi %scan3A_1, %scan3A_2 : i32
    %scan3A_4 = arith.constant 1 : i32
    %scan3A_5 = scf.for %scan3A_36 = %scan3A_1 to %scan3A_3 step %scan3A_4 iter_args(%scan3A_37 = %scan3A) -> (i32)  : i32 {
      %broadcast_in_dim3A = arith.constant 1.000000e+00 : f32
      %broadcast_in_dim3A_38 = vector.broadcast %broadcast_in_dim3A : f32 to vector<16xf32>
      %mul3A_39 = arith.constant 16 : i32
      %mul3A_40 = arith.muli %scan3A_36, %mul3A_39 : i32
      %swap3A = arith.index_cast %mul3A_40 : i32 to index
      %swap3A_41 = tpu.vector_load %arg7[%swap3A] {strides = array<i32>} : memref<128xf32, #tpu.memory_space<vmem>>, vector<16xf32>,
      %swap3A_42 = vector.shape_cast %swap3A_41 : vector<16xf32> to vector<16xf32>
      %swap3A_43 = vector.shape_cast %broadcast_in_dim3A_38 : vector<16xf32> to vector<16xf32>
      tpu.vector_store %arg7[%swap3A], %swap3A_43 {strides = array<i32>} : memref<128xf32, #tpu.memory_space<vmem>>, vector<16xf32>,
      %scan3A_44 = arith.constant 0 : i32
      scf.yield %scan3A_44 : i32
    }
    %scan3A_6 = arith.constant 8 : i32
    %scan3A_7 = arith.constant 0 : i32
    %scan3A_8 = arith.constant 0 : i32
    %scan3A_9 = arith.constant 40 : i32
    %scan3A_10 = arith.addi %scan3A_8, %scan3A_9 : i32
    %scan3A_11 = arith.constant 1 : i32
    %scan3A_12 = scf.for %scan3A_36 = %scan3A_8 to %scan3A_10 step %scan3A_11 iter_args(%scan3A_37 = %scan3A_7) -> (i32)  : i32 {
      %broadcast_in_dim3A = arith.constant 0.000000e+00 : f32
      %broadcast_in_dim3A_38 = vector.broadcast %broadcast_in_dim3A : f32 to vector<16xf32>
      %mul3A_39 = arith.constant 16 : i32
      %mul3A_40 = arith.muli %scan3A_36, %mul3A_39 : i32
      %swap3A = arith.index_cast %mul3A_40 : i32 to index
      %swap3A_41 = tpu.vector_load %arg8[%swap3A] {strides = array<i32>} : memref<640xf32, #tpu.memory_space<vmem>>, vector<16xf32>,
      %swap3A_42 = vector.shape_cast %swap3A_41 : vector<16xf32> to vector<16xf32>
      %swap3A_43 = vector.shape_cast %broadcast_in_dim3A_38 : vector<16xf32> to vector<16xf32>
      tpu.vector_store %arg8[%swap3A], %swap3A_43 {strides = array<i32>} : memref<640xf32, #tpu.memory_space<vmem>>, vector<16xf32>,
      %scan3A_44 = arith.constant 0 : i32
      scf.yield %scan3A_44 : i32
    }
    %scan3A_13 = arith.constant 40 : i32
    %mul3A_14 = arith.constant 640 : i32
    %mul3A_15 = arith.muli %arg1, %mul3A_14 : i32
    "tpu.region"() ({
      %run_scoped3A = tpu.sem_alloc : memref<!tpu.dma_semaphore, #tpu.memory_space<semaphore_mem>>
      %dma_start3A = tpu.memref_slice %arg9[%mul3A_15] : memref<10240xf32, #tpu.memory_space<vmem_shared>> -> memref<640xf32, #tpu.memory_space<vmem_shared>>
      %dma_start3A_36 = tpu.memref_slice %arg9[%mul3A_15] : memref<10240xf32, #tpu.memory_space<vmem_shared>> -> memref<640xf32, #tpu.memory_space<vmem_shared>>
      tpu.enqueue_dma source(%arg8 : memref<640xf32, #tpu.memory_space<vmem>>) target(%dma_start3A_36 : memref<640xf32, #tpu.memory_space<vmem_shared>>) target_semaphore(%run_scoped3A : memref<!tpu.dma_semaphore, #tpu.memory_space<semaphore_mem>>)
      %dma_wait3A = tpu.memref_slice %arg9[%mul3A_15] : memref<10240xf32, #tpu.memory_space<vmem_shared>> -> memref<640xf32, #tpu.memory_space<vmem_shared>>
      %dma_wait3A_37 = tpu.memref_slice %arg9[%mul3A_15] : memref<10240xf32, #tpu.memory_space<vmem_shared>> -> memref<640xf32, #tpu.memory_space<vmem_shared>>
      tpu.wait_dma2 semaphore(%run_scoped3A : memref<!tpu.dma_semaphore, #tpu.memory_space<semaphore_mem>>) src(%arg8 : memref<640xf32, #tpu.memory_space<vmem>>) dst(%dma_wait3A_37 : memref<640xf32, #tpu.memory_space<vmem_shared>>)
      tpu.yield
    }) : () -> ()
    "tpu.region"() ({
      %run_scoped3A = tpu.sem_alloc : memref<!tpu.dma_semaphore, #tpu.memory_space<semaphore_mem>>
      %dma_start3A = tpu.memref_slice %arg10[%mul3A_15] : memref<10240xf32, #tpu.memory_space<vmem_shared>> -> memref<640xf32, #tpu.memory_space<vmem_shared>>
      %dma_start3A_36 = tpu.memref_slice %arg10[%mul3A_15] : memref<10240xf32, #tpu.memory_space<vmem_shared>> -> memref<640xf32, #tpu.memory_space<vmem_shared>>
      tpu.enqueue_dma source(%arg8 : memref<640xf32, #tpu.memory_space<vmem>>) target(%dma_start3A_36 : memref<640xf32, #tpu.memory_space<vmem_shared>>) target_semaphore(%run_scoped3A : memref<!tpu.dma_semaphore, #tpu.memory_space<semaphore_mem>>)
      %dma_wait3A = tpu.memref_slice %arg10[%mul3A_15] : memref<10240xf32, #tpu.memory_space<vmem_shared>> -> memref<640xf32, #tpu.memory_space<vmem_shared>>
      %dma_wait3A_37 = tpu.memref_slice %arg10[%mul3A_15] : memref<10240xf32, #tpu.memory_space<vmem_shared>> -> memref<640xf32, #tpu.memory_space<vmem_shared>>
      tpu.wait_dma2 semaphore(%run_scoped3A : memref<!tpu.dma_semaphore, #tpu.memory_space<semaphore_mem>>) src(%arg8 : memref<640xf32, #tpu.memory_space<vmem>>) dst(%dma_wait3A_37 : memref<640xf32, #tpu.memory_space<vmem_shared>>)
      tpu.yield
    }) : () -> ()
    %barrier3A = arith.constant 0 : index
    tpu.barrier barrier_id(%barrier3A)
    %scan3A_16 = arith.constant 0 : i32
    %scan3A_17 = arith.constant 0 : i32
    %scan3A_18 = arith.constant 79 : i32
    %scan3A_19 = arith.addi %scan3A_17, %scan3A_18 : i32
    %scan3A_20 = arith.constant 1 : i32
    %scan3A_21 = scf.for %scan3A_36 = %scan3A_17 to %scan3A_19 step %scan3A_20 iter_args(%scan3A_37 = %scan3A_16) -> (i32)  : i32 {
      "tpu.region"() ({
        %run_scoped3A = tpu.sem_alloc : memref<!tpu.dma_semaphore, #tpu.memory_space<semaphore_mem>>
        %dma_start3A = arith.constant 0 : i32
        %dma_start3A_39 = tpu.memref_slice %arg5[%scan3A_36, %dma_start3A] : memref<79x128xi32, #tpu.memory_space<vmem>> -> memref<1x128xi32, #tpu.memory_space<vmem>>
        %dma_start3A_40 = tpu.memref_squeeze %dma_start3A_39 : memref<1x128xi32, #tpu.memory_space<vmem>> -> memref<128xi32, #tpu.memory_space<vmem>>
        %dma_start3A_41 = arith.constant 0 : i32
        %dma_start3A_42 = tpu.memref_slice %arg9[%dma_start3A_41] : memref<10240xf32, #tpu.memory_space<vmem_shared>> -> memref<10240xf32, #tpu.memory_space<vmem_shared>>
        tpu.enqueue_indirect_dma source(%arg7 : memref<128xf32, #tpu.memory_space<vmem>>) target(%dma_start3A_42 : memref<10240xf32, #tpu.memory_space<vmem_shared>>) offsets(%dma_start3A_40 : memref<128xi32, #tpu.memory_space<vmem>>) semaphore(%run_scoped3A : memref<!tpu.dma_semaphore, #tpu.memory_space<semaphore_mem>>) {add = true}
        %dma_wait3A = arith.constant 0 : i32
        %dma_wait3A_43 = tpu.memref_slice %arg5[%scan3A_36, %dma_wait3A] : memref<79x128xi32, #tpu.memory_space<vmem>> -> memref<1x128xi32, #tpu.memory_space<vmem>>
        %dma_wait3A_44 = tpu.memref_squeeze %dma_wait3A_43 : memref<1x128xi32, #tpu.memory_space<vmem>> -> memref<128xi32, #tpu.memory_space<vmem>>
        %dma_wait3A_45 = arith.constant 0 : i32
        %dma_wait3A_46 = tpu.memref_slice %arg9[%dma_wait3A_45] : memref<10240xf32, #tpu.memory_space<vmem_shared>> -> memref<10240xf32, #tpu.memory_space<vmem_shared>>
        tpu.wait_indirect_dma semaphore(%run_scoped3A : memref<!tpu.dma_semaphore, #tpu.memory_space<semaphore_mem>>) src(%arg7 : memref<128xf32, #tpu.memory_space<vmem>>) dst(%dma_wait3A_46 : memref<10240xf32, #tpu.memory_space<vmem_shared>>)
        tpu.yield
      }) : () -> ()
      "tpu.region"() ({
        %run_scoped3A = tpu.sem_alloc : memref<!tpu.dma_semaphore, #tpu.memory_space<semaphore_mem>>
        %dma_start3A = arith.constant 0 : i32
        %dma_start3A_39 = tpu.memref_slice %arg6[%scan3A_36, %dma_start3A] : memref<79x128xi32, #tpu.memory_space<vmem>> -> memref<1x128xi32, #tpu.memory_space<vmem>>
        %dma_start3A_40 = tpu.memref_squeeze %dma_start3A_39 : memref<1x128xi32, #tpu.memory_space<vmem>> -> memref<128xi32, #tpu.memory_space<vmem>>
        %dma_start3A_41 = arith.constant 0 : i32
        %dma_start3A_42 = tpu.memref_slice %arg10[%dma_start3A_41] : memref<10240xf32, #tpu.memory_space<vmem_shared>> -> memref<10240xf32, #tpu.memory_space<vmem_shared>>
        tpu.enqueue_indirect_dma source(%arg7 : memref<128xf32, #tpu.memory_space<vmem>>) target(%dma_start3A_42 : memref<10240xf32, #tpu.memory_space<vmem_shared>>) offsets(%dma_start3A_40 : memref<128xi32, #tpu.memory_space<vmem>>) semaphore(%run_scoped3A : memref<!tpu.dma_semaphore, #tpu.memory_space<semaphore_mem>>) {add = true}
        %dma_wait3A = arith.constant 0 : i32
        %dma_wait3A_43 = tpu.memref_slice %arg6[%scan3A_36, %dma_wait3A] : memref<79x128xi32, #tpu.memory_space<vmem>> -> memref<1x128xi32, #tpu.memory_space<vmem>>
        %dma_wait3A_44 = tpu.memref_squeeze %dma_wait3A_43 : memref<1x128xi32, #tpu.memory_space<vmem>> -> memref<128xi32, #tpu.memory_space<vmem>>
        %dma_wait3A_45 = arith.constant 0 : i32
        %dma_wait3A_46 = tpu.memref_slice %arg10[%dma_wait3A_45] : memref<10240xf32, #tpu.memory_space<vmem_shared>> -> memref<10240xf32, #tpu.memory_space<vmem_shared>>
        tpu.wait_indirect_dma semaphore(%run_scoped3A : memref<!tpu.dma_semaphore, #tpu.memory_space<semaphore_mem>>) src(%arg7 : memref<128xf32, #tpu.memory_space<vmem>>) dst(%dma_wait3A_46 : memref<10240xf32, #tpu.memory_space<vmem_shared>>)
        tpu.yield
      }) : () -> ()
      %scan3A_38 = arith.constant 0 : i32
      scf.yield %scan3A_38 : i32
    }
    %scan3A_22 = arith.constant 79 : i32
    %barrier3A_23 = arith.constant 0 : index
    tpu.barrier barrier_id(%barrier3A_23)
    %mul3A_24 = arith.constant 2 : i32
    %mul3A_25 = arith.muli %arg0, %mul3A_24 : i32
    %mul3A_26 = arith.constant 10240 : i32
    %mul3A_27 = arith.muli %mul3A_25, %mul3A_26 : i32
    %add3A_28 = arith.addi %mul3A_27, %mul3A_15 : i32
    "tpu.region"() ({
      %run_scoped3A = tpu.sem_alloc : memref<!tpu.dma_semaphore, #tpu.memory_space<semaphore_mem>>
      %dma_start3A = tpu.memref_slice %arg4[%add3A_28] : memref<40960xf32, #tpu.memory_space<hbm>> -> memref<640xf32, #tpu.memory_space<hbm>>
      %dma_start3A_36 = tpu.memref_slice %arg9[%mul3A_15] : memref<10240xf32, #tpu.memory_space<vmem_shared>> -> memref<640xf32, #tpu.memory_space<vmem_shared>>
      tpu.enqueue_dma source(%dma_start3A_36 : memref<640xf32, #tpu.memory_space<vmem_shared>>) target(%dma_start3A : memref<640xf32, #tpu.memory_space<hbm>>) target_semaphore(%run_scoped3A : memref<!tpu.dma_semaphore, #tpu.memory_space<semaphore_mem>>)
      %dma_wait3A = tpu.memref_slice %arg4[%add3A_28] : memref<40960xf32, #tpu.memory_space<hbm>> -> memref<640xf32, #tpu.memory_space<hbm>>
      %dma_wait3A_37 = tpu.memref_slice %arg9[%mul3A_15] : memref<10240xf32, #tpu.memory_space<vmem_shared>> -> memref<640xf32, #tpu.memory_space<vmem_shared>>
      tpu.wait_dma2 semaphore(%run_scoped3A : memref<!tpu.dma_semaphore, #tpu.memory_space<semaphore_mem>>) src(%dma_wait3A_37 : memref<640xf32, #tpu.memory_space<vmem_shared>>) dst(%dma_wait3A : memref<640xf32, #tpu.memory_space<hbm>>)
      tpu.yield
    }) : () -> ()
    %mul3A_29 = arith.constant 2 : i32
    %mul3A_30 = arith.muli %arg0, %mul3A_29 : i32
    %mul3A_31 = arith.constant 10240 : i32
    %mul3A_32 = arith.muli %mul3A_30, %mul3A_31 : i32
    %add3A_33 = arith.constant 10240 : i32
    %add3A_34 = arith.addi %mul3A_32, %add3A_33 : i32
    %add3A_35 = arith.addi %add3A_34, %mul3A_15 : i32
    "tpu.region"() ({
      %run_scoped3A = tpu.sem_alloc : memref<!tpu.dma_semaphore, #tpu.memory_space<semaphore_mem>>
      %dma_start3A = tpu.memref_slice %arg4[%add3A_35] : memref<40960xf32, #tpu.memory_space<hbm>> -> memref<640xf32, #tpu.memory_space<hbm>>
      %dma_start3A_36 = tpu.memref_slice %arg10[%mul3A_15] : memref<10240xf32, #tpu.memory_space<vmem_shared>> -> memref<640xf32, #tpu.memory_space<vmem_shared>>
      tpu.enqueue_dma source(%dma_start3A_36 : memref<640xf32, #tpu.memory_space<vmem_shared>>) target(%dma_start3A : memref<640xf32, #tpu.memory_space<hbm>>) target_semaphore(%run_scoped3A : memref<!tpu.dma_semaphore, #tpu.memory_space<semaphore_mem>>)
      %dma_wait3A = tpu.memref_slice %arg4[%add3A_35] : memref<40960xf32, #tpu.memory_space<hbm>> -> memref<640xf32, #tpu.memory_space<hbm>>
      %dma_wait3A_37 = tpu.memref_slice %arg10[%mul3A_15] : memref<10240xf32, #tpu.memory_space<vmem_shared>> -> memref<640xf32, #tpu.memory_space<vmem_shared>>
      tpu.wait_dma2 semaphore(%run_scoped3A : memref<!tpu.dma_semaphore, #tpu.memory_space<semaphore_mem>>) src(%dma_wait3A_37 : memref<640xf32, #tpu.memory_space<vmem_shared>>) dst(%dma_wait3A : memref<640xf32, #tpu.memory_space<hbm>>)
      tpu.yield
    }) : () -> ()
    return
  }
}

#map = affine_map<(d0, d1) -> (0, 0)>
#map1 = affine_map<(d0, d1) -> (0, 0, 0)>
module attributes {stable_mosaic.version = 14 : i64} {
  func.func @_mp_kernel(%arg0: i32, %arg1: i32, %arg2: memref<10000x128xf32, #tpu.memory_space<hbm>>, %arg3: memref<16x76x128xi32, #tpu.memory_space<hbm>>, %arg4: memref<16x4x128xi32, #tpu.memory_space<hbm>>, %arg5: memref<2x10112x128xf32, #tpu.memory_space<hbm>>, %arg6: memref<76x128xi32, #tpu.memory_space<vmem>>, %arg7: memref<2x128xi32, #tpu.memory_space<vmem>>, %arg8: memref<2x128xi32, #tpu.memory_space<vmem>>, %arg9: memref<128x128xf32, #tpu.memory_space<vmem>>, %arg10: memref<128x128xf32, #tpu.memory_space<vmem>>, %arg11: memref<10112x128xf32, #tpu.memory_space<vmem_shared>>, %arg12: memref<!tpu.dma_semaphore, #tpu.memory_space<semaphore_mem>>, %arg13: memref<!tpu.dma_semaphore, #tpu.memory_space<semaphore_mem>>) attributes {dimension_semantics = [#tpu.dimension_semantics<core_parallel>, #tpu.dimension_semantics<subcore_parallel>], iteration_bounds = array<i64: 2, 16>, scalar_prefetch = 0 : i64, scratch_operands = 8 : i64, tpu.core_type = #tpu.core_type<sc_vector_subcore>, window_params = [{transform_indices = #map}, {transform_indices = #map1}, {transform_indices = #map1}, {transform_indices = #map1}]} {
    %eq3A = arith.constant 0 : i32
    %eq3A_0 = arith.cmpi eq, %arg0, %eq3A : i32
    %jit3A = arith.constant 76 : i32
    %jit3A_1 = arith.constant 4 : i32
    %select_n3A = arith.select %eq3A_0, %jit3A, %jit3A_1 : i32
    %eq3A_2 = arith.constant 0 : i32
    %eq3A_3 = arith.cmpi eq, %arg0, %eq3A_2 : i32
    %convert_element_type3A = arith.extui %eq3A_3 : i1 to i32
    %cond3A = arith.constant 0 : i32
    %cond3A_4 = arith.cmpi ne, %convert_element_type3A, %cond3A : i32
    scf.if %cond3A_4 {
      %dma_start3A_437 = arith.constant 0 : i32
      %dma_start3A_438 = arith.constant 0 : i32
      %dma_start3A_439 = tpu.memref_slice %arg6[%dma_start3A_437, %dma_start3A_438] : memref<76x128xi32, #tpu.memory_space<vmem>> -> memref<76x128xi32, #tpu.memory_space<vmem>>
      %dma_start3A_440 = arith.constant 0 : i32
      %dma_start3A_441 = arith.constant 0 : i32
      %dma_start3A_442 = tpu.memref_slice %arg3[%arg1, %dma_start3A_440, %dma_start3A_441] : memref<16x76x128xi32, #tpu.memory_space<hbm>> -> memref<1x76x128xi32, #tpu.memory_space<hbm>>
      %dma_start3A_443 = tpu.memref_squeeze %dma_start3A_442 : memref<1x76x128xi32, #tpu.memory_space<hbm>> -> memref<76x128xi32, #tpu.memory_space<hbm>>
      %dma_start3A_444 = arith.constant 0 : i32
      %dma_start3A_445 = arith.constant 0 : i32
      %dma_start3A_446 = tpu.memref_slice %arg6[%dma_start3A_444, %dma_start3A_445] : memref<76x128xi32, #tpu.memory_space<vmem>> -> memref<76x128xi32, #tpu.memory_space<vmem>>
      %dma_start3A_447 = arith.constant 0 : i32
      %dma_start3A_448 = arith.constant 0 : i32
      %dma_start3A_449 = tpu.memref_slice %arg3[%arg1, %dma_start3A_447, %dma_start3A_448] : memref<16x76x128xi32, #tpu.memory_space<hbm>> -> memref<1x76x128xi32, #tpu.memory_space<hbm>>
      %dma_start3A_450 = tpu.memref_squeeze %dma_start3A_449 : memref<1x76x128xi32, #tpu.memory_space<hbm>> -> memref<76x128xi32, #tpu.memory_space<hbm>>
      tpu.enqueue_dma source(%dma_start3A_450 : memref<76x128xi32, #tpu.memory_space<hbm>>) target(%dma_start3A_446 : memref<76x128xi32, #tpu.memory_space<vmem>>) target_semaphore(%arg13 : memref<!tpu.dma_semaphore, #tpu.memory_space<semaphore_mem>>)
    } else {
    }
    %eq3A_5 = arith.constant 1 : i32
    %eq3A_6 = arith.cmpi eq, %arg0, %eq3A_5 : i32
    %convert_element_type3A_7 = arith.extui %eq3A_6 : i1 to i32
    %cond3A_8 = arith.constant 0 : i32
    %cond3A_9 = arith.cmpi ne, %convert_element_type3A_7, %cond3A_8 : i32
    scf.if %cond3A_9 {
      %dma_start3A_437 = arith.constant 0 : i32
      %dma_start3A_438 = arith.constant 0 : i32
      %dma_start3A_439 = tpu.memref_slice %arg6[%dma_start3A_437, %dma_start3A_438] : memref<76x128xi32, #tpu.memory_space<vmem>> -> memref<4x128xi32, #tpu.memory_space<vmem>>
      %dma_start3A_440 = arith.constant 0 : i32
      %dma_start3A_441 = arith.constant 0 : i32
      %dma_start3A_442 = tpu.memref_slice %arg4[%arg1, %dma_start3A_440, %dma_start3A_441] : memref<16x4x128xi32, #tpu.memory_space<hbm>> -> memref<1x4x128xi32, #tpu.memory_space<hbm>>
      %dma_start3A_443 = tpu.memref_squeeze %dma_start3A_442 : memref<1x4x128xi32, #tpu.memory_space<hbm>> -> memref<4x128xi32, #tpu.memory_space<hbm>>
      %dma_start3A_444 = arith.constant 0 : i32
      %dma_start3A_445 = arith.constant 0 : i32
      %dma_start3A_446 = tpu.memref_slice %arg6[%dma_start3A_444, %dma_start3A_445] : memref<76x128xi32, #tpu.memory_space<vmem>> -> memref<4x128xi32, #tpu.memory_space<vmem>>
      %dma_start3A_447 = arith.constant 0 : i32
      %dma_start3A_448 = arith.constant 0 : i32
      %dma_start3A_449 = tpu.memref_slice %arg4[%arg1, %dma_start3A_447, %dma_start3A_448] : memref<16x4x128xi32, #tpu.memory_space<hbm>> -> memref<1x4x128xi32, #tpu.memory_space<hbm>>
      %dma_start3A_450 = tpu.memref_squeeze %dma_start3A_449 : memref<1x4x128xi32, #tpu.memory_space<hbm>> -> memref<4x128xi32, #tpu.memory_space<hbm>>
      tpu.enqueue_dma source(%dma_start3A_450 : memref<4x128xi32, #tpu.memory_space<hbm>>) target(%dma_start3A_446 : memref<4x128xi32, #tpu.memory_space<vmem>>) target_semaphore(%arg13 : memref<!tpu.dma_semaphore, #tpu.memory_space<semaphore_mem>>)
    } else {
    }
    %scan3A = arith.constant 0 : i32
    %scan3A_10 = arith.constant 0 : i32
    %scan3A_11 = arith.constant 128 : i32
    %scan3A_12 = arith.addi %scan3A_10, %scan3A_11 : i32
    %scan3A_13 = arith.constant 1 : i32
    %scan3A_14 = scf.for %scan3A_437 = %scan3A_10 to %scan3A_12 step %scan3A_13 iter_args(%scan3A_438 = %scan3A) -> (i32)  : i32 {
      %broadcast_in_dim3A = arith.constant 0.000000e+00 : f32
      %broadcast_in_dim3A_439 = vector.broadcast %broadcast_in_dim3A : f32 to vector<16xf32>
      %swap3A_440 = arith.index_cast %scan3A_437 : i32 to index
      %swap3A_441 = arith.constant 0 : index
      %swap3A_442 = tpu.vector_load %arg9[%swap3A_440, %swap3A_441] {strides = array<i32>} : memref<128x128xf32, #tpu.memory_space<vmem>>, vector<1x16xf32>,
      %swap3A_443 = vector.shape_cast %swap3A_442 : vector<1x16xf32> to vector<16xf32>
      %swap3A_444 = vector.shape_cast %broadcast_in_dim3A_439 : vector<16xf32> to vector<1x16xf32>
      tpu.vector_store %arg9[%swap3A_440, %swap3A_441], %swap3A_444 {strides = array<i32>} : memref<128x128xf32, #tpu.memory_space<vmem>>, vector<1x16xf32>,
      %broadcast_in_dim3A_445 = arith.constant 0.000000e+00 : f32
      %broadcast_in_dim3A_446 = vector.broadcast %broadcast_in_dim3A_445 : f32 to vector<16xf32>
      %swap3A_447 = arith.index_cast %scan3A_437 : i32 to index
      %swap3A_448 = arith.constant 16 : index
      %swap3A_449 = tpu.vector_load %arg9[%swap3A_447, %swap3A_448] {strides = array<i32>} : memref<128x128xf32, #tpu.memory_space<vmem>>, vector<1x16xf32>,
      %swap3A_450 = vector.shape_cast %swap3A_449 : vector<1x16xf32> to vector<16xf32>
      %swap3A_451 = vector.shape_cast %broadcast_in_dim3A_446 : vector<16xf32> to vector<1x16xf32>
      tpu.vector_store %arg9[%swap3A_447, %swap3A_448], %swap3A_451 {strides = array<i32>} : memref<128x128xf32, #tpu.memory_space<vmem>>, vector<1x16xf32>,
      %broadcast_in_dim3A_452 = arith.constant 0.000000e+00 : f32
      %broadcast_in_dim3A_453 = vector.broadcast %broadcast_in_dim3A_452 : f32 to vector<16xf32>
      %swap3A_454 = arith.index_cast %scan3A_437 : i32 to index
      %swap3A_455 = arith.constant 32 : index
      %swap3A_456 = tpu.vector_load %arg9[%swap3A_454, %swap3A_455] {strides = array<i32>} : memref<128x128xf32, #tpu.memory_space<vmem>>, vector<1x16xf32>,
      %swap3A_457 = vector.shape_cast %swap3A_456 : vector<1x16xf32> to vector<16xf32>
      %swap3A_458 = vector.shape_cast %broadcast_in_dim3A_453 : vector<16xf32> to vector<1x16xf32>
      tpu.vector_store %arg9[%swap3A_454, %swap3A_455], %swap3A_458 {strides = array<i32>} : memref<128x128xf32, #tpu.memory_space<vmem>>, vector<1x16xf32>,
      %broadcast_in_dim3A_459 = arith.constant 0.000000e+00 : f32
      %broadcast_in_dim3A_460 = vector.broadcast %broadcast_in_dim3A_459 : f32 to vector<16xf32>
      %swap3A_461 = arith.index_cast %scan3A_437 : i32 to index
      %swap3A_462 = arith.constant 48 : index
      %swap3A_463 = tpu.vector_load %arg9[%swap3A_461, %swap3A_462] {strides = array<i32>} : memref<128x128xf32, #tpu.memory_space<vmem>>, vector<1x16xf32>,
      %swap3A_464 = vector.shape_cast %swap3A_463 : vector<1x16xf32> to vector<16xf32>
      %swap3A_465 = vector.shape_cast %broadcast_in_dim3A_460 : vector<16xf32> to vector<1x16xf32>
      tpu.vector_store %arg9[%swap3A_461, %swap3A_462], %swap3A_465 {strides = array<i32>} : memref<128x128xf32, #tpu.memory_space<vmem>>, vector<1x16xf32>,
      %broadcast_in_dim3A_466 = arith.constant 0.000000e+00 : f32
      %broadcast_in_dim3A_467 = vector.broadcast %broadcast_in_dim3A_466 : f32 to vector<16xf32>
      %swap3A_468 = arith.index_cast %scan3A_437 : i32 to index
      %swap3A_469 = arith.constant 64 : index
      %swap3A_470 = tpu.vector_load %arg9[%swap3A_468, %swap3A_469] {strides = array<i32>} : memref<128x128xf32, #tpu.memory_space<vmem>>, vector<1x16xf32>,
      %swap3A_471 = vector.shape_cast %swap3A_470 : vector<1x16xf32> to vector<16xf32>
      %swap3A_472 = vector.shape_cast %broadcast_in_dim3A_467 : vector<16xf32> to vector<1x16xf32>
      tpu.vector_store %arg9[%swap3A_468, %swap3A_469], %swap3A_472 {strides = array<i32>} : memref<128x128xf32, #tpu.memory_space<vmem>>, vector<1x16xf32>,
      %broadcast_in_dim3A_473 = arith.constant 0.000000e+00 : f32
      %broadcast_in_dim3A_474 = vector.broadcast %broadcast_in_dim3A_473 : f32 to vector<16xf32>
      %swap3A_475 = arith.index_cast %scan3A_437 : i32 to index
      %swap3A_476 = arith.constant 80 : index
      %swap3A_477 = tpu.vector_load %arg9[%swap3A_475, %swap3A_476] {strides = array<i32>} : memref<128x128xf32, #tpu.memory_space<vmem>>, vector<1x16xf32>,
      %swap3A_478 = vector.shape_cast %swap3A_477 : vector<1x16xf32> to vector<16xf32>
      %swap3A_479 = vector.shape_cast %broadcast_in_dim3A_474 : vector<16xf32> to vector<1x16xf32>
      tpu.vector_store %arg9[%swap3A_475, %swap3A_476], %swap3A_479 {strides = array<i32>} : memref<128x128xf32, #tpu.memory_space<vmem>>, vector<1x16xf32>,
      %broadcast_in_dim3A_480 = arith.constant 0.000000e+00 : f32
      %broadcast_in_dim3A_481 = vector.broadcast %broadcast_in_dim3A_480 : f32 to vector<16xf32>
      %swap3A_482 = arith.index_cast %scan3A_437 : i32 to index
      %swap3A_483 = arith.constant 96 : index
      %swap3A_484 = tpu.vector_load %arg9[%swap3A_482, %swap3A_483] {strides = array<i32>} : memref<128x128xf32, #tpu.memory_space<vmem>>, vector<1x16xf32>,
      %swap3A_485 = vector.shape_cast %swap3A_484 : vector<1x16xf32> to vector<16xf32>
      %swap3A_486 = vector.shape_cast %broadcast_in_dim3A_481 : vector<16xf32> to vector<1x16xf32>
      tpu.vector_store %arg9[%swap3A_482, %swap3A_483], %swap3A_486 {strides = array<i32>} : memref<128x128xf32, #tpu.memory_space<vmem>>, vector<1x16xf32>,
      %broadcast_in_dim3A_487 = arith.constant 0.000000e+00 : f32
      %broadcast_in_dim3A_488 = vector.broadcast %broadcast_in_dim3A_487 : f32 to vector<16xf32>
      %swap3A_489 = arith.index_cast %scan3A_437 : i32 to index
      %swap3A_490 = arith.constant 112 : index
      %swap3A_491 = tpu.vector_load %arg9[%swap3A_489, %swap3A_490] {strides = array<i32>} : memref<128x128xf32, #tpu.memory_space<vmem>>, vector<1x16xf32>,
      %swap3A_492 = vector.shape_cast %swap3A_491 : vector<1x16xf32> to vector<16xf32>
      %swap3A_493 = vector.shape_cast %broadcast_in_dim3A_488 : vector<16xf32> to vector<1x16xf32>
      tpu.vector_store %arg9[%swap3A_489, %swap3A_490], %swap3A_493 {strides = array<i32>} : memref<128x128xf32, #tpu.memory_space<vmem>>, vector<1x16xf32>,
      %scan3A_494 = arith.constant 0 : i32
      scf.yield %scan3A_494 : i32
    }
    %scan3A_15 = arith.constant 128 : i32
    %mul3A = arith.constant 632 : i32
    %mul3A_16 = arith.muli %arg1, %mul3A : i32
    %add3A = arith.constant 0 : i32
    %add3A_17 = arith.addi %mul3A_16, %add3A : i32
    "tpu.region"() ({
      %run_scoped3A = tpu.sem_alloc : memref<!tpu.dma_semaphore, #tpu.memory_space<semaphore_mem>>
      %dma_start3A_437 = arith.constant 0 : i32
      %dma_start3A_438 = tpu.memref_slice %arg11[%add3A_17, %dma_start3A_437] : memref<10112x128xf32, #tpu.memory_space<vmem_shared>> -> memref<128x128xf32, #tpu.memory_space<vmem_shared>>
      %dma_start3A_439 = arith.constant 0 : i32
      %dma_start3A_440 = tpu.memref_slice %arg11[%add3A_17, %dma_start3A_439] : memref<10112x128xf32, #tpu.memory_space<vmem_shared>> -> memref<128x128xf32, #tpu.memory_space<vmem_shared>>
      tpu.enqueue_dma source(%arg9 : memref<128x128xf32, #tpu.memory_space<vmem>>) target(%dma_start3A_440 : memref<128x128xf32, #tpu.memory_space<vmem_shared>>) target_semaphore(%run_scoped3A : memref<!tpu.dma_semaphore, #tpu.memory_space<semaphore_mem>>)
      %dma_wait3A = arith.constant 0 : i32
      %dma_wait3A_441 = tpu.memref_slice %arg11[%add3A_17, %dma_wait3A] : memref<10112x128xf32, #tpu.memory_space<vmem_shared>> -> memref<128x128xf32, #tpu.memory_space<vmem_shared>>
      %dma_wait3A_442 = arith.constant 0 : i32
      %dma_wait3A_443 = tpu.memref_slice %arg11[%add3A_17, %dma_wait3A_442] : memref<10112x128xf32, #tpu.memory_space<vmem_shared>> -> memref<128x128xf32, #tpu.memory_space<vmem_shared>>
      tpu.wait_dma2 semaphore(%run_scoped3A : memref<!tpu.dma_semaphore, #tpu.memory_space<semaphore_mem>>) src(%arg9 : memref<128x128xf32, #tpu.memory_space<vmem>>) dst(%dma_wait3A_443 : memref<128x128xf32, #tpu.memory_space<vmem_shared>>)
      tpu.yield
    }) : () -> ()
    %add3A_18 = arith.constant 128 : i32
    %add3A_19 = arith.addi %mul3A_16, %add3A_18 : i32
    "tpu.region"() ({
      %run_scoped3A = tpu.sem_alloc : memref<!tpu.dma_semaphore, #tpu.memory_space<semaphore_mem>>
      %dma_start3A_437 = arith.constant 0 : i32
      %dma_start3A_438 = tpu.memref_slice %arg11[%add3A_19, %dma_start3A_437] : memref<10112x128xf32, #tpu.memory_space<vmem_shared>> -> memref<128x128xf32, #tpu.memory_space<vmem_shared>>
      %dma_start3A_439 = arith.constant 0 : i32
      %dma_start3A_440 = tpu.memref_slice %arg11[%add3A_19, %dma_start3A_439] : memref<10112x128xf32, #tpu.memory_space<vmem_shared>> -> memref<128x128xf32, #tpu.memory_space<vmem_shared>>
      tpu.enqueue_dma source(%arg9 : memref<128x128xf32, #tpu.memory_space<vmem>>) target(%dma_start3A_440 : memref<128x128xf32, #tpu.memory_space<vmem_shared>>) target_semaphore(%run_scoped3A : memref<!tpu.dma_semaphore, #tpu.memory_space<semaphore_mem>>)
      %dma_wait3A = arith.constant 0 : i32
      %dma_wait3A_441 = tpu.memref_slice %arg11[%add3A_19, %dma_wait3A] : memref<10112x128xf32, #tpu.memory_space<vmem_shared>> -> memref<128x128xf32, #tpu.memory_space<vmem_shared>>
      %dma_wait3A_442 = arith.constant 0 : i32
      %dma_wait3A_443 = tpu.memref_slice %arg11[%add3A_19, %dma_wait3A_442] : memref<10112x128xf32, #tpu.memory_space<vmem_shared>> -> memref<128x128xf32, #tpu.memory_space<vmem_shared>>
      tpu.wait_dma2 semaphore(%run_scoped3A : memref<!tpu.dma_semaphore, #tpu.memory_space<semaphore_mem>>) src(%arg9 : memref<128x128xf32, #tpu.memory_space<vmem>>) dst(%dma_wait3A_443 : memref<128x128xf32, #tpu.memory_space<vmem_shared>>)
      tpu.yield
    }) : () -> ()
    %add3A_20 = arith.constant 256 : i32
    %add3A_21 = arith.addi %mul3A_16, %add3A_20 : i32
    "tpu.region"() ({
      %run_scoped3A = tpu.sem_alloc : memref<!tpu.dma_semaphore, #tpu.memory_space<semaphore_mem>>
      %dma_start3A_437 = arith.constant 0 : i32
      %dma_start3A_438 = tpu.memref_slice %arg11[%add3A_21, %dma_start3A_437] : memref<10112x128xf32, #tpu.memory_space<vmem_shared>> -> memref<128x128xf32, #tpu.memory_space<vmem_shared>>
      %dma_start3A_439 = arith.constant 0 : i32
      %dma_start3A_440 = tpu.memref_slice %arg11[%add3A_21, %dma_start3A_439] : memref<10112x128xf32, #tpu.memory_space<vmem_shared>> -> memref<128x128xf32, #tpu.memory_space<vmem_shared>>
      tpu.enqueue_dma source(%arg9 : memref<128x128xf32, #tpu.memory_space<vmem>>) target(%dma_start3A_440 : memref<128x128xf32, #tpu.memory_space<vmem_shared>>) target_semaphore(%run_scoped3A : memref<!tpu.dma_semaphore, #tpu.memory_space<semaphore_mem>>)
      %dma_wait3A = arith.constant 0 : i32
      %dma_wait3A_441 = tpu.memref_slice %arg11[%add3A_21, %dma_wait3A] : memref<10112x128xf32, #tpu.memory_space<vmem_shared>> -> memref<128x128xf32, #tpu.memory_space<vmem_shared>>
      %dma_wait3A_442 = arith.constant 0 : i32
      %dma_wait3A_443 = tpu.memref_slice %arg11[%add3A_21, %dma_wait3A_442] : memref<10112x128xf32, #tpu.memory_space<vmem_shared>> -> memref<128x128xf32, #tpu.memory_space<vmem_shared>>
      tpu.wait_dma2 semaphore(%run_scoped3A : memref<!tpu.dma_semaphore, #tpu.memory_space<semaphore_mem>>) src(%arg9 : memref<128x128xf32, #tpu.memory_space<vmem>>) dst(%dma_wait3A_443 : memref<128x128xf32, #tpu.memory_space<vmem_shared>>)
      tpu.yield
    }) : () -> ()
    %add3A_22 = arith.constant 384 : i32
    %add3A_23 = arith.addi %mul3A_16, %add3A_22 : i32
    "tpu.region"() ({
      %run_scoped3A = tpu.sem_alloc : memref<!tpu.dma_semaphore, #tpu.memory_space<semaphore_mem>>
      %dma_start3A_437 = arith.constant 0 : i32
      %dma_start3A_438 = tpu.memref_slice %arg11[%add3A_23, %dma_start3A_437] : memref<10112x128xf32, #tpu.memory_space<vmem_shared>> -> memref<128x128xf32, #tpu.memory_space<vmem_shared>>
      %dma_start3A_439 = arith.constant 0 : i32
      %dma_start3A_440 = tpu.memref_slice %arg11[%add3A_23, %dma_start3A_439] : memref<10112x128xf32, #tpu.memory_space<vmem_shared>> -> memref<128x128xf32, #tpu.memory_space<vmem_shared>>
      tpu.enqueue_dma source(%arg9 : memref<128x128xf32, #tpu.memory_space<vmem>>) target(%dma_start3A_440 : memref<128x128xf32, #tpu.memory_space<vmem_shared>>) target_semaphore(%run_scoped3A : memref<!tpu.dma_semaphore, #tpu.memory_space<semaphore_mem>>)
      %dma_wait3A = arith.constant 0 : i32
      %dma_wait3A_441 = tpu.memref_slice %arg11[%add3A_23, %dma_wait3A] : memref<10112x128xf32, #tpu.memory_space<vmem_shared>> -> memref<128x128xf32, #tpu.memory_space<vmem_shared>>
      %dma_wait3A_442 = arith.constant 0 : i32
      %dma_wait3A_443 = tpu.memref_slice %arg11[%add3A_23, %dma_wait3A_442] : memref<10112x128xf32, #tpu.memory_space<vmem_shared>> -> memref<128x128xf32, #tpu.memory_space<vmem_shared>>
      tpu.wait_dma2 semaphore(%run_scoped3A : memref<!tpu.dma_semaphore, #tpu.memory_space<semaphore_mem>>) src(%arg9 : memref<128x128xf32, #tpu.memory_space<vmem>>) dst(%dma_wait3A_443 : memref<128x128xf32, #tpu.memory_space<vmem_shared>>)
      tpu.yield
    }) : () -> ()
    %add3A_24 = arith.constant 512 : i32
    %add3A_25 = arith.addi %mul3A_16, %add3A_24 : i32
    "tpu.region"() ({
      %run_scoped3A = tpu.sem_alloc : memref<!tpu.dma_semaphore, #tpu.memory_space<semaphore_mem>>
      %dma_start3A_437 = arith.constant 0 : i32
      %dma_start3A_438 = arith.constant 0 : i32
      %dma_start3A_439 = tpu.memref_slice %arg9[%dma_start3A_437, %dma_start3A_438] : memref<128x128xf32, #tpu.memory_space<vmem>> -> memref<120x128xf32, #tpu.memory_space<vmem>>
      %dma_start3A_440 = arith.constant 0 : i32
      %dma_start3A_441 = tpu.memref_slice %arg11[%add3A_25, %dma_start3A_440] : memref<10112x128xf32, #tpu.memory_space<vmem_shared>> -> memref<120x128xf32, #tpu.memory_space<vmem_shared>>
      %dma_start3A_442 = arith.constant 0 : i32
      %dma_start3A_443 = tpu.memref_slice %arg11[%add3A_25, %dma_start3A_442] : memref<10112x128xf32, #tpu.memory_space<vmem_shared>> -> memref<120x128xf32, #tpu.memory_space<vmem_shared>>
      %dma_start3A_444 = arith.constant 0 : i32
      %dma_start3A_445 = arith.constant 0 : i32
      %dma_start3A_446 = tpu.memref_slice %arg9[%dma_start3A_444, %dma_start3A_445] : memref<128x128xf32, #tpu.memory_space<vmem>> -> memref<120x128xf32, #tpu.memory_space<vmem>>
      tpu.enqueue_dma source(%dma_start3A_446 : memref<120x128xf32, #tpu.memory_space<vmem>>) target(%dma_start3A_443 : memref<120x128xf32, #tpu.memory_space<vmem_shared>>) target_semaphore(%run_scoped3A : memref<!tpu.dma_semaphore, #tpu.memory_space<semaphore_mem>>)
      %dma_wait3A = arith.constant 0 : i32
      %dma_wait3A_447 = arith.constant 0 : i32
      %dma_wait3A_448 = tpu.memref_slice %arg9[%dma_wait3A, %dma_wait3A_447] : memref<128x128xf32, #tpu.memory_space<vmem>> -> memref<120x128xf32, #tpu.memory_space<vmem>>
      %dma_wait3A_449 = arith.constant 0 : i32
      %dma_wait3A_450 = tpu.memref_slice %arg11[%add3A_25, %dma_wait3A_449] : memref<10112x128xf32, #tpu.memory_space<vmem_shared>> -> memref<120x128xf32, #tpu.memory_space<vmem_shared>>
      %dma_wait3A_451 = arith.constant 0 : i32
      %dma_wait3A_452 = tpu.memref_slice %arg11[%add3A_25, %dma_wait3A_451] : memref<10112x128xf32, #tpu.memory_space<vmem_shared>> -> memref<120x128xf32, #tpu.memory_space<vmem_shared>>
      %dma_wait3A_453 = arith.constant 0 : i32
      %dma_wait3A_454 = arith.constant 0 : i32
      %dma_wait3A_455 = tpu.memref_slice %arg9[%dma_wait3A_453, %dma_wait3A_454] : memref<128x128xf32, #tpu.memory_space<vmem>> -> memref<120x128xf32, #tpu.memory_space<vmem>>
      tpu.wait_dma2 semaphore(%run_scoped3A : memref<!tpu.dma_semaphore, #tpu.memory_space<semaphore_mem>>) src(%dma_wait3A_455 : memref<120x128xf32, #tpu.memory_space<vmem>>) dst(%dma_wait3A_452 : memref<120x128xf32, #tpu.memory_space<vmem_shared>>)
      tpu.yield
    }) : () -> ()
    %eq3A_26 = arith.constant 0 : i32
    %eq3A_27 = arith.cmpi eq, %arg0, %eq3A_26 : i32
    %convert_element_type3A_28 = arith.extui %eq3A_27 : i1 to i32
    %cond3A_29 = arith.constant 0 : i32
    %cond3A_30 = arith.cmpi ne, %convert_element_type3A_28, %cond3A_29 : i32
    scf.if %cond3A_30 {
      %dma_wait3A = arith.constant 0 : i32
      %dma_wait3A_437 = arith.constant 0 : i32
      %dma_wait3A_438 = tpu.memref_slice %arg6[%dma_wait3A, %dma_wait3A_437] : memref<76x128xi32, #tpu.memory_space<vmem>> -> memref<76x128xi32, #tpu.memory_space<vmem>>
      %dma_wait3A_439 = arith.constant 0 : i32
      %dma_wait3A_440 = arith.constant 0 : i32
      %dma_wait3A_441 = tpu.memref_slice %arg3[%arg1, %dma_wait3A_439, %dma_wait3A_440] : memref<16x76x128xi32, #tpu.memory_space<hbm>> -> memref<1x76x128xi32, #tpu.memory_space<hbm>>
      %dma_wait3A_442 = tpu.memref_squeeze %dma_wait3A_441 : memref<1x76x128xi32, #tpu.memory_space<hbm>> -> memref<76x128xi32, #tpu.memory_space<hbm>>
      %dma_wait3A_443 = arith.constant 0 : i32
      %dma_wait3A_444 = arith.constant 0 : i32
      %dma_wait3A_445 = tpu.memref_slice %arg6[%dma_wait3A_443, %dma_wait3A_444] : memref<76x128xi32, #tpu.memory_space<vmem>> -> memref<76x128xi32, #tpu.memory_space<vmem>>
      %dma_wait3A_446 = arith.constant 0 : i32
      %dma_wait3A_447 = arith.constant 0 : i32
      %dma_wait3A_448 = tpu.memref_slice %arg3[%arg1, %dma_wait3A_446, %dma_wait3A_447] : memref<16x76x128xi32, #tpu.memory_space<hbm>> -> memref<1x76x128xi32, #tpu.memory_space<hbm>>
      %dma_wait3A_449 = tpu.memref_squeeze %dma_wait3A_448 : memref<1x76x128xi32, #tpu.memory_space<hbm>> -> memref<76x128xi32, #tpu.memory_space<hbm>>
      tpu.wait_dma2 semaphore(%arg13 : memref<!tpu.dma_semaphore, #tpu.memory_space<semaphore_mem>>) src(%dma_wait3A_449 : memref<76x128xi32, #tpu.memory_space<hbm>>) dst(%dma_wait3A_445 : memref<76x128xi32, #tpu.memory_space<vmem>>)
    } else {
    }
    %eq3A_31 = arith.constant 1 : i32
    %eq3A_32 = arith.cmpi eq, %arg0, %eq3A_31 : i32
    %convert_element_type3A_33 = arith.extui %eq3A_32 : i1 to i32
    %cond3A_34 = arith.constant 0 : i32
    %cond3A_35 = arith.cmpi ne, %convert_element_type3A_33, %cond3A_34 : i32
    scf.if %cond3A_35 {
      %dma_wait3A = arith.constant 0 : i32
      %dma_wait3A_437 = arith.constant 0 : i32
      %dma_wait3A_438 = tpu.memref_slice %arg6[%dma_wait3A, %dma_wait3A_437] : memref<76x128xi32, #tpu.memory_space<vmem>> -> memref<4x128xi32, #tpu.memory_space<vmem>>
      %dma_wait3A_439 = arith.constant 0 : i32
      %dma_wait3A_440 = arith.constant 0 : i32
      %dma_wait3A_441 = tpu.memref_slice %arg4[%arg1, %dma_wait3A_439, %dma_wait3A_440] : memref<16x4x128xi32, #tpu.memory_space<hbm>> -> memref<1x4x128xi32, #tpu.memory_space<hbm>>
      %dma_wait3A_442 = tpu.memref_squeeze %dma_wait3A_441 : memref<1x4x128xi32, #tpu.memory_space<hbm>> -> memref<4x128xi32, #tpu.memory_space<hbm>>
      %dma_wait3A_443 = arith.constant 0 : i32
      %dma_wait3A_444 = arith.constant 0 : i32
      %dma_wait3A_445 = tpu.memref_slice %arg6[%dma_wait3A_443, %dma_wait3A_444] : memref<76x128xi32, #tpu.memory_space<vmem>> -> memref<4x128xi32, #tpu.memory_space<vmem>>
      %dma_wait3A_446 = arith.constant 0 : i32
      %dma_wait3A_447 = arith.constant 0 : i32
      %dma_wait3A_448 = tpu.memref_slice %arg4[%arg1, %dma_wait3A_446, %dma_wait3A_447] : memref<16x4x128xi32, #tpu.memory_space<hbm>> -> memref<1x4x128xi32, #tpu.memory_space<hbm>>
      %dma_wait3A_449 = tpu.memref_squeeze %dma_wait3A_448 : memref<1x4x128xi32, #tpu.memory_space<hbm>> -> memref<4x128xi32, #tpu.memory_space<hbm>>
      tpu.wait_dma2 semaphore(%arg13 : memref<!tpu.dma_semaphore, #tpu.memory_space<semaphore_mem>>) src(%dma_wait3A_449 : memref<4x128xi32, #tpu.memory_space<hbm>>) dst(%dma_wait3A_445 : memref<4x128xi32, #tpu.memory_space<vmem>>)
    } else {
    }
    %barrier3A = arith.constant 0 : index
    tpu.barrier barrier_id(%barrier3A)
    %get3A = arith.constant 0 : i32
    %get3A_36 = arith.index_cast %get3A : i32 to index
    %get3A_37 = arith.constant 0 : index
    %get3A_38 = tpu.vector_load %arg6[%get3A_36, %get3A_37] {strides = array<i32>} : memref<76x128xi32, #tpu.memory_space<vmem>>, vector<1x16xi32>,
    %get3A_39 = vector.shape_cast %get3A_38 : vector<1x16xi32> to vector<16xi32>
    %and3A = arith.constant 16383 : i32
    %and3A_40 = vector.broadcast %and3A : i32 to vector<16xi32>
    %and3A_41 = arith.andi %get3A_39, %and3A_40 : vector<16xi32>
    %swap3A = arith.constant 0 : i32
    %swap3A_42 = arith.index_cast %swap3A : i32 to index
    %swap3A_43 = arith.constant 0 : index
    %swap3A_44 = tpu.vector_load %arg7[%swap3A_42, %swap3A_43] {strides = array<i32>} : memref<2x128xi32, #tpu.memory_space<vmem>>, vector<1x16xi32>,
    %swap3A_45 = vector.shape_cast %swap3A_44 : vector<1x16xi32> to vector<16xi32>
    %swap3A_46 = vector.shape_cast %and3A_41 : vector<16xi32> to vector<1x16xi32>
    tpu.vector_store %arg7[%swap3A_42, %swap3A_43], %swap3A_46 {strides = array<i32>} : memref<2x128xi32, #tpu.memory_space<vmem>>, vector<1x16xi32>,
    %shift_right_logical3A = arith.constant 14 : i32
    %shift_right_logical3A_47 = vector.broadcast %shift_right_logical3A : i32 to vector<16xi32>
    %shift_right_logical3A_48 = arith.shrui %get3A_39, %shift_right_logical3A_47 : vector<16xi32>
    %swap3A_49 = arith.constant 0 : i32
    %swap3A_50 = arith.index_cast %swap3A_49 : i32 to index
    %swap3A_51 = arith.constant 0 : index
    %swap3A_52 = tpu.vector_load %arg8[%swap3A_50, %swap3A_51] {strides = array<i32>} : memref<2x128xi32, #tpu.memory_space<vmem>>, vector<1x16xi32>,
    %swap3A_53 = vector.shape_cast %swap3A_52 : vector<1x16xi32> to vector<16xi32>
    %swap3A_54 = vector.shape_cast %shift_right_logical3A_48 : vector<16xi32> to vector<1x16xi32>
    tpu.vector_store %arg8[%swap3A_50, %swap3A_51], %swap3A_54 {strides = array<i32>} : memref<2x128xi32, #tpu.memory_space<vmem>>, vector<1x16xi32>,
    %get3A_55 = arith.constant 0 : i32
    %get3A_56 = arith.index_cast %get3A_55 : i32 to index
    %get3A_57 = arith.constant 16 : index
    %get3A_58 = tpu.vector_load %arg6[%get3A_56, %get3A_57] {strides = array<i32>} : memref<76x128xi32, #tpu.memory_space<vmem>>, vector<1x16xi32>,
    %get3A_59 = vector.shape_cast %get3A_58 : vector<1x16xi32> to vector<16xi32>
    %and3A_60 = arith.constant 16383 : i32
    %and3A_61 = vector.broadcast %and3A_60 : i32 to vector<16xi32>
    %and3A_62 = arith.andi %get3A_59, %and3A_61 : vector<16xi32>
    %swap3A_63 = arith.constant 0 : i32
    %swap3A_64 = arith.index_cast %swap3A_63 : i32 to index
    %swap3A_65 = arith.constant 16 : index
    %swap3A_66 = tpu.vector_load %arg7[%swap3A_64, %swap3A_65] {strides = array<i32>} : memref<2x128xi32, #tpu.memory_space<vmem>>, vector<1x16xi32>,
    %swap3A_67 = vector.shape_cast %swap3A_66 : vector<1x16xi32> to vector<16xi32>
    %swap3A_68 = vector.shape_cast %and3A_62 : vector<16xi32> to vector<1x16xi32>
    tpu.vector_store %arg7[%swap3A_64, %swap3A_65], %swap3A_68 {strides = array<i32>} : memref<2x128xi32, #tpu.memory_space<vmem>>, vector<1x16xi32>,
    %shift_right_logical3A_69 = arith.constant 14 : i32
    %shift_right_logical3A_70 = vector.broadcast %shift_right_logical3A_69 : i32 to vector<16xi32>
    %shift_right_logical3A_71 = arith.shrui %get3A_59, %shift_right_logical3A_70 : vector<16xi32>
    %swap3A_72 = arith.constant 0 : i32
    %swap3A_73 = arith.index_cast %swap3A_72 : i32 to index
    %swap3A_74 = arith.constant 16 : index
    %swap3A_75 = tpu.vector_load %arg8[%swap3A_73, %swap3A_74] {strides = array<i32>} : memref<2x128xi32, #tpu.memory_space<vmem>>, vector<1x16xi32>,
    %swap3A_76 = vector.shape_cast %swap3A_75 : vector<1x16xi32> to vector<16xi32>
    %swap3A_77 = vector.shape_cast %shift_right_logical3A_71 : vector<16xi32> to vector<1x16xi32>
    tpu.vector_store %arg8[%swap3A_73, %swap3A_74], %swap3A_77 {strides = array<i32>} : memref<2x128xi32, #tpu.memory_space<vmem>>, vector<1x16xi32>,
    %get3A_78 = arith.constant 0 : i32
    %get3A_79 = arith.index_cast %get3A_78 : i32 to index
    %get3A_80 = arith.constant 32 : index
    %get3A_81 = tpu.vector_load %arg6[%get3A_79, %get3A_80] {strides = array<i32>} : memref<76x128xi32, #tpu.memory_space<vmem>>, vector<1x16xi32>,
    %get3A_82 = vector.shape_cast %get3A_81 : vector<1x16xi32> to vector<16xi32>
    %and3A_83 = arith.constant 16383 : i32
    %and3A_84 = vector.broadcast %and3A_83 : i32 to vector<16xi32>
    %and3A_85 = arith.andi %get3A_82, %and3A_84 : vector<16xi32>
    %swap3A_86 = arith.constant 0 : i32
    %swap3A_87 = arith.index_cast %swap3A_86 : i32 to index
    %swap3A_88 = arith.constant 32 : index
    %swap3A_89 = tpu.vector_load %arg7[%swap3A_87, %swap3A_88] {strides = array<i32>} : memref<2x128xi32, #tpu.memory_space<vmem>>, vector<1x16xi32>,
    %swap3A_90 = vector.shape_cast %swap3A_89 : vector<1x16xi32> to vector<16xi32>
    %swap3A_91 = vector.shape_cast %and3A_85 : vector<16xi32> to vector<1x16xi32>
    tpu.vector_store %arg7[%swap3A_87, %swap3A_88], %swap3A_91 {strides = array<i32>} : memref<2x128xi32, #tpu.memory_space<vmem>>, vector<1x16xi32>,
    %shift_right_logical3A_92 = arith.constant 14 : i32
    %shift_right_logical3A_93 = vector.broadcast %shift_right_logical3A_92 : i32 to vector<16xi32>
    %shift_right_logical3A_94 = arith.shrui %get3A_82, %shift_right_logical3A_93 : vector<16xi32>
    %swap3A_95 = arith.constant 0 : i32
    %swap3A_96 = arith.index_cast %swap3A_95 : i32 to index
    %swap3A_97 = arith.constant 32 : index
    %swap3A_98 = tpu.vector_load %arg8[%swap3A_96, %swap3A_97] {strides = array<i32>} : memref<2x128xi32, #tpu.memory_space<vmem>>, vector<1x16xi32>,
    %swap3A_99 = vector.shape_cast %swap3A_98 : vector<1x16xi32> to vector<16xi32>
    %swap3A_100 = vector.shape_cast %shift_right_logical3A_94 : vector<16xi32> to vector<1x16xi32>
    tpu.vector_store %arg8[%swap3A_96, %swap3A_97], %swap3A_100 {strides = array<i32>} : memref<2x128xi32, #tpu.memory_space<vmem>>, vector<1x16xi32>,
    %get3A_101 = arith.constant 0 : i32
    %get3A_102 = arith.index_cast %get3A_101 : i32 to index
    %get3A_103 = arith.constant 48 : index
    %get3A_104 = tpu.vector_load %arg6[%get3A_102, %get3A_103] {strides = array<i32>} : memref<76x128xi32, #tpu.memory_space<vmem>>, vector<1x16xi32>,
    %get3A_105 = vector.shape_cast %get3A_104 : vector<1x16xi32> to vector<16xi32>
    %and3A_106 = arith.constant 16383 : i32
    %and3A_107 = vector.broadcast %and3A_106 : i32 to vector<16xi32>
    %and3A_108 = arith.andi %get3A_105, %and3A_107 : vector<16xi32>
    %swap3A_109 = arith.constant 0 : i32
    %swap3A_110 = arith.index_cast %swap3A_109 : i32 to index
    %swap3A_111 = arith.constant 48 : index
    %swap3A_112 = tpu.vector_load %arg7[%swap3A_110, %swap3A_111] {strides = array<i32>} : memref<2x128xi32, #tpu.memory_space<vmem>>, vector<1x16xi32>,
    %swap3A_113 = vector.shape_cast %swap3A_112 : vector<1x16xi32> to vector<16xi32>
    %swap3A_114 = vector.shape_cast %and3A_108 : vector<16xi32> to vector<1x16xi32>
    tpu.vector_store %arg7[%swap3A_110, %swap3A_111], %swap3A_114 {strides = array<i32>} : memref<2x128xi32, #tpu.memory_space<vmem>>, vector<1x16xi32>,
    %shift_right_logical3A_115 = arith.constant 14 : i32
    %shift_right_logical3A_116 = vector.broadcast %shift_right_logical3A_115 : i32 to vector<16xi32>
    %shift_right_logical3A_117 = arith.shrui %get3A_105, %shift_right_logical3A_116 : vector<16xi32>
    %swap3A_118 = arith.constant 0 : i32
    %swap3A_119 = arith.index_cast %swap3A_118 : i32 to index
    %swap3A_120 = arith.constant 48 : index
    %swap3A_121 = tpu.vector_load %arg8[%swap3A_119, %swap3A_120] {strides = array<i32>} : memref<2x128xi32, #tpu.memory_space<vmem>>, vector<1x16xi32>,
    %swap3A_122 = vector.shape_cast %swap3A_121 : vector<1x16xi32> to vector<16xi32>
    %swap3A_123 = vector.shape_cast %shift_right_logical3A_117 : vector<16xi32> to vector<1x16xi32>
    tpu.vector_store %arg8[%swap3A_119, %swap3A_120], %swap3A_123 {strides = array<i32>} : memref<2x128xi32, #tpu.memory_space<vmem>>, vector<1x16xi32>,
    %get3A_124 = arith.constant 0 : i32
    %get3A_125 = arith.index_cast %get3A_124 : i32 to index
    %get3A_126 = arith.constant 64 : index
    %get3A_127 = tpu.vector_load %arg6[%get3A_125, %get3A_126] {strides = array<i32>} : memref<76x128xi32, #tpu.memory_space<vmem>>, vector<1x16xi32>,
    %get3A_128 = vector.shape_cast %get3A_127 : vector<1x16xi32> to vector<16xi32>
    %and3A_129 = arith.constant 16383 : i32
    %and3A_130 = vector.broadcast %and3A_129 : i32 to vector<16xi32>
    %and3A_131 = arith.andi %get3A_128, %and3A_130 : vector<16xi32>
    %swap3A_132 = arith.constant 0 : i32
    %swap3A_133 = arith.index_cast %swap3A_132 : i32 to index
    %swap3A_134 = arith.constant 64 : index
    %swap3A_135 = tpu.vector_load %arg7[%swap3A_133, %swap3A_134] {strides = array<i32>} : memref<2x128xi32, #tpu.memory_space<vmem>>, vector<1x16xi32>,
    %swap3A_136 = vector.shape_cast %swap3A_135 : vector<1x16xi32> to vector<16xi32>
    %swap3A_137 = vector.shape_cast %and3A_131 : vector<16xi32> to vector<1x16xi32>
    tpu.vector_store %arg7[%swap3A_133, %swap3A_134], %swap3A_137 {strides = array<i32>} : memref<2x128xi32, #tpu.memory_space<vmem>>, vector<1x16xi32>,
    %shift_right_logical3A_138 = arith.constant 14 : i32
    %shift_right_logical3A_139 = vector.broadcast %shift_right_logical3A_138 : i32 to vector<16xi32>
    %shift_right_logical3A_140 = arith.shrui %get3A_128, %shift_right_logical3A_139 : vector<16xi32>
    %swap3A_141 = arith.constant 0 : i32
    %swap3A_142 = arith.index_cast %swap3A_141 : i32 to index
    %swap3A_143 = arith.constant 64 : index
    %swap3A_144 = tpu.vector_load %arg8[%swap3A_142, %swap3A_143] {strides = array<i32>} : memref<2x128xi32, #tpu.memory_space<vmem>>, vector<1x16xi32>,
    %swap3A_145 = vector.shape_cast %swap3A_144 : vector<1x16xi32> to vector<16xi32>
    %swap3A_146 = vector.shape_cast %shift_right_logical3A_140 : vector<16xi32> to vector<1x16xi32>
    tpu.vector_store %arg8[%swap3A_142, %swap3A_143], %swap3A_146 {strides = array<i32>} : memref<2x128xi32, #tpu.memory_space<vmem>>, vector<1x16xi32>,
    %get3A_147 = arith.constant 0 : i32
    %get3A_148 = arith.index_cast %get3A_147 : i32 to index
    %get3A_149 = arith.constant 80 : index
    %get3A_150 = tpu.vector_load %arg6[%get3A_148, %get3A_149] {strides = array<i32>} : memref<76x128xi32, #tpu.memory_space<vmem>>, vector<1x16xi32>,
    %get3A_151 = vector.shape_cast %get3A_150 : vector<1x16xi32> to vector<16xi32>
    %and3A_152 = arith.constant 16383 : i32
    %and3A_153 = vector.broadcast %and3A_152 : i32 to vector<16xi32>
    %and3A_154 = arith.andi %get3A_151, %and3A_153 : vector<16xi32>
    %swap3A_155 = arith.constant 0 : i32
    %swap3A_156 = arith.index_cast %swap3A_155 : i32 to index
    %swap3A_157 = arith.constant 80 : index
    %swap3A_158 = tpu.vector_load %arg7[%swap3A_156, %swap3A_157] {strides = array<i32>} : memref<2x128xi32, #tpu.memory_space<vmem>>, vector<1x16xi32>,
    %swap3A_159 = vector.shape_cast %swap3A_158 : vector<1x16xi32> to vector<16xi32>
    %swap3A_160 = vector.shape_cast %and3A_154 : vector<16xi32> to vector<1x16xi32>
    tpu.vector_store %arg7[%swap3A_156, %swap3A_157], %swap3A_160 {strides = array<i32>} : memref<2x128xi32, #tpu.memory_space<vmem>>, vector<1x16xi32>,
    %shift_right_logical3A_161 = arith.constant 14 : i32
    %shift_right_logical3A_162 = vector.broadcast %shift_right_logical3A_161 : i32 to vector<16xi32>
    %shift_right_logical3A_163 = arith.shrui %get3A_151, %shift_right_logical3A_162 : vector<16xi32>
    %swap3A_164 = arith.constant 0 : i32
    %swap3A_165 = arith.index_cast %swap3A_164 : i32 to index
    %swap3A_166 = arith.constant 80 : index
    %swap3A_167 = tpu.vector_load %arg8[%swap3A_165, %swap3A_166] {strides = array<i32>} : memref<2x128xi32, #tpu.memory_space<vmem>>, vector<1x16xi32>,
    %swap3A_168 = vector.shape_cast %swap3A_167 : vector<1x16xi32> to vector<16xi32>
    %swap3A_169 = vector.shape_cast %shift_right_logical3A_163 : vector<16xi32> to vector<1x16xi32>
    tpu.vector_store %arg8[%swap3A_165, %swap3A_166], %swap3A_169 {strides = array<i32>} : memref<2x128xi32, #tpu.memory_space<vmem>>, vector<1x16xi32>,
    %get3A_170 = arith.constant 0 : i32
    %get3A_171 = arith.index_cast %get3A_170 : i32 to index
    %get3A_172 = arith.constant 96 : index
    %get3A_173 = tpu.vector_load %arg6[%get3A_171, %get3A_172] {strides = array<i32>} : memref<76x128xi32, #tpu.memory_space<vmem>>, vector<1x16xi32>,
    %get3A_174 = vector.shape_cast %get3A_173 : vector<1x16xi32> to vector<16xi32>
    %and3A_175 = arith.constant 16383 : i32
    %and3A_176 = vector.broadcast %and3A_175 : i32 to vector<16xi32>
    %and3A_177 = arith.andi %get3A_174, %and3A_176 : vector<16xi32>
    %swap3A_178 = arith.constant 0 : i32
    %swap3A_179 = arith.index_cast %swap3A_178 : i32 to index
    %swap3A_180 = arith.constant 96 : index
    %swap3A_181 = tpu.vector_load %arg7[%swap3A_179, %swap3A_180] {strides = array<i32>} : memref<2x128xi32, #tpu.memory_space<vmem>>, vector<1x16xi32>,
    %swap3A_182 = vector.shape_cast %swap3A_181 : vector<1x16xi32> to vector<16xi32>
    %swap3A_183 = vector.shape_cast %and3A_177 : vector<16xi32> to vector<1x16xi32>
    tpu.vector_store %arg7[%swap3A_179, %swap3A_180], %swap3A_183 {strides = array<i32>} : memref<2x128xi32, #tpu.memory_space<vmem>>, vector<1x16xi32>,
    %shift_right_logical3A_184 = arith.constant 14 : i32
    %shift_right_logical3A_185 = vector.broadcast %shift_right_logical3A_184 : i32 to vector<16xi32>
    %shift_right_logical3A_186 = arith.shrui %get3A_174, %shift_right_logical3A_185 : vector<16xi32>
    %swap3A_187 = arith.constant 0 : i32
    %swap3A_188 = arith.index_cast %swap3A_187 : i32 to index
    %swap3A_189 = arith.constant 96 : index
    %swap3A_190 = tpu.vector_load %arg8[%swap3A_188, %swap3A_189] {strides = array<i32>} : memref<2x128xi32, #tpu.memory_space<vmem>>, vector<1x16xi32>,
    %swap3A_191 = vector.shape_cast %swap3A_190 : vector<1x16xi32> to vector<16xi32>
    %swap3A_192 = vector.shape_cast %shift_right_logical3A_186 : vector<16xi32> to vector<1x16xi32>
    tpu.vector_store %arg8[%swap3A_188, %swap3A_189], %swap3A_192 {strides = array<i32>} : memref<2x128xi32, #tpu.memory_space<vmem>>, vector<1x16xi32>,
    %get3A_193 = arith.constant 0 : i32
    %get3A_194 = arith.index_cast %get3A_193 : i32 to index
    %get3A_195 = arith.constant 112 : index
    %get3A_196 = tpu.vector_load %arg6[%get3A_194, %get3A_195] {strides = array<i32>} : memref<76x128xi32, #tpu.memory_space<vmem>>, vector<1x16xi32>,
    %get3A_197 = vector.shape_cast %get3A_196 : vector<1x16xi32> to vector<16xi32>
    %and3A_198 = arith.constant 16383 : i32
    %and3A_199 = vector.broadcast %and3A_198 : i32 to vector<16xi32>
    %and3A_200 = arith.andi %get3A_197, %and3A_199 : vector<16xi32>
    %swap3A_201 = arith.constant 0 : i32
    %swap3A_202 = arith.index_cast %swap3A_201 : i32 to index
    %swap3A_203 = arith.constant 112 : index
    %swap3A_204 = tpu.vector_load %arg7[%swap3A_202, %swap3A_203] {strides = array<i32>} : memref<2x128xi32, #tpu.memory_space<vmem>>, vector<1x16xi32>,
    %swap3A_205 = vector.shape_cast %swap3A_204 : vector<1x16xi32> to vector<16xi32>
    %swap3A_206 = vector.shape_cast %and3A_200 : vector<16xi32> to vector<1x16xi32>
    tpu.vector_store %arg7[%swap3A_202, %swap3A_203], %swap3A_206 {strides = array<i32>} : memref<2x128xi32, #tpu.memory_space<vmem>>, vector<1x16xi32>,
    %shift_right_logical3A_207 = arith.constant 14 : i32
    %shift_right_logical3A_208 = vector.broadcast %shift_right_logical3A_207 : i32 to vector<16xi32>
    %shift_right_logical3A_209 = arith.shrui %get3A_197, %shift_right_logical3A_208 : vector<16xi32>
    %swap3A_210 = arith.constant 0 : i32
    %swap3A_211 = arith.index_cast %swap3A_210 : i32 to index
    %swap3A_212 = arith.constant 112 : index
    %swap3A_213 = tpu.vector_load %arg8[%swap3A_211, %swap3A_212] {strides = array<i32>} : memref<2x128xi32, #tpu.memory_space<vmem>>, vector<1x16xi32>,
    %swap3A_214 = vector.shape_cast %swap3A_213 : vector<1x16xi32> to vector<16xi32>
    %swap3A_215 = vector.shape_cast %shift_right_logical3A_209 : vector<16xi32> to vector<1x16xi32>
    tpu.vector_store %arg8[%swap3A_211, %swap3A_212], %swap3A_215 {strides = array<i32>} : memref<2x128xi32, #tpu.memory_space<vmem>>, vector<1x16xi32>,
    %dma_start3A = arith.constant 0 : i32
    %dma_start3A_216 = arith.constant 0 : i32
    %dma_start3A_217 = tpu.memref_slice %arg7[%dma_start3A, %dma_start3A_216] : memref<2x128xi32, #tpu.memory_space<vmem>> -> memref<1x128xi32, #tpu.memory_space<vmem>>
    %dma_start3A_218 = tpu.memref_squeeze %dma_start3A_217 : memref<1x128xi32, #tpu.memory_space<vmem>> -> memref<128xi32, #tpu.memory_space<vmem>>
    %dma_start3A_219 = arith.constant 0 : i32
    %dma_start3A_220 = arith.constant 0 : i32
    %dma_start3A_221 = tpu.memref_slice %arg2[%dma_start3A_219, %dma_start3A_220] : memref<10000x128xf32, #tpu.memory_space<hbm>> -> memref<10000x128xf32, #tpu.memory_space<hbm>>
    tpu.enqueue_indirect_dma source(%dma_start3A_221 : memref<10000x128xf32, #tpu.memory_space<hbm>>) target(%arg9 : memref<128x128xf32, #tpu.memory_space<vmem>>) offsets(%dma_start3A_218 : memref<128xi32, #tpu.memory_space<vmem>>) semaphore(%arg12 : memref<!tpu.dma_semaphore, #tpu.memory_space<semaphore_mem>>)
    %get3A_222 = arith.constant 1 : i32
    %get3A_223 = arith.index_cast %get3A_222 : i32 to index
    %get3A_224 = arith.constant 0 : index
    %get3A_225 = tpu.vector_load %arg6[%get3A_223, %get3A_224] {strides = array<i32>} : memref<76x128xi32, #tpu.memory_space<vmem>>, vector<1x16xi32>,
    %get3A_226 = vector.shape_cast %get3A_225 : vector<1x16xi32> to vector<16xi32>
    %and3A_227 = arith.constant 16383 : i32
    %and3A_228 = vector.broadcast %and3A_227 : i32 to vector<16xi32>
    %and3A_229 = arith.andi %get3A_226, %and3A_228 : vector<16xi32>
    %swap3A_230 = arith.constant 1 : i32
    %swap3A_231 = arith.index_cast %swap3A_230 : i32 to index
    %swap3A_232 = arith.constant 0 : index
    %swap3A_233 = tpu.vector_load %arg7[%swap3A_231, %swap3A_232] {strides = array<i32>} : memref<2x128xi32, #tpu.memory_space<vmem>>, vector<1x16xi32>,
    %swap3A_234 = vector.shape_cast %swap3A_233 : vector<1x16xi32> to vector<16xi32>
    %swap3A_235 = vector.shape_cast %and3A_229 : vector<16xi32> to vector<1x16xi32>
    tpu.vector_store %arg7[%swap3A_231, %swap3A_232], %swap3A_235 {strides = array<i32>} : memref<2x128xi32, #tpu.memory_space<vmem>>, vector<1x16xi32>,
    %shift_right_logical3A_236 = arith.constant 14 : i32
    %shift_right_logical3A_237 = vector.broadcast %shift_right_logical3A_236 : i32 to vector<16xi32>
    %shift_right_logical3A_238 = arith.shrui %get3A_226, %shift_right_logical3A_237 : vector<16xi32>
    %swap3A_239 = arith.constant 1 : i32
    %swap3A_240 = arith.index_cast %swap3A_239 : i32 to index
    %swap3A_241 = arith.constant 0 : index
    %swap3A_242 = tpu.vector_load %arg8[%swap3A_240, %swap3A_241] {strides = array<i32>} : memref<2x128xi32, #tpu.memory_space<vmem>>, vector<1x16xi32>,
    %swap3A_243 = vector.shape_cast %swap3A_242 : vector<1x16xi32> to vector<16xi32>
    %swap3A_244 = vector.shape_cast %shift_right_logical3A_238 : vector<16xi32> to vector<1x16xi32>
    tpu.vector_store %arg8[%swap3A_240, %swap3A_241], %swap3A_244 {strides = array<i32>} : memref<2x128xi32, #tpu.memory_space<vmem>>, vector<1x16xi32>,
    %get3A_245 = arith.constant 1 : i32
    %get3A_246 = arith.index_cast %get3A_245 : i32 to index
    %get3A_247 = arith.constant 16 : index
    %get3A_248 = tpu.vector_load %arg6[%get3A_246, %get3A_247] {strides = array<i32>} : memref<76x128xi32, #tpu.memory_space<vmem>>, vector<1x16xi32>,
    %get3A_249 = vector.shape_cast %get3A_248 : vector<1x16xi32> to vector<16xi32>
    %and3A_250 = arith.constant 16383 : i32
    %and3A_251 = vector.broadcast %and3A_250 : i32 to vector<16xi32>
    %and3A_252 = arith.andi %get3A_249, %and3A_251 : vector<16xi32>
    %swap3A_253 = arith.constant 1 : i32
    %swap3A_254 = arith.index_cast %swap3A_253 : i32 to index
    %swap3A_255 = arith.constant 16 : index
    %swap3A_256 = tpu.vector_load %arg7[%swap3A_254, %swap3A_255] {strides = array<i32>} : memref<2x128xi32, #tpu.memory_space<vmem>>, vector<1x16xi32>,
    %swap3A_257 = vector.shape_cast %swap3A_256 : vector<1x16xi32> to vector<16xi32>
    %swap3A_258 = vector.shape_cast %and3A_252 : vector<16xi32> to vector<1x16xi32>
    tpu.vector_store %arg7[%swap3A_254, %swap3A_255], %swap3A_258 {strides = array<i32>} : memref<2x128xi32, #tpu.memory_space<vmem>>, vector<1x16xi32>,
    %shift_right_logical3A_259 = arith.constant 14 : i32
    %shift_right_logical3A_260 = vector.broadcast %shift_right_logical3A_259 : i32 to vector<16xi32>
    %shift_right_logical3A_261 = arith.shrui %get3A_249, %shift_right_logical3A_260 : vector<16xi32>
    %swap3A_262 = arith.constant 1 : i32
    %swap3A_263 = arith.index_cast %swap3A_262 : i32 to index
    %swap3A_264 = arith.constant 16 : index
    %swap3A_265 = tpu.vector_load %arg8[%swap3A_263, %swap3A_264] {strides = array<i32>} : memref<2x128xi32, #tpu.memory_space<vmem>>, vector<1x16xi32>,
    %swap3A_266 = vector.shape_cast %swap3A_265 : vector<1x16xi32> to vector<16xi32>
    %swap3A_267 = vector.shape_cast %shift_right_logical3A_261 : vector<16xi32> to vector<1x16xi32>
    tpu.vector_store %arg8[%swap3A_263, %swap3A_264], %swap3A_267 {strides = array<i32>} : memref<2x128xi32, #tpu.memory_space<vmem>>, vector<1x16xi32>,
    %get3A_268 = arith.constant 1 : i32
    %get3A_269 = arith.index_cast %get3A_268 : i32 to index
    %get3A_270 = arith.constant 32 : index
    %get3A_271 = tpu.vector_load %arg6[%get3A_269, %get3A_270] {strides = array<i32>} : memref<76x128xi32, #tpu.memory_space<vmem>>, vector<1x16xi32>,
    %get3A_272 = vector.shape_cast %get3A_271 : vector<1x16xi32> to vector<16xi32>
    %and3A_273 = arith.constant 16383 : i32
    %and3A_274 = vector.broadcast %and3A_273 : i32 to vector<16xi32>
    %and3A_275 = arith.andi %get3A_272, %and3A_274 : vector<16xi32>
    %swap3A_276 = arith.constant 1 : i32
    %swap3A_277 = arith.index_cast %swap3A_276 : i32 to index
    %swap3A_278 = arith.constant 32 : index
    %swap3A_279 = tpu.vector_load %arg7[%swap3A_277, %swap3A_278] {strides = array<i32>} : memref<2x128xi32, #tpu.memory_space<vmem>>, vector<1x16xi32>,
    %swap3A_280 = vector.shape_cast %swap3A_279 : vector<1x16xi32> to vector<16xi32>
    %swap3A_281 = vector.shape_cast %and3A_275 : vector<16xi32> to vector<1x16xi32>
    tpu.vector_store %arg7[%swap3A_277, %swap3A_278], %swap3A_281 {strides = array<i32>} : memref<2x128xi32, #tpu.memory_space<vmem>>, vector<1x16xi32>,
    %shift_right_logical3A_282 = arith.constant 14 : i32
    %shift_right_logical3A_283 = vector.broadcast %shift_right_logical3A_282 : i32 to vector<16xi32>
    %shift_right_logical3A_284 = arith.shrui %get3A_272, %shift_right_logical3A_283 : vector<16xi32>
    %swap3A_285 = arith.constant 1 : i32
    %swap3A_286 = arith.index_cast %swap3A_285 : i32 to index
    %swap3A_287 = arith.constant 32 : index
    %swap3A_288 = tpu.vector_load %arg8[%swap3A_286, %swap3A_287] {strides = array<i32>} : memref<2x128xi32, #tpu.memory_space<vmem>>, vector<1x16xi32>,
    %swap3A_289 = vector.shape_cast %swap3A_288 : vector<1x16xi32> to vector<16xi32>
    %swap3A_290 = vector.shape_cast %shift_right_logical3A_284 : vector<16xi32> to vector<1x16xi32>
    tpu.vector_store %arg8[%swap3A_286, %swap3A_287], %swap3A_290 {strides = array<i32>} : memref<2x128xi32, #tpu.memory_space<vmem>>, vector<1x16xi32>,
    %get3A_291 = arith.constant 1 : i32
    %get3A_292 = arith.index_cast %get3A_291 : i32 to index
    %get3A_293 = arith.constant 48 : index
    %get3A_294 = tpu.vector_load %arg6[%get3A_292, %get3A_293] {strides = array<i32>} : memref<76x128xi32, #tpu.memory_space<vmem>>, vector<1x16xi32>,
    %get3A_295 = vector.shape_cast %get3A_294 : vector<1x16xi32> to vector<16xi32>
    %and3A_296 = arith.constant 16383 : i32
    %and3A_297 = vector.broadcast %and3A_296 : i32 to vector<16xi32>
    %and3A_298 = arith.andi %get3A_295, %and3A_297 : vector<16xi32>
    %swap3A_299 = arith.constant 1 : i32
    %swap3A_300 = arith.index_cast %swap3A_299 : i32 to index
    %swap3A_301 = arith.constant 48 : index
    %swap3A_302 = tpu.vector_load %arg7[%swap3A_300, %swap3A_301] {strides = array<i32>} : memref<2x128xi32, #tpu.memory_space<vmem>>, vector<1x16xi32>,
    %swap3A_303 = vector.shape_cast %swap3A_302 : vector<1x16xi32> to vector<16xi32>
    %swap3A_304 = vector.shape_cast %and3A_298 : vector<16xi32> to vector<1x16xi32>
    tpu.vector_store %arg7[%swap3A_300, %swap3A_301], %swap3A_304 {strides = array<i32>} : memref<2x128xi32, #tpu.memory_space<vmem>>, vector<1x16xi32>,
    %shift_right_logical3A_305 = arith.constant 14 : i32
    %shift_right_logical3A_306 = vector.broadcast %shift_right_logical3A_305 : i32 to vector<16xi32>
    %shift_right_logical3A_307 = arith.shrui %get3A_295, %shift_right_logical3A_306 : vector<16xi32>
    %swap3A_308 = arith.constant 1 : i32
    %swap3A_309 = arith.index_cast %swap3A_308 : i32 to index
    %swap3A_310 = arith.constant 48 : index
    %swap3A_311 = tpu.vector_load %arg8[%swap3A_309, %swap3A_310] {strides = array<i32>} : memref<2x128xi32, #tpu.memory_space<vmem>>, vector<1x16xi32>,
    %swap3A_312 = vector.shape_cast %swap3A_311 : vector<1x16xi32> to vector<16xi32>
    %swap3A_313 = vector.shape_cast %shift_right_logical3A_307 : vector<16xi32> to vector<1x16xi32>
    tpu.vector_store %arg8[%swap3A_309, %swap3A_310], %swap3A_313 {strides = array<i32>} : memref<2x128xi32, #tpu.memory_space<vmem>>, vector<1x16xi32>,
    %get3A_314 = arith.constant 1 : i32
    %get3A_315 = arith.index_cast %get3A_314 : i32 to index
    %get3A_316 = arith.constant 64 : index
    %get3A_317 = tpu.vector_load %arg6[%get3A_315, %get3A_316] {strides = array<i32>} : memref<76x128xi32, #tpu.memory_space<vmem>>, vector<1x16xi32>,
    %get3A_318 = vector.shape_cast %get3A_317 : vector<1x16xi32> to vector<16xi32>
    %and3A_319 = arith.constant 16383 : i32
    %and3A_320 = vector.broadcast %and3A_319 : i32 to vector<16xi32>
    %and3A_321 = arith.andi %get3A_318, %and3A_320 : vector<16xi32>
    %swap3A_322 = arith.constant 1 : i32
    %swap3A_323 = arith.index_cast %swap3A_322 : i32 to index
    %swap3A_324 = arith.constant 64 : index
    %swap3A_325 = tpu.vector_load %arg7[%swap3A_323, %swap3A_324] {strides = array<i32>} : memref<2x128xi32, #tpu.memory_space<vmem>>, vector<1x16xi32>,
    %swap3A_326 = vector.shape_cast %swap3A_325 : vector<1x16xi32> to vector<16xi32>
    %swap3A_327 = vector.shape_cast %and3A_321 : vector<16xi32> to vector<1x16xi32>
    tpu.vector_store %arg7[%swap3A_323, %swap3A_324], %swap3A_327 {strides = array<i32>} : memref<2x128xi32, #tpu.memory_space<vmem>>, vector<1x16xi32>,
    %shift_right_logical3A_328 = arith.constant 14 : i32
    %shift_right_logical3A_329 = vector.broadcast %shift_right_logical3A_328 : i32 to vector<16xi32>
    %shift_right_logical3A_330 = arith.shrui %get3A_318, %shift_right_logical3A_329 : vector<16xi32>
    %swap3A_331 = arith.constant 1 : i32
    %swap3A_332 = arith.index_cast %swap3A_331 : i32 to index
    %swap3A_333 = arith.constant 64 : index
    %swap3A_334 = tpu.vector_load %arg8[%swap3A_332, %swap3A_333] {strides = array<i32>} : memref<2x128xi32, #tpu.memory_space<vmem>>, vector<1x16xi32>,
    %swap3A_335 = vector.shape_cast %swap3A_334 : vector<1x16xi32> to vector<16xi32>
    %swap3A_336 = vector.shape_cast %shift_right_logical3A_330 : vector<16xi32> to vector<1x16xi32>
    tpu.vector_store %arg8[%swap3A_332, %swap3A_333], %swap3A_336 {strides = array<i32>} : memref<2x128xi32, #tpu.memory_space<vmem>>, vector<1x16xi32>,
    %get3A_337 = arith.constant 1 : i32
    %get3A_338 = arith.index_cast %get3A_337 : i32 to index
    %get3A_339 = arith.constant 80 : index
    %get3A_340 = tpu.vector_load %arg6[%get3A_338, %get3A_339] {strides = array<i32>} : memref<76x128xi32, #tpu.memory_space<vmem>>, vector<1x16xi32>,
    %get3A_341 = vector.shape_cast %get3A_340 : vector<1x16xi32> to vector<16xi32>
    %and3A_342 = arith.constant 16383 : i32
    %and3A_343 = vector.broadcast %and3A_342 : i32 to vector<16xi32>
    %and3A_344 = arith.andi %get3A_341, %and3A_343 : vector<16xi32>
    %swap3A_345 = arith.constant 1 : i32
    %swap3A_346 = arith.index_cast %swap3A_345 : i32 to index
    %swap3A_347 = arith.constant 80 : index
    %swap3A_348 = tpu.vector_load %arg7[%swap3A_346, %swap3A_347] {strides = array<i32>} : memref<2x128xi32, #tpu.memory_space<vmem>>, vector<1x16xi32>,
    %swap3A_349 = vector.shape_cast %swap3A_348 : vector<1x16xi32> to vector<16xi32>
    %swap3A_350 = vector.shape_cast %and3A_344 : vector<16xi32> to vector<1x16xi32>
    tpu.vector_store %arg7[%swap3A_346, %swap3A_347], %swap3A_350 {strides = array<i32>} : memref<2x128xi32, #tpu.memory_space<vmem>>, vector<1x16xi32>,
    %shift_right_logical3A_351 = arith.constant 14 : i32
    %shift_right_logical3A_352 = vector.broadcast %shift_right_logical3A_351 : i32 to vector<16xi32>
    %shift_right_logical3A_353 = arith.shrui %get3A_341, %shift_right_logical3A_352 : vector<16xi32>
    %swap3A_354 = arith.constant 1 : i32
    %swap3A_355 = arith.index_cast %swap3A_354 : i32 to index
    %swap3A_356 = arith.constant 80 : index
    %swap3A_357 = tpu.vector_load %arg8[%swap3A_355, %swap3A_356] {strides = array<i32>} : memref<2x128xi32, #tpu.memory_space<vmem>>, vector<1x16xi32>,
    %swap3A_358 = vector.shape_cast %swap3A_357 : vector<1x16xi32> to vector<16xi32>
    %swap3A_359 = vector.shape_cast %shift_right_logical3A_353 : vector<16xi32> to vector<1x16xi32>
    tpu.vector_store %arg8[%swap3A_355, %swap3A_356], %swap3A_359 {strides = array<i32>} : memref<2x128xi32, #tpu.memory_space<vmem>>, vector<1x16xi32>,
    %get3A_360 = arith.constant 1 : i32
    %get3A_361 = arith.index_cast %get3A_360 : i32 to index
    %get3A_362 = arith.constant 96 : index
    %get3A_363 = tpu.vector_load %arg6[%get3A_361, %get3A_362] {strides = array<i32>} : memref<76x128xi32, #tpu.memory_space<vmem>>, vector<1x16xi32>,
    %get3A_364 = vector.shape_cast %get3A_363 : vector<1x16xi32> to vector<16xi32>
    %and3A_365 = arith.constant 16383 : i32
    %and3A_366 = vector.broadcast %and3A_365 : i32 to vector<16xi32>
    %and3A_367 = arith.andi %get3A_364, %and3A_366 : vector<16xi32>
    %swap3A_368 = arith.constant 1 : i32
    %swap3A_369 = arith.index_cast %swap3A_368 : i32 to index
    %swap3A_370 = arith.constant 96 : index
    %swap3A_371 = tpu.vector_load %arg7[%swap3A_369, %swap3A_370] {strides = array<i32>} : memref<2x128xi32, #tpu.memory_space<vmem>>, vector<1x16xi32>,
    %swap3A_372 = vector.shape_cast %swap3A_371 : vector<1x16xi32> to vector<16xi32>
    %swap3A_373 = vector.shape_cast %and3A_367 : vector<16xi32> to vector<1x16xi32>
    tpu.vector_store %arg7[%swap3A_369, %swap3A_370], %swap3A_373 {strides = array<i32>} : memref<2x128xi32, #tpu.memory_space<vmem>>, vector<1x16xi32>,
    %shift_right_logical3A_374 = arith.constant 14 : i32
    %shift_right_logical3A_375 = vector.broadcast %shift_right_logical3A_374 : i32 to vector<16xi32>
    %shift_right_logical3A_376 = arith.shrui %get3A_364, %shift_right_logical3A_375 : vector<16xi32>
    %swap3A_377 = arith.constant 1 : i32
    %swap3A_378 = arith.index_cast %swap3A_377 : i32 to index
    %swap3A_379 = arith.constant 96 : index
    %swap3A_380 = tpu.vector_load %arg8[%swap3A_378, %swap3A_379] {strides = array<i32>} : memref<2x128xi32, #tpu.memory_space<vmem>>, vector<1x16xi32>,
    %swap3A_381 = vector.shape_cast %swap3A_380 : vector<1x16xi32> to vector<16xi32>
    %swap3A_382 = vector.shape_cast %shift_right_logical3A_376 : vector<16xi32> to vector<1x16xi32>
    tpu.vector_store %arg8[%swap3A_378, %swap3A_379], %swap3A_382 {strides = array<i32>} : memref<2x128xi32, #tpu.memory_space<vmem>>, vector<1x16xi32>,
    %get3A_383 = arith.constant 1 : i32
    %get3A_384 = arith.index_cast %get3A_383 : i32 to index
    %get3A_385 = arith.constant 112 : index
    %get3A_386 = tpu.vector_load %arg6[%get3A_384, %get3A_385] {strides = array<i32>} : memref<76x128xi32, #tpu.memory_space<vmem>>, vector<1x16xi32>,
    %get3A_387 = vector.shape_cast %get3A_386 : vector<1x16xi32> to vector<16xi32>
    %and3A_388 = arith.constant 16383 : i32
    %and3A_389 = vector.broadcast %and3A_388 : i32 to vector<16xi32>
    %and3A_390 = arith.andi %get3A_387, %and3A_389 : vector<16xi32>
    %swap3A_391 = arith.constant 1 : i32
    %swap3A_392 = arith.index_cast %swap3A_391 : i32 to index
    %swap3A_393 = arith.constant 112 : index
    %swap3A_394 = tpu.vector_load %arg7[%swap3A_392, %swap3A_393] {strides = array<i32>} : memref<2x128xi32, #tpu.memory_space<vmem>>, vector<1x16xi32>,
    %swap3A_395 = vector.shape_cast %swap3A_394 : vector<1x16xi32> to vector<16xi32>
    %swap3A_396 = vector.shape_cast %and3A_390 : vector<16xi32> to vector<1x16xi32>
    tpu.vector_store %arg7[%swap3A_392, %swap3A_393], %swap3A_396 {strides = array<i32>} : memref<2x128xi32, #tpu.memory_space<vmem>>, vector<1x16xi32>,
    %shift_right_logical3A_397 = arith.constant 14 : i32
    %shift_right_logical3A_398 = vector.broadcast %shift_right_logical3A_397 : i32 to vector<16xi32>
    %shift_right_logical3A_399 = arith.shrui %get3A_387, %shift_right_logical3A_398 : vector<16xi32>
    %swap3A_400 = arith.constant 1 : i32
    %swap3A_401 = arith.index_cast %swap3A_400 : i32 to index
    %swap3A_402 = arith.constant 112 : index
    %swap3A_403 = tpu.vector_load %arg8[%swap3A_401, %swap3A_402] {strides = array<i32>} : memref<2x128xi32, #tpu.memory_space<vmem>>, vector<1x16xi32>,
    %swap3A_404 = vector.shape_cast %swap3A_403 : vector<1x16xi32> to vector<16xi32>
    %swap3A_405 = vector.shape_cast %shift_right_logical3A_399 : vector<16xi32> to vector<1x16xi32>
    tpu.vector_store %arg8[%swap3A_401, %swap3A_402], %swap3A_405 {strides = array<i32>} : memref<2x128xi32, #tpu.memory_space<vmem>>, vector<1x16xi32>,
    %jit3A_406 = arith.constant 2 : i32
    %div3A = arith.divsi %select_n3A, %jit3A_406 : i32
    %sign3A = arith.constant 0 : i32
    %sign3A_407 = arith.cmpi sgt, %select_n3A, %sign3A : i32
    %sign3A_408 = arith.extui %sign3A_407 : i1 to i32
    %sign3A_409 = arith.constant 0 : i32
    %sign3A_410 = arith.cmpi slt, %select_n3A, %sign3A_409 : i32
    %sign3A_411 = arith.extui %sign3A_410 : i1 to i32
    %sign3A_412 = arith.subi %sign3A_408, %sign3A_411 : i32
    %sign3A_413 = arith.constant 0 : i32
    %sign3A_414 = arith.cmpi sgt, %jit3A_406, %sign3A_413 : i32
    %sign3A_415 = arith.extui %sign3A_414 : i1 to i32
    %sign3A_416 = arith.constant 0 : i32
    %sign3A_417 = arith.cmpi slt, %jit3A_406, %sign3A_416 : i32
    %sign3A_418 = arith.extui %sign3A_417 : i1 to i32
    %sign3A_419 = arith.subi %sign3A_415, %sign3A_418 : i32
    %ne3A = arith.cmpi ne, %sign3A_412, %sign3A_419 : i32
    %rem3A = arith.remsi %select_n3A, %jit3A_406 : i32
    %ne3A_420 = arith.constant 0 : i32
    %ne3A_421 = arith.cmpi ne, %rem3A, %ne3A_420 : i32
    %and3A_422 = arith.andi %ne3A, %ne3A_421 : i1
    %sub3A = arith.constant 1 : i32
    %sub3A_423 = arith.subi %div3A, %sub3A : i32
    %select_n3A_424 = arith.select %and3A_422, %sub3A_423, %div3A : i32
    %while3A = arith.constant 0 : i32
    %while3A_425 = arith.constant 0 : i32
    %while3A_426 = arith.subi %select_n3A_424, %while3A : i32
    %while3A_427 = arith.addi %while3A, %while3A_426 : i32
    %while3A_428 = arith.constant 1 : i32
    %while3A_429 = arith.divsi %while3A_426, %while3A_428 : i32
    %while3A_430 = arith.muli %while3A_429, %while3A_428 : i32
    %while3A_431 = arith.addi %while3A, %while3A_430 : i32
    %while3A_432 = arith.constant 1 : i32
    %while3A_433 = scf.for %while3A_437 = %while3A to %while3A_431 step %while3A_432 iter_args(%while3A_438 = %while3A_425) -> (i32)  : i32 {
      %mul3A_439 = arith.constant 2 : i32
      %mul3A_440 = arith.muli %mul3A_439, %while3A_437 : i32
      %add3A_441 = arith.constant 1 : i32
      %add3A_442 = arith.addi %mul3A_440, %add3A_441 : i32
      %dma_start3A_443 = arith.constant 1 : i32
      %dma_start3A_444 = arith.constant 0 : i32
      %dma_start3A_445 = tpu.memref_slice %arg7[%dma_start3A_443, %dma_start3A_444] : memref<2x128xi32, #tpu.memory_space<vmem>> -> memref<1x128xi32, #tpu.memory_space<vmem>>
      %dma_start3A_446 = tpu.memref_squeeze %dma_start3A_445 : memref<1x128xi32, #tpu.memory_space<vmem>> -> memref<128xi32, #tpu.memory_space<vmem>>
      %dma_start3A_447 = arith.constant 0 : i32
      %dma_start3A_448 = arith.constant 0 : i32
      %dma_start3A_449 = tpu.memref_slice %arg2[%dma_start3A_447, %dma_start3A_448] : memref<10000x128xf32, #tpu.memory_space<hbm>> -> memref<10000x128xf32, #tpu.memory_space<hbm>>
      tpu.enqueue_indirect_dma source(%dma_start3A_449 : memref<10000x128xf32, #tpu.memory_space<hbm>>) target(%arg10 : memref<128x128xf32, #tpu.memory_space<vmem>>) offsets(%dma_start3A_446 : memref<128xi32, #tpu.memory_space<vmem>>) semaphore(%arg12 : memref<!tpu.dma_semaphore, #tpu.memory_space<semaphore_mem>>)
      %dma_wait3A = arith.constant 0 : i32
      %dma_wait3A_450 = arith.constant 0 : i32
      %dma_wait3A_451 = tpu.memref_slice %arg7[%dma_wait3A, %dma_wait3A_450] : memref<2x128xi32, #tpu.memory_space<vmem>> -> memref<1x128xi32, #tpu.memory_space<vmem>>
      %dma_wait3A_452 = tpu.memref_squeeze %dma_wait3A_451 : memref<1x128xi32, #tpu.memory_space<vmem>> -> memref<128xi32, #tpu.memory_space<vmem>>
      %dma_wait3A_453 = arith.constant 0 : i32
      %dma_wait3A_454 = arith.constant 0 : i32
      %dma_wait3A_455 = tpu.memref_slice %arg2[%dma_wait3A_453, %dma_wait3A_454] : memref<10000x128xf32, #tpu.memory_space<hbm>> -> memref<10000x128xf32, #tpu.memory_space<hbm>>
      tpu.wait_indirect_dma semaphore(%arg12 : memref<!tpu.dma_semaphore, #tpu.memory_space<semaphore_mem>>) src(%dma_wait3A_455 : memref<10000x128xf32, #tpu.memory_space<hbm>>) dst(%arg9 : memref<128x128xf32, #tpu.memory_space<vmem>>)
      %run_scoped3A = arith.constant 0 : i32
      "tpu.region"() ({
        %run_scoped3A_476 = tpu.sem_alloc : memref<!tpu.dma_semaphore, #tpu.memory_space<semaphore_mem>>
        %dma_start3A_477 = arith.constant 0 : i32
        %dma_start3A_478 = tpu.memref_slice %arg8[%run_scoped3A, %dma_start3A_477] : memref<2x128xi32, #tpu.memory_space<vmem>> -> memref<1x128xi32, #tpu.memory_space<vmem>>
        %dma_start3A_479 = tpu.memref_squeeze %dma_start3A_478 : memref<1x128xi32, #tpu.memory_space<vmem>> -> memref<128xi32, #tpu.memory_space<vmem>>
        %dma_start3A_480 = arith.constant 0 : i32
        %dma_start3A_481 = arith.constant 0 : i32
        %dma_start3A_482 = tpu.memref_slice %arg11[%dma_start3A_480, %dma_start3A_481] : memref<10112x128xf32, #tpu.memory_space<vmem_shared>> -> memref<10112x128xf32, #tpu.memory_space<vmem_shared>>
        tpu.enqueue_indirect_dma source(%arg9 : memref<128x128xf32, #tpu.memory_space<vmem>>) target(%dma_start3A_482 : memref<10112x128xf32, #tpu.memory_space<vmem_shared>>) offsets(%dma_start3A_479 : memref<128xi32, #tpu.memory_space<vmem>>) semaphore(%run_scoped3A_476 : memref<!tpu.dma_semaphore, #tpu.memory_space<semaphore_mem>>) {add = true}
        %dma_wait3A_483 = arith.constant 0 : i32
        %dma_wait3A_484 = tpu.memref_slice %arg8[%run_scoped3A, %dma_wait3A_483] : memref<2x128xi32, #tpu.memory_space<vmem>> -> memref<1x128xi32, #tpu.memory_space<vmem>>
        %dma_wait3A_485 = tpu.memref_squeeze %dma_wait3A_484 : memref<1x128xi32, #tpu.memory_space<vmem>> -> memref<128xi32, #tpu.memory_space<vmem>>
        %dma_wait3A_486 = arith.constant 0 : i32
        %dma_wait3A_487 = arith.constant 0 : i32
        %dma_wait3A_488 = tpu.memref_slice %arg11[%dma_wait3A_486, %dma_wait3A_487] : memref<10112x128xf32, #tpu.memory_space<vmem_shared>> -> memref<10112x128xf32, #tpu.memory_space<vmem_shared>>
        tpu.wait_indirect_dma semaphore(%run_scoped3A_476 : memref<!tpu.dma_semaphore, #tpu.memory_space<semaphore_mem>>) src(%arg9 : memref<128x128xf32, #tpu.memory_space<vmem>>) dst(%dma_wait3A_488 : memref<10112x128xf32, #tpu.memory_space<vmem_shared>>)
        tpu.yield
      }) : () -> ()
      %sub3A_456 = arith.constant 1 : i32
      %sub3A_457 = arith.subi %select_n3A_424, %sub3A_456 : i32
      %lt3A = arith.cmpi slt, %while3A_437, %sub3A_457 : i32
      %convert_element_type3A_458 = arith.extui %lt3A : i1 to i32
      %cond3A_459 = arith.constant 0 : i32
      %cond3A_460 = arith.cmpi ne, %convert_element_type3A_458, %cond3A_459 : i32
      scf.if %cond3A_460 {
        %add3A_476 = arith.constant 2 : i32
        %add3A_477 = arith.addi %mul3A_440, %add3A_476 : i32
        %get3A_478 = arith.index_cast %add3A_477 : i32 to index
        %get3A_479 = arith.constant 0 : index
        %get3A_480 = tpu.vector_load %arg6[%get3A_478, %get3A_479] {strides = array<i32>} : memref<76x128xi32, #tpu.memory_space<vmem>>, vector<1x16xi32>,
        %get3A_481 = vector.shape_cast %get3A_480 : vector<1x16xi32> to vector<16xi32>
        %and3A_482 = arith.constant 16383 : i32
        %and3A_483 = vector.broadcast %and3A_482 : i32 to vector<16xi32>
        %and3A_484 = arith.andi %get3A_481, %and3A_483 : vector<16xi32>
        %swap3A_485 = arith.constant 0 : i32
        %swap3A_486 = arith.index_cast %swap3A_485 : i32 to index
        %swap3A_487 = arith.constant 0 : index
        %swap3A_488 = tpu.vector_load %arg7[%swap3A_486, %swap3A_487] {strides = array<i32>} : memref<2x128xi32, #tpu.memory_space<vmem>>, vector<1x16xi32>,
        %swap3A_489 = vector.shape_cast %swap3A_488 : vector<1x16xi32> to vector<16xi32>
        %swap3A_490 = vector.shape_cast %and3A_484 : vector<16xi32> to vector<1x16xi32>
        tpu.vector_store %arg7[%swap3A_486, %swap3A_487], %swap3A_490 {strides = array<i32>} : memref<2x128xi32, #tpu.memory_space<vmem>>, vector<1x16xi32>,
        %shift_right_logical3A_491 = arith.constant 14 : i32
        %shift_right_logical3A_492 = vector.broadcast %shift_right_logical3A_491 : i32 to vector<16xi32>
        %shift_right_logical3A_493 = arith.shrui %get3A_481, %shift_right_logical3A_492 : vector<16xi32>
        %swap3A_494 = arith.constant 0 : i32
        %swap3A_495 = arith.index_cast %swap3A_494 : i32 to index
        %swap3A_496 = arith.constant 0 : index
        %swap3A_497 = tpu.vector_load %arg8[%swap3A_495, %swap3A_496] {strides = array<i32>} : memref<2x128xi32, #tpu.memory_space<vmem>>, vector<1x16xi32>,
        %swap3A_498 = vector.shape_cast %swap3A_497 : vector<1x16xi32> to vector<16xi32>
        %swap3A_499 = vector.shape_cast %shift_right_logical3A_493 : vector<16xi32> to vector<1x16xi32>
        tpu.vector_store %arg8[%swap3A_495, %swap3A_496], %swap3A_499 {strides = array<i32>} : memref<2x128xi32, #tpu.memory_space<vmem>>, vector<1x16xi32>,
        %get3A_500 = arith.index_cast %add3A_477 : i32 to index
        %get3A_501 = arith.constant 16 : index
        %get3A_502 = tpu.vector_load %arg6[%get3A_500, %get3A_501] {strides = array<i32>} : memref<76x128xi32, #tpu.memory_space<vmem>>, vector<1x16xi32>,
        %get3A_503 = vector.shape_cast %get3A_502 : vector<1x16xi32> to vector<16xi32>
        %and3A_504 = arith.constant 16383 : i32
        %and3A_505 = vector.broadcast %and3A_504 : i32 to vector<16xi32>
        %and3A_506 = arith.andi %get3A_503, %and3A_505 : vector<16xi32>
        %swap3A_507 = arith.constant 0 : i32
        %swap3A_508 = arith.index_cast %swap3A_507 : i32 to index
        %swap3A_509 = arith.constant 16 : index
        %swap3A_510 = tpu.vector_load %arg7[%swap3A_508, %swap3A_509] {strides = array<i32>} : memref<2x128xi32, #tpu.memory_space<vmem>>, vector<1x16xi32>,
        %swap3A_511 = vector.shape_cast %swap3A_510 : vector<1x16xi32> to vector<16xi32>
        %swap3A_512 = vector.shape_cast %and3A_506 : vector<16xi32> to vector<1x16xi32>
        tpu.vector_store %arg7[%swap3A_508, %swap3A_509], %swap3A_512 {strides = array<i32>} : memref<2x128xi32, #tpu.memory_space<vmem>>, vector<1x16xi32>,
        %shift_right_logical3A_513 = arith.constant 14 : i32
        %shift_right_logical3A_514 = vector.broadcast %shift_right_logical3A_513 : i32 to vector<16xi32>
        %shift_right_logical3A_515 = arith.shrui %get3A_503, %shift_right_logical3A_514 : vector<16xi32>
        %swap3A_516 = arith.constant 0 : i32
        %swap3A_517 = arith.index_cast %swap3A_516 : i32 to index
        %swap3A_518 = arith.constant 16 : index
        %swap3A_519 = tpu.vector_load %arg8[%swap3A_517, %swap3A_518] {strides = array<i32>} : memref<2x128xi32, #tpu.memory_space<vmem>>, vector<1x16xi32>,
        %swap3A_520 = vector.shape_cast %swap3A_519 : vector<1x16xi32> to vector<16xi32>
        %swap3A_521 = vector.shape_cast %shift_right_logical3A_515 : vector<16xi32> to vector<1x16xi32>
        tpu.vector_store %arg8[%swap3A_517, %swap3A_518], %swap3A_521 {strides = array<i32>} : memref<2x128xi32, #tpu.memory_space<vmem>>, vector<1x16xi32>,
        %get3A_522 = arith.index_cast %add3A_477 : i32 to index
        %get3A_523 = arith.constant 32 : index
        %get3A_524 = tpu.vector_load %arg6[%get3A_522, %get3A_523] {strides = array<i32>} : memref<76x128xi32, #tpu.memory_space<vmem>>, vector<1x16xi32>,
        %get3A_525 = vector.shape_cast %get3A_524 : vector<1x16xi32> to vector<16xi32>
        %and3A_526 = arith.constant 16383 : i32
        %and3A_527 = vector.broadcast %and3A_526 : i32 to vector<16xi32>
        %and3A_528 = arith.andi %get3A_525, %and3A_527 : vector<16xi32>
        %swap3A_529 = arith.constant 0 : i32
        %swap3A_530 = arith.index_cast %swap3A_529 : i32 to index
        %swap3A_531 = arith.constant 32 : index
        %swap3A_532 = tpu.vector_load %arg7[%swap3A_530, %swap3A_531] {strides = array<i32>} : memref<2x128xi32, #tpu.memory_space<vmem>>, vector<1x16xi32>,
        %swap3A_533 = vector.shape_cast %swap3A_532 : vector<1x16xi32> to vector<16xi32>
        %swap3A_534 = vector.shape_cast %and3A_528 : vector<16xi32> to vector<1x16xi32>
        tpu.vector_store %arg7[%swap3A_530, %swap3A_531], %swap3A_534 {strides = array<i32>} : memref<2x128xi32, #tpu.memory_space<vmem>>, vector<1x16xi32>,
        %shift_right_logical3A_535 = arith.constant 14 : i32
        %shift_right_logical3A_536 = vector.broadcast %shift_right_logical3A_535 : i32 to vector<16xi32>
        %shift_right_logical3A_537 = arith.shrui %get3A_525, %shift_right_logical3A_536 : vector<16xi32>
        %swap3A_538 = arith.constant 0 : i32
        %swap3A_539 = arith.index_cast %swap3A_538 : i32 to index
        %swap3A_540 = arith.constant 32 : index
        %swap3A_541 = tpu.vector_load %arg8[%swap3A_539, %swap3A_540] {strides = array<i32>} : memref<2x128xi32, #tpu.memory_space<vmem>>, vector<1x16xi32>,
        %swap3A_542 = vector.shape_cast %swap3A_541 : vector<1x16xi32> to vector<16xi32>
        %swap3A_543 = vector.shape_cast %shift_right_logical3A_537 : vector<16xi32> to vector<1x16xi32>
        tpu.vector_store %arg8[%swap3A_539, %swap3A_540], %swap3A_543 {strides = array<i32>} : memref<2x128xi32, #tpu.memory_space<vmem>>, vector<1x16xi32>,
        %get3A_544 = arith.index_cast %add3A_477 : i32 to index
        %get3A_545 = arith.constant 48 : index
        %get3A_546 = tpu.vector_load %arg6[%get3A_544, %get3A_545] {strides = array<i32>} : memref<76x128xi32, #tpu.memory_space<vmem>>, vector<1x16xi32>,
        %get3A_547 = vector.shape_cast %get3A_546 : vector<1x16xi32> to vector<16xi32>
        %and3A_548 = arith.constant 16383 : i32
        %and3A_549 = vector.broadcast %and3A_548 : i32 to vector<16xi32>
        %and3A_550 = arith.andi %get3A_547, %and3A_549 : vector<16xi32>
        %swap3A_551 = arith.constant 0 : i32
        %swap3A_552 = arith.index_cast %swap3A_551 : i32 to index
        %swap3A_553 = arith.constant 48 : index
        %swap3A_554 = tpu.vector_load %arg7[%swap3A_552, %swap3A_553] {strides = array<i32>} : memref<2x128xi32, #tpu.memory_space<vmem>>, vector<1x16xi32>,
        %swap3A_555 = vector.shape_cast %swap3A_554 : vector<1x16xi32> to vector<16xi32>
        %swap3A_556 = vector.shape_cast %and3A_550 : vector<16xi32> to vector<1x16xi32>
        tpu.vector_store %arg7[%swap3A_552, %swap3A_553], %swap3A_556 {strides = array<i32>} : memref<2x128xi32, #tpu.memory_space<vmem>>, vector<1x16xi32>,
        %shift_right_logical3A_557 = arith.constant 14 : i32
        %shift_right_logical3A_558 = vector.broadcast %shift_right_logical3A_557 : i32 to vector<16xi32>
        %shift_right_logical3A_559 = arith.shrui %get3A_547, %shift_right_logical3A_558 : vector<16xi32>
        %swap3A_560 = arith.constant 0 : i32
        %swap3A_561 = arith.index_cast %swap3A_560 : i32 to index
        %swap3A_562 = arith.constant 48 : index
        %swap3A_563 = tpu.vector_load %arg8[%swap3A_561, %swap3A_562] {strides = array<i32>} : memref<2x128xi32, #tpu.memory_space<vmem>>, vector<1x16xi32>,
        %swap3A_564 = vector.shape_cast %swap3A_563 : vector<1x16xi32> to vector<16xi32>
        %swap3A_565 = vector.shape_cast %shift_right_logical3A_559 : vector<16xi32> to vector<1x16xi32>
        tpu.vector_store %arg8[%swap3A_561, %swap3A_562], %swap3A_565 {strides = array<i32>} : memref<2x128xi32, #tpu.memory_space<vmem>>, vector<1x16xi32>,
        %get3A_566 = arith.index_cast %add3A_477 : i32 to index
        %get3A_567 = arith.constant 64 : index
        %get3A_568 = tpu.vector_load %arg6[%get3A_566, %get3A_567] {strides = array<i32>} : memref<76x128xi32, #tpu.memory_space<vmem>>, vector<1x16xi32>,
        %get3A_569 = vector.shape_cast %get3A_568 : vector<1x16xi32> to vector<16xi32>
        %and3A_570 = arith.constant 16383 : i32
        %and3A_571 = vector.broadcast %and3A_570 : i32 to vector<16xi32>
        %and3A_572 = arith.andi %get3A_569, %and3A_571 : vector<16xi32>
        %swap3A_573 = arith.constant 0 : i32
        %swap3A_574 = arith.index_cast %swap3A_573 : i32 to index
        %swap3A_575 = arith.constant 64 : index
        %swap3A_576 = tpu.vector_load %arg7[%swap3A_574, %swap3A_575] {strides = array<i32>} : memref<2x128xi32, #tpu.memory_space<vmem>>, vector<1x16xi32>,
        %swap3A_577 = vector.shape_cast %swap3A_576 : vector<1x16xi32> to vector<16xi32>
        %swap3A_578 = vector.shape_cast %and3A_572 : vector<16xi32> to vector<1x16xi32>
        tpu.vector_store %arg7[%swap3A_574, %swap3A_575], %swap3A_578 {strides = array<i32>} : memref<2x128xi32, #tpu.memory_space<vmem>>, vector<1x16xi32>,
        %shift_right_logical3A_579 = arith.constant 14 : i32
        %shift_right_logical3A_580 = vector.broadcast %shift_right_logical3A_579 : i32 to vector<16xi32>
        %shift_right_logical3A_581 = arith.shrui %get3A_569, %shift_right_logical3A_580 : vector<16xi32>
        %swap3A_582 = arith.constant 0 : i32
        %swap3A_583 = arith.index_cast %swap3A_582 : i32 to index
        %swap3A_584 = arith.constant 64 : index
        %swap3A_585 = tpu.vector_load %arg8[%swap3A_583, %swap3A_584] {strides = array<i32>} : memref<2x128xi32, #tpu.memory_space<vmem>>, vector<1x16xi32>,
        %swap3A_586 = vector.shape_cast %swap3A_585 : vector<1x16xi32> to vector<16xi32>
        %swap3A_587 = vector.shape_cast %shift_right_logical3A_581 : vector<16xi32> to vector<1x16xi32>
        tpu.vector_store %arg8[%swap3A_583, %swap3A_584], %swap3A_587 {strides = array<i32>} : memref<2x128xi32, #tpu.memory_space<vmem>>, vector<1x16xi32>,
        %get3A_588 = arith.index_cast %add3A_477 : i32 to index
        %get3A_589 = arith.constant 80 : index
        %get3A_590 = tpu.vector_load %arg6[%get3A_588, %get3A_589] {strides = array<i32>} : memref<76x128xi32, #tpu.memory_space<vmem>>, vector<1x16xi32>,
        %get3A_591 = vector.shape_cast %get3A_590 : vector<1x16xi32> to vector<16xi32>
        %and3A_592 = arith.constant 16383 : i32
        %and3A_593 = vector.broadcast %and3A_592 : i32 to vector<16xi32>
        %and3A_594 = arith.andi %get3A_591, %and3A_593 : vector<16xi32>
        %swap3A_595 = arith.constant 0 : i32
        %swap3A_596 = arith.index_cast %swap3A_595 : i32 to index
        %swap3A_597 = arith.constant 80 : index
        %swap3A_598 = tpu.vector_load %arg7[%swap3A_596, %swap3A_597] {strides = array<i32>} : memref<2x128xi32, #tpu.memory_space<vmem>>, vector<1x16xi32>,
        %swap3A_599 = vector.shape_cast %swap3A_598 : vector<1x16xi32> to vector<16xi32>
        %swap3A_600 = vector.shape_cast %and3A_594 : vector<16xi32> to vector<1x16xi32>
        tpu.vector_store %arg7[%swap3A_596, %swap3A_597], %swap3A_600 {strides = array<i32>} : memref<2x128xi32, #tpu.memory_space<vmem>>, vector<1x16xi32>,
        %shift_right_logical3A_601 = arith.constant 14 : i32
        %shift_right_logical3A_602 = vector.broadcast %shift_right_logical3A_601 : i32 to vector<16xi32>
        %shift_right_logical3A_603 = arith.shrui %get3A_591, %shift_right_logical3A_602 : vector<16xi32>
        %swap3A_604 = arith.constant 0 : i32
        %swap3A_605 = arith.index_cast %swap3A_604 : i32 to index
        %swap3A_606 = arith.constant 80 : index
        %swap3A_607 = tpu.vector_load %arg8[%swap3A_605, %swap3A_606] {strides = array<i32>} : memref<2x128xi32, #tpu.memory_space<vmem>>, vector<1x16xi32>,
        %swap3A_608 = vector.shape_cast %swap3A_607 : vector<1x16xi32> to vector<16xi32>
        %swap3A_609 = vector.shape_cast %shift_right_logical3A_603 : vector<16xi32> to vector<1x16xi32>
        tpu.vector_store %arg8[%swap3A_605, %swap3A_606], %swap3A_609 {strides = array<i32>} : memref<2x128xi32, #tpu.memory_space<vmem>>, vector<1x16xi32>,
        %get3A_610 = arith.index_cast %add3A_477 : i32 to index
        %get3A_611 = arith.constant 96 : index
        %get3A_612 = tpu.vector_load %arg6[%get3A_610, %get3A_611] {strides = array<i32>} : memref<76x128xi32, #tpu.memory_space<vmem>>, vector<1x16xi32>,
        %get3A_613 = vector.shape_cast %get3A_612 : vector<1x16xi32> to vector<16xi32>
        %and3A_614 = arith.constant 16383 : i32
        %and3A_615 = vector.broadcast %and3A_614 : i32 to vector<16xi32>
        %and3A_616 = arith.andi %get3A_613, %and3A_615 : vector<16xi32>
        %swap3A_617 = arith.constant 0 : i32
        %swap3A_618 = arith.index_cast %swap3A_617 : i32 to index
        %swap3A_619 = arith.constant 96 : index
        %swap3A_620 = tpu.vector_load %arg7[%swap3A_618, %swap3A_619] {strides = array<i32>} : memref<2x128xi32, #tpu.memory_space<vmem>>, vector<1x16xi32>,
        %swap3A_621 = vector.shape_cast %swap3A_620 : vector<1x16xi32> to vector<16xi32>
        %swap3A_622 = vector.shape_cast %and3A_616 : vector<16xi32> to vector<1x16xi32>
        tpu.vector_store %arg7[%swap3A_618, %swap3A_619], %swap3A_622 {strides = array<i32>} : memref<2x128xi32, #tpu.memory_space<vmem>>, vector<1x16xi32>,
        %shift_right_logical3A_623 = arith.constant 14 : i32
        %shift_right_logical3A_624 = vector.broadcast %shift_right_logical3A_623 : i32 to vector<16xi32>
        %shift_right_logical3A_625 = arith.shrui %get3A_613, %shift_right_logical3A_624 : vector<16xi32>
        %swap3A_626 = arith.constant 0 : i32
        %swap3A_627 = arith.index_cast %swap3A_626 : i32 to index
        %swap3A_628 = arith.constant 96 : index
        %swap3A_629 = tpu.vector_load %arg8[%swap3A_627, %swap3A_628] {strides = array<i32>} : memref<2x128xi32, #tpu.memory_space<vmem>>, vector<1x16xi32>,
        %swap3A_630 = vector.shape_cast %swap3A_629 : vector<1x16xi32> to vector<16xi32>
        %swap3A_631 = vector.shape_cast %shift_right_logical3A_625 : vector<16xi32> to vector<1x16xi32>
        tpu.vector_store %arg8[%swap3A_627, %swap3A_628], %swap3A_631 {strides = array<i32>} : memref<2x128xi32, #tpu.memory_space<vmem>>, vector<1x16xi32>,
        %get3A_632 = arith.index_cast %add3A_477 : i32 to index
        %get3A_633 = arith.constant 112 : index
        %get3A_634 = tpu.vector_load %arg6[%get3A_632, %get3A_633] {strides = array<i32>} : memref<76x128xi32, #tpu.memory_space<vmem>>, vector<1x16xi32>,
        %get3A_635 = vector.shape_cast %get3A_634 : vector<1x16xi32> to vector<16xi32>
        %and3A_636 = arith.constant 16383 : i32
        %and3A_637 = vector.broadcast %and3A_636 : i32 to vector<16xi32>
        %and3A_638 = arith.andi %get3A_635, %and3A_637 : vector<16xi32>
        %swap3A_639 = arith.constant 0 : i32
        %swap3A_640 = arith.index_cast %swap3A_639 : i32 to index
        %swap3A_641 = arith.constant 112 : index
        %swap3A_642 = tpu.vector_load %arg7[%swap3A_640, %swap3A_641] {strides = array<i32>} : memref<2x128xi32, #tpu.memory_space<vmem>>, vector<1x16xi32>,
        %swap3A_643 = vector.shape_cast %swap3A_642 : vector<1x16xi32> to vector<16xi32>
        %swap3A_644 = vector.shape_cast %and3A_638 : vector<16xi32> to vector<1x16xi32>
        tpu.vector_store %arg7[%swap3A_640, %swap3A_641], %swap3A_644 {strides = array<i32>} : memref<2x128xi32, #tpu.memory_space<vmem>>, vector<1x16xi32>,
        %shift_right_logical3A_645 = arith.constant 14 : i32
        %shift_right_logical3A_646 = vector.broadcast %shift_right_logical3A_645 : i32 to vector<16xi32>
        %shift_right_logical3A_647 = arith.shrui %get3A_635, %shift_right_logical3A_646 : vector<16xi32>
        %swap3A_648 = arith.constant 0 : i32
        %swap3A_649 = arith.index_cast %swap3A_648 : i32 to index
        %swap3A_650 = arith.constant 112 : index
        %swap3A_651 = tpu.vector_load %arg8[%swap3A_649, %swap3A_650] {strides = array<i32>} : memref<2x128xi32, #tpu.memory_space<vmem>>, vector<1x16xi32>,
        %swap3A_652 = vector.shape_cast %swap3A_651 : vector<1x16xi32> to vector<16xi32>
        %swap3A_653 = vector.shape_cast %shift_right_logical3A_647 : vector<16xi32> to vector<1x16xi32>
        tpu.vector_store %arg8[%swap3A_649, %swap3A_650], %swap3A_653 {strides = array<i32>} : memref<2x128xi32, #tpu.memory_space<vmem>>, vector<1x16xi32>,
        %dma_start3A_654 = arith.constant 0 : i32
        %dma_start3A_655 = arith.constant 0 : i32
        %dma_start3A_656 = tpu.memref_slice %arg7[%dma_start3A_654, %dma_start3A_655] : memref<2x128xi32, #tpu.memory_space<vmem>> -> memref<1x128xi32, #tpu.memory_space<vmem>>
        %dma_start3A_657 = tpu.memref_squeeze %dma_start3A_656 : memref<1x128xi32, #tpu.memory_space<vmem>> -> memref<128xi32, #tpu.memory_space<vmem>>
        %dma_start3A_658 = arith.constant 0 : i32
        %dma_start3A_659 = arith.constant 0 : i32
        %dma_start3A_660 = tpu.memref_slice %arg2[%dma_start3A_658, %dma_start3A_659] : memref<10000x128xf32, #tpu.memory_space<hbm>> -> memref<10000x128xf32, #tpu.memory_space<hbm>>
        tpu.enqueue_indirect_dma source(%dma_start3A_660 : memref<10000x128xf32, #tpu.memory_space<hbm>>) target(%arg9 : memref<128x128xf32, #tpu.memory_space<vmem>>) offsets(%dma_start3A_657 : memref<128xi32, #tpu.memory_space<vmem>>) semaphore(%arg12 : memref<!tpu.dma_semaphore, #tpu.memory_space<semaphore_mem>>)
      } else {
      }
      %dma_wait3A_461 = arith.constant 1 : i32
      %dma_wait3A_462 = arith.constant 0 : i32
      %dma_wait3A_463 = tpu.memref_slice %arg7[%dma_wait3A_461, %dma_wait3A_462] : memref<2x128xi32, #tpu.memory_space<vmem>> -> memref<1x128xi32, #tpu.memory_space<vmem>>
      %dma_wait3A_464 = tpu.memref_squeeze %dma_wait3A_463 : memref<1x128xi32, #tpu.memory_space<vmem>> -> memref<128xi32, #tpu.memory_space<vmem>>
      %dma_wait3A_465 = arith.constant 0 : i32
      %dma_wait3A_466 = arith.constant 0 : i32
      %dma_wait3A_467 = tpu.memref_slice %arg2[%dma_wait3A_465, %dma_wait3A_466] : memref<10000x128xf32, #tpu.memory_space<hbm>> -> memref<10000x128xf32, #tpu.memory_space<hbm>>
      tpu.wait_indirect_dma semaphore(%arg12 : memref<!tpu.dma_semaphore, #tpu.memory_space<semaphore_mem>>) src(%dma_wait3A_467 : memref<10000x128xf32, #tpu.memory_space<hbm>>) dst(%arg10 : memref<128x128xf32, #tpu.memory_space<vmem>>)
      %run_scoped3A_468 = arith.constant 1 : i32
      "tpu.region"() ({
        %run_scoped3A_476 = tpu.sem_alloc : memref<!tpu.dma_semaphore, #tpu.memory_space<semaphore_mem>>
        %dma_start3A_477 = arith.constant 0 : i32
        %dma_start3A_478 = tpu.memref_slice %arg8[%run_scoped3A_468, %dma_start3A_477] : memref<2x128xi32, #tpu.memory_space<vmem>> -> memref<1x128xi32, #tpu.memory_space<vmem>>
        %dma_start3A_479 = tpu.memref_squeeze %dma_start3A_478 : memref<1x128xi32, #tpu.memory_space<vmem>> -> memref<128xi32, #tpu.memory_space<vmem>>
        %dma_start3A_480 = arith.constant 0 : i32
        %dma_start3A_481 = arith.constant 0 : i32
        %dma_start3A_482 = tpu.memref_slice %arg11[%dma_start3A_480, %dma_start3A_481] : memref<10112x128xf32, #tpu.memory_space<vmem_shared>> -> memref<10112x128xf32, #tpu.memory_space<vmem_shared>>
        tpu.enqueue_indirect_dma source(%arg10 : memref<128x128xf32, #tpu.memory_space<vmem>>) target(%dma_start3A_482 : memref<10112x128xf32, #tpu.memory_space<vmem_shared>>) offsets(%dma_start3A_479 : memref<128xi32, #tpu.memory_space<vmem>>) semaphore(%run_scoped3A_476 : memref<!tpu.dma_semaphore, #tpu.memory_space<semaphore_mem>>) {add = true}
        %dma_wait3A_483 = arith.constant 0 : i32
        %dma_wait3A_484 = tpu.memref_slice %arg8[%run_scoped3A_468, %dma_wait3A_483] : memref<2x128xi32, #tpu.memory_space<vmem>> -> memref<1x128xi32, #tpu.memory_space<vmem>>
        %dma_wait3A_485 = tpu.memref_squeeze %dma_wait3A_484 : memref<1x128xi32, #tpu.memory_space<vmem>> -> memref<128xi32, #tpu.memory_space<vmem>>
        %dma_wait3A_486 = arith.constant 0 : i32
        %dma_wait3A_487 = arith.constant 0 : i32
        %dma_wait3A_488 = tpu.memref_slice %arg11[%dma_wait3A_486, %dma_wait3A_487] : memref<10112x128xf32, #tpu.memory_space<vmem_shared>> -> memref<10112x128xf32, #tpu.memory_space<vmem_shared>>
        tpu.wait_indirect_dma semaphore(%run_scoped3A_476 : memref<!tpu.dma_semaphore, #tpu.memory_space<semaphore_mem>>) src(%arg10 : memref<128x128xf32, #tpu.memory_space<vmem>>) dst(%dma_wait3A_488 : memref<10112x128xf32, #tpu.memory_space<vmem_shared>>)
        tpu.yield
      }) : () -> ()
      %sub3A_469 = arith.constant 1 : i32
      %sub3A_470 = arith.subi %select_n3A_424, %sub3A_469 : i32
      %lt3A_471 = arith.cmpi slt, %while3A_437, %sub3A_470 : i32
      %convert_element_type3A_472 = arith.extui %lt3A_471 : i1 to i32
      %cond3A_473 = arith.constant 0 : i32
      %cond3A_474 = arith.cmpi ne, %convert_element_type3A_472, %cond3A_473 : i32
      scf.if %cond3A_474 {
        %add3A_476 = arith.constant 2 : i32
        %add3A_477 = arith.addi %add3A_442, %add3A_476 : i32
        %get3A_478 = arith.index_cast %add3A_477 : i32 to index
        %get3A_479 = arith.constant 0 : index
        %get3A_480 = tpu.vector_load %arg6[%get3A_478, %get3A_479] {strides = array<i32>} : memref<76x128xi32, #tpu.memory_space<vmem>>, vector<1x16xi32>,
        %get3A_481 = vector.shape_cast %get3A_480 : vector<1x16xi32> to vector<16xi32>
        %and3A_482 = arith.constant 16383 : i32
        %and3A_483 = vector.broadcast %and3A_482 : i32 to vector<16xi32>
        %and3A_484 = arith.andi %get3A_481, %and3A_483 : vector<16xi32>
        %swap3A_485 = arith.constant 1 : i32
        %swap3A_486 = arith.index_cast %swap3A_485 : i32 to index
        %swap3A_487 = arith.constant 0 : index
        %swap3A_488 = tpu.vector_load %arg7[%swap3A_486, %swap3A_487] {strides = array<i32>} : memref<2x128xi32, #tpu.memory_space<vmem>>, vector<1x16xi32>,
        %swap3A_489 = vector.shape_cast %swap3A_488 : vector<1x16xi32> to vector<16xi32>
        %swap3A_490 = vector.shape_cast %and3A_484 : vector<16xi32> to vector<1x16xi32>
        tpu.vector_store %arg7[%swap3A_486, %swap3A_487], %swap3A_490 {strides = array<i32>} : memref<2x128xi32, #tpu.memory_space<vmem>>, vector<1x16xi32>,
        %shift_right_logical3A_491 = arith.constant 14 : i32
        %shift_right_logical3A_492 = vector.broadcast %shift_right_logical3A_491 : i32 to vector<16xi32>
        %shift_right_logical3A_493 = arith.shrui %get3A_481, %shift_right_logical3A_492 : vector<16xi32>
        %swap3A_494 = arith.constant 1 : i32
        %swap3A_495 = arith.index_cast %swap3A_494 : i32 to index
        %swap3A_496 = arith.constant 0 : index
        %swap3A_497 = tpu.vector_load %arg8[%swap3A_495, %swap3A_496] {strides = array<i32>} : memref<2x128xi32, #tpu.memory_space<vmem>>, vector<1x16xi32>,
        %swap3A_498 = vector.shape_cast %swap3A_497 : vector<1x16xi32> to vector<16xi32>
        %swap3A_499 = vector.shape_cast %shift_right_logical3A_493 : vector<16xi32> to vector<1x16xi32>
        tpu.vector_store %arg8[%swap3A_495, %swap3A_496], %swap3A_499 {strides = array<i32>} : memref<2x128xi32, #tpu.memory_space<vmem>>, vector<1x16xi32>,
        %get3A_500 = arith.index_cast %add3A_477 : i32 to index
        %get3A_501 = arith.constant 16 : index
        %get3A_502 = tpu.vector_load %arg6[%get3A_500, %get3A_501] {strides = array<i32>} : memref<76x128xi32, #tpu.memory_space<vmem>>, vector<1x16xi32>,
        %get3A_503 = vector.shape_cast %get3A_502 : vector<1x16xi32> to vector<16xi32>
        %and3A_504 = arith.constant 16383 : i32
        %and3A_505 = vector.broadcast %and3A_504 : i32 to vector<16xi32>
        %and3A_506 = arith.andi %get3A_503, %and3A_505 : vector<16xi32>
        %swap3A_507 = arith.constant 1 : i32
        %swap3A_508 = arith.index_cast %swap3A_507 : i32 to index
        %swap3A_509 = arith.constant 16 : index
        %swap3A_510 = tpu.vector_load %arg7[%swap3A_508, %swap3A_509] {strides = array<i32>} : memref<2x128xi32, #tpu.memory_space<vmem>>, vector<1x16xi32>,
        %swap3A_511 = vector.shape_cast %swap3A_510 : vector<1x16xi32> to vector<16xi32>
        %swap3A_512 = vector.shape_cast %and3A_506 : vector<16xi32> to vector<1x16xi32>
        tpu.vector_store %arg7[%swap3A_508, %swap3A_509], %swap3A_512 {strides = array<i32>} : memref<2x128xi32, #tpu.memory_space<vmem>>, vector<1x16xi32>,
        %shift_right_logical3A_513 = arith.constant 14 : i32
        %shift_right_logical3A_514 = vector.broadcast %shift_right_logical3A_513 : i32 to vector<16xi32>
        %shift_right_logical3A_515 = arith.shrui %get3A_503, %shift_right_logical3A_514 : vector<16xi32>
        %swap3A_516 = arith.constant 1 : i32
        %swap3A_517 = arith.index_cast %swap3A_516 : i32 to index
        %swap3A_518 = arith.constant 16 : index
        %swap3A_519 = tpu.vector_load %arg8[%swap3A_517, %swap3A_518] {strides = array<i32>} : memref<2x128xi32, #tpu.memory_space<vmem>>, vector<1x16xi32>,
        %swap3A_520 = vector.shape_cast %swap3A_519 : vector<1x16xi32> to vector<16xi32>
        %swap3A_521 = vector.shape_cast %shift_right_logical3A_515 : vector<16xi32> to vector<1x16xi32>
        tpu.vector_store %arg8[%swap3A_517, %swap3A_518], %swap3A_521 {strides = array<i32>} : memref<2x128xi32, #tpu.memory_space<vmem>>, vector<1x16xi32>,
        %get3A_522 = arith.index_cast %add3A_477 : i32 to index
        %get3A_523 = arith.constant 32 : index
        %get3A_524 = tpu.vector_load %arg6[%get3A_522, %get3A_523] {strides = array<i32>} : memref<76x128xi32, #tpu.memory_space<vmem>>, vector<1x16xi32>,
        %get3A_525 = vector.shape_cast %get3A_524 : vector<1x16xi32> to vector<16xi32>
        %and3A_526 = arith.constant 16383 : i32
        %and3A_527 = vector.broadcast %and3A_526 : i32 to vector<16xi32>
        %and3A_528 = arith.andi %get3A_525, %and3A_527 : vector<16xi32>
        %swap3A_529 = arith.constant 1 : i32
        %swap3A_530 = arith.index_cast %swap3A_529 : i32 to index
        %swap3A_531 = arith.constant 32 : index
        %swap3A_532 = tpu.vector_load %arg7[%swap3A_530, %swap3A_531] {strides = array<i32>} : memref<2x128xi32, #tpu.memory_space<vmem>>, vector<1x16xi32>,
        %swap3A_533 = vector.shape_cast %swap3A_532 : vector<1x16xi32> to vector<16xi32>
        %swap3A_534 = vector.shape_cast %and3A_528 : vector<16xi32> to vector<1x16xi32>
        tpu.vector_store %arg7[%swap3A_530, %swap3A_531], %swap3A_534 {strides = array<i32>} : memref<2x128xi32, #tpu.memory_space<vmem>>, vector<1x16xi32>,
        %shift_right_logical3A_535 = arith.constant 14 : i32
        %shift_right_logical3A_536 = vector.broadcast %shift_right_logical3A_535 : i32 to vector<16xi32>
        %shift_right_logical3A_537 = arith.shrui %get3A_525, %shift_right_logical3A_536 : vector<16xi32>
        %swap3A_538 = arith.constant 1 : i32
        %swap3A_539 = arith.index_cast %swap3A_538 : i32 to index
        %swap3A_540 = arith.constant 32 : index
        %swap3A_541 = tpu.vector_load %arg8[%swap3A_539, %swap3A_540] {strides = array<i32>} : memref<2x128xi32, #tpu.memory_space<vmem>>, vector<1x16xi32>,
        %swap3A_542 = vector.shape_cast %swap3A_541 : vector<1x16xi32> to vector<16xi32>
        %swap3A_543 = vector.shape_cast %shift_right_logical3A_537 : vector<16xi32> to vector<1x16xi32>
        tpu.vector_store %arg8[%swap3A_539, %swap3A_540], %swap3A_543 {strides = array<i32>} : memref<2x128xi32, #tpu.memory_space<vmem>>, vector<1x16xi32>,
        %get3A_544 = arith.index_cast %add3A_477 : i32 to index
        %get3A_545 = arith.constant 48 : index
        %get3A_546 = tpu.vector_load %arg6[%get3A_544, %get3A_545] {strides = array<i32>} : memref<76x128xi32, #tpu.memory_space<vmem>>, vector<1x16xi32>,
        %get3A_547 = vector.shape_cast %get3A_546 : vector<1x16xi32> to vector<16xi32>
        %and3A_548 = arith.constant 16383 : i32
        %and3A_549 = vector.broadcast %and3A_548 : i32 to vector<16xi32>
        %and3A_550 = arith.andi %get3A_547, %and3A_549 : vector<16xi32>
        %swap3A_551 = arith.constant 1 : i32
        %swap3A_552 = arith.index_cast %swap3A_551 : i32 to index
        %swap3A_553 = arith.constant 48 : index
        %swap3A_554 = tpu.vector_load %arg7[%swap3A_552, %swap3A_553] {strides = array<i32>} : memref<2x128xi32, #tpu.memory_space<vmem>>, vector<1x16xi32>,
        %swap3A_555 = vector.shape_cast %swap3A_554 : vector<1x16xi32> to vector<16xi32>
        %swap3A_556 = vector.shape_cast %and3A_550 : vector<16xi32> to vector<1x16xi32>
        tpu.vector_store %arg7[%swap3A_552, %swap3A_553], %swap3A_556 {strides = array<i32>} : memref<2x128xi32, #tpu.memory_space<vmem>>, vector<1x16xi32>,
        %shift_right_logical3A_557 = arith.constant 14 : i32
        %shift_right_logical3A_558 = vector.broadcast %shift_right_logical3A_557 : i32 to vector<16xi32>
        %shift_right_logical3A_559 = arith.shrui %get3A_547, %shift_right_logical3A_558 : vector<16xi32>
        %swap3A_560 = arith.constant 1 : i32
        %swap3A_561 = arith.index_cast %swap3A_560 : i32 to index
        %swap3A_562 = arith.constant 48 : index
        %swap3A_563 = tpu.vector_load %arg8[%swap3A_561, %swap3A_562] {strides = array<i32>} : memref<2x128xi32, #tpu.memory_space<vmem>>, vector<1x16xi32>,
        %swap3A_564 = vector.shape_cast %swap3A_563 : vector<1x16xi32> to vector<16xi32>
        %swap3A_565 = vector.shape_cast %shift_right_logical3A_559 : vector<16xi32> to vector<1x16xi32>
        tpu.vector_store %arg8[%swap3A_561, %swap3A_562], %swap3A_565 {strides = array<i32>} : memref<2x128xi32, #tpu.memory_space<vmem>>, vector<1x16xi32>,
        %get3A_566 = arith.index_cast %add3A_477 : i32 to index
        %get3A_567 = arith.constant 64 : index
        %get3A_568 = tpu.vector_load %arg6[%get3A_566, %get3A_567] {strides = array<i32>} : memref<76x128xi32, #tpu.memory_space<vmem>>, vector<1x16xi32>,
        %get3A_569 = vector.shape_cast %get3A_568 : vector<1x16xi32> to vector<16xi32>
        %and3A_570 = arith.constant 16383 : i32
        %and3A_571 = vector.broadcast %and3A_570 : i32 to vector<16xi32>
        %and3A_572 = arith.andi %get3A_569, %and3A_571 : vector<16xi32>
        %swap3A_573 = arith.constant 1 : i32
        %swap3A_574 = arith.index_cast %swap3A_573 : i32 to index
        %swap3A_575 = arith.constant 64 : index
        %swap3A_576 = tpu.vector_load %arg7[%swap3A_574, %swap3A_575] {strides = array<i32>} : memref<2x128xi32, #tpu.memory_space<vmem>>, vector<1x16xi32>,
        %swap3A_577 = vector.shape_cast %swap3A_576 : vector<1x16xi32> to vector<16xi32>
        %swap3A_578 = vector.shape_cast %and3A_572 : vector<16xi32> to vector<1x16xi32>
        tpu.vector_store %arg7[%swap3A_574, %swap3A_575], %swap3A_578 {strides = array<i32>} : memref<2x128xi32, #tpu.memory_space<vmem>>, vector<1x16xi32>,
        %shift_right_logical3A_579 = arith.constant 14 : i32
        %shift_right_logical3A_580 = vector.broadcast %shift_right_logical3A_579 : i32 to vector<16xi32>
        %shift_right_logical3A_581 = arith.shrui %get3A_569, %shift_right_logical3A_580 : vector<16xi32>
        %swap3A_582 = arith.constant 1 : i32
        %swap3A_583 = arith.index_cast %swap3A_582 : i32 to index
        %swap3A_584 = arith.constant 64 : index
        %swap3A_585 = tpu.vector_load %arg8[%swap3A_583, %swap3A_584] {strides = array<i32>} : memref<2x128xi32, #tpu.memory_space<vmem>>, vector<1x16xi32>,
        %swap3A_586 = vector.shape_cast %swap3A_585 : vector<1x16xi32> to vector<16xi32>
        %swap3A_587 = vector.shape_cast %shift_right_logical3A_581 : vector<16xi32> to vector<1x16xi32>
        tpu.vector_store %arg8[%swap3A_583, %swap3A_584], %swap3A_587 {strides = array<i32>} : memref<2x128xi32, #tpu.memory_space<vmem>>, vector<1x16xi32>,
        %get3A_588 = arith.index_cast %add3A_477 : i32 to index
        %get3A_589 = arith.constant 80 : index
        %get3A_590 = tpu.vector_load %arg6[%get3A_588, %get3A_589] {strides = array<i32>} : memref<76x128xi32, #tpu.memory_space<vmem>>, vector<1x16xi32>,
        %get3A_591 = vector.shape_cast %get3A_590 : vector<1x16xi32> to vector<16xi32>
        %and3A_592 = arith.constant 16383 : i32
        %and3A_593 = vector.broadcast %and3A_592 : i32 to vector<16xi32>
        %and3A_594 = arith.andi %get3A_591, %and3A_593 : vector<16xi32>
        %swap3A_595 = arith.constant 1 : i32
        %swap3A_596 = arith.index_cast %swap3A_595 : i32 to index
        %swap3A_597 = arith.constant 80 : index
        %swap3A_598 = tpu.vector_load %arg7[%swap3A_596, %swap3A_597] {strides = array<i32>} : memref<2x128xi32, #tpu.memory_space<vmem>>, vector<1x16xi32>,
        %swap3A_599 = vector.shape_cast %swap3A_598 : vector<1x16xi32> to vector<16xi32>
        %swap3A_600 = vector.shape_cast %and3A_594 : vector<16xi32> to vector<1x16xi32>
        tpu.vector_store %arg7[%swap3A_596, %swap3A_597], %swap3A_600 {strides = array<i32>} : memref<2x128xi32, #tpu.memory_space<vmem>>, vector<1x16xi32>,
        %shift_right_logical3A_601 = arith.constant 14 : i32
        %shift_right_logical3A_602 = vector.broadcast %shift_right_logical3A_601 : i32 to vector<16xi32>
        %shift_right_logical3A_603 = arith.shrui %get3A_591, %shift_right_logical3A_602 : vector<16xi32>
        %swap3A_604 = arith.constant 1 : i32
        %swap3A_605 = arith.index_cast %swap3A_604 : i32 to index
        %swap3A_606 = arith.constant 80 : index
        %swap3A_607 = tpu.vector_load %arg8[%swap3A_605, %swap3A_606] {strides = array<i32>} : memref<2x128xi32, #tpu.memory_space<vmem>>, vector<1x16xi32>,
        %swap3A_608 = vector.shape_cast %swap3A_607 : vector<1x16xi32> to vector<16xi32>
        %swap3A_609 = vector.shape_cast %shift_right_logical3A_603 : vector<16xi32> to vector<1x16xi32>
        tpu.vector_store %arg8[%swap3A_605, %swap3A_606], %swap3A_609 {strides = array<i32>} : memref<2x128xi32, #tpu.memory_space<vmem>>, vector<1x16xi32>,
        %get3A_610 = arith.index_cast %add3A_477 : i32 to index
        %get3A_611 = arith.constant 96 : index
        %get3A_612 = tpu.vector_load %arg6[%get3A_610, %get3A_611] {strides = array<i32>} : memref<76x128xi32, #tpu.memory_space<vmem>>, vector<1x16xi32>,
        %get3A_613 = vector.shape_cast %get3A_612 : vector<1x16xi32> to vector<16xi32>
        %and3A_614 = arith.constant 16383 : i32
        %and3A_615 = vector.broadcast %and3A_614 : i32 to vector<16xi32>
        %and3A_616 = arith.andi %get3A_613, %and3A_615 : vector<16xi32>
        %swap3A_617 = arith.constant 1 : i32
        %swap3A_618 = arith.index_cast %swap3A_617 : i32 to index
        %swap3A_619 = arith.constant 96 : index
        %swap3A_620 = tpu.vector_load %arg7[%swap3A_618, %swap3A_619] {strides = array<i32>} : memref<2x128xi32, #tpu.memory_space<vmem>>, vector<1x16xi32>,
        %swap3A_621 = vector.shape_cast %swap3A_620 : vector<1x16xi32> to vector<16xi32>
        %swap3A_622 = vector.shape_cast %and3A_616 : vector<16xi32> to vector<1x16xi32>
        tpu.vector_store %arg7[%swap3A_618, %swap3A_619], %swap3A_622 {strides = array<i32>} : memref<2x128xi32, #tpu.memory_space<vmem>>, vector<1x16xi32>,
        %shift_right_logical3A_623 = arith.constant 14 : i32
        %shift_right_logical3A_624 = vector.broadcast %shift_right_logical3A_623 : i32 to vector<16xi32>
        %shift_right_logical3A_625 = arith.shrui %get3A_613, %shift_right_logical3A_624 : vector<16xi32>
        %swap3A_626 = arith.constant 1 : i32
        %swap3A_627 = arith.index_cast %swap3A_626 : i32 to index
        %swap3A_628 = arith.constant 96 : index
        %swap3A_629 = tpu.vector_load %arg8[%swap3A_627, %swap3A_628] {strides = array<i32>} : memref<2x128xi32, #tpu.memory_space<vmem>>, vector<1x16xi32>,
        %swap3A_630 = vector.shape_cast %swap3A_629 : vector<1x16xi32> to vector<16xi32>
        %swap3A_631 = vector.shape_cast %shift_right_logical3A_625 : vector<16xi32> to vector<1x16xi32>
        tpu.vector_store %arg8[%swap3A_627, %swap3A_628], %swap3A_631 {strides = array<i32>} : memref<2x128xi32, #tpu.memory_space<vmem>>, vector<1x16xi32>,
        %get3A_632 = arith.index_cast %add3A_477 : i32 to index
        %get3A_633 = arith.constant 112 : index
        %get3A_634 = tpu.vector_load %arg6[%get3A_632, %get3A_633] {strides = array<i32>} : memref<76x128xi32, #tpu.memory_space<vmem>>, vector<1x16xi32>,
        %get3A_635 = vector.shape_cast %get3A_634 : vector<1x16xi32> to vector<16xi32>
        %and3A_636 = arith.constant 16383 : i32
        %and3A_637 = vector.broadcast %and3A_636 : i32 to vector<16xi32>
        %and3A_638 = arith.andi %get3A_635, %and3A_637 : vector<16xi32>
        %swap3A_639 = arith.constant 1 : i32
        %swap3A_640 = arith.index_cast %swap3A_639 : i32 to index
        %swap3A_641 = arith.constant 112 : index
        %swap3A_642 = tpu.vector_load %arg7[%swap3A_640, %swap3A_641] {strides = array<i32>} : memref<2x128xi32, #tpu.memory_space<vmem>>, vector<1x16xi32>,
        %swap3A_643 = vector.shape_cast %swap3A_642 : vector<1x16xi32> to vector<16xi32>
        %swap3A_644 = vector.shape_cast %and3A_638 : vector<16xi32> to vector<1x16xi32>
        tpu.vector_store %arg7[%swap3A_640, %swap3A_641], %swap3A_644 {strides = array<i32>} : memref<2x128xi32, #tpu.memory_space<vmem>>, vector<1x16xi32>,
        %shift_right_logical3A_645 = arith.constant 14 : i32
        %shift_right_logical3A_646 = vector.broadcast %shift_right_logical3A_645 : i32 to vector<16xi32>
        %shift_right_logical3A_647 = arith.shrui %get3A_635, %shift_right_logical3A_646 : vector<16xi32>
        %swap3A_648 = arith.constant 1 : i32
        %swap3A_649 = arith.index_cast %swap3A_648 : i32 to index
        %swap3A_650 = arith.constant 112 : index
        %swap3A_651 = tpu.vector_load %arg8[%swap3A_649, %swap3A_650] {strides = array<i32>} : memref<2x128xi32, #tpu.memory_space<vmem>>, vector<1x16xi32>,
        %swap3A_652 = vector.shape_cast %swap3A_651 : vector<1x16xi32> to vector<16xi32>
        %swap3A_653 = vector.shape_cast %shift_right_logical3A_647 : vector<16xi32> to vector<1x16xi32>
        tpu.vector_store %arg8[%swap3A_649, %swap3A_650], %swap3A_653 {strides = array<i32>} : memref<2x128xi32, #tpu.memory_space<vmem>>, vector<1x16xi32>,
      } else {
      }
      %while3A_475 = arith.constant 0 : i32
      scf.yield %while3A_475 : i32
    }
    %while3A_434 = arith.constant 1 : i32
    %while3A_435 = scf.for %while3A_437 = %while3A_431 to %while3A_427 step %while3A_434 iter_args(%while3A_438 = %while3A_433) -> (i32)  : i32 {
      %mul3A_439 = arith.constant 2 : i32
      %mul3A_440 = arith.muli %mul3A_439, %while3A_437 : i32
      %add3A_441 = arith.constant 1 : i32
      %add3A_442 = arith.addi %mul3A_440, %add3A_441 : i32
      %dma_start3A_443 = arith.constant 1 : i32
      %dma_start3A_444 = arith.constant 0 : i32
      %dma_start3A_445 = tpu.memref_slice %arg7[%dma_start3A_443, %dma_start3A_444] : memref<2x128xi32, #tpu.memory_space<vmem>> -> memref<1x128xi32, #tpu.memory_space<vmem>>
      %dma_start3A_446 = tpu.memref_squeeze %dma_start3A_445 : memref<1x128xi32, #tpu.memory_space<vmem>> -> memref<128xi32, #tpu.memory_space<vmem>>
      %dma_start3A_447 = arith.constant 0 : i32
      %dma_start3A_448 = arith.constant 0 : i32
      %dma_start3A_449 = tpu.memref_slice %arg2[%dma_start3A_447, %dma_start3A_448] : memref<10000x128xf32, #tpu.memory_space<hbm>> -> memref<10000x128xf32, #tpu.memory_space<hbm>>
      tpu.enqueue_indirect_dma source(%dma_start3A_449 : memref<10000x128xf32, #tpu.memory_space<hbm>>) target(%arg10 : memref<128x128xf32, #tpu.memory_space<vmem>>) offsets(%dma_start3A_446 : memref<128xi32, #tpu.memory_space<vmem>>) semaphore(%arg12 : memref<!tpu.dma_semaphore, #tpu.memory_space<semaphore_mem>>)
      %dma_wait3A = arith.constant 0 : i32
      %dma_wait3A_450 = arith.constant 0 : i32
      %dma_wait3A_451 = tpu.memref_slice %arg7[%dma_wait3A, %dma_wait3A_450] : memref<2x128xi32, #tpu.memory_space<vmem>> -> memref<1x128xi32, #tpu.memory_space<vmem>>
      %dma_wait3A_452 = tpu.memref_squeeze %dma_wait3A_451 : memref<1x128xi32, #tpu.memory_space<vmem>> -> memref<128xi32, #tpu.memory_space<vmem>>
      %dma_wait3A_453 = arith.constant 0 : i32
      %dma_wait3A_454 = arith.constant 0 : i32
      %dma_wait3A_455 = tpu.memref_slice %arg2[%dma_wait3A_453, %dma_wait3A_454] : memref<10000x128xf32, #tpu.memory_space<hbm>> -> memref<10000x128xf32, #tpu.memory_space<hbm>>
      tpu.wait_indirect_dma semaphore(%arg12 : memref<!tpu.dma_semaphore, #tpu.memory_space<semaphore_mem>>) src(%dma_wait3A_455 : memref<10000x128xf32, #tpu.memory_space<hbm>>) dst(%arg9 : memref<128x128xf32, #tpu.memory_space<vmem>>)
      %run_scoped3A = arith.constant 0 : i32
      "tpu.region"() ({
        %run_scoped3A_476 = tpu.sem_alloc : memref<!tpu.dma_semaphore, #tpu.memory_space<semaphore_mem>>
        %dma_start3A_477 = arith.constant 0 : i32
        %dma_start3A_478 = tpu.memref_slice %arg8[%run_scoped3A, %dma_start3A_477] : memref<2x128xi32, #tpu.memory_space<vmem>> -> memref<1x128xi32, #tpu.memory_space<vmem>>
        %dma_start3A_479 = tpu.memref_squeeze %dma_start3A_478 : memref<1x128xi32, #tpu.memory_space<vmem>> -> memref<128xi32, #tpu.memory_space<vmem>>
        %dma_start3A_480 = arith.constant 0 : i32
        %dma_start3A_481 = arith.constant 0 : i32
        %dma_start3A_482 = tpu.memref_slice %arg11[%dma_start3A_480, %dma_start3A_481] : memref<10112x128xf32, #tpu.memory_space<vmem_shared>> -> memref<10112x128xf32, #tpu.memory_space<vmem_shared>>
        tpu.enqueue_indirect_dma source(%arg9 : memref<128x128xf32, #tpu.memory_space<vmem>>) target(%dma_start3A_482 : memref<10112x128xf32, #tpu.memory_space<vmem_shared>>) offsets(%dma_start3A_479 : memref<128xi32, #tpu.memory_space<vmem>>) semaphore(%run_scoped3A_476 : memref<!tpu.dma_semaphore, #tpu.memory_space<semaphore_mem>>) {add = true}
        %dma_wait3A_483 = arith.constant 0 : i32
        %dma_wait3A_484 = tpu.memref_slice %arg8[%run_scoped3A, %dma_wait3A_483] : memref<2x128xi32, #tpu.memory_space<vmem>> -> memref<1x128xi32, #tpu.memory_space<vmem>>
        %dma_wait3A_485 = tpu.memref_squeeze %dma_wait3A_484 : memref<1x128xi32, #tpu.memory_space<vmem>> -> memref<128xi32, #tpu.memory_space<vmem>>
        %dma_wait3A_486 = arith.constant 0 : i32
        %dma_wait3A_487 = arith.constant 0 : i32
        %dma_wait3A_488 = tpu.memref_slice %arg11[%dma_wait3A_486, %dma_wait3A_487] : memref<10112x128xf32, #tpu.memory_space<vmem_shared>> -> memref<10112x128xf32, #tpu.memory_space<vmem_shared>>
        tpu.wait_indirect_dma semaphore(%run_scoped3A_476 : memref<!tpu.dma_semaphore, #tpu.memory_space<semaphore_mem>>) src(%arg9 : memref<128x128xf32, #tpu.memory_space<vmem>>) dst(%dma_wait3A_488 : memref<10112x128xf32, #tpu.memory_space<vmem_shared>>)
        tpu.yield
      }) : () -> ()
      %sub3A_456 = arith.constant 1 : i32
      %sub3A_457 = arith.subi %select_n3A_424, %sub3A_456 : i32
      %lt3A = arith.cmpi slt, %while3A_437, %sub3A_457 : i32
      %convert_element_type3A_458 = arith.extui %lt3A : i1 to i32
      %cond3A_459 = arith.constant 0 : i32
      %cond3A_460 = arith.cmpi ne, %convert_element_type3A_458, %cond3A_459 : i32
      scf.if %cond3A_460 {
        %add3A_476 = arith.constant 2 : i32
        %add3A_477 = arith.addi %mul3A_440, %add3A_476 : i32
        %get3A_478 = arith.index_cast %add3A_477 : i32 to index
        %get3A_479 = arith.constant 0 : index
        %get3A_480 = tpu.vector_load %arg6[%get3A_478, %get3A_479] {strides = array<i32>} : memref<76x128xi32, #tpu.memory_space<vmem>>, vector<1x16xi32>,
        %get3A_481 = vector.shape_cast %get3A_480 : vector<1x16xi32> to vector<16xi32>
        %and3A_482 = arith.constant 16383 : i32
        %and3A_483 = vector.broadcast %and3A_482 : i32 to vector<16xi32>
        %and3A_484 = arith.andi %get3A_481, %and3A_483 : vector<16xi32>
        %swap3A_485 = arith.constant 0 : i32
        %swap3A_486 = arith.index_cast %swap3A_485 : i32 to index
        %swap3A_487 = arith.constant 0 : index
        %swap3A_488 = tpu.vector_load %arg7[%swap3A_486, %swap3A_487] {strides = array<i32>} : memref<2x128xi32, #tpu.memory_space<vmem>>, vector<1x16xi32>,
        %swap3A_489 = vector.shape_cast %swap3A_488 : vector<1x16xi32> to vector<16xi32>
        %swap3A_490 = vector.shape_cast %and3A_484 : vector<16xi32> to vector<1x16xi32>
        tpu.vector_store %arg7[%swap3A_486, %swap3A_487], %swap3A_490 {strides = array<i32>} : memref<2x128xi32, #tpu.memory_space<vmem>>, vector<1x16xi32>,
        %shift_right_logical3A_491 = arith.constant 14 : i32
        %shift_right_logical3A_492 = vector.broadcast %shift_right_logical3A_491 : i32 to vector<16xi32>
        %shift_right_logical3A_493 = arith.shrui %get3A_481, %shift_right_logical3A_492 : vector<16xi32>
        %swap3A_494 = arith.constant 0 : i32
        %swap3A_495 = arith.index_cast %swap3A_494 : i32 to index
        %swap3A_496 = arith.constant 0 : index
        %swap3A_497 = tpu.vector_load %arg8[%swap3A_495, %swap3A_496] {strides = array<i32>} : memref<2x128xi32, #tpu.memory_space<vmem>>, vector<1x16xi32>,
        %swap3A_498 = vector.shape_cast %swap3A_497 : vector<1x16xi32> to vector<16xi32>
        %swap3A_499 = vector.shape_cast %shift_right_logical3A_493 : vector<16xi32> to vector<1x16xi32>
        tpu.vector_store %arg8[%swap3A_495, %swap3A_496], %swap3A_499 {strides = array<i32>} : memref<2x128xi32, #tpu.memory_space<vmem>>, vector<1x16xi32>,
        %get3A_500 = arith.index_cast %add3A_477 : i32 to index
        %get3A_501 = arith.constant 16 : index
        %get3A_502 = tpu.vector_load %arg6[%get3A_500, %get3A_501] {strides = array<i32>} : memref<76x128xi32, #tpu.memory_space<vmem>>, vector<1x16xi32>,
        %get3A_503 = vector.shape_cast %get3A_502 : vector<1x16xi32> to vector<16xi32>
        %and3A_504 = arith.constant 16383 : i32
        %and3A_505 = vector.broadcast %and3A_504 : i32 to vector<16xi32>
        %and3A_506 = arith.andi %get3A_503, %and3A_505 : vector<16xi32>
        %swap3A_507 = arith.constant 0 : i32
        %swap3A_508 = arith.index_cast %swap3A_507 : i32 to index
        %swap3A_509 = arith.constant 16 : index
        %swap3A_510 = tpu.vector_load %arg7[%swap3A_508, %swap3A_509] {strides = array<i32>} : memref<2x128xi32, #tpu.memory_space<vmem>>, vector<1x16xi32>,
        %swap3A_511 = vector.shape_cast %swap3A_510 : vector<1x16xi32> to vector<16xi32>
        %swap3A_512 = vector.shape_cast %and3A_506 : vector<16xi32> to vector<1x16xi32>
        tpu.vector_store %arg7[%swap3A_508, %swap3A_509], %swap3A_512 {strides = array<i32>} : memref<2x128xi32, #tpu.memory_space<vmem>>, vector<1x16xi32>,
        %shift_right_logical3A_513 = arith.constant 14 : i32
        %shift_right_logical3A_514 = vector.broadcast %shift_right_logical3A_513 : i32 to vector<16xi32>
        %shift_right_logical3A_515 = arith.shrui %get3A_503, %shift_right_logical3A_514 : vector<16xi32>
        %swap3A_516 = arith.constant 0 : i32
        %swap3A_517 = arith.index_cast %swap3A_516 : i32 to index
        %swap3A_518 = arith.constant 16 : index
        %swap3A_519 = tpu.vector_load %arg8[%swap3A_517, %swap3A_518] {strides = array<i32>} : memref<2x128xi32, #tpu.memory_space<vmem>>, vector<1x16xi32>,
        %swap3A_520 = vector.shape_cast %swap3A_519 : vector<1x16xi32> to vector<16xi32>
        %swap3A_521 = vector.shape_cast %shift_right_logical3A_515 : vector<16xi32> to vector<1x16xi32>
        tpu.vector_store %arg8[%swap3A_517, %swap3A_518], %swap3A_521 {strides = array<i32>} : memref<2x128xi32, #tpu.memory_space<vmem>>, vector<1x16xi32>,
        %get3A_522 = arith.index_cast %add3A_477 : i32 to index
        %get3A_523 = arith.constant 32 : index
        %get3A_524 = tpu.vector_load %arg6[%get3A_522, %get3A_523] {strides = array<i32>} : memref<76x128xi32, #tpu.memory_space<vmem>>, vector<1x16xi32>,
        %get3A_525 = vector.shape_cast %get3A_524 : vector<1x16xi32> to vector<16xi32>
        %and3A_526 = arith.constant 16383 : i32
        %and3A_527 = vector.broadcast %and3A_526 : i32 to vector<16xi32>
        %and3A_528 = arith.andi %get3A_525, %and3A_527 : vector<16xi32>
        %swap3A_529 = arith.constant 0 : i32
        %swap3A_530 = arith.index_cast %swap3A_529 : i32 to index
        %swap3A_531 = arith.constant 32 : index
        %swap3A_532 = tpu.vector_load %arg7[%swap3A_530, %swap3A_531] {strides = array<i32>} : memref<2x128xi32, #tpu.memory_space<vmem>>, vector<1x16xi32>,
        %swap3A_533 = vector.shape_cast %swap3A_532 : vector<1x16xi32> to vector<16xi32>
        %swap3A_534 = vector.shape_cast %and3A_528 : vector<16xi32> to vector<1x16xi32>
        tpu.vector_store %arg7[%swap3A_530, %swap3A_531], %swap3A_534 {strides = array<i32>} : memref<2x128xi32, #tpu.memory_space<vmem>>, vector<1x16xi32>,
        %shift_right_logical3A_535 = arith.constant 14 : i32
        %shift_right_logical3A_536 = vector.broadcast %shift_right_logical3A_535 : i32 to vector<16xi32>
        %shift_right_logical3A_537 = arith.shrui %get3A_525, %shift_right_logical3A_536 : vector<16xi32>
        %swap3A_538 = arith.constant 0 : i32
        %swap3A_539 = arith.index_cast %swap3A_538 : i32 to index
        %swap3A_540 = arith.constant 32 : index
        %swap3A_541 = tpu.vector_load %arg8[%swap3A_539, %swap3A_540] {strides = array<i32>} : memref<2x128xi32, #tpu.memory_space<vmem>>, vector<1x16xi32>,
        %swap3A_542 = vector.shape_cast %swap3A_541 : vector<1x16xi32> to vector<16xi32>
        %swap3A_543 = vector.shape_cast %shift_right_logical3A_537 : vector<16xi32> to vector<1x16xi32>
        tpu.vector_store %arg8[%swap3A_539, %swap3A_540], %swap3A_543 {strides = array<i32>} : memref<2x128xi32, #tpu.memory_space<vmem>>, vector<1x16xi32>,
        %get3A_544 = arith.index_cast %add3A_477 : i32 to index
        %get3A_545 = arith.constant 48 : index
        %get3A_546 = tpu.vector_load %arg6[%get3A_544, %get3A_545] {strides = array<i32>} : memref<76x128xi32, #tpu.memory_space<vmem>>, vector<1x16xi32>,
        %get3A_547 = vector.shape_cast %get3A_546 : vector<1x16xi32> to vector<16xi32>
        %and3A_548 = arith.constant 16383 : i32
        %and3A_549 = vector.broadcast %and3A_548 : i32 to vector<16xi32>
        %and3A_550 = arith.andi %get3A_547, %and3A_549 : vector<16xi32>
        %swap3A_551 = arith.constant 0 : i32
        %swap3A_552 = arith.index_cast %swap3A_551 : i32 to index
        %swap3A_553 = arith.constant 48 : index
        %swap3A_554 = tpu.vector_load %arg7[%swap3A_552, %swap3A_553] {strides = array<i32>} : memref<2x128xi32, #tpu.memory_space<vmem>>, vector<1x16xi32>,
        %swap3A_555 = vector.shape_cast %swap3A_554 : vector<1x16xi32> to vector<16xi32>
        %swap3A_556 = vector.shape_cast %and3A_550 : vector<16xi32> to vector<1x16xi32>
        tpu.vector_store %arg7[%swap3A_552, %swap3A_553], %swap3A_556 {strides = array<i32>} : memref<2x128xi32, #tpu.memory_space<vmem>>, vector<1x16xi32>,
        %shift_right_logical3A_557 = arith.constant 14 : i32
        %shift_right_logical3A_558 = vector.broadcast %shift_right_logical3A_557 : i32 to vector<16xi32>
        %shift_right_logical3A_559 = arith.shrui %get3A_547, %shift_right_logical3A_558 : vector<16xi32>
        %swap3A_560 = arith.constant 0 : i32
        %swap3A_561 = arith.index_cast %swap3A_560 : i32 to index
        %swap3A_562 = arith.constant 48 : index
        %swap3A_563 = tpu.vector_load %arg8[%swap3A_561, %swap3A_562] {strides = array<i32>} : memref<2x128xi32, #tpu.memory_space<vmem>>, vector<1x16xi32>,
        %swap3A_564 = vector.shape_cast %swap3A_563 : vector<1x16xi32> to vector<16xi32>
        %swap3A_565 = vector.shape_cast %shift_right_logical3A_559 : vector<16xi32> to vector<1x16xi32>
        tpu.vector_store %arg8[%swap3A_561, %swap3A_562], %swap3A_565 {strides = array<i32>} : memref<2x128xi32, #tpu.memory_space<vmem>>, vector<1x16xi32>,
        %get3A_566 = arith.index_cast %add3A_477 : i32 to index
        %get3A_567 = arith.constant 64 : index
        %get3A_568 = tpu.vector_load %arg6[%get3A_566, %get3A_567] {strides = array<i32>} : memref<76x128xi32, #tpu.memory_space<vmem>>, vector<1x16xi32>,
        %get3A_569 = vector.shape_cast %get3A_568 : vector<1x16xi32> to vector<16xi32>
        %and3A_570 = arith.constant 16383 : i32
        %and3A_571 = vector.broadcast %and3A_570 : i32 to vector<16xi32>
        %and3A_572 = arith.andi %get3A_569, %and3A_571 : vector<16xi32>
        %swap3A_573 = arith.constant 0 : i32
        %swap3A_574 = arith.index_cast %swap3A_573 : i32 to index
        %swap3A_575 = arith.constant 64 : index
        %swap3A_576 = tpu.vector_load %arg7[%swap3A_574, %swap3A_575] {strides = array<i32>} : memref<2x128xi32, #tpu.memory_space<vmem>>, vector<1x16xi32>,
        %swap3A_577 = vector.shape_cast %swap3A_576 : vector<1x16xi32> to vector<16xi32>
        %swap3A_578 = vector.shape_cast %and3A_572 : vector<16xi32> to vector<1x16xi32>
        tpu.vector_store %arg7[%swap3A_574, %swap3A_575], %swap3A_578 {strides = array<i32>} : memref<2x128xi32, #tpu.memory_space<vmem>>, vector<1x16xi32>,
        %shift_right_logical3A_579 = arith.constant 14 : i32
        %shift_right_logical3A_580 = vector.broadcast %shift_right_logical3A_579 : i32 to vector<16xi32>
        %shift_right_logical3A_581 = arith.shrui %get3A_569, %shift_right_logical3A_580 : vector<16xi32>
        %swap3A_582 = arith.constant 0 : i32
        %swap3A_583 = arith.index_cast %swap3A_582 : i32 to index
        %swap3A_584 = arith.constant 64 : index
        %swap3A_585 = tpu.vector_load %arg8[%swap3A_583, %swap3A_584] {strides = array<i32>} : memref<2x128xi32, #tpu.memory_space<vmem>>, vector<1x16xi32>,
        %swap3A_586 = vector.shape_cast %swap3A_585 : vector<1x16xi32> to vector<16xi32>
        %swap3A_587 = vector.shape_cast %shift_right_logical3A_581 : vector<16xi32> to vector<1x16xi32>
        tpu.vector_store %arg8[%swap3A_583, %swap3A_584], %swap3A_587 {strides = array<i32>} : memref<2x128xi32, #tpu.memory_space<vmem>>, vector<1x16xi32>,
        %get3A_588 = arith.index_cast %add3A_477 : i32 to index
        %get3A_589 = arith.constant 80 : index
        %get3A_590 = tpu.vector_load %arg6[%get3A_588, %get3A_589] {strides = array<i32>} : memref<76x128xi32, #tpu.memory_space<vmem>>, vector<1x16xi32>,
        %get3A_591 = vector.shape_cast %get3A_590 : vector<1x16xi32> to vector<16xi32>
        %and3A_592 = arith.constant 16383 : i32
        %and3A_593 = vector.broadcast %and3A_592 : i32 to vector<16xi32>
        %and3A_594 = arith.andi %get3A_591, %and3A_593 : vector<16xi32>
        %swap3A_595 = arith.constant 0 : i32
        %swap3A_596 = arith.index_cast %swap3A_595 : i32 to index
        %swap3A_597 = arith.constant 80 : index
        %swap3A_598 = tpu.vector_load %arg7[%swap3A_596, %swap3A_597] {strides = array<i32>} : memref<2x128xi32, #tpu.memory_space<vmem>>, vector<1x16xi32>,
        %swap3A_599 = vector.shape_cast %swap3A_598 : vector<1x16xi32> to vector<16xi32>
        %swap3A_600 = vector.shape_cast %and3A_594 : vector<16xi32> to vector<1x16xi32>
        tpu.vector_store %arg7[%swap3A_596, %swap3A_597], %swap3A_600 {strides = array<i32>} : memref<2x128xi32, #tpu.memory_space<vmem>>, vector<1x16xi32>,
        %shift_right_logical3A_601 = arith.constant 14 : i32
        %shift_right_logical3A_602 = vector.broadcast %shift_right_logical3A_601 : i32 to vector<16xi32>
        %shift_right_logical3A_603 = arith.shrui %get3A_591, %shift_right_logical3A_602 : vector<16xi32>
        %swap3A_604 = arith.constant 0 : i32
        %swap3A_605 = arith.index_cast %swap3A_604 : i32 to index
        %swap3A_606 = arith.constant 80 : index
        %swap3A_607 = tpu.vector_load %arg8[%swap3A_605, %swap3A_606] {strides = array<i32>} : memref<2x128xi32, #tpu.memory_space<vmem>>, vector<1x16xi32>,
        %swap3A_608 = vector.shape_cast %swap3A_607 : vector<1x16xi32> to vector<16xi32>
        %swap3A_609 = vector.shape_cast %shift_right_logical3A_603 : vector<16xi32> to vector<1x16xi32>
        tpu.vector_store %arg8[%swap3A_605, %swap3A_606], %swap3A_609 {strides = array<i32>} : memref<2x128xi32, #tpu.memory_space<vmem>>, vector<1x16xi32>,
        %get3A_610 = arith.index_cast %add3A_477 : i32 to index
        %get3A_611 = arith.constant 96 : index
        %get3A_612 = tpu.vector_load %arg6[%get3A_610, %get3A_611] {strides = array<i32>} : memref<76x128xi32, #tpu.memory_space<vmem>>, vector<1x16xi32>,
        %get3A_613 = vector.shape_cast %get3A_612 : vector<1x16xi32> to vector<16xi32>
        %and3A_614 = arith.constant 16383 : i32
        %and3A_615 = vector.broadcast %and3A_614 : i32 to vector<16xi32>
        %and3A_616 = arith.andi %get3A_613, %and3A_615 : vector<16xi32>
        %swap3A_617 = arith.constant 0 : i32
        %swap3A_618 = arith.index_cast %swap3A_617 : i32 to index
        %swap3A_619 = arith.constant 96 : index
        %swap3A_620 = tpu.vector_load %arg7[%swap3A_618, %swap3A_619] {strides = array<i32>} : memref<2x128xi32, #tpu.memory_space<vmem>>, vector<1x16xi32>,
        %swap3A_621 = vector.shape_cast %swap3A_620 : vector<1x16xi32> to vector<16xi32>
        %swap3A_622 = vector.shape_cast %and3A_616 : vector<16xi32> to vector<1x16xi32>
        tpu.vector_store %arg7[%swap3A_618, %swap3A_619], %swap3A_622 {strides = array<i32>} : memref<2x128xi32, #tpu.memory_space<vmem>>, vector<1x16xi32>,
        %shift_right_logical3A_623 = arith.constant 14 : i32
        %shift_right_logical3A_624 = vector.broadcast %shift_right_logical3A_623 : i32 to vector<16xi32>
        %shift_right_logical3A_625 = arith.shrui %get3A_613, %shift_right_logical3A_624 : vector<16xi32>
        %swap3A_626 = arith.constant 0 : i32
        %swap3A_627 = arith.index_cast %swap3A_626 : i32 to index
        %swap3A_628 = arith.constant 96 : index
        %swap3A_629 = tpu.vector_load %arg8[%swap3A_627, %swap3A_628] {strides = array<i32>} : memref<2x128xi32, #tpu.memory_space<vmem>>, vector<1x16xi32>,
        %swap3A_630 = vector.shape_cast %swap3A_629 : vector<1x16xi32> to vector<16xi32>
        %swap3A_631 = vector.shape_cast %shift_right_logical3A_625 : vector<16xi32> to vector<1x16xi32>
        tpu.vector_store %arg8[%swap3A_627, %swap3A_628], %swap3A_631 {strides = array<i32>} : memref<2x128xi32, #tpu.memory_space<vmem>>, vector<1x16xi32>,
        %get3A_632 = arith.index_cast %add3A_477 : i32 to index
        %get3A_633 = arith.constant 112 : index
        %get3A_634 = tpu.vector_load %arg6[%get3A_632, %get3A_633] {strides = array<i32>} : memref<76x128xi32, #tpu.memory_space<vmem>>, vector<1x16xi32>,
        %get3A_635 = vector.shape_cast %get3A_634 : vector<1x16xi32> to vector<16xi32>
        %and3A_636 = arith.constant 16383 : i32
        %and3A_637 = vector.broadcast %and3A_636 : i32 to vector<16xi32>
        %and3A_638 = arith.andi %get3A_635, %and3A_637 : vector<16xi32>
        %swap3A_639 = arith.constant 0 : i32
        %swap3A_640 = arith.index_cast %swap3A_639 : i32 to index
        %swap3A_641 = arith.constant 112 : index
        %swap3A_642 = tpu.vector_load %arg7[%swap3A_640, %swap3A_641] {strides = array<i32>} : memref<2x128xi32, #tpu.memory_space<vmem>>, vector<1x16xi32>,
        %swap3A_643 = vector.shape_cast %swap3A_642 : vector<1x16xi32> to vector<16xi32>
        %swap3A_644 = vector.shape_cast %and3A_638 : vector<16xi32> to vector<1x16xi32>
        tpu.vector_store %arg7[%swap3A_640, %swap3A_641], %swap3A_644 {strides = array<i32>} : memref<2x128xi32, #tpu.memory_space<vmem>>, vector<1x16xi32>,
        %shift_right_logical3A_645 = arith.constant 14 : i32
        %shift_right_logical3A_646 = vector.broadcast %shift_right_logical3A_645 : i32 to vector<16xi32>
        %shift_right_logical3A_647 = arith.shrui %get3A_635, %shift_right_logical3A_646 : vector<16xi32>
        %swap3A_648 = arith.constant 0 : i32
        %swap3A_649 = arith.index_cast %swap3A_648 : i32 to index
        %swap3A_650 = arith.constant 112 : index
        %swap3A_651 = tpu.vector_load %arg8[%swap3A_649, %swap3A_650] {strides = array<i32>} : memref<2x128xi32, #tpu.memory_space<vmem>>, vector<1x16xi32>,
        %swap3A_652 = vector.shape_cast %swap3A_651 : vector<1x16xi32> to vector<16xi32>
        %swap3A_653 = vector.shape_cast %shift_right_logical3A_647 : vector<16xi32> to vector<1x16xi32>
        tpu.vector_store %arg8[%swap3A_649, %swap3A_650], %swap3A_653 {strides = array<i32>} : memref<2x128xi32, #tpu.memory_space<vmem>>, vector<1x16xi32>,
        %dma_start3A_654 = arith.constant 0 : i32
        %dma_start3A_655 = arith.constant 0 : i32
        %dma_start3A_656 = tpu.memref_slice %arg7[%dma_start3A_654, %dma_start3A_655] : memref<2x128xi32, #tpu.memory_space<vmem>> -> memref<1x128xi32, #tpu.memory_space<vmem>>
        %dma_start3A_657 = tpu.memref_squeeze %dma_start3A_656 : memref<1x128xi32, #tpu.memory_space<vmem>> -> memref<128xi32, #tpu.memory_space<vmem>>
        %dma_start3A_658 = arith.constant 0 : i32
        %dma_start3A_659 = arith.constant 0 : i32
        %dma_start3A_660 = tpu.memref_slice %arg2[%dma_start3A_658, %dma_start3A_659] : memref<10000x128xf32, #tpu.memory_space<hbm>> -> memref<10000x128xf32, #tpu.memory_space<hbm>>
        tpu.enqueue_indirect_dma source(%dma_start3A_660 : memref<10000x128xf32, #tpu.memory_space<hbm>>) target(%arg9 : memref<128x128xf32, #tpu.memory_space<vmem>>) offsets(%dma_start3A_657 : memref<128xi32, #tpu.memory_space<vmem>>) semaphore(%arg12 : memref<!tpu.dma_semaphore, #tpu.memory_space<semaphore_mem>>)
      } else {
      }
      %dma_wait3A_461 = arith.constant 1 : i32
      %dma_wait3A_462 = arith.constant 0 : i32
      %dma_wait3A_463 = tpu.memref_slice %arg7[%dma_wait3A_461, %dma_wait3A_462] : memref<2x128xi32, #tpu.memory_space<vmem>> -> memref<1x128xi32, #tpu.memory_space<vmem>>
      %dma_wait3A_464 = tpu.memref_squeeze %dma_wait3A_463 : memref<1x128xi32, #tpu.memory_space<vmem>> -> memref<128xi32, #tpu.memory_space<vmem>>
      %dma_wait3A_465 = arith.constant 0 : i32
      %dma_wait3A_466 = arith.constant 0 : i32
      %dma_wait3A_467 = tpu.memref_slice %arg2[%dma_wait3A_465, %dma_wait3A_466] : memref<10000x128xf32, #tpu.memory_space<hbm>> -> memref<10000x128xf32, #tpu.memory_space<hbm>>
      tpu.wait_indirect_dma semaphore(%arg12 : memref<!tpu.dma_semaphore, #tpu.memory_space<semaphore_mem>>) src(%dma_wait3A_467 : memref<10000x128xf32, #tpu.memory_space<hbm>>) dst(%arg10 : memref<128x128xf32, #tpu.memory_space<vmem>>)
      %run_scoped3A_468 = arith.constant 1 : i32
      "tpu.region"() ({
        %run_scoped3A_476 = tpu.sem_alloc : memref<!tpu.dma_semaphore, #tpu.memory_space<semaphore_mem>>
        %dma_start3A_477 = arith.constant 0 : i32
        %dma_start3A_478 = tpu.memref_slice %arg8[%run_scoped3A_468, %dma_start3A_477] : memref<2x128xi32, #tpu.memory_space<vmem>> -> memref<1x128xi32, #tpu.memory_space<vmem>>
        %dma_start3A_479 = tpu.memref_squeeze %dma_start3A_478 : memref<1x128xi32, #tpu.memory_space<vmem>> -> memref<128xi32, #tpu.memory_space<vmem>>
        %dma_start3A_480 = arith.constant 0 : i32
        %dma_start3A_481 = arith.constant 0 : i32
        %dma_start3A_482 = tpu.memref_slice %arg11[%dma_start3A_480, %dma_start3A_481] : memref<10112x128xf32, #tpu.memory_space<vmem_shared>> -> memref<10112x128xf32, #tpu.memory_space<vmem_shared>>
        tpu.enqueue_indirect_dma source(%arg10 : memref<128x128xf32, #tpu.memory_space<vmem>>) target(%dma_start3A_482 : memref<10112x128xf32, #tpu.memory_space<vmem_shared>>) offsets(%dma_start3A_479 : memref<128xi32, #tpu.memory_space<vmem>>) semaphore(%run_scoped3A_476 : memref<!tpu.dma_semaphore, #tpu.memory_space<semaphore_mem>>) {add = true}
        %dma_wait3A_483 = arith.constant 0 : i32
        %dma_wait3A_484 = tpu.memref_slice %arg8[%run_scoped3A_468, %dma_wait3A_483] : memref<2x128xi32, #tpu.memory_space<vmem>> -> memref<1x128xi32, #tpu.memory_space<vmem>>
        %dma_wait3A_485 = tpu.memref_squeeze %dma_wait3A_484 : memref<1x128xi32, #tpu.memory_space<vmem>> -> memref<128xi32, #tpu.memory_space<vmem>>
        %dma_wait3A_486 = arith.constant 0 : i32
        %dma_wait3A_487 = arith.constant 0 : i32
        %dma_wait3A_488 = tpu.memref_slice %arg11[%dma_wait3A_486, %dma_wait3A_487] : memref<10112x128xf32, #tpu.memory_space<vmem_shared>> -> memref<10112x128xf32, #tpu.memory_space<vmem_shared>>
        tpu.wait_indirect_dma semaphore(%run_scoped3A_476 : memref<!tpu.dma_semaphore, #tpu.memory_space<semaphore_mem>>) src(%arg10 : memref<128x128xf32, #tpu.memory_space<vmem>>) dst(%dma_wait3A_488 : memref<10112x128xf32, #tpu.memory_space<vmem_shared>>)
        tpu.yield
      }) : () -> ()
      %sub3A_469 = arith.constant 1 : i32
      %sub3A_470 = arith.subi %select_n3A_424, %sub3A_469 : i32
      %lt3A_471 = arith.cmpi slt, %while3A_437, %sub3A_470 : i32
      %convert_element_type3A_472 = arith.extui %lt3A_471 : i1 to i32
      %cond3A_473 = arith.constant 0 : i32
      %cond3A_474 = arith.cmpi ne, %convert_element_type3A_472, %cond3A_473 : i32
      scf.if %cond3A_474 {
        %add3A_476 = arith.constant 2 : i32
        %add3A_477 = arith.addi %add3A_442, %add3A_476 : i32
        %get3A_478 = arith.index_cast %add3A_477 : i32 to index
        %get3A_479 = arith.constant 0 : index
        %get3A_480 = tpu.vector_load %arg6[%get3A_478, %get3A_479] {strides = array<i32>} : memref<76x128xi32, #tpu.memory_space<vmem>>, vector<1x16xi32>,
        %get3A_481 = vector.shape_cast %get3A_480 : vector<1x16xi32> to vector<16xi32>
        %and3A_482 = arith.constant 16383 : i32
        %and3A_483 = vector.broadcast %and3A_482 : i32 to vector<16xi32>
        %and3A_484 = arith.andi %get3A_481, %and3A_483 : vector<16xi32>
        %swap3A_485 = arith.constant 1 : i32
        %swap3A_486 = arith.index_cast %swap3A_485 : i32 to index
        %swap3A_487 = arith.constant 0 : index
        %swap3A_488 = tpu.vector_load %arg7[%swap3A_486, %swap3A_487] {strides = array<i32>} : memref<2x128xi32, #tpu.memory_space<vmem>>, vector<1x16xi32>,
        %swap3A_489 = vector.shape_cast %swap3A_488 : vector<1x16xi32> to vector<16xi32>
        %swap3A_490 = vector.shape_cast %and3A_484 : vector<16xi32> to vector<1x16xi32>
        tpu.vector_store %arg7[%swap3A_486, %swap3A_487], %swap3A_490 {strides = array<i32>} : memref<2x128xi32, #tpu.memory_space<vmem>>, vector<1x16xi32>,
        %shift_right_logical3A_491 = arith.constant 14 : i32
        %shift_right_logical3A_492 = vector.broadcast %shift_right_logical3A_491 : i32 to vector<16xi32>
        %shift_right_logical3A_493 = arith.shrui %get3A_481, %shift_right_logical3A_492 : vector<16xi32>
        %swap3A_494 = arith.constant 1 : i32
        %swap3A_495 = arith.index_cast %swap3A_494 : i32 to index
        %swap3A_496 = arith.constant 0 : index
        %swap3A_497 = tpu.vector_load %arg8[%swap3A_495, %swap3A_496] {strides = array<i32>} : memref<2x128xi32, #tpu.memory_space<vmem>>, vector<1x16xi32>,
        %swap3A_498 = vector.shape_cast %swap3A_497 : vector<1x16xi32> to vector<16xi32>
        %swap3A_499 = vector.shape_cast %shift_right_logical3A_493 : vector<16xi32> to vector<1x16xi32>
        tpu.vector_store %arg8[%swap3A_495, %swap3A_496], %swap3A_499 {strides = array<i32>} : memref<2x128xi32, #tpu.memory_space<vmem>>, vector<1x16xi32>,
        %get3A_500 = arith.index_cast %add3A_477 : i32 to index
        %get3A_501 = arith.constant 16 : index
        %get3A_502 = tpu.vector_load %arg6[%get3A_500, %get3A_501] {strides = array<i32>} : memref<76x128xi32, #tpu.memory_space<vmem>>, vector<1x16xi32>,
        %get3A_503 = vector.shape_cast %get3A_502 : vector<1x16xi32> to vector<16xi32>
        %and3A_504 = arith.constant 16383 : i32
        %and3A_505 = vector.broadcast %and3A_504 : i32 to vector<16xi32>
        %and3A_506 = arith.andi %get3A_503, %and3A_505 : vector<16xi32>
        %swap3A_507 = arith.constant 1 : i32
        %swap3A_508 = arith.index_cast %swap3A_507 : i32 to index
        %swap3A_509 = arith.constant 16 : index
        %swap3A_510 = tpu.vector_load %arg7[%swap3A_508, %swap3A_509] {strides = array<i32>} : memref<2x128xi32, #tpu.memory_space<vmem>>, vector<1x16xi32>,
        %swap3A_511 = vector.shape_cast %swap3A_510 : vector<1x16xi32> to vector<16xi32>
        %swap3A_512 = vector.shape_cast %and3A_506 : vector<16xi32> to vector<1x16xi32>
        tpu.vector_store %arg7[%swap3A_508, %swap3A_509], %swap3A_512 {strides = array<i32>} : memref<2x128xi32, #tpu.memory_space<vmem>>, vector<1x16xi32>,
        %shift_right_logical3A_513 = arith.constant 14 : i32
        %shift_right_logical3A_514 = vector.broadcast %shift_right_logical3A_513 : i32 to vector<16xi32>
        %shift_right_logical3A_515 = arith.shrui %get3A_503, %shift_right_logical3A_514 : vector<16xi32>
        %swap3A_516 = arith.constant 1 : i32
        %swap3A_517 = arith.index_cast %swap3A_516 : i32 to index
        %swap3A_518 = arith.constant 16 : index
        %swap3A_519 = tpu.vector_load %arg8[%swap3A_517, %swap3A_518] {strides = array<i32>} : memref<2x128xi32, #tpu.memory_space<vmem>>, vector<1x16xi32>,
        %swap3A_520 = vector.shape_cast %swap3A_519 : vector<1x16xi32> to vector<16xi32>
        %swap3A_521 = vector.shape_cast %shift_right_logical3A_515 : vector<16xi32> to vector<1x16xi32>
        tpu.vector_store %arg8[%swap3A_517, %swap3A_518], %swap3A_521 {strides = array<i32>} : memref<2x128xi32, #tpu.memory_space<vmem>>, vector<1x16xi32>,
        %get3A_522 = arith.index_cast %add3A_477 : i32 to index
        %get3A_523 = arith.constant 32 : index
        %get3A_524 = tpu.vector_load %arg6[%get3A_522, %get3A_523] {strides = array<i32>} : memref<76x128xi32, #tpu.memory_space<vmem>>, vector<1x16xi32>,
        %get3A_525 = vector.shape_cast %get3A_524 : vector<1x16xi32> to vector<16xi32>
        %and3A_526 = arith.constant 16383 : i32
        %and3A_527 = vector.broadcast %and3A_526 : i32 to vector<16xi32>
        %and3A_528 = arith.andi %get3A_525, %and3A_527 : vector<16xi32>
        %swap3A_529 = arith.constant 1 : i32
        %swap3A_530 = arith.index_cast %swap3A_529 : i32 to index
        %swap3A_531 = arith.constant 32 : index
        %swap3A_532 = tpu.vector_load %arg7[%swap3A_530, %swap3A_531] {strides = array<i32>} : memref<2x128xi32, #tpu.memory_space<vmem>>, vector<1x16xi32>,
        %swap3A_533 = vector.shape_cast %swap3A_532 : vector<1x16xi32> to vector<16xi32>
        %swap3A_534 = vector.shape_cast %and3A_528 : vector<16xi32> to vector<1x16xi32>
        tpu.vector_store %arg7[%swap3A_530, %swap3A_531], %swap3A_534 {strides = array<i32>} : memref<2x128xi32, #tpu.memory_space<vmem>>, vector<1x16xi32>,
        %shift_right_logical3A_535 = arith.constant 14 : i32
        %shift_right_logical3A_536 = vector.broadcast %shift_right_logical3A_535 : i32 to vector<16xi32>
        %shift_right_logical3A_537 = arith.shrui %get3A_525, %shift_right_logical3A_536 : vector<16xi32>
        %swap3A_538 = arith.constant 1 : i32
        %swap3A_539 = arith.index_cast %swap3A_538 : i32 to index
        %swap3A_540 = arith.constant 32 : index
        %swap3A_541 = tpu.vector_load %arg8[%swap3A_539, %swap3A_540] {strides = array<i32>} : memref<2x128xi32, #tpu.memory_space<vmem>>, vector<1x16xi32>,
        %swap3A_542 = vector.shape_cast %swap3A_541 : vector<1x16xi32> to vector<16xi32>
        %swap3A_543 = vector.shape_cast %shift_right_logical3A_537 : vector<16xi32> to vector<1x16xi32>
        tpu.vector_store %arg8[%swap3A_539, %swap3A_540], %swap3A_543 {strides = array<i32>} : memref<2x128xi32, #tpu.memory_space<vmem>>, vector<1x16xi32>,
        %get3A_544 = arith.index_cast %add3A_477 : i32 to index
        %get3A_545 = arith.constant 48 : index
        %get3A_546 = tpu.vector_load %arg6[%get3A_544, %get3A_545] {strides = array<i32>} : memref<76x128xi32, #tpu.memory_space<vmem>>, vector<1x16xi32>,
        %get3A_547 = vector.shape_cast %get3A_546 : vector<1x16xi32> to vector<16xi32>
        %and3A_548 = arith.constant 16383 : i32
        %and3A_549 = vector.broadcast %and3A_548 : i32 to vector<16xi32>
        %and3A_550 = arith.andi %get3A_547, %and3A_549 : vector<16xi32>
        %swap3A_551 = arith.constant 1 : i32
        %swap3A_552 = arith.index_cast %swap3A_551 : i32 to index
        %swap3A_553 = arith.constant 48 : index
        %swap3A_554 = tpu.vector_load %arg7[%swap3A_552, %swap3A_553] {strides = array<i32>} : memref<2x128xi32, #tpu.memory_space<vmem>>, vector<1x16xi32>,
        %swap3A_555 = vector.shape_cast %swap3A_554 : vector<1x16xi32> to vector<16xi32>
        %swap3A_556 = vector.shape_cast %and3A_550 : vector<16xi32> to vector<1x16xi32>
        tpu.vector_store %arg7[%swap3A_552, %swap3A_553], %swap3A_556 {strides = array<i32>} : memref<2x128xi32, #tpu.memory_space<vmem>>, vector<1x16xi32>,
        %shift_right_logical3A_557 = arith.constant 14 : i32
        %shift_right_logical3A_558 = vector.broadcast %shift_right_logical3A_557 : i32 to vector<16xi32>
        %shift_right_logical3A_559 = arith.shrui %get3A_547, %shift_right_logical3A_558 : vector<16xi32>
        %swap3A_560 = arith.constant 1 : i32
        %swap3A_561 = arith.index_cast %swap3A_560 : i32 to index
        %swap3A_562 = arith.constant 48 : index
        %swap3A_563 = tpu.vector_load %arg8[%swap3A_561, %swap3A_562] {strides = array<i32>} : memref<2x128xi32, #tpu.memory_space<vmem>>, vector<1x16xi32>,
        %swap3A_564 = vector.shape_cast %swap3A_563 : vector<1x16xi32> to vector<16xi32>
        %swap3A_565 = vector.shape_cast %shift_right_logical3A_559 : vector<16xi32> to vector<1x16xi32>
        tpu.vector_store %arg8[%swap3A_561, %swap3A_562], %swap3A_565 {strides = array<i32>} : memref<2x128xi32, #tpu.memory_space<vmem>>, vector<1x16xi32>,
        %get3A_566 = arith.index_cast %add3A_477 : i32 to index
        %get3A_567 = arith.constant 64 : index
        %get3A_568 = tpu.vector_load %arg6[%get3A_566, %get3A_567] {strides = array<i32>} : memref<76x128xi32, #tpu.memory_space<vmem>>, vector<1x16xi32>,
        %get3A_569 = vector.shape_cast %get3A_568 : vector<1x16xi32> to vector<16xi32>
        %and3A_570 = arith.constant 16383 : i32
        %and3A_571 = vector.broadcast %and3A_570 : i32 to vector<16xi32>
        %and3A_572 = arith.andi %get3A_569, %and3A_571 : vector<16xi32>
        %swap3A_573 = arith.constant 1 : i32
        %swap3A_574 = arith.index_cast %swap3A_573 : i32 to index
        %swap3A_575 = arith.constant 64 : index
        %swap3A_576 = tpu.vector_load %arg7[%swap3A_574, %swap3A_575] {strides = array<i32>} : memref<2x128xi32, #tpu.memory_space<vmem>>, vector<1x16xi32>,
        %swap3A_577 = vector.shape_cast %swap3A_576 : vector<1x16xi32> to vector<16xi32>
        %swap3A_578 = vector.shape_cast %and3A_572 : vector<16xi32> to vector<1x16xi32>
        tpu.vector_store %arg7[%swap3A_574, %swap3A_575], %swap3A_578 {strides = array<i32>} : memref<2x128xi32, #tpu.memory_space<vmem>>, vector<1x16xi32>,
        %shift_right_logical3A_579 = arith.constant 14 : i32
        %shift_right_logical3A_580 = vector.broadcast %shift_right_logical3A_579 : i32 to vector<16xi32>
        %shift_right_logical3A_581 = arith.shrui %get3A_569, %shift_right_logical3A_580 : vector<16xi32>
        %swap3A_582 = arith.constant 1 : i32
        %swap3A_583 = arith.index_cast %swap3A_582 : i32 to index
        %swap3A_584 = arith.constant 64 : index
        %swap3A_585 = tpu.vector_load %arg8[%swap3A_583, %swap3A_584] {strides = array<i32>} : memref<2x128xi32, #tpu.memory_space<vmem>>, vector<1x16xi32>,
        %swap3A_586 = vector.shape_cast %swap3A_585 : vector<1x16xi32> to vector<16xi32>
        %swap3A_587 = vector.shape_cast %shift_right_logical3A_581 : vector<16xi32> to vector<1x16xi32>
        tpu.vector_store %arg8[%swap3A_583, %swap3A_584], %swap3A_587 {strides = array<i32>} : memref<2x128xi32, #tpu.memory_space<vmem>>, vector<1x16xi32>,
        %get3A_588 = arith.index_cast %add3A_477 : i32 to index
        %get3A_589 = arith.constant 80 : index
        %get3A_590 = tpu.vector_load %arg6[%get3A_588, %get3A_589] {strides = array<i32>} : memref<76x128xi32, #tpu.memory_space<vmem>>, vector<1x16xi32>,
        %get3A_591 = vector.shape_cast %get3A_590 : vector<1x16xi32> to vector<16xi32>
        %and3A_592 = arith.constant 16383 : i32
        %and3A_593 = vector.broadcast %and3A_592 : i32 to vector<16xi32>
        %and3A_594 = arith.andi %get3A_591, %and3A_593 : vector<16xi32>
        %swap3A_595 = arith.constant 1 : i32
        %swap3A_596 = arith.index_cast %swap3A_595 : i32 to index
        %swap3A_597 = arith.constant 80 : index
        %swap3A_598 = tpu.vector_load %arg7[%swap3A_596, %swap3A_597] {strides = array<i32>} : memref<2x128xi32, #tpu.memory_space<vmem>>, vector<1x16xi32>,
        %swap3A_599 = vector.shape_cast %swap3A_598 : vector<1x16xi32> to vector<16xi32>
        %swap3A_600 = vector.shape_cast %and3A_594 : vector<16xi32> to vector<1x16xi32>
        tpu.vector_store %arg7[%swap3A_596, %swap3A_597], %swap3A_600 {strides = array<i32>} : memref<2x128xi32, #tpu.memory_space<vmem>>, vector<1x16xi32>,
        %shift_right_logical3A_601 = arith.constant 14 : i32
        %shift_right_logical3A_602 = vector.broadcast %shift_right_logical3A_601 : i32 to vector<16xi32>
        %shift_right_logical3A_603 = arith.shrui %get3A_591, %shift_right_logical3A_602 : vector<16xi32>
        %swap3A_604 = arith.constant 1 : i32
        %swap3A_605 = arith.index_cast %swap3A_604 : i32 to index
        %swap3A_606 = arith.constant 80 : index
        %swap3A_607 = tpu.vector_load %arg8[%swap3A_605, %swap3A_606] {strides = array<i32>} : memref<2x128xi32, #tpu.memory_space<vmem>>, vector<1x16xi32>,
        %swap3A_608 = vector.shape_cast %swap3A_607 : vector<1x16xi32> to vector<16xi32>
        %swap3A_609 = vector.shape_cast %shift_right_logical3A_603 : vector<16xi32> to vector<1x16xi32>
        tpu.vector_store %arg8[%swap3A_605, %swap3A_606], %swap3A_609 {strides = array<i32>} : memref<2x128xi32, #tpu.memory_space<vmem>>, vector<1x16xi32>,
        %get3A_610 = arith.index_cast %add3A_477 : i32 to index
        %get3A_611 = arith.constant 96 : index
        %get3A_612 = tpu.vector_load %arg6[%get3A_610, %get3A_611] {strides = array<i32>} : memref<76x128xi32, #tpu.memory_space<vmem>>, vector<1x16xi32>,
        %get3A_613 = vector.shape_cast %get3A_612 : vector<1x16xi32> to vector<16xi32>
        %and3A_614 = arith.constant 16383 : i32
        %and3A_615 = vector.broadcast %and3A_614 : i32 to vector<16xi32>
        %and3A_616 = arith.andi %get3A_613, %and3A_615 : vector<16xi32>
        %swap3A_617 = arith.constant 1 : i32
        %swap3A_618 = arith.index_cast %swap3A_617 : i32 to index
        %swap3A_619 = arith.constant 96 : index
        %swap3A_620 = tpu.vector_load %arg7[%swap3A_618, %swap3A_619] {strides = array<i32>} : memref<2x128xi32, #tpu.memory_space<vmem>>, vector<1x16xi32>,
        %swap3A_621 = vector.shape_cast %swap3A_620 : vector<1x16xi32> to vector<16xi32>
        %swap3A_622 = vector.shape_cast %and3A_616 : vector<16xi32> to vector<1x16xi32>
        tpu.vector_store %arg7[%swap3A_618, %swap3A_619], %swap3A_622 {strides = array<i32>} : memref<2x128xi32, #tpu.memory_space<vmem>>, vector<1x16xi32>,
        %shift_right_logical3A_623 = arith.constant 14 : i32
        %shift_right_logical3A_624 = vector.broadcast %shift_right_logical3A_623 : i32 to vector<16xi32>
        %shift_right_logical3A_625 = arith.shrui %get3A_613, %shift_right_logical3A_624 : vector<16xi32>
        %swap3A_626 = arith.constant 1 : i32
        %swap3A_627 = arith.index_cast %swap3A_626 : i32 to index
        %swap3A_628 = arith.constant 96 : index
        %swap3A_629 = tpu.vector_load %arg8[%swap3A_627, %swap3A_628] {strides = array<i32>} : memref<2x128xi32, #tpu.memory_space<vmem>>, vector<1x16xi32>,
        %swap3A_630 = vector.shape_cast %swap3A_629 : vector<1x16xi32> to vector<16xi32>
        %swap3A_631 = vector.shape_cast %shift_right_logical3A_625 : vector<16xi32> to vector<1x16xi32>
        tpu.vector_store %arg8[%swap3A_627, %swap3A_628], %swap3A_631 {strides = array<i32>} : memref<2x128xi32, #tpu.memory_space<vmem>>, vector<1x16xi32>,
        %get3A_632 = arith.index_cast %add3A_477 : i32 to index
        %get3A_633 = arith.constant 112 : index
        %get3A_634 = tpu.vector_load %arg6[%get3A_632, %get3A_633] {strides = array<i32>} : memref<76x128xi32, #tpu.memory_space<vmem>>, vector<1x16xi32>,
        %get3A_635 = vector.shape_cast %get3A_634 : vector<1x16xi32> to vector<16xi32>
        %and3A_636 = arith.constant 16383 : i32
        %and3A_637 = vector.broadcast %and3A_636 : i32 to vector<16xi32>
        %and3A_638 = arith.andi %get3A_635, %and3A_637 : vector<16xi32>
        %swap3A_639 = arith.constant 1 : i32
        %swap3A_640 = arith.index_cast %swap3A_639 : i32 to index
        %swap3A_641 = arith.constant 112 : index
        %swap3A_642 = tpu.vector_load %arg7[%swap3A_640, %swap3A_641] {strides = array<i32>} : memref<2x128xi32, #tpu.memory_space<vmem>>, vector<1x16xi32>,
        %swap3A_643 = vector.shape_cast %swap3A_642 : vector<1x16xi32> to vector<16xi32>
        %swap3A_644 = vector.shape_cast %and3A_638 : vector<16xi32> to vector<1x16xi32>
        tpu.vector_store %arg7[%swap3A_640, %swap3A_641], %swap3A_644 {strides = array<i32>} : memref<2x128xi32, #tpu.memory_space<vmem>>, vector<1x16xi32>,
        %shift_right_logical3A_645 = arith.constant 14 : i32
        %shift_right_logical3A_646 = vector.broadcast %shift_right_logical3A_645 : i32 to vector<16xi32>
        %shift_right_logical3A_647 = arith.shrui %get3A_635, %shift_right_logical3A_646 : vector<16xi32>
        %swap3A_648 = arith.constant 1 : i32
        %swap3A_649 = arith.index_cast %swap3A_648 : i32 to index
        %swap3A_650 = arith.constant 112 : index
        %swap3A_651 = tpu.vector_load %arg8[%swap3A_649, %swap3A_650] {strides = array<i32>} : memref<2x128xi32, #tpu.memory_space<vmem>>, vector<1x16xi32>,
        %swap3A_652 = vector.shape_cast %swap3A_651 : vector<1x16xi32> to vector<16xi32>
        %swap3A_653 = vector.shape_cast %shift_right_logical3A_647 : vector<16xi32> to vector<1x16xi32>
        tpu.vector_store %arg8[%swap3A_649, %swap3A_650], %swap3A_653 {strides = array<i32>} : memref<2x128xi32, #tpu.memory_space<vmem>>, vector<1x16xi32>,
      } else {
      }
      %while3A_475 = arith.constant 0 : i32
      scf.yield %while3A_475 : i32
    }
    %barrier3A_436 = arith.constant 0 : index
    tpu.barrier barrier_id(%barrier3A_436)
    "tpu.region"() ({
      %run_scoped3A = tpu.sem_alloc : memref<!tpu.dma_semaphore, #tpu.memory_space<semaphore_mem>>
      %dma_start3A_437 = arith.constant 0 : i32
      %dma_start3A_438 = arith.constant 0 : i32
      %dma_start3A_439 = tpu.memref_slice %arg5[%arg0, %dma_start3A_437, %dma_start3A_438] : memref<2x10112x128xf32, #tpu.memory_space<hbm>> -> memref<1x10112x128xf32, #tpu.memory_space<hbm>>
      %dma_start3A_440 = tpu.memref_squeeze %dma_start3A_439 : memref<1x10112x128xf32, #tpu.memory_space<hbm>> -> memref<10112x128xf32, #tpu.memory_space<hbm>>
      %dma_start3A_441 = arith.constant 0 : i32
      %dma_start3A_442 = tpu.memref_slice %dma_start3A_440[%mul3A_16, %dma_start3A_441] : memref<10112x128xf32, #tpu.memory_space<hbm>> -> memref<632x128xf32, #tpu.memory_space<hbm>>
      %dma_start3A_443 = arith.constant 0 : i32
      %dma_start3A_444 = tpu.memref_slice %arg11[%mul3A_16, %dma_start3A_443] : memref<10112x128xf32, #tpu.memory_space<vmem_shared>> -> memref<632x128xf32, #tpu.memory_space<vmem_shared>>
      tpu.enqueue_dma source(%dma_start3A_444 : memref<632x128xf32, #tpu.memory_space<vmem_shared>>) target(%dma_start3A_442 : memref<632x128xf32, #tpu.memory_space<hbm>>) target_semaphore(%run_scoped3A : memref<!tpu.dma_semaphore, #tpu.memory_space<semaphore_mem>>)
      %dma_wait3A = arith.constant 0 : i32
      %dma_wait3A_445 = arith.constant 0 : i32
      %dma_wait3A_446 = tpu.memref_slice %arg5[%arg0, %dma_wait3A, %dma_wait3A_445] : memref<2x10112x128xf32, #tpu.memory_space<hbm>> -> memref<1x10112x128xf32, #tpu.memory_space<hbm>>
      %dma_wait3A_447 = tpu.memref_squeeze %dma_wait3A_446 : memref<1x10112x128xf32, #tpu.memory_space<hbm>> -> memref<10112x128xf32, #tpu.memory_space<hbm>>
      %dma_wait3A_448 = arith.constant 0 : i32
      %dma_wait3A_449 = tpu.memref_slice %dma_wait3A_447[%mul3A_16, %dma_wait3A_448] : memref<10112x128xf32, #tpu.memory_space<hbm>> -> memref<632x128xf32, #tpu.memory_space<hbm>>
      %dma_wait3A_450 = arith.constant 0 : i32
      %dma_wait3A_451 = tpu.memref_slice %arg11[%mul3A_16, %dma_wait3A_450] : memref<10112x128xf32, #tpu.memory_space<vmem_shared>> -> memref<632x128xf32, #tpu.memory_space<vmem_shared>>
      tpu.wait_dma2 semaphore(%run_scoped3A : memref<!tpu.dma_semaphore, #tpu.memory_space<semaphore_mem>>) src(%dma_wait3A_451 : memref<632x128xf32, #tpu.memory_space<vmem_shared>>) dst(%dma_wait3A_449 : memref<632x128xf32, #tpu.memory_space<hbm>>)
      tpu.yield
    }) : () -> ()
    return
  }
}

#map = affine_map<(d0, d1) -> (0, 0)>
#map1 = affine_map<(d0, d1) -> (0, 0, 0)>
module attributes {stable_mosaic.version = 14 : i64} {
  func.func @_mp_kernel(%arg0: i32, %arg1: i32, %arg2: memref<10000x128xf32, #tpu.memory_space<hbm>>, %arg3: memref<16x76x128xi32, #tpu.memory_space<hbm>>, %arg4: memref<16x4x128xi32, #tpu.memory_space<hbm>>, %arg5: memref<2x10112x128xf32, #tpu.memory_space<hbm>>, %arg6: memref<76x128xi32, #tpu.memory_space<vmem>>, %arg7: memref<2x128xi32, #tpu.memory_space<vmem>>, %arg8: memref<2x128xi32, #tpu.memory_space<vmem>>, %arg9: memref<128x128xf32, #tpu.memory_space<vmem>>, %arg10: memref<128x128xf32, #tpu.memory_space<vmem>>, %arg11: memref<10112x128xf32, #tpu.memory_space<vmem_shared>>, %arg12: memref<!tpu.dma_semaphore, #tpu.memory_space<semaphore_mem>>, %arg13: memref<!tpu.dma_semaphore, #tpu.memory_space<semaphore_mem>>) attributes {dimension_semantics = [#tpu.dimension_semantics<core_parallel>, #tpu.dimension_semantics<subcore_parallel>], iteration_bounds = array<i64: 2, 16>, scalar_prefetch = 0 : i64, scratch_operands = 8 : i64, tpu.core_type = #tpu.core_type<sc_vector_subcore>, window_params = [{transform_indices = #map}, {transform_indices = #map1}, {transform_indices = #map1}, {transform_indices = #map1}]} {
    %eq3A = arith.constant 0 : i32
    %eq3A_0 = arith.cmpi eq, %arg0, %eq3A : i32
    %jit3A = arith.constant 76 : i32
    %jit3A_1 = arith.constant 4 : i32
    %select_n3A = arith.select %eq3A_0, %jit3A, %jit3A_1 : i32
    %eq3A_2 = arith.constant 0 : i32
    %eq3A_3 = arith.cmpi eq, %arg0, %eq3A_2 : i32
    %convert_element_type3A = arith.extui %eq3A_3 : i1 to i32
    %cond3A = arith.constant 0 : i32
    %cond3A_4 = arith.cmpi ne, %convert_element_type3A, %cond3A : i32
    scf.if %cond3A_4 {
      %dma_start3A_437 = arith.constant 0 : i32
      %dma_start3A_438 = arith.constant 0 : i32
      %dma_start3A_439 = tpu.memref_slice %arg6[%dma_start3A_437, %dma_start3A_438] : memref<76x128xi32, #tpu.memory_space<vmem>> -> memref<76x128xi32, #tpu.memory_space<vmem>>
      %dma_start3A_440 = arith.constant 0 : i32
      %dma_start3A_441 = arith.constant 0 : i32
      %dma_start3A_442 = tpu.memref_slice %arg3[%arg1, %dma_start3A_440, %dma_start3A_441] : memref<16x76x128xi32, #tpu.memory_space<hbm>> -> memref<1x76x128xi32, #tpu.memory_space<hbm>>
      %dma_start3A_443 = tpu.memref_squeeze %dma_start3A_442 : memref<1x76x128xi32, #tpu.memory_space<hbm>> -> memref<76x128xi32, #tpu.memory_space<hbm>>
      %dma_start3A_444 = arith.constant 0 : i32
      %dma_start3A_445 = arith.constant 0 : i32
      %dma_start3A_446 = tpu.memref_slice %arg6[%dma_start3A_444, %dma_start3A_445] : memref<76x128xi32, #tpu.memory_space<vmem>> -> memref<76x128xi32, #tpu.memory_space<vmem>>
      %dma_start3A_447 = arith.constant 0 : i32
      %dma_start3A_448 = arith.constant 0 : i32
      %dma_start3A_449 = tpu.memref_slice %arg3[%arg1, %dma_start3A_447, %dma_start3A_448] : memref<16x76x128xi32, #tpu.memory_space<hbm>> -> memref<1x76x128xi32, #tpu.memory_space<hbm>>
      %dma_start3A_450 = tpu.memref_squeeze %dma_start3A_449 : memref<1x76x128xi32, #tpu.memory_space<hbm>> -> memref<76x128xi32, #tpu.memory_space<hbm>>
      tpu.enqueue_dma source(%dma_start3A_450 : memref<76x128xi32, #tpu.memory_space<hbm>>) target(%dma_start3A_446 : memref<76x128xi32, #tpu.memory_space<vmem>>) target_semaphore(%arg13 : memref<!tpu.dma_semaphore, #tpu.memory_space<semaphore_mem>>)
    } else {
    }
    %eq3A_5 = arith.constant 1 : i32
    %eq3A_6 = arith.cmpi eq, %arg0, %eq3A_5 : i32
    %convert_element_type3A_7 = arith.extui %eq3A_6 : i1 to i32
    %cond3A_8 = arith.constant 0 : i32
    %cond3A_9 = arith.cmpi ne, %convert_element_type3A_7, %cond3A_8 : i32
    scf.if %cond3A_9 {
      %dma_start3A_437 = arith.constant 0 : i32
      %dma_start3A_438 = arith.constant 0 : i32
      %dma_start3A_439 = tpu.memref_slice %arg6[%dma_start3A_437, %dma_start3A_438] : memref<76x128xi32, #tpu.memory_space<vmem>> -> memref<4x128xi32, #tpu.memory_space<vmem>>
      %dma_start3A_440 = arith.constant 0 : i32
      %dma_start3A_441 = arith.constant 0 : i32
      %dma_start3A_442 = tpu.memref_slice %arg4[%arg1, %dma_start3A_440, %dma_start3A_441] : memref<16x4x128xi32, #tpu.memory_space<hbm>> -> memref<1x4x128xi32, #tpu.memory_space<hbm>>
      %dma_start3A_443 = tpu.memref_squeeze %dma_start3A_442 : memref<1x4x128xi32, #tpu.memory_space<hbm>> -> memref<4x128xi32, #tpu.memory_space<hbm>>
      %dma_start3A_444 = arith.constant 0 : i32
      %dma_start3A_445 = arith.constant 0 : i32
      %dma_start3A_446 = tpu.memref_slice %arg6[%dma_start3A_444, %dma_start3A_445] : memref<76x128xi32, #tpu.memory_space<vmem>> -> memref<4x128xi32, #tpu.memory_space<vmem>>
      %dma_start3A_447 = arith.constant 0 : i32
      %dma_start3A_448 = arith.constant 0 : i32
      %dma_start3A_449 = tpu.memref_slice %arg4[%arg1, %dma_start3A_447, %dma_start3A_448] : memref<16x4x128xi32, #tpu.memory_space<hbm>> -> memref<1x4x128xi32, #tpu.memory_space<hbm>>
      %dma_start3A_450 = tpu.memref_squeeze %dma_start3A_449 : memref<1x4x128xi32, #tpu.memory_space<hbm>> -> memref<4x128xi32, #tpu.memory_space<hbm>>
      tpu.enqueue_dma source(%dma_start3A_450 : memref<4x128xi32, #tpu.memory_space<hbm>>) target(%dma_start3A_446 : memref<4x128xi32, #tpu.memory_space<vmem>>) target_semaphore(%arg13 : memref<!tpu.dma_semaphore, #tpu.memory_space<semaphore_mem>>)
    } else {
    }
    %scan3A = arith.constant 0 : i32
    %scan3A_10 = arith.constant 0 : i32
    %scan3A_11 = arith.constant 128 : i32
    %scan3A_12 = arith.addi %scan3A_10, %scan3A_11 : i32
    %scan3A_13 = arith.constant 1 : i32
    %scan3A_14 = scf.for %scan3A_437 = %scan3A_10 to %scan3A_12 step %scan3A_13 iter_args(%scan3A_438 = %scan3A) -> (i32)  : i32 {
      %broadcast_in_dim3A = arith.constant 0.000000e+00 : f32
      %broadcast_in_dim3A_439 = vector.broadcast %broadcast_in_dim3A : f32 to vector<16xf32>
      %swap3A_440 = arith.index_cast %scan3A_437 : i32 to index
      %swap3A_441 = arith.constant 0 : index
      %swap3A_442 = tpu.vector_load %arg9[%swap3A_440, %swap3A_441] {strides = array<i32>} : memref<128x128xf32, #tpu.memory_space<vmem>>, vector<1x16xf32>,
      %swap3A_443 = vector.shape_cast %swap3A_442 : vector<1x16xf32> to vector<16xf32>
      %swap3A_444 = vector.shape_cast %broadcast_in_dim3A_439 : vector<16xf32> to vector<1x16xf32>
      tpu.vector_store %arg9[%swap3A_440, %swap3A_441], %swap3A_444 {strides = array<i32>} : memref<128x128xf32, #tpu.memory_space<vmem>>, vector<1x16xf32>,
      %broadcast_in_dim3A_445 = arith.constant 0.000000e+00 : f32
      %broadcast_in_dim3A_446 = vector.broadcast %broadcast_in_dim3A_445 : f32 to vector<16xf32>
      %swap3A_447 = arith.index_cast %scan3A_437 : i32 to index
      %swap3A_448 = arith.constant 16 : index
      %swap3A_449 = tpu.vector_load %arg9[%swap3A_447, %swap3A_448] {strides = array<i32>} : memref<128x128xf32, #tpu.memory_space<vmem>>, vector<1x16xf32>,
      %swap3A_450 = vector.shape_cast %swap3A_449 : vector<1x16xf32> to vector<16xf32>
      %swap3A_451 = vector.shape_cast %broadcast_in_dim3A_446 : vector<16xf32> to vector<1x16xf32>
      tpu.vector_store %arg9[%swap3A_447, %swap3A_448], %swap3A_451 {strides = array<i32>} : memref<128x128xf32, #tpu.memory_space<vmem>>, vector<1x16xf32>,
      %broadcast_in_dim3A_452 = arith.constant 0.000000e+00 : f32
      %broadcast_in_dim3A_453 = vector.broadcast %broadcast_in_dim3A_452 : f32 to vector<16xf32>
      %swap3A_454 = arith.index_cast %scan3A_437 : i32 to index
      %swap3A_455 = arith.constant 32 : index
      %swap3A_456 = tpu.vector_load %arg9[%swap3A_454, %swap3A_455] {strides = array<i32>} : memref<128x128xf32, #tpu.memory_space<vmem>>, vector<1x16xf32>,
      %swap3A_457 = vector.shape_cast %swap3A_456 : vector<1x16xf32> to vector<16xf32>
      %swap3A_458 = vector.shape_cast %broadcast_in_dim3A_453 : vector<16xf32> to vector<1x16xf32>
      tpu.vector_store %arg9[%swap3A_454, %swap3A_455], %swap3A_458 {strides = array<i32>} : memref<128x128xf32, #tpu.memory_space<vmem>>, vector<1x16xf32>,
      %broadcast_in_dim3A_459 = arith.constant 0.000000e+00 : f32
      %broadcast_in_dim3A_460 = vector.broadcast %broadcast_in_dim3A_459 : f32 to vector<16xf32>
      %swap3A_461 = arith.index_cast %scan3A_437 : i32 to index
      %swap3A_462 = arith.constant 48 : index
      %swap3A_463 = tpu.vector_load %arg9[%swap3A_461, %swap3A_462] {strides = array<i32>} : memref<128x128xf32, #tpu.memory_space<vmem>>, vector<1x16xf32>,
      %swap3A_464 = vector.shape_cast %swap3A_463 : vector<1x16xf32> to vector<16xf32>
      %swap3A_465 = vector.shape_cast %broadcast_in_dim3A_460 : vector<16xf32> to vector<1x16xf32>
      tpu.vector_store %arg9[%swap3A_461, %swap3A_462], %swap3A_465 {strides = array<i32>} : memref<128x128xf32, #tpu.memory_space<vmem>>, vector<1x16xf32>,
      %broadcast_in_dim3A_466 = arith.constant 0.000000e+00 : f32
      %broadcast_in_dim3A_467 = vector.broadcast %broadcast_in_dim3A_466 : f32 to vector<16xf32>
      %swap3A_468 = arith.index_cast %scan3A_437 : i32 to index
      %swap3A_469 = arith.constant 64 : index
      %swap3A_470 = tpu.vector_load %arg9[%swap3A_468, %swap3A_469] {strides = array<i32>} : memref<128x128xf32, #tpu.memory_space<vmem>>, vector<1x16xf32>,
      %swap3A_471 = vector.shape_cast %swap3A_470 : vector<1x16xf32> to vector<16xf32>
      %swap3A_472 = vector.shape_cast %broadcast_in_dim3A_467 : vector<16xf32> to vector<1x16xf32>
      tpu.vector_store %arg9[%swap3A_468, %swap3A_469], %swap3A_472 {strides = array<i32>} : memref<128x128xf32, #tpu.memory_space<vmem>>, vector<1x16xf32>,
      %broadcast_in_dim3A_473 = arith.constant 0.000000e+00 : f32
      %broadcast_in_dim3A_474 = vector.broadcast %broadcast_in_dim3A_473 : f32 to vector<16xf32>
      %swap3A_475 = arith.index_cast %scan3A_437 : i32 to index
      %swap3A_476 = arith.constant 80 : index
      %swap3A_477 = tpu.vector_load %arg9[%swap3A_475, %swap3A_476] {strides = array<i32>} : memref<128x128xf32, #tpu.memory_space<vmem>>, vector<1x16xf32>,
      %swap3A_478 = vector.shape_cast %swap3A_477 : vector<1x16xf32> to vector<16xf32>
      %swap3A_479 = vector.shape_cast %broadcast_in_dim3A_474 : vector<16xf32> to vector<1x16xf32>
      tpu.vector_store %arg9[%swap3A_475, %swap3A_476], %swap3A_479 {strides = array<i32>} : memref<128x128xf32, #tpu.memory_space<vmem>>, vector<1x16xf32>,
      %broadcast_in_dim3A_480 = arith.constant 0.000000e+00 : f32
      %broadcast_in_dim3A_481 = vector.broadcast %broadcast_in_dim3A_480 : f32 to vector<16xf32>
      %swap3A_482 = arith.index_cast %scan3A_437 : i32 to index
      %swap3A_483 = arith.constant 96 : index
      %swap3A_484 = tpu.vector_load %arg9[%swap3A_482, %swap3A_483] {strides = array<i32>} : memref<128x128xf32, #tpu.memory_space<vmem>>, vector<1x16xf32>,
      %swap3A_485 = vector.shape_cast %swap3A_484 : vector<1x16xf32> to vector<16xf32>
      %swap3A_486 = vector.shape_cast %broadcast_in_dim3A_481 : vector<16xf32> to vector<1x16xf32>
      tpu.vector_store %arg9[%swap3A_482, %swap3A_483], %swap3A_486 {strides = array<i32>} : memref<128x128xf32, #tpu.memory_space<vmem>>, vector<1x16xf32>,
      %broadcast_in_dim3A_487 = arith.constant 0.000000e+00 : f32
      %broadcast_in_dim3A_488 = vector.broadcast %broadcast_in_dim3A_487 : f32 to vector<16xf32>
      %swap3A_489 = arith.index_cast %scan3A_437 : i32 to index
      %swap3A_490 = arith.constant 112 : index
      %swap3A_491 = tpu.vector_load %arg9[%swap3A_489, %swap3A_490] {strides = array<i32>} : memref<128x128xf32, #tpu.memory_space<vmem>>, vector<1x16xf32>,
      %swap3A_492 = vector.shape_cast %swap3A_491 : vector<1x16xf32> to vector<16xf32>
      %swap3A_493 = vector.shape_cast %broadcast_in_dim3A_488 : vector<16xf32> to vector<1x16xf32>
      tpu.vector_store %arg9[%swap3A_489, %swap3A_490], %swap3A_493 {strides = array<i32>} : memref<128x128xf32, #tpu.memory_space<vmem>>, vector<1x16xf32>,
      %scan3A_494 = arith.constant 0 : i32
      scf.yield %scan3A_494 : i32
    }
    %scan3A_15 = arith.constant 128 : i32
    %mul3A = arith.constant 632 : i32
    %mul3A_16 = arith.muli %arg1, %mul3A : i32
    %add3A = arith.constant 0 : i32
    %add3A_17 = arith.addi %mul3A_16, %add3A : i32
    "tpu.region"() ({
      %run_scoped3A = tpu.sem_alloc : memref<!tpu.dma_semaphore, #tpu.memory_space<semaphore_mem>>
      %dma_start3A_437 = arith.constant 0 : i32
      %dma_start3A_438 = tpu.memref_slice %arg11[%add3A_17, %dma_start3A_437] : memref<10112x128xf32, #tpu.memory_space<vmem_shared>> -> memref<128x128xf32, #tpu.memory_space<vmem_shared>>
      %dma_start3A_439 = arith.constant 0 : i32
      %dma_start3A_440 = tpu.memref_slice %arg11[%add3A_17, %dma_start3A_439] : memref<10112x128xf32, #tpu.memory_space<vmem_shared>> -> memref<128x128xf32, #tpu.memory_space<vmem_shared>>
      tpu.enqueue_dma source(%arg9 : memref<128x128xf32, #tpu.memory_space<vmem>>) target(%dma_start3A_440 : memref<128x128xf32, #tpu.memory_space<vmem_shared>>) target_semaphore(%run_scoped3A : memref<!tpu.dma_semaphore, #tpu.memory_space<semaphore_mem>>)
      %dma_wait3A = arith.constant 0 : i32
      %dma_wait3A_441 = tpu.memref_slice %arg11[%add3A_17, %dma_wait3A] : memref<10112x128xf32, #tpu.memory_space<vmem_shared>> -> memref<128x128xf32, #tpu.memory_space<vmem_shared>>
      %dma_wait3A_442 = arith.constant 0 : i32
      %dma_wait3A_443 = tpu.memref_slice %arg11[%add3A_17, %dma_wait3A_442] : memref<10112x128xf32, #tpu.memory_space<vmem_shared>> -> memref<128x128xf32, #tpu.memory_space<vmem_shared>>
      tpu.wait_dma2 semaphore(%run_scoped3A : memref<!tpu.dma_semaphore, #tpu.memory_space<semaphore_mem>>) src(%arg9 : memref<128x128xf32, #tpu.memory_space<vmem>>) dst(%dma_wait3A_443 : memref<128x128xf32, #tpu.memory_space<vmem_shared>>)
      tpu.yield
    }) : () -> ()
    %add3A_18 = arith.constant 128 : i32
    %add3A_19 = arith.addi %mul3A_16, %add3A_18 : i32
    "tpu.region"() ({
      %run_scoped3A = tpu.sem_alloc : memref<!tpu.dma_semaphore, #tpu.memory_space<semaphore_mem>>
      %dma_start3A_437 = arith.constant 0 : i32
      %dma_start3A_438 = tpu.memref_slice %arg11[%add3A_19, %dma_start3A_437] : memref<10112x128xf32, #tpu.memory_space<vmem_shared>> -> memref<128x128xf32, #tpu.memory_space<vmem_shared>>
      %dma_start3A_439 = arith.constant 0 : i32
      %dma_start3A_440 = tpu.memref_slice %arg11[%add3A_19, %dma_start3A_439] : memref<10112x128xf32, #tpu.memory_space<vmem_shared>> -> memref<128x128xf32, #tpu.memory_space<vmem_shared>>
      tpu.enqueue_dma source(%arg9 : memref<128x128xf32, #tpu.memory_space<vmem>>) target(%dma_start3A_440 : memref<128x128xf32, #tpu.memory_space<vmem_shared>>) target_semaphore(%run_scoped3A : memref<!tpu.dma_semaphore, #tpu.memory_space<semaphore_mem>>)
      %dma_wait3A = arith.constant 0 : i32
      %dma_wait3A_441 = tpu.memref_slice %arg11[%add3A_19, %dma_wait3A] : memref<10112x128xf32, #tpu.memory_space<vmem_shared>> -> memref<128x128xf32, #tpu.memory_space<vmem_shared>>
      %dma_wait3A_442 = arith.constant 0 : i32
      %dma_wait3A_443 = tpu.memref_slice %arg11[%add3A_19, %dma_wait3A_442] : memref<10112x128xf32, #tpu.memory_space<vmem_shared>> -> memref<128x128xf32, #tpu.memory_space<vmem_shared>>
      tpu.wait_dma2 semaphore(%run_scoped3A : memref<!tpu.dma_semaphore, #tpu.memory_space<semaphore_mem>>) src(%arg9 : memref<128x128xf32, #tpu.memory_space<vmem>>) dst(%dma_wait3A_443 : memref<128x128xf32, #tpu.memory_space<vmem_shared>>)
      tpu.yield
    }) : () -> ()
    %add3A_20 = arith.constant 256 : i32
    %add3A_21 = arith.addi %mul3A_16, %add3A_20 : i32
    "tpu.region"() ({
      %run_scoped3A = tpu.sem_alloc : memref<!tpu.dma_semaphore, #tpu.memory_space<semaphore_mem>>
      %dma_start3A_437 = arith.constant 0 : i32
      %dma_start3A_438 = tpu.memref_slice %arg11[%add3A_21, %dma_start3A_437] : memref<10112x128xf32, #tpu.memory_space<vmem_shared>> -> memref<128x128xf32, #tpu.memory_space<vmem_shared>>
      %dma_start3A_439 = arith.constant 0 : i32
      %dma_start3A_440 = tpu.memref_slice %arg11[%add3A_21, %dma_start3A_439] : memref<10112x128xf32, #tpu.memory_space<vmem_shared>> -> memref<128x128xf32, #tpu.memory_space<vmem_shared>>
      tpu.enqueue_dma source(%arg9 : memref<128x128xf32, #tpu.memory_space<vmem>>) target(%dma_start3A_440 : memref<128x128xf32, #tpu.memory_space<vmem_shared>>) target_semaphore(%run_scoped3A : memref<!tpu.dma_semaphore, #tpu.memory_space<semaphore_mem>>)
      %dma_wait3A = arith.constant 0 : i32
      %dma_wait3A_441 = tpu.memref_slice %arg11[%add3A_21, %dma_wait3A] : memref<10112x128xf32, #tpu.memory_space<vmem_shared>> -> memref<128x128xf32, #tpu.memory_space<vmem_shared>>
      %dma_wait3A_442 = arith.constant 0 : i32
      %dma_wait3A_443 = tpu.memref_slice %arg11[%add3A_21, %dma_wait3A_442] : memref<10112x128xf32, #tpu.memory_space<vmem_shared>> -> memref<128x128xf32, #tpu.memory_space<vmem_shared>>
      tpu.wait_dma2 semaphore(%run_scoped3A : memref<!tpu.dma_semaphore, #tpu.memory_space<semaphore_mem>>) src(%arg9 : memref<128x128xf32, #tpu.memory_space<vmem>>) dst(%dma_wait3A_443 : memref<128x128xf32, #tpu.memory_space<vmem_shared>>)
      tpu.yield
    }) : () -> ()
    %add3A_22 = arith.constant 384 : i32
    %add3A_23 = arith.addi %mul3A_16, %add3A_22 : i32
    "tpu.region"() ({
      %run_scoped3A = tpu.sem_alloc : memref<!tpu.dma_semaphore, #tpu.memory_space<semaphore_mem>>
      %dma_start3A_437 = arith.constant 0 : i32
      %dma_start3A_438 = tpu.memref_slice %arg11[%add3A_23, %dma_start3A_437] : memref<10112x128xf32, #tpu.memory_space<vmem_shared>> -> memref<128x128xf32, #tpu.memory_space<vmem_shared>>
      %dma_start3A_439 = arith.constant 0 : i32
      %dma_start3A_440 = tpu.memref_slice %arg11[%add3A_23, %dma_start3A_439] : memref<10112x128xf32, #tpu.memory_space<vmem_shared>> -> memref<128x128xf32, #tpu.memory_space<vmem_shared>>
      tpu.enqueue_dma source(%arg9 : memref<128x128xf32, #tpu.memory_space<vmem>>) target(%dma_start3A_440 : memref<128x128xf32, #tpu.memory_space<vmem_shared>>) target_semaphore(%run_scoped3A : memref<!tpu.dma_semaphore, #tpu.memory_space<semaphore_mem>>)
      %dma_wait3A = arith.constant 0 : i32
      %dma_wait3A_441 = tpu.memref_slice %arg11[%add3A_23, %dma_wait3A] : memref<10112x128xf32, #tpu.memory_space<vmem_shared>> -> memref<128x128xf32, #tpu.memory_space<vmem_shared>>
      %dma_wait3A_442 = arith.constant 0 : i32
      %dma_wait3A_443 = tpu.memref_slice %arg11[%add3A_23, %dma_wait3A_442] : memref<10112x128xf32, #tpu.memory_space<vmem_shared>> -> memref<128x128xf32, #tpu.memory_space<vmem_shared>>
      tpu.wait_dma2 semaphore(%run_scoped3A : memref<!tpu.dma_semaphore, #tpu.memory_space<semaphore_mem>>) src(%arg9 : memref<128x128xf32, #tpu.memory_space<vmem>>) dst(%dma_wait3A_443 : memref<128x128xf32, #tpu.memory_space<vmem_shared>>)
      tpu.yield
    }) : () -> ()
    %add3A_24 = arith.constant 512 : i32
    %add3A_25 = arith.addi %mul3A_16, %add3A_24 : i32
    "tpu.region"() ({
      %run_scoped3A = tpu.sem_alloc : memref<!tpu.dma_semaphore, #tpu.memory_space<semaphore_mem>>
      %dma_start3A_437 = arith.constant 0 : i32
      %dma_start3A_438 = arith.constant 0 : i32
      %dma_start3A_439 = tpu.memref_slice %arg9[%dma_start3A_437, %dma_start3A_438] : memref<128x128xf32, #tpu.memory_space<vmem>> -> memref<120x128xf32, #tpu.memory_space<vmem>>
      %dma_start3A_440 = arith.constant 0 : i32
      %dma_start3A_441 = tpu.memref_slice %arg11[%add3A_25, %dma_start3A_440] : memref<10112x128xf32, #tpu.memory_space<vmem_shared>> -> memref<120x128xf32, #tpu.memory_space<vmem_shared>>
      %dma_start3A_442 = arith.constant 0 : i32
      %dma_start3A_443 = tpu.memref_slice %arg11[%add3A_25, %dma_start3A_442] : memref<10112x128xf32, #tpu.memory_space<vmem_shared>> -> memref<120x128xf32, #tpu.memory_space<vmem_shared>>
      %dma_start3A_444 = arith.constant 0 : i32
      %dma_start3A_445 = arith.constant 0 : i32
      %dma_start3A_446 = tpu.memref_slice %arg9[%dma_start3A_444, %dma_start3A_445] : memref<128x128xf32, #tpu.memory_space<vmem>> -> memref<120x128xf32, #tpu.memory_space<vmem>>
      tpu.enqueue_dma source(%dma_start3A_446 : memref<120x128xf32, #tpu.memory_space<vmem>>) target(%dma_start3A_443 : memref<120x128xf32, #tpu.memory_space<vmem_shared>>) target_semaphore(%run_scoped3A : memref<!tpu.dma_semaphore, #tpu.memory_space<semaphore_mem>>)
      %dma_wait3A = arith.constant 0 : i32
      %dma_wait3A_447 = arith.constant 0 : i32
      %dma_wait3A_448 = tpu.memref_slice %arg9[%dma_wait3A, %dma_wait3A_447] : memref<128x128xf32, #tpu.memory_space<vmem>> -> memref<120x128xf32, #tpu.memory_space<vmem>>
      %dma_wait3A_449 = arith.constant 0 : i32
      %dma_wait3A_450 = tpu.memref_slice %arg11[%add3A_25, %dma_wait3A_449] : memref<10112x128xf32, #tpu.memory_space<vmem_shared>> -> memref<120x128xf32, #tpu.memory_space<vmem_shared>>
      %dma_wait3A_451 = arith.constant 0 : i32
      %dma_wait3A_452 = tpu.memref_slice %arg11[%add3A_25, %dma_wait3A_451] : memref<10112x128xf32, #tpu.memory_space<vmem_shared>> -> memref<120x128xf32, #tpu.memory_space<vmem_shared>>
      %dma_wait3A_453 = arith.constant 0 : i32
      %dma_wait3A_454 = arith.constant 0 : i32
      %dma_wait3A_455 = tpu.memref_slice %arg9[%dma_wait3A_453, %dma_wait3A_454] : memref<128x128xf32, #tpu.memory_space<vmem>> -> memref<120x128xf32, #tpu.memory_space<vmem>>
      tpu.wait_dma2 semaphore(%run_scoped3A : memref<!tpu.dma_semaphore, #tpu.memory_space<semaphore_mem>>) src(%dma_wait3A_455 : memref<120x128xf32, #tpu.memory_space<vmem>>) dst(%dma_wait3A_452 : memref<120x128xf32, #tpu.memory_space<vmem_shared>>)
      tpu.yield
    }) : () -> ()
    %eq3A_26 = arith.constant 0 : i32
    %eq3A_27 = arith.cmpi eq, %arg0, %eq3A_26 : i32
    %convert_element_type3A_28 = arith.extui %eq3A_27 : i1 to i32
    %cond3A_29 = arith.constant 0 : i32
    %cond3A_30 = arith.cmpi ne, %convert_element_type3A_28, %cond3A_29 : i32
    scf.if %cond3A_30 {
      %dma_wait3A = arith.constant 0 : i32
      %dma_wait3A_437 = arith.constant 0 : i32
      %dma_wait3A_438 = tpu.memref_slice %arg6[%dma_wait3A, %dma_wait3A_437] : memref<76x128xi32, #tpu.memory_space<vmem>> -> memref<76x128xi32, #tpu.memory_space<vmem>>
      %dma_wait3A_439 = arith.constant 0 : i32
      %dma_wait3A_440 = arith.constant 0 : i32
      %dma_wait3A_441 = tpu.memref_slice %arg3[%arg1, %dma_wait3A_439, %dma_wait3A_440] : memref<16x76x128xi32, #tpu.memory_space<hbm>> -> memref<1x76x128xi32, #tpu.memory_space<hbm>>
      %dma_wait3A_442 = tpu.memref_squeeze %dma_wait3A_441 : memref<1x76x128xi32, #tpu.memory_space<hbm>> -> memref<76x128xi32, #tpu.memory_space<hbm>>
      %dma_wait3A_443 = arith.constant 0 : i32
      %dma_wait3A_444 = arith.constant 0 : i32
      %dma_wait3A_445 = tpu.memref_slice %arg6[%dma_wait3A_443, %dma_wait3A_444] : memref<76x128xi32, #tpu.memory_space<vmem>> -> memref<76x128xi32, #tpu.memory_space<vmem>>
      %dma_wait3A_446 = arith.constant 0 : i32
      %dma_wait3A_447 = arith.constant 0 : i32
      %dma_wait3A_448 = tpu.memref_slice %arg3[%arg1, %dma_wait3A_446, %dma_wait3A_447] : memref<16x76x128xi32, #tpu.memory_space<hbm>> -> memref<1x76x128xi32, #tpu.memory_space<hbm>>
      %dma_wait3A_449 = tpu.memref_squeeze %dma_wait3A_448 : memref<1x76x128xi32, #tpu.memory_space<hbm>> -> memref<76x128xi32, #tpu.memory_space<hbm>>
      tpu.wait_dma2 semaphore(%arg13 : memref<!tpu.dma_semaphore, #tpu.memory_space<semaphore_mem>>) src(%dma_wait3A_449 : memref<76x128xi32, #tpu.memory_space<hbm>>) dst(%dma_wait3A_445 : memref<76x128xi32, #tpu.memory_space<vmem>>)
    } else {
    }
    %eq3A_31 = arith.constant 1 : i32
    %eq3A_32 = arith.cmpi eq, %arg0, %eq3A_31 : i32
    %convert_element_type3A_33 = arith.extui %eq3A_32 : i1 to i32
    %cond3A_34 = arith.constant 0 : i32
    %cond3A_35 = arith.cmpi ne, %convert_element_type3A_33, %cond3A_34 : i32
    scf.if %cond3A_35 {
      %dma_wait3A = arith.constant 0 : i32
      %dma_wait3A_437 = arith.constant 0 : i32
      %dma_wait3A_438 = tpu.memref_slice %arg6[%dma_wait3A, %dma_wait3A_437] : memref<76x128xi32, #tpu.memory_space<vmem>> -> memref<4x128xi32, #tpu.memory_space<vmem>>
      %dma_wait3A_439 = arith.constant 0 : i32
      %dma_wait3A_440 = arith.constant 0 : i32
      %dma_wait3A_441 = tpu.memref_slice %arg4[%arg1, %dma_wait3A_439, %dma_wait3A_440] : memref<16x4x128xi32, #tpu.memory_space<hbm>> -> memref<1x4x128xi32, #tpu.memory_space<hbm>>
      %dma_wait3A_442 = tpu.memref_squeeze %dma_wait3A_441 : memref<1x4x128xi32, #tpu.memory_space<hbm>> -> memref<4x128xi32, #tpu.memory_space<hbm>>
      %dma_wait3A_443 = arith.constant 0 : i32
      %dma_wait3A_444 = arith.constant 0 : i32
      %dma_wait3A_445 = tpu.memref_slice %arg6[%dma_wait3A_443, %dma_wait3A_444] : memref<76x128xi32, #tpu.memory_space<vmem>> -> memref<4x128xi32, #tpu.memory_space<vmem>>
      %dma_wait3A_446 = arith.constant 0 : i32
      %dma_wait3A_447 = arith.constant 0 : i32
      %dma_wait3A_448 = tpu.memref_slice %arg4[%arg1, %dma_wait3A_446, %dma_wait3A_447] : memref<16x4x128xi32, #tpu.memory_space<hbm>> -> memref<1x4x128xi32, #tpu.memory_space<hbm>>
      %dma_wait3A_449 = tpu.memref_squeeze %dma_wait3A_448 : memref<1x4x128xi32, #tpu.memory_space<hbm>> -> memref<4x128xi32, #tpu.memory_space<hbm>>
      tpu.wait_dma2 semaphore(%arg13 : memref<!tpu.dma_semaphore, #tpu.memory_space<semaphore_mem>>) src(%dma_wait3A_449 : memref<4x128xi32, #tpu.memory_space<hbm>>) dst(%dma_wait3A_445 : memref<4x128xi32, #tpu.memory_space<vmem>>)
    } else {
    }
    %barrier3A = arith.constant 0 : index
    tpu.barrier barrier_id(%barrier3A)
    %get3A = arith.constant 0 : i32
    %get3A_36 = arith.index_cast %get3A : i32 to index
    %get3A_37 = arith.constant 0 : index
    %get3A_38 = tpu.vector_load %arg6[%get3A_36, %get3A_37] {strides = array<i32>} : memref<76x128xi32, #tpu.memory_space<vmem>>, vector<1x16xi32>,
    %get3A_39 = vector.shape_cast %get3A_38 : vector<1x16xi32> to vector<16xi32>
    %and3A = arith.constant 16383 : i32
    %and3A_40 = vector.broadcast %and3A : i32 to vector<16xi32>
    %and3A_41 = arith.andi %get3A_39, %and3A_40 : vector<16xi32>
    %swap3A = arith.constant 0 : i32
    %swap3A_42 = arith.index_cast %swap3A : i32 to index
    %swap3A_43 = arith.constant 0 : index
    %swap3A_44 = tpu.vector_load %arg7[%swap3A_42, %swap3A_43] {strides = array<i32>} : memref<2x128xi32, #tpu.memory_space<vmem>>, vector<1x16xi32>,
    %swap3A_45 = vector.shape_cast %swap3A_44 : vector<1x16xi32> to vector<16xi32>
    %swap3A_46 = vector.shape_cast %and3A_41 : vector<16xi32> to vector<1x16xi32>
    tpu.vector_store %arg7[%swap3A_42, %swap3A_43], %swap3A_46 {strides = array<i32>} : memref<2x128xi32, #tpu.memory_space<vmem>>, vector<1x16xi32>,
    %shift_right_logical3A = arith.constant 14 : i32
    %shift_right_logical3A_47 = vector.broadcast %shift_right_logical3A : i32 to vector<16xi32>
    %shift_right_logical3A_48 = arith.shrui %get3A_39, %shift_right_logical3A_47 : vector<16xi32>
    %swap3A_49 = arith.constant 0 : i32
    %swap3A_50 = arith.index_cast %swap3A_49 : i32 to index
    %swap3A_51 = arith.constant 0 : index
    %swap3A_52 = tpu.vector_load %arg8[%swap3A_50, %swap3A_51] {strides = array<i32>} : memref<2x128xi32, #tpu.memory_space<vmem>>, vector<1x16xi32>,
    %swap3A_53 = vector.shape_cast %swap3A_52 : vector<1x16xi32> to vector<16xi32>
    %swap3A_54 = vector.shape_cast %shift_right_logical3A_48 : vector<16xi32> to vector<1x16xi32>
    tpu.vector_store %arg8[%swap3A_50, %swap3A_51], %swap3A_54 {strides = array<i32>} : memref<2x128xi32, #tpu.memory_space<vmem>>, vector<1x16xi32>,
    %get3A_55 = arith.constant 0 : i32
    %get3A_56 = arith.index_cast %get3A_55 : i32 to index
    %get3A_57 = arith.constant 16 : index
    %get3A_58 = tpu.vector_load %arg6[%get3A_56, %get3A_57] {strides = array<i32>} : memref<76x128xi32, #tpu.memory_space<vmem>>, vector<1x16xi32>,
    %get3A_59 = vector.shape_cast %get3A_58 : vector<1x16xi32> to vector<16xi32>
    %and3A_60 = arith.constant 16383 : i32
    %and3A_61 = vector.broadcast %and3A_60 : i32 to vector<16xi32>
    %and3A_62 = arith.andi %get3A_59, %and3A_61 : vector<16xi32>
    %swap3A_63 = arith.constant 0 : i32
    %swap3A_64 = arith.index_cast %swap3A_63 : i32 to index
    %swap3A_65 = arith.constant 16 : index
    %swap3A_66 = tpu.vector_load %arg7[%swap3A_64, %swap3A_65] {strides = array<i32>} : memref<2x128xi32, #tpu.memory_space<vmem>>, vector<1x16xi32>,
    %swap3A_67 = vector.shape_cast %swap3A_66 : vector<1x16xi32> to vector<16xi32>
    %swap3A_68 = vector.shape_cast %and3A_62 : vector<16xi32> to vector<1x16xi32>
    tpu.vector_store %arg7[%swap3A_64, %swap3A_65], %swap3A_68 {strides = array<i32>} : memref<2x128xi32, #tpu.memory_space<vmem>>, vector<1x16xi32>,
    %shift_right_logical3A_69 = arith.constant 14 : i32
    %shift_right_logical3A_70 = vector.broadcast %shift_right_logical3A_69 : i32 to vector<16xi32>
    %shift_right_logical3A_71 = arith.shrui %get3A_59, %shift_right_logical3A_70 : vector<16xi32>
    %swap3A_72 = arith.constant 0 : i32
    %swap3A_73 = arith.index_cast %swap3A_72 : i32 to index
    %swap3A_74 = arith.constant 16 : index
    %swap3A_75 = tpu.vector_load %arg8[%swap3A_73, %swap3A_74] {strides = array<i32>} : memref<2x128xi32, #tpu.memory_space<vmem>>, vector<1x16xi32>,
    %swap3A_76 = vector.shape_cast %swap3A_75 : vector<1x16xi32> to vector<16xi32>
    %swap3A_77 = vector.shape_cast %shift_right_logical3A_71 : vector<16xi32> to vector<1x16xi32>
    tpu.vector_store %arg8[%swap3A_73, %swap3A_74], %swap3A_77 {strides = array<i32>} : memref<2x128xi32, #tpu.memory_space<vmem>>, vector<1x16xi32>,
    %get3A_78 = arith.constant 0 : i32
    %get3A_79 = arith.index_cast %get3A_78 : i32 to index
    %get3A_80 = arith.constant 32 : index
    %get3A_81 = tpu.vector_load %arg6[%get3A_79, %get3A_80] {strides = array<i32>} : memref<76x128xi32, #tpu.memory_space<vmem>>, vector<1x16xi32>,
    %get3A_82 = vector.shape_cast %get3A_81 : vector<1x16xi32> to vector<16xi32>
    %and3A_83 = arith.constant 16383 : i32
    %and3A_84 = vector.broadcast %and3A_83 : i32 to vector<16xi32>
    %and3A_85 = arith.andi %get3A_82, %and3A_84 : vector<16xi32>
    %swap3A_86 = arith.constant 0 : i32
    %swap3A_87 = arith.index_cast %swap3A_86 : i32 to index
    %swap3A_88 = arith.constant 32 : index
    %swap3A_89 = tpu.vector_load %arg7[%swap3A_87, %swap3A_88] {strides = array<i32>} : memref<2x128xi32, #tpu.memory_space<vmem>>, vector<1x16xi32>,
    %swap3A_90 = vector.shape_cast %swap3A_89 : vector<1x16xi32> to vector<16xi32>
    %swap3A_91 = vector.shape_cast %and3A_85 : vector<16xi32> to vector<1x16xi32>
    tpu.vector_store %arg7[%swap3A_87, %swap3A_88], %swap3A_91 {strides = array<i32>} : memref<2x128xi32, #tpu.memory_space<vmem>>, vector<1x16xi32>,
    %shift_right_logical3A_92 = arith.constant 14 : i32
    %shift_right_logical3A_93 = vector.broadcast %shift_right_logical3A_92 : i32 to vector<16xi32>
    %shift_right_logical3A_94 = arith.shrui %get3A_82, %shift_right_logical3A_93 : vector<16xi32>
    %swap3A_95 = arith.constant 0 : i32
    %swap3A_96 = arith.index_cast %swap3A_95 : i32 to index
    %swap3A_97 = arith.constant 32 : index
    %swap3A_98 = tpu.vector_load %arg8[%swap3A_96, %swap3A_97] {strides = array<i32>} : memref<2x128xi32, #tpu.memory_space<vmem>>, vector<1x16xi32>,
    %swap3A_99 = vector.shape_cast %swap3A_98 : vector<1x16xi32> to vector<16xi32>
    %swap3A_100 = vector.shape_cast %shift_right_logical3A_94 : vector<16xi32> to vector<1x16xi32>
    tpu.vector_store %arg8[%swap3A_96, %swap3A_97], %swap3A_100 {strides = array<i32>} : memref<2x128xi32, #tpu.memory_space<vmem>>, vector<1x16xi32>,
    %get3A_101 = arith.constant 0 : i32
    %get3A_102 = arith.index_cast %get3A_101 : i32 to index
    %get3A_103 = arith.constant 48 : index
    %get3A_104 = tpu.vector_load %arg6[%get3A_102, %get3A_103] {strides = array<i32>} : memref<76x128xi32, #tpu.memory_space<vmem>>, vector<1x16xi32>,
    %get3A_105 = vector.shape_cast %get3A_104 : vector<1x16xi32> to vector<16xi32>
    %and3A_106 = arith.constant 16383 : i32
    %and3A_107 = vector.broadcast %and3A_106 : i32 to vector<16xi32>
    %and3A_108 = arith.andi %get3A_105, %and3A_107 : vector<16xi32>
    %swap3A_109 = arith.constant 0 : i32
    %swap3A_110 = arith.index_cast %swap3A_109 : i32 to index
    %swap3A_111 = arith.constant 48 : index
    %swap3A_112 = tpu.vector_load %arg7[%swap3A_110, %swap3A_111] {strides = array<i32>} : memref<2x128xi32, #tpu.memory_space<vmem>>, vector<1x16xi32>,
    %swap3A_113 = vector.shape_cast %swap3A_112 : vector<1x16xi32> to vector<16xi32>
    %swap3A_114 = vector.shape_cast %and3A_108 : vector<16xi32> to vector<1x16xi32>
    tpu.vector_store %arg7[%swap3A_110, %swap3A_111], %swap3A_114 {strides = array<i32>} : memref<2x128xi32, #tpu.memory_space<vmem>>, vector<1x16xi32>,
    %shift_right_logical3A_115 = arith.constant 14 : i32
    %shift_right_logical3A_116 = vector.broadcast %shift_right_logical3A_115 : i32 to vector<16xi32>
    %shift_right_logical3A_117 = arith.shrui %get3A_105, %shift_right_logical3A_116 : vector<16xi32>
    %swap3A_118 = arith.constant 0 : i32
    %swap3A_119 = arith.index_cast %swap3A_118 : i32 to index
    %swap3A_120 = arith.constant 48 : index
    %swap3A_121 = tpu.vector_load %arg8[%swap3A_119, %swap3A_120] {strides = array<i32>} : memref<2x128xi32, #tpu.memory_space<vmem>>, vector<1x16xi32>,
    %swap3A_122 = vector.shape_cast %swap3A_121 : vector<1x16xi32> to vector<16xi32>
    %swap3A_123 = vector.shape_cast %shift_right_logical3A_117 : vector<16xi32> to vector<1x16xi32>
    tpu.vector_store %arg8[%swap3A_119, %swap3A_120], %swap3A_123 {strides = array<i32>} : memref<2x128xi32, #tpu.memory_space<vmem>>, vector<1x16xi32>,
    %get3A_124 = arith.constant 0 : i32
    %get3A_125 = arith.index_cast %get3A_124 : i32 to index
    %get3A_126 = arith.constant 64 : index
    %get3A_127 = tpu.vector_load %arg6[%get3A_125, %get3A_126] {strides = array<i32>} : memref<76x128xi32, #tpu.memory_space<vmem>>, vector<1x16xi32>,
    %get3A_128 = vector.shape_cast %get3A_127 : vector<1x16xi32> to vector<16xi32>
    %and3A_129 = arith.constant 16383 : i32
    %and3A_130 = vector.broadcast %and3A_129 : i32 to vector<16xi32>
    %and3A_131 = arith.andi %get3A_128, %and3A_130 : vector<16xi32>
    %swap3A_132 = arith.constant 0 : i32
    %swap3A_133 = arith.index_cast %swap3A_132 : i32 to index
    %swap3A_134 = arith.constant 64 : index
    %swap3A_135 = tpu.vector_load %arg7[%swap3A_133, %swap3A_134] {strides = array<i32>} : memref<2x128xi32, #tpu.memory_space<vmem>>, vector<1x16xi32>,
    %swap3A_136 = vector.shape_cast %swap3A_135 : vector<1x16xi32> to vector<16xi32>
    %swap3A_137 = vector.shape_cast %and3A_131 : vector<16xi32> to vector<1x16xi32>
    tpu.vector_store %arg7[%swap3A_133, %swap3A_134], %swap3A_137 {strides = array<i32>} : memref<2x128xi32, #tpu.memory_space<vmem>>, vector<1x16xi32>,
    %shift_right_logical3A_138 = arith.constant 14 : i32
    %shift_right_logical3A_139 = vector.broadcast %shift_right_logical3A_138 : i32 to vector<16xi32>
    %shift_right_logical3A_140 = arith.shrui %get3A_128, %shift_right_logical3A_139 : vector<16xi32>
    %swap3A_141 = arith.constant 0 : i32
    %swap3A_142 = arith.index_cast %swap3A_141 : i32 to index
    %swap3A_143 = arith.constant 64 : index
    %swap3A_144 = tpu.vector_load %arg8[%swap3A_142, %swap3A_143] {strides = array<i32>} : memref<2x128xi32, #tpu.memory_space<vmem>>, vector<1x16xi32>,
    %swap3A_145 = vector.shape_cast %swap3A_144 : vector<1x16xi32> to vector<16xi32>
    %swap3A_146 = vector.shape_cast %shift_right_logical3A_140 : vector<16xi32> to vector<1x16xi32>
    tpu.vector_store %arg8[%swap3A_142, %swap3A_143], %swap3A_146 {strides = array<i32>} : memref<2x128xi32, #tpu.memory_space<vmem>>, vector<1x16xi32>,
    %get3A_147 = arith.constant 0 : i32
    %get3A_148 = arith.index_cast %get3A_147 : i32 to index
    %get3A_149 = arith.constant 80 : index
    %get3A_150 = tpu.vector_load %arg6[%get3A_148, %get3A_149] {strides = array<i32>} : memref<76x128xi32, #tpu.memory_space<vmem>>, vector<1x16xi32>,
    %get3A_151 = vector.shape_cast %get3A_150 : vector<1x16xi32> to vector<16xi32>
    %and3A_152 = arith.constant 16383 : i32
    %and3A_153 = vector.broadcast %and3A_152 : i32 to vector<16xi32>
    %and3A_154 = arith.andi %get3A_151, %and3A_153 : vector<16xi32>
    %swap3A_155 = arith.constant 0 : i32
    %swap3A_156 = arith.index_cast %swap3A_155 : i32 to index
    %swap3A_157 = arith.constant 80 : index
    %swap3A_158 = tpu.vector_load %arg7[%swap3A_156, %swap3A_157] {strides = array<i32>} : memref<2x128xi32, #tpu.memory_space<vmem>>, vector<1x16xi32>,
    %swap3A_159 = vector.shape_cast %swap3A_158 : vector<1x16xi32> to vector<16xi32>
    %swap3A_160 = vector.shape_cast %and3A_154 : vector<16xi32> to vector<1x16xi32>
    tpu.vector_store %arg7[%swap3A_156, %swap3A_157], %swap3A_160 {strides = array<i32>} : memref<2x128xi32, #tpu.memory_space<vmem>>, vector<1x16xi32>,
    %shift_right_logical3A_161 = arith.constant 14 : i32
    %shift_right_logical3A_162 = vector.broadcast %shift_right_logical3A_161 : i32 to vector<16xi32>
    %shift_right_logical3A_163 = arith.shrui %get3A_151, %shift_right_logical3A_162 : vector<16xi32>
    %swap3A_164 = arith.constant 0 : i32
    %swap3A_165 = arith.index_cast %swap3A_164 : i32 to index
    %swap3A_166 = arith.constant 80 : index
    %swap3A_167 = tpu.vector_load %arg8[%swap3A_165, %swap3A_166] {strides = array<i32>} : memref<2x128xi32, #tpu.memory_space<vmem>>, vector<1x16xi32>,
    %swap3A_168 = vector.shape_cast %swap3A_167 : vector<1x16xi32> to vector<16xi32>
    %swap3A_169 = vector.shape_cast %shift_right_logical3A_163 : vector<16xi32> to vector<1x16xi32>
    tpu.vector_store %arg8[%swap3A_165, %swap3A_166], %swap3A_169 {strides = array<i32>} : memref<2x128xi32, #tpu.memory_space<vmem>>, vector<1x16xi32>,
    %get3A_170 = arith.constant 0 : i32
    %get3A_171 = arith.index_cast %get3A_170 : i32 to index
    %get3A_172 = arith.constant 96 : index
    %get3A_173 = tpu.vector_load %arg6[%get3A_171, %get3A_172] {strides = array<i32>} : memref<76x128xi32, #tpu.memory_space<vmem>>, vector<1x16xi32>,
    %get3A_174 = vector.shape_cast %get3A_173 : vector<1x16xi32> to vector<16xi32>
    %and3A_175 = arith.constant 16383 : i32
    %and3A_176 = vector.broadcast %and3A_175 : i32 to vector<16xi32>
    %and3A_177 = arith.andi %get3A_174, %and3A_176 : vector<16xi32>
    %swap3A_178 = arith.constant 0 : i32
    %swap3A_179 = arith.index_cast %swap3A_178 : i32 to index
    %swap3A_180 = arith.constant 96 : index
    %swap3A_181 = tpu.vector_load %arg7[%swap3A_179, %swap3A_180] {strides = array<i32>} : memref<2x128xi32, #tpu.memory_space<vmem>>, vector<1x16xi32>,
    %swap3A_182 = vector.shape_cast %swap3A_181 : vector<1x16xi32> to vector<16xi32>
    %swap3A_183 = vector.shape_cast %and3A_177 : vector<16xi32> to vector<1x16xi32>
    tpu.vector_store %arg7[%swap3A_179, %swap3A_180], %swap3A_183 {strides = array<i32>} : memref<2x128xi32, #tpu.memory_space<vmem>>, vector<1x16xi32>,
    %shift_right_logical3A_184 = arith.constant 14 : i32
    %shift_right_logical3A_185 = vector.broadcast %shift_right_logical3A_184 : i32 to vector<16xi32>
    %shift_right_logical3A_186 = arith.shrui %get3A_174, %shift_right_logical3A_185 : vector<16xi32>
    %swap3A_187 = arith.constant 0 : i32
    %swap3A_188 = arith.index_cast %swap3A_187 : i32 to index
    %swap3A_189 = arith.constant 96 : index
    %swap3A_190 = tpu.vector_load %arg8[%swap3A_188, %swap3A_189] {strides = array<i32>} : memref<2x128xi32, #tpu.memory_space<vmem>>, vector<1x16xi32>,
    %swap3A_191 = vector.shape_cast %swap3A_190 : vector<1x16xi32> to vector<16xi32>
    %swap3A_192 = vector.shape_cast %shift_right_logical3A_186 : vector<16xi32> to vector<1x16xi32>
    tpu.vector_store %arg8[%swap3A_188, %swap3A_189], %swap3A_192 {strides = array<i32>} : memref<2x128xi32, #tpu.memory_space<vmem>>, vector<1x16xi32>,
    %get3A_193 = arith.constant 0 : i32
    %get3A_194 = arith.index_cast %get3A_193 : i32 to index
    %get3A_195 = arith.constant 112 : index
    %get3A_196 = tpu.vector_load %arg6[%get3A_194, %get3A_195] {strides = array<i32>} : memref<76x128xi32, #tpu.memory_space<vmem>>, vector<1x16xi32>,
    %get3A_197 = vector.shape_cast %get3A_196 : vector<1x16xi32> to vector<16xi32>
    %and3A_198 = arith.constant 16383 : i32
    %and3A_199 = vector.broadcast %and3A_198 : i32 to vector<16xi32>
    %and3A_200 = arith.andi %get3A_197, %and3A_199 : vector<16xi32>
    %swap3A_201 = arith.constant 0 : i32
    %swap3A_202 = arith.index_cast %swap3A_201 : i32 to index
    %swap3A_203 = arith.constant 112 : index
    %swap3A_204 = tpu.vector_load %arg7[%swap3A_202, %swap3A_203] {strides = array<i32>} : memref<2x128xi32, #tpu.memory_space<vmem>>, vector<1x16xi32>,
    %swap3A_205 = vector.shape_cast %swap3A_204 : vector<1x16xi32> to vector<16xi32>
    %swap3A_206 = vector.shape_cast %and3A_200 : vector<16xi32> to vector<1x16xi32>
    tpu.vector_store %arg7[%swap3A_202, %swap3A_203], %swap3A_206 {strides = array<i32>} : memref<2x128xi32, #tpu.memory_space<vmem>>, vector<1x16xi32>,
    %shift_right_logical3A_207 = arith.constant 14 : i32
    %shift_right_logical3A_208 = vector.broadcast %shift_right_logical3A_207 : i32 to vector<16xi32>
    %shift_right_logical3A_209 = arith.shrui %get3A_197, %shift_right_logical3A_208 : vector<16xi32>
    %swap3A_210 = arith.constant 0 : i32
    %swap3A_211 = arith.index_cast %swap3A_210 : i32 to index
    %swap3A_212 = arith.constant 112 : index
    %swap3A_213 = tpu.vector_load %arg8[%swap3A_211, %swap3A_212] {strides = array<i32>} : memref<2x128xi32, #tpu.memory_space<vmem>>, vector<1x16xi32>,
    %swap3A_214 = vector.shape_cast %swap3A_213 : vector<1x16xi32> to vector<16xi32>
    %swap3A_215 = vector.shape_cast %shift_right_logical3A_209 : vector<16xi32> to vector<1x16xi32>
    tpu.vector_store %arg8[%swap3A_211, %swap3A_212], %swap3A_215 {strides = array<i32>} : memref<2x128xi32, #tpu.memory_space<vmem>>, vector<1x16xi32>,
    %dma_start3A = arith.constant 0 : i32
    %dma_start3A_216 = arith.constant 0 : i32
    %dma_start3A_217 = tpu.memref_slice %arg7[%dma_start3A, %dma_start3A_216] : memref<2x128xi32, #tpu.memory_space<vmem>> -> memref<1x128xi32, #tpu.memory_space<vmem>>
    %dma_start3A_218 = tpu.memref_squeeze %dma_start3A_217 : memref<1x128xi32, #tpu.memory_space<vmem>> -> memref<128xi32, #tpu.memory_space<vmem>>
    %dma_start3A_219 = arith.constant 0 : i32
    %dma_start3A_220 = arith.constant 0 : i32
    %dma_start3A_221 = tpu.memref_slice %arg2[%dma_start3A_219, %dma_start3A_220] : memref<10000x128xf32, #tpu.memory_space<hbm>> -> memref<10000x128xf32, #tpu.memory_space<hbm>>
    tpu.enqueue_indirect_dma source(%dma_start3A_221 : memref<10000x128xf32, #tpu.memory_space<hbm>>) target(%arg9 : memref<128x128xf32, #tpu.memory_space<vmem>>) offsets(%dma_start3A_218 : memref<128xi32, #tpu.memory_space<vmem>>) semaphore(%arg12 : memref<!tpu.dma_semaphore, #tpu.memory_space<semaphore_mem>>)
    %get3A_222 = arith.constant 1 : i32
    %get3A_223 = arith.index_cast %get3A_222 : i32 to index
    %get3A_224 = arith.constant 0 : index
    %get3A_225 = tpu.vector_load %arg6[%get3A_223, %get3A_224] {strides = array<i32>} : memref<76x128xi32, #tpu.memory_space<vmem>>, vector<1x16xi32>,
    %get3A_226 = vector.shape_cast %get3A_225 : vector<1x16xi32> to vector<16xi32>
    %and3A_227 = arith.constant 16383 : i32
    %and3A_228 = vector.broadcast %and3A_227 : i32 to vector<16xi32>
    %and3A_229 = arith.andi %get3A_226, %and3A_228 : vector<16xi32>
    %swap3A_230 = arith.constant 1 : i32
    %swap3A_231 = arith.index_cast %swap3A_230 : i32 to index
    %swap3A_232 = arith.constant 0 : index
    %swap3A_233 = tpu.vector_load %arg7[%swap3A_231, %swap3A_232] {strides = array<i32>} : memref<2x128xi32, #tpu.memory_space<vmem>>, vector<1x16xi32>,
    %swap3A_234 = vector.shape_cast %swap3A_233 : vector<1x16xi32> to vector<16xi32>
    %swap3A_235 = vector.shape_cast %and3A_229 : vector<16xi32> to vector<1x16xi32>
    tpu.vector_store %arg7[%swap3A_231, %swap3A_232], %swap3A_235 {strides = array<i32>} : memref<2x128xi32, #tpu.memory_space<vmem>>, vector<1x16xi32>,
    %shift_right_logical3A_236 = arith.constant 14 : i32
    %shift_right_logical3A_237 = vector.broadcast %shift_right_logical3A_236 : i32 to vector<16xi32>
    %shift_right_logical3A_238 = arith.shrui %get3A_226, %shift_right_logical3A_237 : vector<16xi32>
    %swap3A_239 = arith.constant 1 : i32
    %swap3A_240 = arith.index_cast %swap3A_239 : i32 to index
    %swap3A_241 = arith.constant 0 : index
    %swap3A_242 = tpu.vector_load %arg8[%swap3A_240, %swap3A_241] {strides = array<i32>} : memref<2x128xi32, #tpu.memory_space<vmem>>, vector<1x16xi32>,
    %swap3A_243 = vector.shape_cast %swap3A_242 : vector<1x16xi32> to vector<16xi32>
    %swap3A_244 = vector.shape_cast %shift_right_logical3A_238 : vector<16xi32> to vector<1x16xi32>
    tpu.vector_store %arg8[%swap3A_240, %swap3A_241], %swap3A_244 {strides = array<i32>} : memref<2x128xi32, #tpu.memory_space<vmem>>, vector<1x16xi32>,
    %get3A_245 = arith.constant 1 : i32
    %get3A_246 = arith.index_cast %get3A_245 : i32 to index
    %get3A_247 = arith.constant 16 : index
    %get3A_248 = tpu.vector_load %arg6[%get3A_246, %get3A_247] {strides = array<i32>} : memref<76x128xi32, #tpu.memory_space<vmem>>, vector<1x16xi32>,
    %get3A_249 = vector.shape_cast %get3A_248 : vector<1x16xi32> to vector<16xi32>
    %and3A_250 = arith.constant 16383 : i32
    %and3A_251 = vector.broadcast %and3A_250 : i32 to vector<16xi32>
    %and3A_252 = arith.andi %get3A_249, %and3A_251 : vector<16xi32>
    %swap3A_253 = arith.constant 1 : i32
    %swap3A_254 = arith.index_cast %swap3A_253 : i32 to index
    %swap3A_255 = arith.constant 16 : index
    %swap3A_256 = tpu.vector_load %arg7[%swap3A_254, %swap3A_255] {strides = array<i32>} : memref<2x128xi32, #tpu.memory_space<vmem>>, vector<1x16xi32>,
    %swap3A_257 = vector.shape_cast %swap3A_256 : vector<1x16xi32> to vector<16xi32>
    %swap3A_258 = vector.shape_cast %and3A_252 : vector<16xi32> to vector<1x16xi32>
    tpu.vector_store %arg7[%swap3A_254, %swap3A_255], %swap3A_258 {strides = array<i32>} : memref<2x128xi32, #tpu.memory_space<vmem>>, vector<1x16xi32>,
    %shift_right_logical3A_259 = arith.constant 14 : i32
    %shift_right_logical3A_260 = vector.broadcast %shift_right_logical3A_259 : i32 to vector<16xi32>
    %shift_right_logical3A_261 = arith.shrui %get3A_249, %shift_right_logical3A_260 : vector<16xi32>
    %swap3A_262 = arith.constant 1 : i32
    %swap3A_263 = arith.index_cast %swap3A_262 : i32 to index
    %swap3A_264 = arith.constant 16 : index
    %swap3A_265 = tpu.vector_load %arg8[%swap3A_263, %swap3A_264] {strides = array<i32>} : memref<2x128xi32, #tpu.memory_space<vmem>>, vector<1x16xi32>,
    %swap3A_266 = vector.shape_cast %swap3A_265 : vector<1x16xi32> to vector<16xi32>
    %swap3A_267 = vector.shape_cast %shift_right_logical3A_261 : vector<16xi32> to vector<1x16xi32>
    tpu.vector_store %arg8[%swap3A_263, %swap3A_264], %swap3A_267 {strides = array<i32>} : memref<2x128xi32, #tpu.memory_space<vmem>>, vector<1x16xi32>,
    %get3A_268 = arith.constant 1 : i32
    %get3A_269 = arith.index_cast %get3A_268 : i32 to index
    %get3A_270 = arith.constant 32 : index
    %get3A_271 = tpu.vector_load %arg6[%get3A_269, %get3A_270] {strides = array<i32>} : memref<76x128xi32, #tpu.memory_space<vmem>>, vector<1x16xi32>,
    %get3A_272 = vector.shape_cast %get3A_271 : vector<1x16xi32> to vector<16xi32>
    %and3A_273 = arith.constant 16383 : i32
    %and3A_274 = vector.broadcast %and3A_273 : i32 to vector<16xi32>
    %and3A_275 = arith.andi %get3A_272, %and3A_274 : vector<16xi32>
    %swap3A_276 = arith.constant 1 : i32
    %swap3A_277 = arith.index_cast %swap3A_276 : i32 to index
    %swap3A_278 = arith.constant 32 : index
    %swap3A_279 = tpu.vector_load %arg7[%swap3A_277, %swap3A_278] {strides = array<i32>} : memref<2x128xi32, #tpu.memory_space<vmem>>, vector<1x16xi32>,
    %swap3A_280 = vector.shape_cast %swap3A_279 : vector<1x16xi32> to vector<16xi32>
    %swap3A_281 = vector.shape_cast %and3A_275 : vector<16xi32> to vector<1x16xi32>
    tpu.vector_store %arg7[%swap3A_277, %swap3A_278], %swap3A_281 {strides = array<i32>} : memref<2x128xi32, #tpu.memory_space<vmem>>, vector<1x16xi32>,
    %shift_right_logical3A_282 = arith.constant 14 : i32
    %shift_right_logical3A_283 = vector.broadcast %shift_right_logical3A_282 : i32 to vector<16xi32>
    %shift_right_logical3A_284 = arith.shrui %get3A_272, %shift_right_logical3A_283 : vector<16xi32>
    %swap3A_285 = arith.constant 1 : i32
    %swap3A_286 = arith.index_cast %swap3A_285 : i32 to index
    %swap3A_287 = arith.constant 32 : index
    %swap3A_288 = tpu.vector_load %arg8[%swap3A_286, %swap3A_287] {strides = array<i32>} : memref<2x128xi32, #tpu.memory_space<vmem>>, vector<1x16xi32>,
    %swap3A_289 = vector.shape_cast %swap3A_288 : vector<1x16xi32> to vector<16xi32>
    %swap3A_290 = vector.shape_cast %shift_right_logical3A_284 : vector<16xi32> to vector<1x16xi32>
    tpu.vector_store %arg8[%swap3A_286, %swap3A_287], %swap3A_290 {strides = array<i32>} : memref<2x128xi32, #tpu.memory_space<vmem>>, vector<1x16xi32>,
    %get3A_291 = arith.constant 1 : i32
    %get3A_292 = arith.index_cast %get3A_291 : i32 to index
    %get3A_293 = arith.constant 48 : index
    %get3A_294 = tpu.vector_load %arg6[%get3A_292, %get3A_293] {strides = array<i32>} : memref<76x128xi32, #tpu.memory_space<vmem>>, vector<1x16xi32>,
    %get3A_295 = vector.shape_cast %get3A_294 : vector<1x16xi32> to vector<16xi32>
    %and3A_296 = arith.constant 16383 : i32
    %and3A_297 = vector.broadcast %and3A_296 : i32 to vector<16xi32>
    %and3A_298 = arith.andi %get3A_295, %and3A_297 : vector<16xi32>
    %swap3A_299 = arith.constant 1 : i32
    %swap3A_300 = arith.index_cast %swap3A_299 : i32 to index
    %swap3A_301 = arith.constant 48 : index
    %swap3A_302 = tpu.vector_load %arg7[%swap3A_300, %swap3A_301] {strides = array<i32>} : memref<2x128xi32, #tpu.memory_space<vmem>>, vector<1x16xi32>,
    %swap3A_303 = vector.shape_cast %swap3A_302 : vector<1x16xi32> to vector<16xi32>
    %swap3A_304 = vector.shape_cast %and3A_298 : vector<16xi32> to vector<1x16xi32>
    tpu.vector_store %arg7[%swap3A_300, %swap3A_301], %swap3A_304 {strides = array<i32>} : memref<2x128xi32, #tpu.memory_space<vmem>>, vector<1x16xi32>,
    %shift_right_logical3A_305 = arith.constant 14 : i32
    %shift_right_logical3A_306 = vector.broadcast %shift_right_logical3A_305 : i32 to vector<16xi32>
    %shift_right_logical3A_307 = arith.shrui %get3A_295, %shift_right_logical3A_306 : vector<16xi32>
    %swap3A_308 = arith.constant 1 : i32
    %swap3A_309 = arith.index_cast %swap3A_308 : i32 to index
    %swap3A_310 = arith.constant 48 : index
    %swap3A_311 = tpu.vector_load %arg8[%swap3A_309, %swap3A_310] {strides = array<i32>} : memref<2x128xi32, #tpu.memory_space<vmem>>, vector<1x16xi32>,
    %swap3A_312 = vector.shape_cast %swap3A_311 : vector<1x16xi32> to vector<16xi32>
    %swap3A_313 = vector.shape_cast %shift_right_logical3A_307 : vector<16xi32> to vector<1x16xi32>
    tpu.vector_store %arg8[%swap3A_309, %swap3A_310], %swap3A_313 {strides = array<i32>} : memref<2x128xi32, #tpu.memory_space<vmem>>, vector<1x16xi32>,
    %get3A_314 = arith.constant 1 : i32
    %get3A_315 = arith.index_cast %get3A_314 : i32 to index
    %get3A_316 = arith.constant 64 : index
    %get3A_317 = tpu.vector_load %arg6[%get3A_315, %get3A_316] {strides = array<i32>} : memref<76x128xi32, #tpu.memory_space<vmem>>, vector<1x16xi32>,
    %get3A_318 = vector.shape_cast %get3A_317 : vector<1x16xi32> to vector<16xi32>
    %and3A_319 = arith.constant 16383 : i32
    %and3A_320 = vector.broadcast %and3A_319 : i32 to vector<16xi32>
    %and3A_321 = arith.andi %get3A_318, %and3A_320 : vector<16xi32>
    %swap3A_322 = arith.constant 1 : i32
    %swap3A_323 = arith.index_cast %swap3A_322 : i32 to index
    %swap3A_324 = arith.constant 64 : index
    %swap3A_325 = tpu.vector_load %arg7[%swap3A_323, %swap3A_324] {strides = array<i32>} : memref<2x128xi32, #tpu.memory_space<vmem>>, vector<1x16xi32>,
    %swap3A_326 = vector.shape_cast %swap3A_325 : vector<1x16xi32> to vector<16xi32>
    %swap3A_327 = vector.shape_cast %and3A_321 : vector<16xi32> to vector<1x16xi32>
    tpu.vector_store %arg7[%swap3A_323, %swap3A_324], %swap3A_327 {strides = array<i32>} : memref<2x128xi32, #tpu.memory_space<vmem>>, vector<1x16xi32>,
    %shift_right_logical3A_328 = arith.constant 14 : i32
    %shift_right_logical3A_329 = vector.broadcast %shift_right_logical3A_328 : i32 to vector<16xi32>
    %shift_right_logical3A_330 = arith.shrui %get3A_318, %shift_right_logical3A_329 : vector<16xi32>
    %swap3A_331 = arith.constant 1 : i32
    %swap3A_332 = arith.index_cast %swap3A_331 : i32 to index
    %swap3A_333 = arith.constant 64 : index
    %swap3A_334 = tpu.vector_load %arg8[%swap3A_332, %swap3A_333] {strides = array<i32>} : memref<2x128xi32, #tpu.memory_space<vmem>>, vector<1x16xi32>,
    %swap3A_335 = vector.shape_cast %swap3A_334 : vector<1x16xi32> to vector<16xi32>
    %swap3A_336 = vector.shape_cast %shift_right_logical3A_330 : vector<16xi32> to vector<1x16xi32>
    tpu.vector_store %arg8[%swap3A_332, %swap3A_333], %swap3A_336 {strides = array<i32>} : memref<2x128xi32, #tpu.memory_space<vmem>>, vector<1x16xi32>,
    %get3A_337 = arith.constant 1 : i32
    %get3A_338 = arith.index_cast %get3A_337 : i32 to index
    %get3A_339 = arith.constant 80 : index
    %get3A_340 = tpu.vector_load %arg6[%get3A_338, %get3A_339] {strides = array<i32>} : memref<76x128xi32, #tpu.memory_space<vmem>>, vector<1x16xi32>,
    %get3A_341 = vector.shape_cast %get3A_340 : vector<1x16xi32> to vector<16xi32>
    %and3A_342 = arith.constant 16383 : i32
    %and3A_343 = vector.broadcast %and3A_342 : i32 to vector<16xi32>
    %and3A_344 = arith.andi %get3A_341, %and3A_343 : vector<16xi32>
    %swap3A_345 = arith.constant 1 : i32
    %swap3A_346 = arith.index_cast %swap3A_345 : i32 to index
    %swap3A_347 = arith.constant 80 : index
    %swap3A_348 = tpu.vector_load %arg7[%swap3A_346, %swap3A_347] {strides = array<i32>} : memref<2x128xi32, #tpu.memory_space<vmem>>, vector<1x16xi32>,
    %swap3A_349 = vector.shape_cast %swap3A_348 : vector<1x16xi32> to vector<16xi32>
    %swap3A_350 = vector.shape_cast %and3A_344 : vector<16xi32> to vector<1x16xi32>
    tpu.vector_store %arg7[%swap3A_346, %swap3A_347], %swap3A_350 {strides = array<i32>} : memref<2x128xi32, #tpu.memory_space<vmem>>, vector<1x16xi32>,
    %shift_right_logical3A_351 = arith.constant 14 : i32
    %shift_right_logical3A_352 = vector.broadcast %shift_right_logical3A_351 : i32 to vector<16xi32>
    %shift_right_logical3A_353 = arith.shrui %get3A_341, %shift_right_logical3A_352 : vector<16xi32>
    %swap3A_354 = arith.constant 1 : i32
    %swap3A_355 = arith.index_cast %swap3A_354 : i32 to index
    %swap3A_356 = arith.constant 80 : index
    %swap3A_357 = tpu.vector_load %arg8[%swap3A_355, %swap3A_356] {strides = array<i32>} : memref<2x128xi32, #tpu.memory_space<vmem>>, vector<1x16xi32>,
    %swap3A_358 = vector.shape_cast %swap3A_357 : vector<1x16xi32> to vector<16xi32>
    %swap3A_359 = vector.shape_cast %shift_right_logical3A_353 : vector<16xi32> to vector<1x16xi32>
    tpu.vector_store %arg8[%swap3A_355, %swap3A_356], %swap3A_359 {strides = array<i32>} : memref<2x128xi32, #tpu.memory_space<vmem>>, vector<1x16xi32>,
    %get3A_360 = arith.constant 1 : i32
    %get3A_361 = arith.index_cast %get3A_360 : i32 to index
    %get3A_362 = arith.constant 96 : index
    %get3A_363 = tpu.vector_load %arg6[%get3A_361, %get3A_362] {strides = array<i32>} : memref<76x128xi32, #tpu.memory_space<vmem>>, vector<1x16xi32>,
    %get3A_364 = vector.shape_cast %get3A_363 : vector<1x16xi32> to vector<16xi32>
    %and3A_365 = arith.constant 16383 : i32
    %and3A_366 = vector.broadcast %and3A_365 : i32 to vector<16xi32>
    %and3A_367 = arith.andi %get3A_364, %and3A_366 : vector<16xi32>
    %swap3A_368 = arith.constant 1 : i32
    %swap3A_369 = arith.index_cast %swap3A_368 : i32 to index
    %swap3A_370 = arith.constant 96 : index
    %swap3A_371 = tpu.vector_load %arg7[%swap3A_369, %swap3A_370] {strides = array<i32>} : memref<2x128xi32, #tpu.memory_space<vmem>>, vector<1x16xi32>,
    %swap3A_372 = vector.shape_cast %swap3A_371 : vector<1x16xi32> to vector<16xi32>
    %swap3A_373 = vector.shape_cast %and3A_367 : vector<16xi32> to vector<1x16xi32>
    tpu.vector_store %arg7[%swap3A_369, %swap3A_370], %swap3A_373 {strides = array<i32>} : memref<2x128xi32, #tpu.memory_space<vmem>>, vector<1x16xi32>,
    %shift_right_logical3A_374 = arith.constant 14 : i32
    %shift_right_logical3A_375 = vector.broadcast %shift_right_logical3A_374 : i32 to vector<16xi32>
    %shift_right_logical3A_376 = arith.shrui %get3A_364, %shift_right_logical3A_375 : vector<16xi32>
    %swap3A_377 = arith.constant 1 : i32
    %swap3A_378 = arith.index_cast %swap3A_377 : i32 to index
    %swap3A_379 = arith.constant 96 : index
    %swap3A_380 = tpu.vector_load %arg8[%swap3A_378, %swap3A_379] {strides = array<i32>} : memref<2x128xi32, #tpu.memory_space<vmem>>, vector<1x16xi32>,
    %swap3A_381 = vector.shape_cast %swap3A_380 : vector<1x16xi32> to vector<16xi32>
    %swap3A_382 = vector.shape_cast %shift_right_logical3A_376 : vector<16xi32> to vector<1x16xi32>
    tpu.vector_store %arg8[%swap3A_378, %swap3A_379], %swap3A_382 {strides = array<i32>} : memref<2x128xi32, #tpu.memory_space<vmem>>, vector<1x16xi32>,
    %get3A_383 = arith.constant 1 : i32
    %get3A_384 = arith.index_cast %get3A_383 : i32 to index
    %get3A_385 = arith.constant 112 : index
    %get3A_386 = tpu.vector_load %arg6[%get3A_384, %get3A_385] {strides = array<i32>} : memref<76x128xi32, #tpu.memory_space<vmem>>, vector<1x16xi32>,
    %get3A_387 = vector.shape_cast %get3A_386 : vector<1x16xi32> to vector<16xi32>
    %and3A_388 = arith.constant 16383 : i32
    %and3A_389 = vector.broadcast %and3A_388 : i32 to vector<16xi32>
    %and3A_390 = arith.andi %get3A_387, %and3A_389 : vector<16xi32>
    %swap3A_391 = arith.constant 1 : i32
    %swap3A_392 = arith.index_cast %swap3A_391 : i32 to index
    %swap3A_393 = arith.constant 112 : index
    %swap3A_394 = tpu.vector_load %arg7[%swap3A_392, %swap3A_393] {strides = array<i32>} : memref<2x128xi32, #tpu.memory_space<vmem>>, vector<1x16xi32>,
    %swap3A_395 = vector.shape_cast %swap3A_394 : vector<1x16xi32> to vector<16xi32>
    %swap3A_396 = vector.shape_cast %and3A_390 : vector<16xi32> to vector<1x16xi32>
    tpu.vector_store %arg7[%swap3A_392, %swap3A_393], %swap3A_396 {strides = array<i32>} : memref<2x128xi32, #tpu.memory_space<vmem>>, vector<1x16xi32>,
    %shift_right_logical3A_397 = arith.constant 14 : i32
    %shift_right_logical3A_398 = vector.broadcast %shift_right_logical3A_397 : i32 to vector<16xi32>
    %shift_right_logical3A_399 = arith.shrui %get3A_387, %shift_right_logical3A_398 : vector<16xi32>
    %swap3A_400 = arith.constant 1 : i32
    %swap3A_401 = arith.index_cast %swap3A_400 : i32 to index
    %swap3A_402 = arith.constant 112 : index
    %swap3A_403 = tpu.vector_load %arg8[%swap3A_401, %swap3A_402] {strides = array<i32>} : memref<2x128xi32, #tpu.memory_space<vmem>>, vector<1x16xi32>,
    %swap3A_404 = vector.shape_cast %swap3A_403 : vector<1x16xi32> to vector<16xi32>
    %swap3A_405 = vector.shape_cast %shift_right_logical3A_399 : vector<16xi32> to vector<1x16xi32>
    tpu.vector_store %arg8[%swap3A_401, %swap3A_402], %swap3A_405 {strides = array<i32>} : memref<2x128xi32, #tpu.memory_space<vmem>>, vector<1x16xi32>,
    %jit3A_406 = arith.constant 2 : i32
    %div3A = arith.divsi %select_n3A, %jit3A_406 : i32
    %sign3A = arith.constant 0 : i32
    %sign3A_407 = arith.cmpi sgt, %select_n3A, %sign3A : i32
    %sign3A_408 = arith.extui %sign3A_407 : i1 to i32
    %sign3A_409 = arith.constant 0 : i32
    %sign3A_410 = arith.cmpi slt, %select_n3A, %sign3A_409 : i32
    %sign3A_411 = arith.extui %sign3A_410 : i1 to i32
    %sign3A_412 = arith.subi %sign3A_408, %sign3A_411 : i32
    %sign3A_413 = arith.constant 0 : i32
    %sign3A_414 = arith.cmpi sgt, %jit3A_406, %sign3A_413 : i32
    %sign3A_415 = arith.extui %sign3A_414 : i1 to i32
    %sign3A_416 = arith.constant 0 : i32
    %sign3A_417 = arith.cmpi slt, %jit3A_406, %sign3A_416 : i32
    %sign3A_418 = arith.extui %sign3A_417 : i1 to i32
    %sign3A_419 = arith.subi %sign3A_415, %sign3A_418 : i32
    %ne3A = arith.cmpi ne, %sign3A_412, %sign3A_419 : i32
    %rem3A = arith.remsi %select_n3A, %jit3A_406 : i32
    %ne3A_420 = arith.constant 0 : i32
    %ne3A_421 = arith.cmpi ne, %rem3A, %ne3A_420 : i32
    %and3A_422 = arith.andi %ne3A, %ne3A_421 : i1
    %sub3A = arith.constant 1 : i32
    %sub3A_423 = arith.subi %div3A, %sub3A : i32
    %select_n3A_424 = arith.select %and3A_422, %sub3A_423, %div3A : i32
    %while3A = arith.constant 0 : i32
    %while3A_425 = arith.constant 0 : i32
    %while3A_426 = arith.subi %select_n3A_424, %while3A : i32
    %while3A_427 = arith.addi %while3A, %while3A_426 : i32
    %while3A_428 = arith.constant 1 : i32
    %while3A_429 = arith.divsi %while3A_426, %while3A_428 : i32
    %while3A_430 = arith.muli %while3A_429, %while3A_428 : i32
    %while3A_431 = arith.addi %while3A, %while3A_430 : i32
    %while3A_432 = arith.constant 1 : i32
    %while3A_433 = scf.for %while3A_437 = %while3A to %while3A_431 step %while3A_432 iter_args(%while3A_438 = %while3A_425) -> (i32)  : i32 {
      %mul3A_439 = arith.constant 2 : i32
      %mul3A_440 = arith.muli %mul3A_439, %while3A_437 : i32
      %add3A_441 = arith.constant 1 : i32
      %add3A_442 = arith.addi %mul3A_440, %add3A_441 : i32
      %dma_start3A_443 = arith.constant 1 : i32
      %dma_start3A_444 = arith.constant 0 : i32
      %dma_start3A_445 = tpu.memref_slice %arg7[%dma_start3A_443, %dma_start3A_444] : memref<2x128xi32, #tpu.memory_space<vmem>> -> memref<1x128xi32, #tpu.memory_space<vmem>>
      %dma_start3A_446 = tpu.memref_squeeze %dma_start3A_445 : memref<1x128xi32, #tpu.memory_space<vmem>> -> memref<128xi32, #tpu.memory_space<vmem>>
      %dma_start3A_447 = arith.constant 0 : i32
      %dma_start3A_448 = arith.constant 0 : i32
      %dma_start3A_449 = tpu.memref_slice %arg2[%dma_start3A_447, %dma_start3A_448] : memref<10000x128xf32, #tpu.memory_space<hbm>> -> memref<10000x128xf32, #tpu.memory_space<hbm>>
      tpu.enqueue_indirect_dma source(%dma_start3A_449 : memref<10000x128xf32, #tpu.memory_space<hbm>>) target(%arg10 : memref<128x128xf32, #tpu.memory_space<vmem>>) offsets(%dma_start3A_446 : memref<128xi32, #tpu.memory_space<vmem>>) semaphore(%arg12 : memref<!tpu.dma_semaphore, #tpu.memory_space<semaphore_mem>>)
      %dma_wait3A = arith.constant 0 : i32
      %dma_wait3A_450 = arith.constant 0 : i32
      %dma_wait3A_451 = tpu.memref_slice %arg7[%dma_wait3A, %dma_wait3A_450] : memref<2x128xi32, #tpu.memory_space<vmem>> -> memref<1x128xi32, #tpu.memory_space<vmem>>
      %dma_wait3A_452 = tpu.memref_squeeze %dma_wait3A_451 : memref<1x128xi32, #tpu.memory_space<vmem>> -> memref<128xi32, #tpu.memory_space<vmem>>
      %dma_wait3A_453 = arith.constant 0 : i32
      %dma_wait3A_454 = arith.constant 0 : i32
      %dma_wait3A_455 = tpu.memref_slice %arg2[%dma_wait3A_453, %dma_wait3A_454] : memref<10000x128xf32, #tpu.memory_space<hbm>> -> memref<10000x128xf32, #tpu.memory_space<hbm>>
      tpu.wait_indirect_dma semaphore(%arg12 : memref<!tpu.dma_semaphore, #tpu.memory_space<semaphore_mem>>) src(%dma_wait3A_455 : memref<10000x128xf32, #tpu.memory_space<hbm>>) dst(%arg9 : memref<128x128xf32, #tpu.memory_space<vmem>>)
      %run_scoped3A = arith.constant 0 : i32
      "tpu.region"() ({
        %run_scoped3A_476 = tpu.sem_alloc : memref<!tpu.dma_semaphore, #tpu.memory_space<semaphore_mem>>
        %dma_start3A_477 = arith.constant 0 : i32
        %dma_start3A_478 = tpu.memref_slice %arg8[%run_scoped3A, %dma_start3A_477] : memref<2x128xi32, #tpu.memory_space<vmem>> -> memref<1x128xi32, #tpu.memory_space<vmem>>
        %dma_start3A_479 = tpu.memref_squeeze %dma_start3A_478 : memref<1x128xi32, #tpu.memory_space<vmem>> -> memref<128xi32, #tpu.memory_space<vmem>>
        %dma_start3A_480 = arith.constant 0 : i32
        %dma_start3A_481 = arith.constant 0 : i32
        %dma_start3A_482 = tpu.memref_slice %arg11[%dma_start3A_480, %dma_start3A_481] : memref<10112x128xf32, #tpu.memory_space<vmem_shared>> -> memref<10112x128xf32, #tpu.memory_space<vmem_shared>>
        tpu.enqueue_indirect_dma source(%arg9 : memref<128x128xf32, #tpu.memory_space<vmem>>) target(%dma_start3A_482 : memref<10112x128xf32, #tpu.memory_space<vmem_shared>>) offsets(%dma_start3A_479 : memref<128xi32, #tpu.memory_space<vmem>>) semaphore(%run_scoped3A_476 : memref<!tpu.dma_semaphore, #tpu.memory_space<semaphore_mem>>) {add = true}
        %dma_wait3A_483 = arith.constant 0 : i32
        %dma_wait3A_484 = tpu.memref_slice %arg8[%run_scoped3A, %dma_wait3A_483] : memref<2x128xi32, #tpu.memory_space<vmem>> -> memref<1x128xi32, #tpu.memory_space<vmem>>
        %dma_wait3A_485 = tpu.memref_squeeze %dma_wait3A_484 : memref<1x128xi32, #tpu.memory_space<vmem>> -> memref<128xi32, #tpu.memory_space<vmem>>
        %dma_wait3A_486 = arith.constant 0 : i32
        %dma_wait3A_487 = arith.constant 0 : i32
        %dma_wait3A_488 = tpu.memref_slice %arg11[%dma_wait3A_486, %dma_wait3A_487] : memref<10112x128xf32, #tpu.memory_space<vmem_shared>> -> memref<10112x128xf32, #tpu.memory_space<vmem_shared>>
        tpu.wait_indirect_dma semaphore(%run_scoped3A_476 : memref<!tpu.dma_semaphore, #tpu.memory_space<semaphore_mem>>) src(%arg9 : memref<128x128xf32, #tpu.memory_space<vmem>>) dst(%dma_wait3A_488 : memref<10112x128xf32, #tpu.memory_space<vmem_shared>>)
        tpu.yield
      }) : () -> ()
      %sub3A_456 = arith.constant 1 : i32
      %sub3A_457 = arith.subi %select_n3A_424, %sub3A_456 : i32
      %lt3A = arith.cmpi slt, %while3A_437, %sub3A_457 : i32
      %convert_element_type3A_458 = arith.extui %lt3A : i1 to i32
      %cond3A_459 = arith.constant 0 : i32
      %cond3A_460 = arith.cmpi ne, %convert_element_type3A_458, %cond3A_459 : i32
      scf.if %cond3A_460 {
        %add3A_476 = arith.constant 2 : i32
        %add3A_477 = arith.addi %mul3A_440, %add3A_476 : i32
        %get3A_478 = arith.index_cast %add3A_477 : i32 to index
        %get3A_479 = arith.constant 0 : index
        %get3A_480 = tpu.vector_load %arg6[%get3A_478, %get3A_479] {strides = array<i32>} : memref<76x128xi32, #tpu.memory_space<vmem>>, vector<1x16xi32>,
        %get3A_481 = vector.shape_cast %get3A_480 : vector<1x16xi32> to vector<16xi32>
        %and3A_482 = arith.constant 16383 : i32
        %and3A_483 = vector.broadcast %and3A_482 : i32 to vector<16xi32>
        %and3A_484 = arith.andi %get3A_481, %and3A_483 : vector<16xi32>
        %swap3A_485 = arith.constant 0 : i32
        %swap3A_486 = arith.index_cast %swap3A_485 : i32 to index
        %swap3A_487 = arith.constant 0 : index
        %swap3A_488 = tpu.vector_load %arg7[%swap3A_486, %swap3A_487] {strides = array<i32>} : memref<2x128xi32, #tpu.memory_space<vmem>>, vector<1x16xi32>,
        %swap3A_489 = vector.shape_cast %swap3A_488 : vector<1x16xi32> to vector<16xi32>
        %swap3A_490 = vector.shape_cast %and3A_484 : vector<16xi32> to vector<1x16xi32>
        tpu.vector_store %arg7[%swap3A_486, %swap3A_487], %swap3A_490 {strides = array<i32>} : memref<2x128xi32, #tpu.memory_space<vmem>>, vector<1x16xi32>,
        %shift_right_logical3A_491 = arith.constant 14 : i32
        %shift_right_logical3A_492 = vector.broadcast %shift_right_logical3A_491 : i32 to vector<16xi32>
        %shift_right_logical3A_493 = arith.shrui %get3A_481, %shift_right_logical3A_492 : vector<16xi32>
        %swap3A_494 = arith.constant 0 : i32
        %swap3A_495 = arith.index_cast %swap3A_494 : i32 to index
        %swap3A_496 = arith.constant 0 : index
        %swap3A_497 = tpu.vector_load %arg8[%swap3A_495, %swap3A_496] {strides = array<i32>} : memref<2x128xi32, #tpu.memory_space<vmem>>, vector<1x16xi32>,
        %swap3A_498 = vector.shape_cast %swap3A_497 : vector<1x16xi32> to vector<16xi32>
        %swap3A_499 = vector.shape_cast %shift_right_logical3A_493 : vector<16xi32> to vector<1x16xi32>
        tpu.vector_store %arg8[%swap3A_495, %swap3A_496], %swap3A_499 {strides = array<i32>} : memref<2x128xi32, #tpu.memory_space<vmem>>, vector<1x16xi32>,
        %get3A_500 = arith.index_cast %add3A_477 : i32 to index
        %get3A_501 = arith.constant 16 : index
        %get3A_502 = tpu.vector_load %arg6[%get3A_500, %get3A_501] {strides = array<i32>} : memref<76x128xi32, #tpu.memory_space<vmem>>, vector<1x16xi32>,
        %get3A_503 = vector.shape_cast %get3A_502 : vector<1x16xi32> to vector<16xi32>
        %and3A_504 = arith.constant 16383 : i32
        %and3A_505 = vector.broadcast %and3A_504 : i32 to vector<16xi32>
        %and3A_506 = arith.andi %get3A_503, %and3A_505 : vector<16xi32>
        %swap3A_507 = arith.constant 0 : i32
        %swap3A_508 = arith.index_cast %swap3A_507 : i32 to index
        %swap3A_509 = arith.constant 16 : index
        %swap3A_510 = tpu.vector_load %arg7[%swap3A_508, %swap3A_509] {strides = array<i32>} : memref<2x128xi32, #tpu.memory_space<vmem>>, vector<1x16xi32>,
        %swap3A_511 = vector.shape_cast %swap3A_510 : vector<1x16xi32> to vector<16xi32>
        %swap3A_512 = vector.shape_cast %and3A_506 : vector<16xi32> to vector<1x16xi32>
        tpu.vector_store %arg7[%swap3A_508, %swap3A_509], %swap3A_512 {strides = array<i32>} : memref<2x128xi32, #tpu.memory_space<vmem>>, vector<1x16xi32>,
        %shift_right_logical3A_513 = arith.constant 14 : i32
        %shift_right_logical3A_514 = vector.broadcast %shift_right_logical3A_513 : i32 to vector<16xi32>
        %shift_right_logical3A_515 = arith.shrui %get3A_503, %shift_right_logical3A_514 : vector<16xi32>
        %swap3A_516 = arith.constant 0 : i32
        %swap3A_517 = arith.index_cast %swap3A_516 : i32 to index
        %swap3A_518 = arith.constant 16 : index
        %swap3A_519 = tpu.vector_load %arg8[%swap3A_517, %swap3A_518] {strides = array<i32>} : memref<2x128xi32, #tpu.memory_space<vmem>>, vector<1x16xi32>,
        %swap3A_520 = vector.shape_cast %swap3A_519 : vector<1x16xi32> to vector<16xi32>
        %swap3A_521 = vector.shape_cast %shift_right_logical3A_515 : vector<16xi32> to vector<1x16xi32>
        tpu.vector_store %arg8[%swap3A_517, %swap3A_518], %swap3A_521 {strides = array<i32>} : memref<2x128xi32, #tpu.memory_space<vmem>>, vector<1x16xi32>,
        %get3A_522 = arith.index_cast %add3A_477 : i32 to index
        %get3A_523 = arith.constant 32 : index
        %get3A_524 = tpu.vector_load %arg6[%get3A_522, %get3A_523] {strides = array<i32>} : memref<76x128xi32, #tpu.memory_space<vmem>>, vector<1x16xi32>,
        %get3A_525 = vector.shape_cast %get3A_524 : vector<1x16xi32> to vector<16xi32>
        %and3A_526 = arith.constant 16383 : i32
        %and3A_527 = vector.broadcast %and3A_526 : i32 to vector<16xi32>
        %and3A_528 = arith.andi %get3A_525, %and3A_527 : vector<16xi32>
        %swap3A_529 = arith.constant 0 : i32
        %swap3A_530 = arith.index_cast %swap3A_529 : i32 to index
        %swap3A_531 = arith.constant 32 : index
        %swap3A_532 = tpu.vector_load %arg7[%swap3A_530, %swap3A_531] {strides = array<i32>} : memref<2x128xi32, #tpu.memory_space<vmem>>, vector<1x16xi32>,
        %swap3A_533 = vector.shape_cast %swap3A_532 : vector<1x16xi32> to vector<16xi32>
        %swap3A_534 = vector.shape_cast %and3A_528 : vector<16xi32> to vector<1x16xi32>
        tpu.vector_store %arg7[%swap3A_530, %swap3A_531], %swap3A_534 {strides = array<i32>} : memref<2x128xi32, #tpu.memory_space<vmem>>, vector<1x16xi32>,
        %shift_right_logical3A_535 = arith.constant 14 : i32
        %shift_right_logical3A_536 = vector.broadcast %shift_right_logical3A_535 : i32 to vector<16xi32>
        %shift_right_logical3A_537 = arith.shrui %get3A_525, %shift_right_logical3A_536 : vector<16xi32>
        %swap3A_538 = arith.constant 0 : i32
        %swap3A_539 = arith.index_cast %swap3A_538 : i32 to index
        %swap3A_540 = arith.constant 32 : index
        %swap3A_541 = tpu.vector_load %arg8[%swap3A_539, %swap3A_540] {strides = array<i32>} : memref<2x128xi32, #tpu.memory_space<vmem>>, vector<1x16xi32>,
        %swap3A_542 = vector.shape_cast %swap3A_541 : vector<1x16xi32> to vector<16xi32>
        %swap3A_543 = vector.shape_cast %shift_right_logical3A_537 : vector<16xi32> to vector<1x16xi32>
        tpu.vector_store %arg8[%swap3A_539, %swap3A_540], %swap3A_543 {strides = array<i32>} : memref<2x128xi32, #tpu.memory_space<vmem>>, vector<1x16xi32>,
        %get3A_544 = arith.index_cast %add3A_477 : i32 to index
        %get3A_545 = arith.constant 48 : index
        %get3A_546 = tpu.vector_load %arg6[%get3A_544, %get3A_545] {strides = array<i32>} : memref<76x128xi32, #tpu.memory_space<vmem>>, vector<1x16xi32>,
        %get3A_547 = vector.shape_cast %get3A_546 : vector<1x16xi32> to vector<16xi32>
        %and3A_548 = arith.constant 16383 : i32
        %and3A_549 = vector.broadcast %and3A_548 : i32 to vector<16xi32>
        %and3A_550 = arith.andi %get3A_547, %and3A_549 : vector<16xi32>
        %swap3A_551 = arith.constant 0 : i32
        %swap3A_552 = arith.index_cast %swap3A_551 : i32 to index
        %swap3A_553 = arith.constant 48 : index
        %swap3A_554 = tpu.vector_load %arg7[%swap3A_552, %swap3A_553] {strides = array<i32>} : memref<2x128xi32, #tpu.memory_space<vmem>>, vector<1x16xi32>,
        %swap3A_555 = vector.shape_cast %swap3A_554 : vector<1x16xi32> to vector<16xi32>
        %swap3A_556 = vector.shape_cast %and3A_550 : vector<16xi32> to vector<1x16xi32>
        tpu.vector_store %arg7[%swap3A_552, %swap3A_553], %swap3A_556 {strides = array<i32>} : memref<2x128xi32, #tpu.memory_space<vmem>>, vector<1x16xi32>,
        %shift_right_logical3A_557 = arith.constant 14 : i32
        %shift_right_logical3A_558 = vector.broadcast %shift_right_logical3A_557 : i32 to vector<16xi32>
        %shift_right_logical3A_559 = arith.shrui %get3A_547, %shift_right_logical3A_558 : vector<16xi32>
        %swap3A_560 = arith.constant 0 : i32
        %swap3A_561 = arith.index_cast %swap3A_560 : i32 to index
        %swap3A_562 = arith.constant 48 : index
        %swap3A_563 = tpu.vector_load %arg8[%swap3A_561, %swap3A_562] {strides = array<i32>} : memref<2x128xi32, #tpu.memory_space<vmem>>, vector<1x16xi32>,
        %swap3A_564 = vector.shape_cast %swap3A_563 : vector<1x16xi32> to vector<16xi32>
        %swap3A_565 = vector.shape_cast %shift_right_logical3A_559 : vector<16xi32> to vector<1x16xi32>
        tpu.vector_store %arg8[%swap3A_561, %swap3A_562], %swap3A_565 {strides = array<i32>} : memref<2x128xi32, #tpu.memory_space<vmem>>, vector<1x16xi32>,
        %get3A_566 = arith.index_cast %add3A_477 : i32 to index
        %get3A_567 = arith.constant 64 : index
        %get3A_568 = tpu.vector_load %arg6[%get3A_566, %get3A_567] {strides = array<i32>} : memref<76x128xi32, #tpu.memory_space<vmem>>, vector<1x16xi32>,
        %get3A_569 = vector.shape_cast %get3A_568 : vector<1x16xi32> to vector<16xi32>
        %and3A_570 = arith.constant 16383 : i32
        %and3A_571 = vector.broadcast %and3A_570 : i32 to vector<16xi32>
        %and3A_572 = arith.andi %get3A_569, %and3A_571 : vector<16xi32>
        %swap3A_573 = arith.constant 0 : i32
        %swap3A_574 = arith.index_cast %swap3A_573 : i32 to index
        %swap3A_575 = arith.constant 64 : index
        %swap3A_576 = tpu.vector_load %arg7[%swap3A_574, %swap3A_575] {strides = array<i32>} : memref<2x128xi32, #tpu.memory_space<vmem>>, vector<1x16xi32>,
        %swap3A_577 = vector.shape_cast %swap3A_576 : vector<1x16xi32> to vector<16xi32>
        %swap3A_578 = vector.shape_cast %and3A_572 : vector<16xi32> to vector<1x16xi32>
        tpu.vector_store %arg7[%swap3A_574, %swap3A_575], %swap3A_578 {strides = array<i32>} : memref<2x128xi32, #tpu.memory_space<vmem>>, vector<1x16xi32>,
        %shift_right_logical3A_579 = arith.constant 14 : i32
        %shift_right_logical3A_580 = vector.broadcast %shift_right_logical3A_579 : i32 to vector<16xi32>
        %shift_right_logical3A_581 = arith.shrui %get3A_569, %shift_right_logical3A_580 : vector<16xi32>
        %swap3A_582 = arith.constant 0 : i32
        %swap3A_583 = arith.index_cast %swap3A_582 : i32 to index
        %swap3A_584 = arith.constant 64 : index
        %swap3A_585 = tpu.vector_load %arg8[%swap3A_583, %swap3A_584] {strides = array<i32>} : memref<2x128xi32, #tpu.memory_space<vmem>>, vector<1x16xi32>,
        %swap3A_586 = vector.shape_cast %swap3A_585 : vector<1x16xi32> to vector<16xi32>
        %swap3A_587 = vector.shape_cast %shift_right_logical3A_581 : vector<16xi32> to vector<1x16xi32>
        tpu.vector_store %arg8[%swap3A_583, %swap3A_584], %swap3A_587 {strides = array<i32>} : memref<2x128xi32, #tpu.memory_space<vmem>>, vector<1x16xi32>,
        %get3A_588 = arith.index_cast %add3A_477 : i32 to index
        %get3A_589 = arith.constant 80 : index
        %get3A_590 = tpu.vector_load %arg6[%get3A_588, %get3A_589] {strides = array<i32>} : memref<76x128xi32, #tpu.memory_space<vmem>>, vector<1x16xi32>,
        %get3A_591 = vector.shape_cast %get3A_590 : vector<1x16xi32> to vector<16xi32>
        %and3A_592 = arith.constant 16383 : i32
        %and3A_593 = vector.broadcast %and3A_592 : i32 to vector<16xi32>
        %and3A_594 = arith.andi %get3A_591, %and3A_593 : vector<16xi32>
        %swap3A_595 = arith.constant 0 : i32
        %swap3A_596 = arith.index_cast %swap3A_595 : i32 to index
        %swap3A_597 = arith.constant 80 : index
        %swap3A_598 = tpu.vector_load %arg7[%swap3A_596, %swap3A_597] {strides = array<i32>} : memref<2x128xi32, #tpu.memory_space<vmem>>, vector<1x16xi32>,
        %swap3A_599 = vector.shape_cast %swap3A_598 : vector<1x16xi32> to vector<16xi32>
        %swap3A_600 = vector.shape_cast %and3A_594 : vector<16xi32> to vector<1x16xi32>
        tpu.vector_store %arg7[%swap3A_596, %swap3A_597], %swap3A_600 {strides = array<i32>} : memref<2x128xi32, #tpu.memory_space<vmem>>, vector<1x16xi32>,
        %shift_right_logical3A_601 = arith.constant 14 : i32
        %shift_right_logical3A_602 = vector.broadcast %shift_right_logical3A_601 : i32 to vector<16xi32>
        %shift_right_logical3A_603 = arith.shrui %get3A_591, %shift_right_logical3A_602 : vector<16xi32>
        %swap3A_604 = arith.constant 0 : i32
        %swap3A_605 = arith.index_cast %swap3A_604 : i32 to index
        %swap3A_606 = arith.constant 80 : index
        %swap3A_607 = tpu.vector_load %arg8[%swap3A_605, %swap3A_606] {strides = array<i32>} : memref<2x128xi32, #tpu.memory_space<vmem>>, vector<1x16xi32>,
        %swap3A_608 = vector.shape_cast %swap3A_607 : vector<1x16xi32> to vector<16xi32>
        %swap3A_609 = vector.shape_cast %shift_right_logical3A_603 : vector<16xi32> to vector<1x16xi32>
        tpu.vector_store %arg8[%swap3A_605, %swap3A_606], %swap3A_609 {strides = array<i32>} : memref<2x128xi32, #tpu.memory_space<vmem>>, vector<1x16xi32>,
        %get3A_610 = arith.index_cast %add3A_477 : i32 to index
        %get3A_611 = arith.constant 96 : index
        %get3A_612 = tpu.vector_load %arg6[%get3A_610, %get3A_611] {strides = array<i32>} : memref<76x128xi32, #tpu.memory_space<vmem>>, vector<1x16xi32>,
        %get3A_613 = vector.shape_cast %get3A_612 : vector<1x16xi32> to vector<16xi32>
        %and3A_614 = arith.constant 16383 : i32
        %and3A_615 = vector.broadcast %and3A_614 : i32 to vector<16xi32>
        %and3A_616 = arith.andi %get3A_613, %and3A_615 : vector<16xi32>
        %swap3A_617 = arith.constant 0 : i32
        %swap3A_618 = arith.index_cast %swap3A_617 : i32 to index
        %swap3A_619 = arith.constant 96 : index
        %swap3A_620 = tpu.vector_load %arg7[%swap3A_618, %swap3A_619] {strides = array<i32>} : memref<2x128xi32, #tpu.memory_space<vmem>>, vector<1x16xi32>,
        %swap3A_621 = vector.shape_cast %swap3A_620 : vector<1x16xi32> to vector<16xi32>
        %swap3A_622 = vector.shape_cast %and3A_616 : vector<16xi32> to vector<1x16xi32>
        tpu.vector_store %arg7[%swap3A_618, %swap3A_619], %swap3A_622 {strides = array<i32>} : memref<2x128xi32, #tpu.memory_space<vmem>>, vector<1x16xi32>,
        %shift_right_logical3A_623 = arith.constant 14 : i32
        %shift_right_logical3A_624 = vector.broadcast %shift_right_logical3A_623 : i32 to vector<16xi32>
        %shift_right_logical3A_625 = arith.shrui %get3A_613, %shift_right_logical3A_624 : vector<16xi32>
        %swap3A_626 = arith.constant 0 : i32
        %swap3A_627 = arith.index_cast %swap3A_626 : i32 to index
        %swap3A_628 = arith.constant 96 : index
        %swap3A_629 = tpu.vector_load %arg8[%swap3A_627, %swap3A_628] {strides = array<i32>} : memref<2x128xi32, #tpu.memory_space<vmem>>, vector<1x16xi32>,
        %swap3A_630 = vector.shape_cast %swap3A_629 : vector<1x16xi32> to vector<16xi32>
        %swap3A_631 = vector.shape_cast %shift_right_logical3A_625 : vector<16xi32> to vector<1x16xi32>
        tpu.vector_store %arg8[%swap3A_627, %swap3A_628], %swap3A_631 {strides = array<i32>} : memref<2x128xi32, #tpu.memory_space<vmem>>, vector<1x16xi32>,
        %get3A_632 = arith.index_cast %add3A_477 : i32 to index
        %get3A_633 = arith.constant 112 : index
        %get3A_634 = tpu.vector_load %arg6[%get3A_632, %get3A_633] {strides = array<i32>} : memref<76x128xi32, #tpu.memory_space<vmem>>, vector<1x16xi32>,
        %get3A_635 = vector.shape_cast %get3A_634 : vector<1x16xi32> to vector<16xi32>
        %and3A_636 = arith.constant 16383 : i32
        %and3A_637 = vector.broadcast %and3A_636 : i32 to vector<16xi32>
        %and3A_638 = arith.andi %get3A_635, %and3A_637 : vector<16xi32>
        %swap3A_639 = arith.constant 0 : i32
        %swap3A_640 = arith.index_cast %swap3A_639 : i32 to index
        %swap3A_641 = arith.constant 112 : index
        %swap3A_642 = tpu.vector_load %arg7[%swap3A_640, %swap3A_641] {strides = array<i32>} : memref<2x128xi32, #tpu.memory_space<vmem>>, vector<1x16xi32>,
        %swap3A_643 = vector.shape_cast %swap3A_642 : vector<1x16xi32> to vector<16xi32>
        %swap3A_644 = vector.shape_cast %and3A_638 : vector<16xi32> to vector<1x16xi32>
        tpu.vector_store %arg7[%swap3A_640, %swap3A_641], %swap3A_644 {strides = array<i32>} : memref<2x128xi32, #tpu.memory_space<vmem>>, vector<1x16xi32>,
        %shift_right_logical3A_645 = arith.constant 14 : i32
        %shift_right_logical3A_646 = vector.broadcast %shift_right_logical3A_645 : i32 to vector<16xi32>
        %shift_right_logical3A_647 = arith.shrui %get3A_635, %shift_right_logical3A_646 : vector<16xi32>
        %swap3A_648 = arith.constant 0 : i32
        %swap3A_649 = arith.index_cast %swap3A_648 : i32 to index
        %swap3A_650 = arith.constant 112 : index
        %swap3A_651 = tpu.vector_load %arg8[%swap3A_649, %swap3A_650] {strides = array<i32>} : memref<2x128xi32, #tpu.memory_space<vmem>>, vector<1x16xi32>,
        %swap3A_652 = vector.shape_cast %swap3A_651 : vector<1x16xi32> to vector<16xi32>
        %swap3A_653 = vector.shape_cast %shift_right_logical3A_647 : vector<16xi32> to vector<1x16xi32>
        tpu.vector_store %arg8[%swap3A_649, %swap3A_650], %swap3A_653 {strides = array<i32>} : memref<2x128xi32, #tpu.memory_space<vmem>>, vector<1x16xi32>,
        %dma_start3A_654 = arith.constant 0 : i32
        %dma_start3A_655 = arith.constant 0 : i32
        %dma_start3A_656 = tpu.memref_slice %arg7[%dma_start3A_654, %dma_start3A_655] : memref<2x128xi32, #tpu.memory_space<vmem>> -> memref<1x128xi32, #tpu.memory_space<vmem>>
        %dma_start3A_657 = tpu.memref_squeeze %dma_start3A_656 : memref<1x128xi32, #tpu.memory_space<vmem>> -> memref<128xi32, #tpu.memory_space<vmem>>
        %dma_start3A_658 = arith.constant 0 : i32
        %dma_start3A_659 = arith.constant 0 : i32
        %dma_start3A_660 = tpu.memref_slice %arg2[%dma_start3A_658, %dma_start3A_659] : memref<10000x128xf32, #tpu.memory_space<hbm>> -> memref<10000x128xf32, #tpu.memory_space<hbm>>
        tpu.enqueue_indirect_dma source(%dma_start3A_660 : memref<10000x128xf32, #tpu.memory_space<hbm>>) target(%arg9 : memref<128x128xf32, #tpu.memory_space<vmem>>) offsets(%dma_start3A_657 : memref<128xi32, #tpu.memory_space<vmem>>) semaphore(%arg12 : memref<!tpu.dma_semaphore, #tpu.memory_space<semaphore_mem>>)
      } else {
      }
      %dma_wait3A_461 = arith.constant 1 : i32
      %dma_wait3A_462 = arith.constant 0 : i32
      %dma_wait3A_463 = tpu.memref_slice %arg7[%dma_wait3A_461, %dma_wait3A_462] : memref<2x128xi32, #tpu.memory_space<vmem>> -> memref<1x128xi32, #tpu.memory_space<vmem>>
      %dma_wait3A_464 = tpu.memref_squeeze %dma_wait3A_463 : memref<1x128xi32, #tpu.memory_space<vmem>> -> memref<128xi32, #tpu.memory_space<vmem>>
      %dma_wait3A_465 = arith.constant 0 : i32
      %dma_wait3A_466 = arith.constant 0 : i32
      %dma_wait3A_467 = tpu.memref_slice %arg2[%dma_wait3A_465, %dma_wait3A_466] : memref<10000x128xf32, #tpu.memory_space<hbm>> -> memref<10000x128xf32, #tpu.memory_space<hbm>>
      tpu.wait_indirect_dma semaphore(%arg12 : memref<!tpu.dma_semaphore, #tpu.memory_space<semaphore_mem>>) src(%dma_wait3A_467 : memref<10000x128xf32, #tpu.memory_space<hbm>>) dst(%arg10 : memref<128x128xf32, #tpu.memory_space<vmem>>)
      %run_scoped3A_468 = arith.constant 1 : i32
      "tpu.region"() ({
        %run_scoped3A_476 = tpu.sem_alloc : memref<!tpu.dma_semaphore, #tpu.memory_space<semaphore_mem>>
        %dma_start3A_477 = arith.constant 0 : i32
        %dma_start3A_478 = tpu.memref_slice %arg8[%run_scoped3A_468, %dma_start3A_477] : memref<2x128xi32, #tpu.memory_space<vmem>> -> memref<1x128xi32, #tpu.memory_space<vmem>>
        %dma_start3A_479 = tpu.memref_squeeze %dma_start3A_478 : memref<1x128xi32, #tpu.memory_space<vmem>> -> memref<128xi32, #tpu.memory_space<vmem>>
        %dma_start3A_480 = arith.constant 0 : i32
        %dma_start3A_481 = arith.constant 0 : i32
        %dma_start3A_482 = tpu.memref_slice %arg11[%dma_start3A_480, %dma_start3A_481] : memref<10112x128xf32, #tpu.memory_space<vmem_shared>> -> memref<10112x128xf32, #tpu.memory_space<vmem_shared>>
        tpu.enqueue_indirect_dma source(%arg10 : memref<128x128xf32, #tpu.memory_space<vmem>>) target(%dma_start3A_482 : memref<10112x128xf32, #tpu.memory_space<vmem_shared>>) offsets(%dma_start3A_479 : memref<128xi32, #tpu.memory_space<vmem>>) semaphore(%run_scoped3A_476 : memref<!tpu.dma_semaphore, #tpu.memory_space<semaphore_mem>>) {add = true}
        %dma_wait3A_483 = arith.constant 0 : i32
        %dma_wait3A_484 = tpu.memref_slice %arg8[%run_scoped3A_468, %dma_wait3A_483] : memref<2x128xi32, #tpu.memory_space<vmem>> -> memref<1x128xi32, #tpu.memory_space<vmem>>
        %dma_wait3A_485 = tpu.memref_squeeze %dma_wait3A_484 : memref<1x128xi32, #tpu.memory_space<vmem>> -> memref<128xi32, #tpu.memory_space<vmem>>
        %dma_wait3A_486 = arith.constant 0 : i32
        %dma_wait3A_487 = arith.constant 0 : i32
        %dma_wait3A_488 = tpu.memref_slice %arg11[%dma_wait3A_486, %dma_wait3A_487] : memref<10112x128xf32, #tpu.memory_space<vmem_shared>> -> memref<10112x128xf32, #tpu.memory_space<vmem_shared>>
        tpu.wait_indirect_dma semaphore(%run_scoped3A_476 : memref<!tpu.dma_semaphore, #tpu.memory_space<semaphore_mem>>) src(%arg10 : memref<128x128xf32, #tpu.memory_space<vmem>>) dst(%dma_wait3A_488 : memref<10112x128xf32, #tpu.memory_space<vmem_shared>>)
        tpu.yield
      }) : () -> ()
      %sub3A_469 = arith.constant 1 : i32
      %sub3A_470 = arith.subi %select_n3A_424, %sub3A_469 : i32
      %lt3A_471 = arith.cmpi slt, %while3A_437, %sub3A_470 : i32
      %convert_element_type3A_472 = arith.extui %lt3A_471 : i1 to i32
      %cond3A_473 = arith.constant 0 : i32
      %cond3A_474 = arith.cmpi ne, %convert_element_type3A_472, %cond3A_473 : i32
      scf.if %cond3A_474 {
        %add3A_476 = arith.constant 2 : i32
        %add3A_477 = arith.addi %add3A_442, %add3A_476 : i32
        %get3A_478 = arith.index_cast %add3A_477 : i32 to index
        %get3A_479 = arith.constant 0 : index
        %get3A_480 = tpu.vector_load %arg6[%get3A_478, %get3A_479] {strides = array<i32>} : memref<76x128xi32, #tpu.memory_space<vmem>>, vector<1x16xi32>,
        %get3A_481 = vector.shape_cast %get3A_480 : vector<1x16xi32> to vector<16xi32>
        %and3A_482 = arith.constant 16383 : i32
        %and3A_483 = vector.broadcast %and3A_482 : i32 to vector<16xi32>
        %and3A_484 = arith.andi %get3A_481, %and3A_483 : vector<16xi32>
        %swap3A_485 = arith.constant 1 : i32
        %swap3A_486 = arith.index_cast %swap3A_485 : i32 to index
        %swap3A_487 = arith.constant 0 : index
        %swap3A_488 = tpu.vector_load %arg7[%swap3A_486, %swap3A_487] {strides = array<i32>} : memref<2x128xi32, #tpu.memory_space<vmem>>, vector<1x16xi32>,
        %swap3A_489 = vector.shape_cast %swap3A_488 : vector<1x16xi32> to vector<16xi32>
        %swap3A_490 = vector.shape_cast %and3A_484 : vector<16xi32> to vector<1x16xi32>
        tpu.vector_store %arg7[%swap3A_486, %swap3A_487], %swap3A_490 {strides = array<i32>} : memref<2x128xi32, #tpu.memory_space<vmem>>, vector<1x16xi32>,
        %shift_right_logical3A_491 = arith.constant 14 : i32
        %shift_right_logical3A_492 = vector.broadcast %shift_right_logical3A_491 : i32 to vector<16xi32>
        %shift_right_logical3A_493 = arith.shrui %get3A_481, %shift_right_logical3A_492 : vector<16xi32>
        %swap3A_494 = arith.constant 1 : i32
        %swap3A_495 = arith.index_cast %swap3A_494 : i32 to index
        %swap3A_496 = arith.constant 0 : index
        %swap3A_497 = tpu.vector_load %arg8[%swap3A_495, %swap3A_496] {strides = array<i32>} : memref<2x128xi32, #tpu.memory_space<vmem>>, vector<1x16xi32>,
        %swap3A_498 = vector.shape_cast %swap3A_497 : vector<1x16xi32> to vector<16xi32>
        %swap3A_499 = vector.shape_cast %shift_right_logical3A_493 : vector<16xi32> to vector<1x16xi32>
        tpu.vector_store %arg8[%swap3A_495, %swap3A_496], %swap3A_499 {strides = array<i32>} : memref<2x128xi32, #tpu.memory_space<vmem>>, vector<1x16xi32>,
        %get3A_500 = arith.index_cast %add3A_477 : i32 to index
        %get3A_501 = arith.constant 16 : index
        %get3A_502 = tpu.vector_load %arg6[%get3A_500, %get3A_501] {strides = array<i32>} : memref<76x128xi32, #tpu.memory_space<vmem>>, vector<1x16xi32>,
        %get3A_503 = vector.shape_cast %get3A_502 : vector<1x16xi32> to vector<16xi32>
        %and3A_504 = arith.constant 16383 : i32
        %and3A_505 = vector.broadcast %and3A_504 : i32 to vector<16xi32>
        %and3A_506 = arith.andi %get3A_503, %and3A_505 : vector<16xi32>
        %swap3A_507 = arith.constant 1 : i32
        %swap3A_508 = arith.index_cast %swap3A_507 : i32 to index
        %swap3A_509 = arith.constant 16 : index
        %swap3A_510 = tpu.vector_load %arg7[%swap3A_508, %swap3A_509] {strides = array<i32>} : memref<2x128xi32, #tpu.memory_space<vmem>>, vector<1x16xi32>,
        %swap3A_511 = vector.shape_cast %swap3A_510 : vector<1x16xi32> to vector<16xi32>
        %swap3A_512 = vector.shape_cast %and3A_506 : vector<16xi32> to vector<1x16xi32>
        tpu.vector_store %arg7[%swap3A_508, %swap3A_509], %swap3A_512 {strides = array<i32>} : memref<2x128xi32, #tpu.memory_space<vmem>>, vector<1x16xi32>,
        %shift_right_logical3A_513 = arith.constant 14 : i32
        %shift_right_logical3A_514 = vector.broadcast %shift_right_logical3A_513 : i32 to vector<16xi32>
        %shift_right_logical3A_515 = arith.shrui %get3A_503, %shift_right_logical3A_514 : vector<16xi32>
        %swap3A_516 = arith.constant 1 : i32
        %swap3A_517 = arith.index_cast %swap3A_516 : i32 to index
        %swap3A_518 = arith.constant 16 : index
        %swap3A_519 = tpu.vector_load %arg8[%swap3A_517, %swap3A_518] {strides = array<i32>} : memref<2x128xi32, #tpu.memory_space<vmem>>, vector<1x16xi32>,
        %swap3A_520 = vector.shape_cast %swap3A_519 : vector<1x16xi32> to vector<16xi32>
        %swap3A_521 = vector.shape_cast %shift_right_logical3A_515 : vector<16xi32> to vector<1x16xi32>
        tpu.vector_store %arg8[%swap3A_517, %swap3A_518], %swap3A_521 {strides = array<i32>} : memref<2x128xi32, #tpu.memory_space<vmem>>, vector<1x16xi32>,
        %get3A_522 = arith.index_cast %add3A_477 : i32 to index
        %get3A_523 = arith.constant 32 : index
        %get3A_524 = tpu.vector_load %arg6[%get3A_522, %get3A_523] {strides = array<i32>} : memref<76x128xi32, #tpu.memory_space<vmem>>, vector<1x16xi32>,
        %get3A_525 = vector.shape_cast %get3A_524 : vector<1x16xi32> to vector<16xi32>
        %and3A_526 = arith.constant 16383 : i32
        %and3A_527 = vector.broadcast %and3A_526 : i32 to vector<16xi32>
        %and3A_528 = arith.andi %get3A_525, %and3A_527 : vector<16xi32>
        %swap3A_529 = arith.constant 1 : i32
        %swap3A_530 = arith.index_cast %swap3A_529 : i32 to index
        %swap3A_531 = arith.constant 32 : index
        %swap3A_532 = tpu.vector_load %arg7[%swap3A_530, %swap3A_531] {strides = array<i32>} : memref<2x128xi32, #tpu.memory_space<vmem>>, vector<1x16xi32>,
        %swap3A_533 = vector.shape_cast %swap3A_532 : vector<1x16xi32> to vector<16xi32>
        %swap3A_534 = vector.shape_cast %and3A_528 : vector<16xi32> to vector<1x16xi32>
        tpu.vector_store %arg7[%swap3A_530, %swap3A_531], %swap3A_534 {strides = array<i32>} : memref<2x128xi32, #tpu.memory_space<vmem>>, vector<1x16xi32>,
        %shift_right_logical3A_535 = arith.constant 14 : i32
        %shift_right_logical3A_536 = vector.broadcast %shift_right_logical3A_535 : i32 to vector<16xi32>
        %shift_right_logical3A_537 = arith.shrui %get3A_525, %shift_right_logical3A_536 : vector<16xi32>
        %swap3A_538 = arith.constant 1 : i32
        %swap3A_539 = arith.index_cast %swap3A_538 : i32 to index
        %swap3A_540 = arith.constant 32 : index
        %swap3A_541 = tpu.vector_load %arg8[%swap3A_539, %swap3A_540] {strides = array<i32>} : memref<2x128xi32, #tpu.memory_space<vmem>>, vector<1x16xi32>,
        %swap3A_542 = vector.shape_cast %swap3A_541 : vector<1x16xi32> to vector<16xi32>
        %swap3A_543 = vector.shape_cast %shift_right_logical3A_537 : vector<16xi32> to vector<1x16xi32>
        tpu.vector_store %arg8[%swap3A_539, %swap3A_540], %swap3A_543 {strides = array<i32>} : memref<2x128xi32, #tpu.memory_space<vmem>>, vector<1x16xi32>,
        %get3A_544 = arith.index_cast %add3A_477 : i32 to index
        %get3A_545 = arith.constant 48 : index
        %get3A_546 = tpu.vector_load %arg6[%get3A_544, %get3A_545] {strides = array<i32>} : memref<76x128xi32, #tpu.memory_space<vmem>>, vector<1x16xi32>,
        %get3A_547 = vector.shape_cast %get3A_546 : vector<1x16xi32> to vector<16xi32>
        %and3A_548 = arith.constant 16383 : i32
        %and3A_549 = vector.broadcast %and3A_548 : i32 to vector<16xi32>
        %and3A_550 = arith.andi %get3A_547, %and3A_549 : vector<16xi32>
        %swap3A_551 = arith.constant 1 : i32
        %swap3A_552 = arith.index_cast %swap3A_551 : i32 to index
        %swap3A_553 = arith.constant 48 : index
        %swap3A_554 = tpu.vector_load %arg7[%swap3A_552, %swap3A_553] {strides = array<i32>} : memref<2x128xi32, #tpu.memory_space<vmem>>, vector<1x16xi32>,
        %swap3A_555 = vector.shape_cast %swap3A_554 : vector<1x16xi32> to vector<16xi32>
        %swap3A_556 = vector.shape_cast %and3A_550 : vector<16xi32> to vector<1x16xi32>
        tpu.vector_store %arg7[%swap3A_552, %swap3A_553], %swap3A_556 {strides = array<i32>} : memref<2x128xi32, #tpu.memory_space<vmem>>, vector<1x16xi32>,
        %shift_right_logical3A_557 = arith.constant 14 : i32
        %shift_right_logical3A_558 = vector.broadcast %shift_right_logical3A_557 : i32 to vector<16xi32>
        %shift_right_logical3A_559 = arith.shrui %get3A_547, %shift_right_logical3A_558 : vector<16xi32>
        %swap3A_560 = arith.constant 1 : i32
        %swap3A_561 = arith.index_cast %swap3A_560 : i32 to index
        %swap3A_562 = arith.constant 48 : index
        %swap3A_563 = tpu.vector_load %arg8[%swap3A_561, %swap3A_562] {strides = array<i32>} : memref<2x128xi32, #tpu.memory_space<vmem>>, vector<1x16xi32>,
        %swap3A_564 = vector.shape_cast %swap3A_563 : vector<1x16xi32> to vector<16xi32>
        %swap3A_565 = vector.shape_cast %shift_right_logical3A_559 : vector<16xi32> to vector<1x16xi32>
        tpu.vector_store %arg8[%swap3A_561, %swap3A_562], %swap3A_565 {strides = array<i32>} : memref<2x128xi32, #tpu.memory_space<vmem>>, vector<1x16xi32>,
        %get3A_566 = arith.index_cast %add3A_477 : i32 to index
        %get3A_567 = arith.constant 64 : index
        %get3A_568 = tpu.vector_load %arg6[%get3A_566, %get3A_567] {strides = array<i32>} : memref<76x128xi32, #tpu.memory_space<vmem>>, vector<1x16xi32>,
        %get3A_569 = vector.shape_cast %get3A_568 : vector<1x16xi32> to vector<16xi32>
        %and3A_570 = arith.constant 16383 : i32
        %and3A_571 = vector.broadcast %and3A_570 : i32 to vector<16xi32>
        %and3A_572 = arith.andi %get3A_569, %and3A_571 : vector<16xi32>
        %swap3A_573 = arith.constant 1 : i32
        %swap3A_574 = arith.index_cast %swap3A_573 : i32 to index
        %swap3A_575 = arith.constant 64 : index
        %swap3A_576 = tpu.vector_load %arg7[%swap3A_574, %swap3A_575] {strides = array<i32>} : memref<2x128xi32, #tpu.memory_space<vmem>>, vector<1x16xi32>,
        %swap3A_577 = vector.shape_cast %swap3A_576 : vector<1x16xi32> to vector<16xi32>
        %swap3A_578 = vector.shape_cast %and3A_572 : vector<16xi32> to vector<1x16xi32>
        tpu.vector_store %arg7[%swap3A_574, %swap3A_575], %swap3A_578 {strides = array<i32>} : memref<2x128xi32, #tpu.memory_space<vmem>>, vector<1x16xi32>,
        %shift_right_logical3A_579 = arith.constant 14 : i32
        %shift_right_logical3A_580 = vector.broadcast %shift_right_logical3A_579 : i32 to vector<16xi32>
        %shift_right_logical3A_581 = arith.shrui %get3A_569, %shift_right_logical3A_580 : vector<16xi32>
        %swap3A_582 = arith.constant 1 : i32
        %swap3A_583 = arith.index_cast %swap3A_582 : i32 to index
        %swap3A_584 = arith.constant 64 : index
        %swap3A_585 = tpu.vector_load %arg8[%swap3A_583, %swap3A_584] {strides = array<i32>} : memref<2x128xi32, #tpu.memory_space<vmem>>, vector<1x16xi32>,
        %swap3A_586 = vector.shape_cast %swap3A_585 : vector<1x16xi32> to vector<16xi32>
        %swap3A_587 = vector.shape_cast %shift_right_logical3A_581 : vector<16xi32> to vector<1x16xi32>
        tpu.vector_store %arg8[%swap3A_583, %swap3A_584], %swap3A_587 {strides = array<i32>} : memref<2x128xi32, #tpu.memory_space<vmem>>, vector<1x16xi32>,
        %get3A_588 = arith.index_cast %add3A_477 : i32 to index
        %get3A_589 = arith.constant 80 : index
        %get3A_590 = tpu.vector_load %arg6[%get3A_588, %get3A_589] {strides = array<i32>} : memref<76x128xi32, #tpu.memory_space<vmem>>, vector<1x16xi32>,
        %get3A_591 = vector.shape_cast %get3A_590 : vector<1x16xi32> to vector<16xi32>
        %and3A_592 = arith.constant 16383 : i32
        %and3A_593 = vector.broadcast %and3A_592 : i32 to vector<16xi32>
        %and3A_594 = arith.andi %get3A_591, %and3A_593 : vector<16xi32>
        %swap3A_595 = arith.constant 1 : i32
        %swap3A_596 = arith.index_cast %swap3A_595 : i32 to index
        %swap3A_597 = arith.constant 80 : index
        %swap3A_598 = tpu.vector_load %arg7[%swap3A_596, %swap3A_597] {strides = array<i32>} : memref<2x128xi32, #tpu.memory_space<vmem>>, vector<1x16xi32>,
        %swap3A_599 = vector.shape_cast %swap3A_598 : vector<1x16xi32> to vector<16xi32>
        %swap3A_600 = vector.shape_cast %and3A_594 : vector<16xi32> to vector<1x16xi32>
        tpu.vector_store %arg7[%swap3A_596, %swap3A_597], %swap3A_600 {strides = array<i32>} : memref<2x128xi32, #tpu.memory_space<vmem>>, vector<1x16xi32>,
        %shift_right_logical3A_601 = arith.constant 14 : i32
        %shift_right_logical3A_602 = vector.broadcast %shift_right_logical3A_601 : i32 to vector<16xi32>
        %shift_right_logical3A_603 = arith.shrui %get3A_591, %shift_right_logical3A_602 : vector<16xi32>
        %swap3A_604 = arith.constant 1 : i32
        %swap3A_605 = arith.index_cast %swap3A_604 : i32 to index
        %swap3A_606 = arith.constant 80 : index
        %swap3A_607 = tpu.vector_load %arg8[%swap3A_605, %swap3A_606] {strides = array<i32>} : memref<2x128xi32, #tpu.memory_space<vmem>>, vector<1x16xi32>,
        %swap3A_608 = vector.shape_cast %swap3A_607 : vector<1x16xi32> to vector<16xi32>
        %swap3A_609 = vector.shape_cast %shift_right_logical3A_603 : vector<16xi32> to vector<1x16xi32>
        tpu.vector_store %arg8[%swap3A_605, %swap3A_606], %swap3A_609 {strides = array<i32>} : memref<2x128xi32, #tpu.memory_space<vmem>>, vector<1x16xi32>,
        %get3A_610 = arith.index_cast %add3A_477 : i32 to index
        %get3A_611 = arith.constant 96 : index
        %get3A_612 = tpu.vector_load %arg6[%get3A_610, %get3A_611] {strides = array<i32>} : memref<76x128xi32, #tpu.memory_space<vmem>>, vector<1x16xi32>,
        %get3A_613 = vector.shape_cast %get3A_612 : vector<1x16xi32> to vector<16xi32>
        %and3A_614 = arith.constant 16383 : i32
        %and3A_615 = vector.broadcast %and3A_614 : i32 to vector<16xi32>
        %and3A_616 = arith.andi %get3A_613, %and3A_615 : vector<16xi32>
        %swap3A_617 = arith.constant 1 : i32
        %swap3A_618 = arith.index_cast %swap3A_617 : i32 to index
        %swap3A_619 = arith.constant 96 : index
        %swap3A_620 = tpu.vector_load %arg7[%swap3A_618, %swap3A_619] {strides = array<i32>} : memref<2x128xi32, #tpu.memory_space<vmem>>, vector<1x16xi32>,
        %swap3A_621 = vector.shape_cast %swap3A_620 : vector<1x16xi32> to vector<16xi32>
        %swap3A_622 = vector.shape_cast %and3A_616 : vector<16xi32> to vector<1x16xi32>
        tpu.vector_store %arg7[%swap3A_618, %swap3A_619], %swap3A_622 {strides = array<i32>} : memref<2x128xi32, #tpu.memory_space<vmem>>, vector<1x16xi32>,
        %shift_right_logical3A_623 = arith.constant 14 : i32
        %shift_right_logical3A_624 = vector.broadcast %shift_right_logical3A_623 : i32 to vector<16xi32>
        %shift_right_logical3A_625 = arith.shrui %get3A_613, %shift_right_logical3A_624 : vector<16xi32>
        %swap3A_626 = arith.constant 1 : i32
        %swap3A_627 = arith.index_cast %swap3A_626 : i32 to index
        %swap3A_628 = arith.constant 96 : index
        %swap3A_629 = tpu.vector_load %arg8[%swap3A_627, %swap3A_628] {strides = array<i32>} : memref<2x128xi32, #tpu.memory_space<vmem>>, vector<1x16xi32>,
        %swap3A_630 = vector.shape_cast %swap3A_629 : vector<1x16xi32> to vector<16xi32>
        %swap3A_631 = vector.shape_cast %shift_right_logical3A_625 : vector<16xi32> to vector<1x16xi32>
        tpu.vector_store %arg8[%swap3A_627, %swap3A_628], %swap3A_631 {strides = array<i32>} : memref<2x128xi32, #tpu.memory_space<vmem>>, vector<1x16xi32>,
        %get3A_632 = arith.index_cast %add3A_477 : i32 to index
        %get3A_633 = arith.constant 112 : index
        %get3A_634 = tpu.vector_load %arg6[%get3A_632, %get3A_633] {strides = array<i32>} : memref<76x128xi32, #tpu.memory_space<vmem>>, vector<1x16xi32>,
        %get3A_635 = vector.shape_cast %get3A_634 : vector<1x16xi32> to vector<16xi32>
        %and3A_636 = arith.constant 16383 : i32
        %and3A_637 = vector.broadcast %and3A_636 : i32 to vector<16xi32>
        %and3A_638 = arith.andi %get3A_635, %and3A_637 : vector<16xi32>
        %swap3A_639 = arith.constant 1 : i32
        %swap3A_640 = arith.index_cast %swap3A_639 : i32 to index
        %swap3A_641 = arith.constant 112 : index
        %swap3A_642 = tpu.vector_load %arg7[%swap3A_640, %swap3A_641] {strides = array<i32>} : memref<2x128xi32, #tpu.memory_space<vmem>>, vector<1x16xi32>,
        %swap3A_643 = vector.shape_cast %swap3A_642 : vector<1x16xi32> to vector<16xi32>
        %swap3A_644 = vector.shape_cast %and3A_638 : vector<16xi32> to vector<1x16xi32>
        tpu.vector_store %arg7[%swap3A_640, %swap3A_641], %swap3A_644 {strides = array<i32>} : memref<2x128xi32, #tpu.memory_space<vmem>>, vector<1x16xi32>,
        %shift_right_logical3A_645 = arith.constant 14 : i32
        %shift_right_logical3A_646 = vector.broadcast %shift_right_logical3A_645 : i32 to vector<16xi32>
        %shift_right_logical3A_647 = arith.shrui %get3A_635, %shift_right_logical3A_646 : vector<16xi32>
        %swap3A_648 = arith.constant 1 : i32
        %swap3A_649 = arith.index_cast %swap3A_648 : i32 to index
        %swap3A_650 = arith.constant 112 : index
        %swap3A_651 = tpu.vector_load %arg8[%swap3A_649, %swap3A_650] {strides = array<i32>} : memref<2x128xi32, #tpu.memory_space<vmem>>, vector<1x16xi32>,
        %swap3A_652 = vector.shape_cast %swap3A_651 : vector<1x16xi32> to vector<16xi32>
        %swap3A_653 = vector.shape_cast %shift_right_logical3A_647 : vector<16xi32> to vector<1x16xi32>
        tpu.vector_store %arg8[%swap3A_649, %swap3A_650], %swap3A_653 {strides = array<i32>} : memref<2x128xi32, #tpu.memory_space<vmem>>, vector<1x16xi32>,
      } else {
      }
      %while3A_475 = arith.constant 0 : i32
      scf.yield %while3A_475 : i32
    }
    %while3A_434 = arith.constant 1 : i32
    %while3A_435 = scf.for %while3A_437 = %while3A_431 to %while3A_427 step %while3A_434 iter_args(%while3A_438 = %while3A_433) -> (i32)  : i32 {
      %mul3A_439 = arith.constant 2 : i32
      %mul3A_440 = arith.muli %mul3A_439, %while3A_437 : i32
      %add3A_441 = arith.constant 1 : i32
      %add3A_442 = arith.addi %mul3A_440, %add3A_441 : i32
      %dma_start3A_443 = arith.constant 1 : i32
      %dma_start3A_444 = arith.constant 0 : i32
      %dma_start3A_445 = tpu.memref_slice %arg7[%dma_start3A_443, %dma_start3A_444] : memref<2x128xi32, #tpu.memory_space<vmem>> -> memref<1x128xi32, #tpu.memory_space<vmem>>
      %dma_start3A_446 = tpu.memref_squeeze %dma_start3A_445 : memref<1x128xi32, #tpu.memory_space<vmem>> -> memref<128xi32, #tpu.memory_space<vmem>>
      %dma_start3A_447 = arith.constant 0 : i32
      %dma_start3A_448 = arith.constant 0 : i32
      %dma_start3A_449 = tpu.memref_slice %arg2[%dma_start3A_447, %dma_start3A_448] : memref<10000x128xf32, #tpu.memory_space<hbm>> -> memref<10000x128xf32, #tpu.memory_space<hbm>>
      tpu.enqueue_indirect_dma source(%dma_start3A_449 : memref<10000x128xf32, #tpu.memory_space<hbm>>) target(%arg10 : memref<128x128xf32, #tpu.memory_space<vmem>>) offsets(%dma_start3A_446 : memref<128xi32, #tpu.memory_space<vmem>>) semaphore(%arg12 : memref<!tpu.dma_semaphore, #tpu.memory_space<semaphore_mem>>)
      %dma_wait3A = arith.constant 0 : i32
      %dma_wait3A_450 = arith.constant 0 : i32
      %dma_wait3A_451 = tpu.memref_slice %arg7[%dma_wait3A, %dma_wait3A_450] : memref<2x128xi32, #tpu.memory_space<vmem>> -> memref<1x128xi32, #tpu.memory_space<vmem>>
      %dma_wait3A_452 = tpu.memref_squeeze %dma_wait3A_451 : memref<1x128xi32, #tpu.memory_space<vmem>> -> memref<128xi32, #tpu.memory_space<vmem>>
      %dma_wait3A_453 = arith.constant 0 : i32
      %dma_wait3A_454 = arith.constant 0 : i32
      %dma_wait3A_455 = tpu.memref_slice %arg2[%dma_wait3A_453, %dma_wait3A_454] : memref<10000x128xf32, #tpu.memory_space<hbm>> -> memref<10000x128xf32, #tpu.memory_space<hbm>>
      tpu.wait_indirect_dma semaphore(%arg12 : memref<!tpu.dma_semaphore, #tpu.memory_space<semaphore_mem>>) src(%dma_wait3A_455 : memref<10000x128xf32, #tpu.memory_space<hbm>>) dst(%arg9 : memref<128x128xf32, #tpu.memory_space<vmem>>)
      %run_scoped3A = arith.constant 0 : i32
      "tpu.region"() ({
        %run_scoped3A_476 = tpu.sem_alloc : memref<!tpu.dma_semaphore, #tpu.memory_space<semaphore_mem>>
        %dma_start3A_477 = arith.constant 0 : i32
        %dma_start3A_478 = tpu.memref_slice %arg8[%run_scoped3A, %dma_start3A_477] : memref<2x128xi32, #tpu.memory_space<vmem>> -> memref<1x128xi32, #tpu.memory_space<vmem>>
        %dma_start3A_479 = tpu.memref_squeeze %dma_start3A_478 : memref<1x128xi32, #tpu.memory_space<vmem>> -> memref<128xi32, #tpu.memory_space<vmem>>
        %dma_start3A_480 = arith.constant 0 : i32
        %dma_start3A_481 = arith.constant 0 : i32
        %dma_start3A_482 = tpu.memref_slice %arg11[%dma_start3A_480, %dma_start3A_481] : memref<10112x128xf32, #tpu.memory_space<vmem_shared>> -> memref<10112x128xf32, #tpu.memory_space<vmem_shared>>
        tpu.enqueue_indirect_dma source(%arg9 : memref<128x128xf32, #tpu.memory_space<vmem>>) target(%dma_start3A_482 : memref<10112x128xf32, #tpu.memory_space<vmem_shared>>) offsets(%dma_start3A_479 : memref<128xi32, #tpu.memory_space<vmem>>) semaphore(%run_scoped3A_476 : memref<!tpu.dma_semaphore, #tpu.memory_space<semaphore_mem>>) {add = true}
        %dma_wait3A_483 = arith.constant 0 : i32
        %dma_wait3A_484 = tpu.memref_slice %arg8[%run_scoped3A, %dma_wait3A_483] : memref<2x128xi32, #tpu.memory_space<vmem>> -> memref<1x128xi32, #tpu.memory_space<vmem>>
        %dma_wait3A_485 = tpu.memref_squeeze %dma_wait3A_484 : memref<1x128xi32, #tpu.memory_space<vmem>> -> memref<128xi32, #tpu.memory_space<vmem>>
        %dma_wait3A_486 = arith.constant 0 : i32
        %dma_wait3A_487 = arith.constant 0 : i32
        %dma_wait3A_488 = tpu.memref_slice %arg11[%dma_wait3A_486, %dma_wait3A_487] : memref<10112x128xf32, #tpu.memory_space<vmem_shared>> -> memref<10112x128xf32, #tpu.memory_space<vmem_shared>>
        tpu.wait_indirect_dma semaphore(%run_scoped3A_476 : memref<!tpu.dma_semaphore, #tpu.memory_space<semaphore_mem>>) src(%arg9 : memref<128x128xf32, #tpu.memory_space<vmem>>) dst(%dma_wait3A_488 : memref<10112x128xf32, #tpu.memory_space<vmem_shared>>)
        tpu.yield
      }) : () -> ()
      %sub3A_456 = arith.constant 1 : i32
      %sub3A_457 = arith.subi %select_n3A_424, %sub3A_456 : i32
      %lt3A = arith.cmpi slt, %while3A_437, %sub3A_457 : i32
      %convert_element_type3A_458 = arith.extui %lt3A : i1 to i32
      %cond3A_459 = arith.constant 0 : i32
      %cond3A_460 = arith.cmpi ne, %convert_element_type3A_458, %cond3A_459 : i32
      scf.if %cond3A_460 {
        %add3A_476 = arith.constant 2 : i32
        %add3A_477 = arith.addi %mul3A_440, %add3A_476 : i32
        %get3A_478 = arith.index_cast %add3A_477 : i32 to index
        %get3A_479 = arith.constant 0 : index
        %get3A_480 = tpu.vector_load %arg6[%get3A_478, %get3A_479] {strides = array<i32>} : memref<76x128xi32, #tpu.memory_space<vmem>>, vector<1x16xi32>,
        %get3A_481 = vector.shape_cast %get3A_480 : vector<1x16xi32> to vector<16xi32>
        %and3A_482 = arith.constant 16383 : i32
        %and3A_483 = vector.broadcast %and3A_482 : i32 to vector<16xi32>
        %and3A_484 = arith.andi %get3A_481, %and3A_483 : vector<16xi32>
        %swap3A_485 = arith.constant 0 : i32
        %swap3A_486 = arith.index_cast %swap3A_485 : i32 to index
        %swap3A_487 = arith.constant 0 : index
        %swap3A_488 = tpu.vector_load %arg7[%swap3A_486, %swap3A_487] {strides = array<i32>} : memref<2x128xi32, #tpu.memory_space<vmem>>, vector<1x16xi32>,
        %swap3A_489 = vector.shape_cast %swap3A_488 : vector<1x16xi32> to vector<16xi32>
        %swap3A_490 = vector.shape_cast %and3A_484 : vector<16xi32> to vector<1x16xi32>
        tpu.vector_store %arg7[%swap3A_486, %swap3A_487], %swap3A_490 {strides = array<i32>} : memref<2x128xi32, #tpu.memory_space<vmem>>, vector<1x16xi32>,
        %shift_right_logical3A_491 = arith.constant 14 : i32
        %shift_right_logical3A_492 = vector.broadcast %shift_right_logical3A_491 : i32 to vector<16xi32>
        %shift_right_logical3A_493 = arith.shrui %get3A_481, %shift_right_logical3A_492 : vector<16xi32>
        %swap3A_494 = arith.constant 0 : i32
        %swap3A_495 = arith.index_cast %swap3A_494 : i32 to index
        %swap3A_496 = arith.constant 0 : index
        %swap3A_497 = tpu.vector_load %arg8[%swap3A_495, %swap3A_496] {strides = array<i32>} : memref<2x128xi32, #tpu.memory_space<vmem>>, vector<1x16xi32>,
        %swap3A_498 = vector.shape_cast %swap3A_497 : vector<1x16xi32> to vector<16xi32>
        %swap3A_499 = vector.shape_cast %shift_right_logical3A_493 : vector<16xi32> to vector<1x16xi32>
        tpu.vector_store %arg8[%swap3A_495, %swap3A_496], %swap3A_499 {strides = array<i32>} : memref<2x128xi32, #tpu.memory_space<vmem>>, vector<1x16xi32>,
        %get3A_500 = arith.index_cast %add3A_477 : i32 to index
        %get3A_501 = arith.constant 16 : index
        %get3A_502 = tpu.vector_load %arg6[%get3A_500, %get3A_501] {strides = array<i32>} : memref<76x128xi32, #tpu.memory_space<vmem>>, vector<1x16xi32>,
        %get3A_503 = vector.shape_cast %get3A_502 : vector<1x16xi32> to vector<16xi32>
        %and3A_504 = arith.constant 16383 : i32
        %and3A_505 = vector.broadcast %and3A_504 : i32 to vector<16xi32>
        %and3A_506 = arith.andi %get3A_503, %and3A_505 : vector<16xi32>
        %swap3A_507 = arith.constant 0 : i32
        %swap3A_508 = arith.index_cast %swap3A_507 : i32 to index
        %swap3A_509 = arith.constant 16 : index
        %swap3A_510 = tpu.vector_load %arg7[%swap3A_508, %swap3A_509] {strides = array<i32>} : memref<2x128xi32, #tpu.memory_space<vmem>>, vector<1x16xi32>,
        %swap3A_511 = vector.shape_cast %swap3A_510 : vector<1x16xi32> to vector<16xi32>
        %swap3A_512 = vector.shape_cast %and3A_506 : vector<16xi32> to vector<1x16xi32>
        tpu.vector_store %arg7[%swap3A_508, %swap3A_509], %swap3A_512 {strides = array<i32>} : memref<2x128xi32, #tpu.memory_space<vmem>>, vector<1x16xi32>,
        %shift_right_logical3A_513 = arith.constant 14 : i32
        %shift_right_logical3A_514 = vector.broadcast %shift_right_logical3A_513 : i32 to vector<16xi32>
        %shift_right_logical3A_515 = arith.shrui %get3A_503, %shift_right_logical3A_514 : vector<16xi32>
        %swap3A_516 = arith.constant 0 : i32
        %swap3A_517 = arith.index_cast %swap3A_516 : i32 to index
        %swap3A_518 = arith.constant 16 : index
        %swap3A_519 = tpu.vector_load %arg8[%swap3A_517, %swap3A_518] {strides = array<i32>} : memref<2x128xi32, #tpu.memory_space<vmem>>, vector<1x16xi32>,
        %swap3A_520 = vector.shape_cast %swap3A_519 : vector<1x16xi32> to vector<16xi32>
        %swap3A_521 = vector.shape_cast %shift_right_logical3A_515 : vector<16xi32> to vector<1x16xi32>
        tpu.vector_store %arg8[%swap3A_517, %swap3A_518], %swap3A_521 {strides = array<i32>} : memref<2x128xi32, #tpu.memory_space<vmem>>, vector<1x16xi32>,
        %get3A_522 = arith.index_cast %add3A_477 : i32 to index
        %get3A_523 = arith.constant 32 : index
        %get3A_524 = tpu.vector_load %arg6[%get3A_522, %get3A_523] {strides = array<i32>} : memref<76x128xi32, #tpu.memory_space<vmem>>, vector<1x16xi32>,
        %get3A_525 = vector.shape_cast %get3A_524 : vector<1x16xi32> to vector<16xi32>
        %and3A_526 = arith.constant 16383 : i32
        %and3A_527 = vector.broadcast %and3A_526 : i32 to vector<16xi32>
        %and3A_528 = arith.andi %get3A_525, %and3A_527 : vector<16xi32>
        %swap3A_529 = arith.constant 0 : i32
        %swap3A_530 = arith.index_cast %swap3A_529 : i32 to index
        %swap3A_531 = arith.constant 32 : index
        %swap3A_532 = tpu.vector_load %arg7[%swap3A_530, %swap3A_531] {strides = array<i32>} : memref<2x128xi32, #tpu.memory_space<vmem>>, vector<1x16xi32>,
        %swap3A_533 = vector.shape_cast %swap3A_532 : vector<1x16xi32> to vector<16xi32>
        %swap3A_534 = vector.shape_cast %and3A_528 : vector<16xi32> to vector<1x16xi32>
        tpu.vector_store %arg7[%swap3A_530, %swap3A_531], %swap3A_534 {strides = array<i32>} : memref<2x128xi32, #tpu.memory_space<vmem>>, vector<1x16xi32>,
        %shift_right_logical3A_535 = arith.constant 14 : i32
        %shift_right_logical3A_536 = vector.broadcast %shift_right_logical3A_535 : i32 to vector<16xi32>
        %shift_right_logical3A_537 = arith.shrui %get3A_525, %shift_right_logical3A_536 : vector<16xi32>
        %swap3A_538 = arith.constant 0 : i32
        %swap3A_539 = arith.index_cast %swap3A_538 : i32 to index
        %swap3A_540 = arith.constant 32 : index
        %swap3A_541 = tpu.vector_load %arg8[%swap3A_539, %swap3A_540] {strides = array<i32>} : memref<2x128xi32, #tpu.memory_space<vmem>>, vector<1x16xi32>,
        %swap3A_542 = vector.shape_cast %swap3A_541 : vector<1x16xi32> to vector<16xi32>
        %swap3A_543 = vector.shape_cast %shift_right_logical3A_537 : vector<16xi32> to vector<1x16xi32>
        tpu.vector_store %arg8[%swap3A_539, %swap3A_540], %swap3A_543 {strides = array<i32>} : memref<2x128xi32, #tpu.memory_space<vmem>>, vector<1x16xi32>,
        %get3A_544 = arith.index_cast %add3A_477 : i32 to index
        %get3A_545 = arith.constant 48 : index
        %get3A_546 = tpu.vector_load %arg6[%get3A_544, %get3A_545] {strides = array<i32>} : memref<76x128xi32, #tpu.memory_space<vmem>>, vector<1x16xi32>,
        %get3A_547 = vector.shape_cast %get3A_546 : vector<1x16xi32> to vector<16xi32>
        %and3A_548 = arith.constant 16383 : i32
        %and3A_549 = vector.broadcast %and3A_548 : i32 to vector<16xi32>
        %and3A_550 = arith.andi %get3A_547, %and3A_549 : vector<16xi32>
        %swap3A_551 = arith.constant 0 : i32
        %swap3A_552 = arith.index_cast %swap3A_551 : i32 to index
        %swap3A_553 = arith.constant 48 : index
        %swap3A_554 = tpu.vector_load %arg7[%swap3A_552, %swap3A_553] {strides = array<i32>} : memref<2x128xi32, #tpu.memory_space<vmem>>, vector<1x16xi32>,
        %swap3A_555 = vector.shape_cast %swap3A_554 : vector<1x16xi32> to vector<16xi32>
        %swap3A_556 = vector.shape_cast %and3A_550 : vector<16xi32> to vector<1x16xi32>
        tpu.vector_store %arg7[%swap3A_552, %swap3A_553], %swap3A_556 {strides = array<i32>} : memref<2x128xi32, #tpu.memory_space<vmem>>, vector<1x16xi32>,
        %shift_right_logical3A_557 = arith.constant 14 : i32
        %shift_right_logical3A_558 = vector.broadcast %shift_right_logical3A_557 : i32 to vector<16xi32>
        %shift_right_logical3A_559 = arith.shrui %get3A_547, %shift_right_logical3A_558 : vector<16xi32>
        %swap3A_560 = arith.constant 0 : i32
        %swap3A_561 = arith.index_cast %swap3A_560 : i32 to index
        %swap3A_562 = arith.constant 48 : index
        %swap3A_563 = tpu.vector_load %arg8[%swap3A_561, %swap3A_562] {strides = array<i32>} : memref<2x128xi32, #tpu.memory_space<vmem>>, vector<1x16xi32>,
        %swap3A_564 = vector.shape_cast %swap3A_563 : vector<1x16xi32> to vector<16xi32>
        %swap3A_565 = vector.shape_cast %shift_right_logical3A_559 : vector<16xi32> to vector<1x16xi32>
        tpu.vector_store %arg8[%swap3A_561, %swap3A_562], %swap3A_565 {strides = array<i32>} : memref<2x128xi32, #tpu.memory_space<vmem>>, vector<1x16xi32>,
        %get3A_566 = arith.index_cast %add3A_477 : i32 to index
        %get3A_567 = arith.constant 64 : index
        %get3A_568 = tpu.vector_load %arg6[%get3A_566, %get3A_567] {strides = array<i32>} : memref<76x128xi32, #tpu.memory_space<vmem>>, vector<1x16xi32>,
        %get3A_569 = vector.shape_cast %get3A_568 : vector<1x16xi32> to vector<16xi32>
        %and3A_570 = arith.constant 16383 : i32
        %and3A_571 = vector.broadcast %and3A_570 : i32 to vector<16xi32>
        %and3A_572 = arith.andi %get3A_569, %and3A_571 : vector<16xi32>
        %swap3A_573 = arith.constant 0 : i32
        %swap3A_574 = arith.index_cast %swap3A_573 : i32 to index
        %swap3A_575 = arith.constant 64 : index
        %swap3A_576 = tpu.vector_load %arg7[%swap3A_574, %swap3A_575] {strides = array<i32>} : memref<2x128xi32, #tpu.memory_space<vmem>>, vector<1x16xi32>,
        %swap3A_577 = vector.shape_cast %swap3A_576 : vector<1x16xi32> to vector<16xi32>
        %swap3A_578 = vector.shape_cast %and3A_572 : vector<16xi32> to vector<1x16xi32>
        tpu.vector_store %arg7[%swap3A_574, %swap3A_575], %swap3A_578 {strides = array<i32>} : memref<2x128xi32, #tpu.memory_space<vmem>>, vector<1x16xi32>,
        %shift_right_logical3A_579 = arith.constant 14 : i32
        %shift_right_logical3A_580 = vector.broadcast %shift_right_logical3A_579 : i32 to vector<16xi32>
        %shift_right_logical3A_581 = arith.shrui %get3A_569, %shift_right_logical3A_580 : vector<16xi32>
        %swap3A_582 = arith.constant 0 : i32
        %swap3A_583 = arith.index_cast %swap3A_582 : i32 to index
        %swap3A_584 = arith.constant 64 : index
        %swap3A_585 = tpu.vector_load %arg8[%swap3A_583, %swap3A_584] {strides = array<i32>} : memref<2x128xi32, #tpu.memory_space<vmem>>, vector<1x16xi32>,
        %swap3A_586 = vector.shape_cast %swap3A_585 : vector<1x16xi32> to vector<16xi32>
        %swap3A_587 = vector.shape_cast %shift_right_logical3A_581 : vector<16xi32> to vector<1x16xi32>
        tpu.vector_store %arg8[%swap3A_583, %swap3A_584], %swap3A_587 {strides = array<i32>} : memref<2x128xi32, #tpu.memory_space<vmem>>, vector<1x16xi32>,
        %get3A_588 = arith.index_cast %add3A_477 : i32 to index
        %get3A_589 = arith.constant 80 : index
        %get3A_590 = tpu.vector_load %arg6[%get3A_588, %get3A_589] {strides = array<i32>} : memref<76x128xi32, #tpu.memory_space<vmem>>, vector<1x16xi32>,
        %get3A_591 = vector.shape_cast %get3A_590 : vector<1x16xi32> to vector<16xi32>
        %and3A_592 = arith.constant 16383 : i32
        %and3A_593 = vector.broadcast %and3A_592 : i32 to vector<16xi32>
        %and3A_594 = arith.andi %get3A_591, %and3A_593 : vector<16xi32>
        %swap3A_595 = arith.constant 0 : i32
        %swap3A_596 = arith.index_cast %swap3A_595 : i32 to index
        %swap3A_597 = arith.constant 80 : index
        %swap3A_598 = tpu.vector_load %arg7[%swap3A_596, %swap3A_597] {strides = array<i32>} : memref<2x128xi32, #tpu.memory_space<vmem>>, vector<1x16xi32>,
        %swap3A_599 = vector.shape_cast %swap3A_598 : vector<1x16xi32> to vector<16xi32>
        %swap3A_600 = vector.shape_cast %and3A_594 : vector<16xi32> to vector<1x16xi32>
        tpu.vector_store %arg7[%swap3A_596, %swap3A_597], %swap3A_600 {strides = array<i32>} : memref<2x128xi32, #tpu.memory_space<vmem>>, vector<1x16xi32>,
        %shift_right_logical3A_601 = arith.constant 14 : i32
        %shift_right_logical3A_602 = vector.broadcast %shift_right_logical3A_601 : i32 to vector<16xi32>
        %shift_right_logical3A_603 = arith.shrui %get3A_591, %shift_right_logical3A_602 : vector<16xi32>
        %swap3A_604 = arith.constant 0 : i32
        %swap3A_605 = arith.index_cast %swap3A_604 : i32 to index
        %swap3A_606 = arith.constant 80 : index
        %swap3A_607 = tpu.vector_load %arg8[%swap3A_605, %swap3A_606] {strides = array<i32>} : memref<2x128xi32, #tpu.memory_space<vmem>>, vector<1x16xi32>,
        %swap3A_608 = vector.shape_cast %swap3A_607 : vector<1x16xi32> to vector<16xi32>
        %swap3A_609 = vector.shape_cast %shift_right_logical3A_603 : vector<16xi32> to vector<1x16xi32>
        tpu.vector_store %arg8[%swap3A_605, %swap3A_606], %swap3A_609 {strides = array<i32>} : memref<2x128xi32, #tpu.memory_space<vmem>>, vector<1x16xi32>,
        %get3A_610 = arith.index_cast %add3A_477 : i32 to index
        %get3A_611 = arith.constant 96 : index
        %get3A_612 = tpu.vector_load %arg6[%get3A_610, %get3A_611] {strides = array<i32>} : memref<76x128xi32, #tpu.memory_space<vmem>>, vector<1x16xi32>,
        %get3A_613 = vector.shape_cast %get3A_612 : vector<1x16xi32> to vector<16xi32>
        %and3A_614 = arith.constant 16383 : i32
        %and3A_615 = vector.broadcast %and3A_614 : i32 to vector<16xi32>
        %and3A_616 = arith.andi %get3A_613, %and3A_615 : vector<16xi32>
        %swap3A_617 = arith.constant 0 : i32
        %swap3A_618 = arith.index_cast %swap3A_617 : i32 to index
        %swap3A_619 = arith.constant 96 : index
        %swap3A_620 = tpu.vector_load %arg7[%swap3A_618, %swap3A_619] {strides = array<i32>} : memref<2x128xi32, #tpu.memory_space<vmem>>, vector<1x16xi32>,
        %swap3A_621 = vector.shape_cast %swap3A_620 : vector<1x16xi32> to vector<16xi32>
        %swap3A_622 = vector.shape_cast %and3A_616 : vector<16xi32> to vector<1x16xi32>
        tpu.vector_store %arg7[%swap3A_618, %swap3A_619], %swap3A_622 {strides = array<i32>} : memref<2x128xi32, #tpu.memory_space<vmem>>, vector<1x16xi32>,
        %shift_right_logical3A_623 = arith.constant 14 : i32
        %shift_right_logical3A_624 = vector.broadcast %shift_right_logical3A_623 : i32 to vector<16xi32>
        %shift_right_logical3A_625 = arith.shrui %get3A_613, %shift_right_logical3A_624 : vector<16xi32>
        %swap3A_626 = arith.constant 0 : i32
        %swap3A_627 = arith.index_cast %swap3A_626 : i32 to index
        %swap3A_628 = arith.constant 96 : index
        %swap3A_629 = tpu.vector_load %arg8[%swap3A_627, %swap3A_628] {strides = array<i32>} : memref<2x128xi32, #tpu.memory_space<vmem>>, vector<1x16xi32>,
        %swap3A_630 = vector.shape_cast %swap3A_629 : vector<1x16xi32> to vector<16xi32>
        %swap3A_631 = vector.shape_cast %shift_right_logical3A_625 : vector<16xi32> to vector<1x16xi32>
        tpu.vector_store %arg8[%swap3A_627, %swap3A_628], %swap3A_631 {strides = array<i32>} : memref<2x128xi32, #tpu.memory_space<vmem>>, vector<1x16xi32>,
        %get3A_632 = arith.index_cast %add3A_477 : i32 to index
        %get3A_633 = arith.constant 112 : index
        %get3A_634 = tpu.vector_load %arg6[%get3A_632, %get3A_633] {strides = array<i32>} : memref<76x128xi32, #tpu.memory_space<vmem>>, vector<1x16xi32>,
        %get3A_635 = vector.shape_cast %get3A_634 : vector<1x16xi32> to vector<16xi32>
        %and3A_636 = arith.constant 16383 : i32
        %and3A_637 = vector.broadcast %and3A_636 : i32 to vector<16xi32>
        %and3A_638 = arith.andi %get3A_635, %and3A_637 : vector<16xi32>
        %swap3A_639 = arith.constant 0 : i32
        %swap3A_640 = arith.index_cast %swap3A_639 : i32 to index
        %swap3A_641 = arith.constant 112 : index
        %swap3A_642 = tpu.vector_load %arg7[%swap3A_640, %swap3A_641] {strides = array<i32>} : memref<2x128xi32, #tpu.memory_space<vmem>>, vector<1x16xi32>,
        %swap3A_643 = vector.shape_cast %swap3A_642 : vector<1x16xi32> to vector<16xi32>
        %swap3A_644 = vector.shape_cast %and3A_638 : vector<16xi32> to vector<1x16xi32>
        tpu.vector_store %arg7[%swap3A_640, %swap3A_641], %swap3A_644 {strides = array<i32>} : memref<2x128xi32, #tpu.memory_space<vmem>>, vector<1x16xi32>,
        %shift_right_logical3A_645 = arith.constant 14 : i32
        %shift_right_logical3A_646 = vector.broadcast %shift_right_logical3A_645 : i32 to vector<16xi32>
        %shift_right_logical3A_647 = arith.shrui %get3A_635, %shift_right_logical3A_646 : vector<16xi32>
        %swap3A_648 = arith.constant 0 : i32
        %swap3A_649 = arith.index_cast %swap3A_648 : i32 to index
        %swap3A_650 = arith.constant 112 : index
        %swap3A_651 = tpu.vector_load %arg8[%swap3A_649, %swap3A_650] {strides = array<i32>} : memref<2x128xi32, #tpu.memory_space<vmem>>, vector<1x16xi32>,
        %swap3A_652 = vector.shape_cast %swap3A_651 : vector<1x16xi32> to vector<16xi32>
        %swap3A_653 = vector.shape_cast %shift_right_logical3A_647 : vector<16xi32> to vector<1x16xi32>
        tpu.vector_store %arg8[%swap3A_649, %swap3A_650], %swap3A_653 {strides = array<i32>} : memref<2x128xi32, #tpu.memory_space<vmem>>, vector<1x16xi32>,
        %dma_start3A_654 = arith.constant 0 : i32
        %dma_start3A_655 = arith.constant 0 : i32
        %dma_start3A_656 = tpu.memref_slice %arg7[%dma_start3A_654, %dma_start3A_655] : memref<2x128xi32, #tpu.memory_space<vmem>> -> memref<1x128xi32, #tpu.memory_space<vmem>>
        %dma_start3A_657 = tpu.memref_squeeze %dma_start3A_656 : memref<1x128xi32, #tpu.memory_space<vmem>> -> memref<128xi32, #tpu.memory_space<vmem>>
        %dma_start3A_658 = arith.constant 0 : i32
        %dma_start3A_659 = arith.constant 0 : i32
        %dma_start3A_660 = tpu.memref_slice %arg2[%dma_start3A_658, %dma_start3A_659] : memref<10000x128xf32, #tpu.memory_space<hbm>> -> memref<10000x128xf32, #tpu.memory_space<hbm>>
        tpu.enqueue_indirect_dma source(%dma_start3A_660 : memref<10000x128xf32, #tpu.memory_space<hbm>>) target(%arg9 : memref<128x128xf32, #tpu.memory_space<vmem>>) offsets(%dma_start3A_657 : memref<128xi32, #tpu.memory_space<vmem>>) semaphore(%arg12 : memref<!tpu.dma_semaphore, #tpu.memory_space<semaphore_mem>>)
      } else {
      }
      %dma_wait3A_461 = arith.constant 1 : i32
      %dma_wait3A_462 = arith.constant 0 : i32
      %dma_wait3A_463 = tpu.memref_slice %arg7[%dma_wait3A_461, %dma_wait3A_462] : memref<2x128xi32, #tpu.memory_space<vmem>> -> memref<1x128xi32, #tpu.memory_space<vmem>>
      %dma_wait3A_464 = tpu.memref_squeeze %dma_wait3A_463 : memref<1x128xi32, #tpu.memory_space<vmem>> -> memref<128xi32, #tpu.memory_space<vmem>>
      %dma_wait3A_465 = arith.constant 0 : i32
      %dma_wait3A_466 = arith.constant 0 : i32
      %dma_wait3A_467 = tpu.memref_slice %arg2[%dma_wait3A_465, %dma_wait3A_466] : memref<10000x128xf32, #tpu.memory_space<hbm>> -> memref<10000x128xf32, #tpu.memory_space<hbm>>
      tpu.wait_indirect_dma semaphore(%arg12 : memref<!tpu.dma_semaphore, #tpu.memory_space<semaphore_mem>>) src(%dma_wait3A_467 : memref<10000x128xf32, #tpu.memory_space<hbm>>) dst(%arg10 : memref<128x128xf32, #tpu.memory_space<vmem>>)
      %run_scoped3A_468 = arith.constant 1 : i32
      "tpu.region"() ({
        %run_scoped3A_476 = tpu.sem_alloc : memref<!tpu.dma_semaphore, #tpu.memory_space<semaphore_mem>>
        %dma_start3A_477 = arith.constant 0 : i32
        %dma_start3A_478 = tpu.memref_slice %arg8[%run_scoped3A_468, %dma_start3A_477] : memref<2x128xi32, #tpu.memory_space<vmem>> -> memref<1x128xi32, #tpu.memory_space<vmem>>
        %dma_start3A_479 = tpu.memref_squeeze %dma_start3A_478 : memref<1x128xi32, #tpu.memory_space<vmem>> -> memref<128xi32, #tpu.memory_space<vmem>>
        %dma_start3A_480 = arith.constant 0 : i32
        %dma_start3A_481 = arith.constant 0 : i32
        %dma_start3A_482 = tpu.memref_slice %arg11[%dma_start3A_480, %dma_start3A_481] : memref<10112x128xf32, #tpu.memory_space<vmem_shared>> -> memref<10112x128xf32, #tpu.memory_space<vmem_shared>>
        tpu.enqueue_indirect_dma source(%arg10 : memref<128x128xf32, #tpu.memory_space<vmem>>) target(%dma_start3A_482 : memref<10112x128xf32, #tpu.memory_space<vmem_shared>>) offsets(%dma_start3A_479 : memref<128xi32, #tpu.memory_space<vmem>>) semaphore(%run_scoped3A_476 : memref<!tpu.dma_semaphore, #tpu.memory_space<semaphore_mem>>) {add = true}
        %dma_wait3A_483 = arith.constant 0 : i32
        %dma_wait3A_484 = tpu.memref_slice %arg8[%run_scoped3A_468, %dma_wait3A_483] : memref<2x128xi32, #tpu.memory_space<vmem>> -> memref<1x128xi32, #tpu.memory_space<vmem>>
        %dma_wait3A_485 = tpu.memref_squeeze %dma_wait3A_484 : memref<1x128xi32, #tpu.memory_space<vmem>> -> memref<128xi32, #tpu.memory_space<vmem>>
        %dma_wait3A_486 = arith.constant 0 : i32
        %dma_wait3A_487 = arith.constant 0 : i32
        %dma_wait3A_488 = tpu.memref_slice %arg11[%dma_wait3A_486, %dma_wait3A_487] : memref<10112x128xf32, #tpu.memory_space<vmem_shared>> -> memref<10112x128xf32, #tpu.memory_space<vmem_shared>>
        tpu.wait_indirect_dma semaphore(%run_scoped3A_476 : memref<!tpu.dma_semaphore, #tpu.memory_space<semaphore_mem>>) src(%arg10 : memref<128x128xf32, #tpu.memory_space<vmem>>) dst(%dma_wait3A_488 : memref<10112x128xf32, #tpu.memory_space<vmem_shared>>)
        tpu.yield
      }) : () -> ()
      %sub3A_469 = arith.constant 1 : i32
      %sub3A_470 = arith.subi %select_n3A_424, %sub3A_469 : i32
      %lt3A_471 = arith.cmpi slt, %while3A_437, %sub3A_470 : i32
      %convert_element_type3A_472 = arith.extui %lt3A_471 : i1 to i32
      %cond3A_473 = arith.constant 0 : i32
      %cond3A_474 = arith.cmpi ne, %convert_element_type3A_472, %cond3A_473 : i32
      scf.if %cond3A_474 {
        %add3A_476 = arith.constant 2 : i32
        %add3A_477 = arith.addi %add3A_442, %add3A_476 : i32
        %get3A_478 = arith.index_cast %add3A_477 : i32 to index
        %get3A_479 = arith.constant 0 : index
        %get3A_480 = tpu.vector_load %arg6[%get3A_478, %get3A_479] {strides = array<i32>} : memref<76x128xi32, #tpu.memory_space<vmem>>, vector<1x16xi32>,
        %get3A_481 = vector.shape_cast %get3A_480 : vector<1x16xi32> to vector<16xi32>
        %and3A_482 = arith.constant 16383 : i32
        %and3A_483 = vector.broadcast %and3A_482 : i32 to vector<16xi32>
        %and3A_484 = arith.andi %get3A_481, %and3A_483 : vector<16xi32>
        %swap3A_485 = arith.constant 1 : i32
        %swap3A_486 = arith.index_cast %swap3A_485 : i32 to index
        %swap3A_487 = arith.constant 0 : index
        %swap3A_488 = tpu.vector_load %arg7[%swap3A_486, %swap3A_487] {strides = array<i32>} : memref<2x128xi32, #tpu.memory_space<vmem>>, vector<1x16xi32>,
        %swap3A_489 = vector.shape_cast %swap3A_488 : vector<1x16xi32> to vector<16xi32>
        %swap3A_490 = vector.shape_cast %and3A_484 : vector<16xi32> to vector<1x16xi32>
        tpu.vector_store %arg7[%swap3A_486, %swap3A_487], %swap3A_490 {strides = array<i32>} : memref<2x128xi32, #tpu.memory_space<vmem>>, vector<1x16xi32>,
        %shift_right_logical3A_491 = arith.constant 14 : i32
        %shift_right_logical3A_492 = vector.broadcast %shift_right_logical3A_491 : i32 to vector<16xi32>
        %shift_right_logical3A_493 = arith.shrui %get3A_481, %shift_right_logical3A_492 : vector<16xi32>
        %swap3A_494 = arith.constant 1 : i32
        %swap3A_495 = arith.index_cast %swap3A_494 : i32 to index
        %swap3A_496 = arith.constant 0 : index
        %swap3A_497 = tpu.vector_load %arg8[%swap3A_495, %swap3A_496] {strides = array<i32>} : memref<2x128xi32, #tpu.memory_space<vmem>>, vector<1x16xi32>,
        %swap3A_498 = vector.shape_cast %swap3A_497 : vector<1x16xi32> to vector<16xi32>
        %swap3A_499 = vector.shape_cast %shift_right_logical3A_493 : vector<16xi32> to vector<1x16xi32>
        tpu.vector_store %arg8[%swap3A_495, %swap3A_496], %swap3A_499 {strides = array<i32>} : memref<2x128xi32, #tpu.memory_space<vmem>>, vector<1x16xi32>,
        %get3A_500 = arith.index_cast %add3A_477 : i32 to index
        %get3A_501 = arith.constant 16 : index
        %get3A_502 = tpu.vector_load %arg6[%get3A_500, %get3A_501] {strides = array<i32>} : memref<76x128xi32, #tpu.memory_space<vmem>>, vector<1x16xi32>,
        %get3A_503 = vector.shape_cast %get3A_502 : vector<1x16xi32> to vector<16xi32>
        %and3A_504 = arith.constant 16383 : i32
        %and3A_505 = vector.broadcast %and3A_504 : i32 to vector<16xi32>
        %and3A_506 = arith.andi %get3A_503, %and3A_505 : vector<16xi32>
        %swap3A_507 = arith.constant 1 : i32
        %swap3A_508 = arith.index_cast %swap3A_507 : i32 to index
        %swap3A_509 = arith.constant 16 : index
        %swap3A_510 = tpu.vector_load %arg7[%swap3A_508, %swap3A_509] {strides = array<i32>} : memref<2x128xi32, #tpu.memory_space<vmem>>, vector<1x16xi32>,
        %swap3A_511 = vector.shape_cast %swap3A_510 : vector<1x16xi32> to vector<16xi32>
        %swap3A_512 = vector.shape_cast %and3A_506 : vector<16xi32> to vector<1x16xi32>
        tpu.vector_store %arg7[%swap3A_508, %swap3A_509], %swap3A_512 {strides = array<i32>} : memref<2x128xi32, #tpu.memory_space<vmem>>, vector<1x16xi32>,
        %shift_right_logical3A_513 = arith.constant 14 : i32
        %shift_right_logical3A_514 = vector.broadcast %shift_right_logical3A_513 : i32 to vector<16xi32>
        %shift_right_logical3A_515 = arith.shrui %get3A_503, %shift_right_logical3A_514 : vector<16xi32>
        %swap3A_516 = arith.constant 1 : i32
        %swap3A_517 = arith.index_cast %swap3A_516 : i32 to index
        %swap3A_518 = arith.constant 16 : index
        %swap3A_519 = tpu.vector_load %arg8[%swap3A_517, %swap3A_518] {strides = array<i32>} : memref<2x128xi32, #tpu.memory_space<vmem>>, vector<1x16xi32>,
        %swap3A_520 = vector.shape_cast %swap3A_519 : vector<1x16xi32> to vector<16xi32>
        %swap3A_521 = vector.shape_cast %shift_right_logical3A_515 : vector<16xi32> to vector<1x16xi32>
        tpu.vector_store %arg8[%swap3A_517, %swap3A_518], %swap3A_521 {strides = array<i32>} : memref<2x128xi32, #tpu.memory_space<vmem>>, vector<1x16xi32>,
        %get3A_522 = arith.index_cast %add3A_477 : i32 to index
        %get3A_523 = arith.constant 32 : index
        %get3A_524 = tpu.vector_load %arg6[%get3A_522, %get3A_523] {strides = array<i32>} : memref<76x128xi32, #tpu.memory_space<vmem>>, vector<1x16xi32>,
        %get3A_525 = vector.shape_cast %get3A_524 : vector<1x16xi32> to vector<16xi32>
        %and3A_526 = arith.constant 16383 : i32
        %and3A_527 = vector.broadcast %and3A_526 : i32 to vector<16xi32>
        %and3A_528 = arith.andi %get3A_525, %and3A_527 : vector<16xi32>
        %swap3A_529 = arith.constant 1 : i32
        %swap3A_530 = arith.index_cast %swap3A_529 : i32 to index
        %swap3A_531 = arith.constant 32 : index
        %swap3A_532 = tpu.vector_load %arg7[%swap3A_530, %swap3A_531] {strides = array<i32>} : memref<2x128xi32, #tpu.memory_space<vmem>>, vector<1x16xi32>,
        %swap3A_533 = vector.shape_cast %swap3A_532 : vector<1x16xi32> to vector<16xi32>
        %swap3A_534 = vector.shape_cast %and3A_528 : vector<16xi32> to vector<1x16xi32>
        tpu.vector_store %arg7[%swap3A_530, %swap3A_531], %swap3A_534 {strides = array<i32>} : memref<2x128xi32, #tpu.memory_space<vmem>>, vector<1x16xi32>,
        %shift_right_logical3A_535 = arith.constant 14 : i32
        %shift_right_logical3A_536 = vector.broadcast %shift_right_logical3A_535 : i32 to vector<16xi32>
        %shift_right_logical3A_537 = arith.shrui %get3A_525, %shift_right_logical3A_536 : vector<16xi32>
        %swap3A_538 = arith.constant 1 : i32
        %swap3A_539 = arith.index_cast %swap3A_538 : i32 to index
        %swap3A_540 = arith.constant 32 : index
        %swap3A_541 = tpu.vector_load %arg8[%swap3A_539, %swap3A_540] {strides = array<i32>} : memref<2x128xi32, #tpu.memory_space<vmem>>, vector<1x16xi32>,
        %swap3A_542 = vector.shape_cast %swap3A_541 : vector<1x16xi32> to vector<16xi32>
        %swap3A_543 = vector.shape_cast %shift_right_logical3A_537 : vector<16xi32> to vector<1x16xi32>
        tpu.vector_store %arg8[%swap3A_539, %swap3A_540], %swap3A_543 {strides = array<i32>} : memref<2x128xi32, #tpu.memory_space<vmem>>, vector<1x16xi32>,
        %get3A_544 = arith.index_cast %add3A_477 : i32 to index
        %get3A_545 = arith.constant 48 : index
        %get3A_546 = tpu.vector_load %arg6[%get3A_544, %get3A_545] {strides = array<i32>} : memref<76x128xi32, #tpu.memory_space<vmem>>, vector<1x16xi32>,
        %get3A_547 = vector.shape_cast %get3A_546 : vector<1x16xi32> to vector<16xi32>
        %and3A_548 = arith.constant 16383 : i32
        %and3A_549 = vector.broadcast %and3A_548 : i32 to vector<16xi32>
        %and3A_550 = arith.andi %get3A_547, %and3A_549 : vector<16xi32>
        %swap3A_551 = arith.constant 1 : i32
        %swap3A_552 = arith.index_cast %swap3A_551 : i32 to index
        %swap3A_553 = arith.constant 48 : index
        %swap3A_554 = tpu.vector_load %arg7[%swap3A_552, %swap3A_553] {strides = array<i32>} : memref<2x128xi32, #tpu.memory_space<vmem>>, vector<1x16xi32>,
        %swap3A_555 = vector.shape_cast %swap3A_554 : vector<1x16xi32> to vector<16xi32>
        %swap3A_556 = vector.shape_cast %and3A_550 : vector<16xi32> to vector<1x16xi32>
        tpu.vector_store %arg7[%swap3A_552, %swap3A_553], %swap3A_556 {strides = array<i32>} : memref<2x128xi32, #tpu.memory_space<vmem>>, vector<1x16xi32>,
        %shift_right_logical3A_557 = arith.constant 14 : i32
        %shift_right_logical3A_558 = vector.broadcast %shift_right_logical3A_557 : i32 to vector<16xi32>
        %shift_right_logical3A_559 = arith.shrui %get3A_547, %shift_right_logical3A_558 : vector<16xi32>
        %swap3A_560 = arith.constant 1 : i32
        %swap3A_561 = arith.index_cast %swap3A_560 : i32 to index
        %swap3A_562 = arith.constant 48 : index
        %swap3A_563 = tpu.vector_load %arg8[%swap3A_561, %swap3A_562] {strides = array<i32>} : memref<2x128xi32, #tpu.memory_space<vmem>>, vector<1x16xi32>,
        %swap3A_564 = vector.shape_cast %swap3A_563 : vector<1x16xi32> to vector<16xi32>
        %swap3A_565 = vector.shape_cast %shift_right_logical3A_559 : vector<16xi32> to vector<1x16xi32>
        tpu.vector_store %arg8[%swap3A_561, %swap3A_562], %swap3A_565 {strides = array<i32>} : memref<2x128xi32, #tpu.memory_space<vmem>>, vector<1x16xi32>,
        %get3A_566 = arith.index_cast %add3A_477 : i32 to index
        %get3A_567 = arith.constant 64 : index
        %get3A_568 = tpu.vector_load %arg6[%get3A_566, %get3A_567] {strides = array<i32>} : memref<76x128xi32, #tpu.memory_space<vmem>>, vector<1x16xi32>,
        %get3A_569 = vector.shape_cast %get3A_568 : vector<1x16xi32> to vector<16xi32>
        %and3A_570 = arith.constant 16383 : i32
        %and3A_571 = vector.broadcast %and3A_570 : i32 to vector<16xi32>
        %and3A_572 = arith.andi %get3A_569, %and3A_571 : vector<16xi32>
        %swap3A_573 = arith.constant 1 : i32
        %swap3A_574 = arith.index_cast %swap3A_573 : i32 to index
        %swap3A_575 = arith.constant 64 : index
        %swap3A_576 = tpu.vector_load %arg7[%swap3A_574, %swap3A_575] {strides = array<i32>} : memref<2x128xi32, #tpu.memory_space<vmem>>, vector<1x16xi32>,
        %swap3A_577 = vector.shape_cast %swap3A_576 : vector<1x16xi32> to vector<16xi32>
        %swap3A_578 = vector.shape_cast %and3A_572 : vector<16xi32> to vector<1x16xi32>
        tpu.vector_store %arg7[%swap3A_574, %swap3A_575], %swap3A_578 {strides = array<i32>} : memref<2x128xi32, #tpu.memory_space<vmem>>, vector<1x16xi32>,
        %shift_right_logical3A_579 = arith.constant 14 : i32
        %shift_right_logical3A_580 = vector.broadcast %shift_right_logical3A_579 : i32 to vector<16xi32>
        %shift_right_logical3A_581 = arith.shrui %get3A_569, %shift_right_logical3A_580 : vector<16xi32>
        %swap3A_582 = arith.constant 1 : i32
        %swap3A_583 = arith.index_cast %swap3A_582 : i32 to index
        %swap3A_584 = arith.constant 64 : index
        %swap3A_585 = tpu.vector_load %arg8[%swap3A_583, %swap3A_584] {strides = array<i32>} : memref<2x128xi32, #tpu.memory_space<vmem>>, vector<1x16xi32>,
        %swap3A_586 = vector.shape_cast %swap3A_585 : vector<1x16xi32> to vector<16xi32>
        %swap3A_587 = vector.shape_cast %shift_right_logical3A_581 : vector<16xi32> to vector<1x16xi32>
        tpu.vector_store %arg8[%swap3A_583, %swap3A_584], %swap3A_587 {strides = array<i32>} : memref<2x128xi32, #tpu.memory_space<vmem>>, vector<1x16xi32>,
        %get3A_588 = arith.index_cast %add3A_477 : i32 to index
        %get3A_589 = arith.constant 80 : index
        %get3A_590 = tpu.vector_load %arg6[%get3A_588, %get3A_589] {strides = array<i32>} : memref<76x128xi32, #tpu.memory_space<vmem>>, vector<1x16xi32>,
        %get3A_591 = vector.shape_cast %get3A_590 : vector<1x16xi32> to vector<16xi32>
        %and3A_592 = arith.constant 16383 : i32
        %and3A_593 = vector.broadcast %and3A_592 : i32 to vector<16xi32>
        %and3A_594 = arith.andi %get3A_591, %and3A_593 : vector<16xi32>
        %swap3A_595 = arith.constant 1 : i32
        %swap3A_596 = arith.index_cast %swap3A_595 : i32 to index
        %swap3A_597 = arith.constant 80 : index
        %swap3A_598 = tpu.vector_load %arg7[%swap3A_596, %swap3A_597] {strides = array<i32>} : memref<2x128xi32, #tpu.memory_space<vmem>>, vector<1x16xi32>,
        %swap3A_599 = vector.shape_cast %swap3A_598 : vector<1x16xi32> to vector<16xi32>
        %swap3A_600 = vector.shape_cast %and3A_594 : vector<16xi32> to vector<1x16xi32>
        tpu.vector_store %arg7[%swap3A_596, %swap3A_597], %swap3A_600 {strides = array<i32>} : memref<2x128xi32, #tpu.memory_space<vmem>>, vector<1x16xi32>,
        %shift_right_logical3A_601 = arith.constant 14 : i32
        %shift_right_logical3A_602 = vector.broadcast %shift_right_logical3A_601 : i32 to vector<16xi32>
        %shift_right_logical3A_603 = arith.shrui %get3A_591, %shift_right_logical3A_602 : vector<16xi32>
        %swap3A_604 = arith.constant 1 : i32
        %swap3A_605 = arith.index_cast %swap3A_604 : i32 to index
        %swap3A_606 = arith.constant 80 : index
        %swap3A_607 = tpu.vector_load %arg8[%swap3A_605, %swap3A_606] {strides = array<i32>} : memref<2x128xi32, #tpu.memory_space<vmem>>, vector<1x16xi32>,
        %swap3A_608 = vector.shape_cast %swap3A_607 : vector<1x16xi32> to vector<16xi32>
        %swap3A_609 = vector.shape_cast %shift_right_logical3A_603 : vector<16xi32> to vector<1x16xi32>
        tpu.vector_store %arg8[%swap3A_605, %swap3A_606], %swap3A_609 {strides = array<i32>} : memref<2x128xi32, #tpu.memory_space<vmem>>, vector<1x16xi32>,
        %get3A_610 = arith.index_cast %add3A_477 : i32 to index
        %get3A_611 = arith.constant 96 : index
        %get3A_612 = tpu.vector_load %arg6[%get3A_610, %get3A_611] {strides = array<i32>} : memref<76x128xi32, #tpu.memory_space<vmem>>, vector<1x16xi32>,
        %get3A_613 = vector.shape_cast %get3A_612 : vector<1x16xi32> to vector<16xi32>
        %and3A_614 = arith.constant 16383 : i32
        %and3A_615 = vector.broadcast %and3A_614 : i32 to vector<16xi32>
        %and3A_616 = arith.andi %get3A_613, %and3A_615 : vector<16xi32>
        %swap3A_617 = arith.constant 1 : i32
        %swap3A_618 = arith.index_cast %swap3A_617 : i32 to index
        %swap3A_619 = arith.constant 96 : index
        %swap3A_620 = tpu.vector_load %arg7[%swap3A_618, %swap3A_619] {strides = array<i32>} : memref<2x128xi32, #tpu.memory_space<vmem>>, vector<1x16xi32>,
        %swap3A_621 = vector.shape_cast %swap3A_620 : vector<1x16xi32> to vector<16xi32>
        %swap3A_622 = vector.shape_cast %and3A_616 : vector<16xi32> to vector<1x16xi32>
        tpu.vector_store %arg7[%swap3A_618, %swap3A_619], %swap3A_622 {strides = array<i32>} : memref<2x128xi32, #tpu.memory_space<vmem>>, vector<1x16xi32>,
        %shift_right_logical3A_623 = arith.constant 14 : i32
        %shift_right_logical3A_624 = vector.broadcast %shift_right_logical3A_623 : i32 to vector<16xi32>
        %shift_right_logical3A_625 = arith.shrui %get3A_613, %shift_right_logical3A_624 : vector<16xi32>
        %swap3A_626 = arith.constant 1 : i32
        %swap3A_627 = arith.index_cast %swap3A_626 : i32 to index
        %swap3A_628 = arith.constant 96 : index
        %swap3A_629 = tpu.vector_load %arg8[%swap3A_627, %swap3A_628] {strides = array<i32>} : memref<2x128xi32, #tpu.memory_space<vmem>>, vector<1x16xi32>,
        %swap3A_630 = vector.shape_cast %swap3A_629 : vector<1x16xi32> to vector<16xi32>
        %swap3A_631 = vector.shape_cast %shift_right_logical3A_625 : vector<16xi32> to vector<1x16xi32>
        tpu.vector_store %arg8[%swap3A_627, %swap3A_628], %swap3A_631 {strides = array<i32>} : memref<2x128xi32, #tpu.memory_space<vmem>>, vector<1x16xi32>,
        %get3A_632 = arith.index_cast %add3A_477 : i32 to index
        %get3A_633 = arith.constant 112 : index
        %get3A_634 = tpu.vector_load %arg6[%get3A_632, %get3A_633] {strides = array<i32>} : memref<76x128xi32, #tpu.memory_space<vmem>>, vector<1x16xi32>,
        %get3A_635 = vector.shape_cast %get3A_634 : vector<1x16xi32> to vector<16xi32>
        %and3A_636 = arith.constant 16383 : i32
        %and3A_637 = vector.broadcast %and3A_636 : i32 to vector<16xi32>
        %and3A_638 = arith.andi %get3A_635, %and3A_637 : vector<16xi32>
        %swap3A_639 = arith.constant 1 : i32
        %swap3A_640 = arith.index_cast %swap3A_639 : i32 to index
        %swap3A_641 = arith.constant 112 : index
        %swap3A_642 = tpu.vector_load %arg7[%swap3A_640, %swap3A_641] {strides = array<i32>} : memref<2x128xi32, #tpu.memory_space<vmem>>, vector<1x16xi32>,
        %swap3A_643 = vector.shape_cast %swap3A_642 : vector<1x16xi32> to vector<16xi32>
        %swap3A_644 = vector.shape_cast %and3A_638 : vector<16xi32> to vector<1x16xi32>
        tpu.vector_store %arg7[%swap3A_640, %swap3A_641], %swap3A_644 {strides = array<i32>} : memref<2x128xi32, #tpu.memory_space<vmem>>, vector<1x16xi32>,
        %shift_right_logical3A_645 = arith.constant 14 : i32
        %shift_right_logical3A_646 = vector.broadcast %shift_right_logical3A_645 : i32 to vector<16xi32>
        %shift_right_logical3A_647 = arith.shrui %get3A_635, %shift_right_logical3A_646 : vector<16xi32>
        %swap3A_648 = arith.constant 1 : i32
        %swap3A_649 = arith.index_cast %swap3A_648 : i32 to index
        %swap3A_650 = arith.constant 112 : index
        %swap3A_651 = tpu.vector_load %arg8[%swap3A_649, %swap3A_650] {strides = array<i32>} : memref<2x128xi32, #tpu.memory_space<vmem>>, vector<1x16xi32>,
        %swap3A_652 = vector.shape_cast %swap3A_651 : vector<1x16xi32> to vector<16xi32>
        %swap3A_653 = vector.shape_cast %shift_right_logical3A_647 : vector<16xi32> to vector<1x16xi32>
        tpu.vector_store %arg8[%swap3A_649, %swap3A_650], %swap3A_653 {strides = array<i32>} : memref<2x128xi32, #tpu.memory_space<vmem>>, vector<1x16xi32>,
      } else {
      }
      %while3A_475 = arith.constant 0 : i32
      scf.yield %while3A_475 : i32
    }
    %barrier3A_436 = arith.constant 0 : index
    tpu.barrier barrier_id(%barrier3A_436)
    "tpu.region"() ({
      %run_scoped3A = tpu.sem_alloc : memref<!tpu.dma_semaphore, #tpu.memory_space<semaphore_mem>>
      %dma_start3A_437 = arith.constant 0 : i32
      %dma_start3A_438 = arith.constant 0 : i32
      %dma_start3A_439 = tpu.memref_slice %arg5[%arg0, %dma_start3A_437, %dma_start3A_438] : memref<2x10112x128xf32, #tpu.memory_space<hbm>> -> memref<1x10112x128xf32, #tpu.memory_space<hbm>>
      %dma_start3A_440 = tpu.memref_squeeze %dma_start3A_439 : memref<1x10112x128xf32, #tpu.memory_space<hbm>> -> memref<10112x128xf32, #tpu.memory_space<hbm>>
      %dma_start3A_441 = arith.constant 0 : i32
      %dma_start3A_442 = tpu.memref_slice %dma_start3A_440[%mul3A_16, %dma_start3A_441] : memref<10112x128xf32, #tpu.memory_space<hbm>> -> memref<632x128xf32, #tpu.memory_space<hbm>>
      %dma_start3A_443 = arith.constant 0 : i32
      %dma_start3A_444 = tpu.memref_slice %arg11[%mul3A_16, %dma_start3A_443] : memref<10112x128xf32, #tpu.memory_space<vmem_shared>> -> memref<632x128xf32, #tpu.memory_space<vmem_shared>>
      tpu.enqueue_dma source(%dma_start3A_444 : memref<632x128xf32, #tpu.memory_space<vmem_shared>>) target(%dma_start3A_442 : memref<632x128xf32, #tpu.memory_space<hbm>>) target_semaphore(%run_scoped3A : memref<!tpu.dma_semaphore, #tpu.memory_space<semaphore_mem>>)
      %dma_wait3A = arith.constant 0 : i32
      %dma_wait3A_445 = arith.constant 0 : i32
      %dma_wait3A_446 = tpu.memref_slice %arg5[%arg0, %dma_wait3A, %dma_wait3A_445] : memref<2x10112x128xf32, #tpu.memory_space<hbm>> -> memref<1x10112x128xf32, #tpu.memory_space<hbm>>
      %dma_wait3A_447 = tpu.memref_squeeze %dma_wait3A_446 : memref<1x10112x128xf32, #tpu.memory_space<hbm>> -> memref<10112x128xf32, #tpu.memory_space<hbm>>
      %dma_wait3A_448 = arith.constant 0 : i32
      %dma_wait3A_449 = tpu.memref_slice %dma_wait3A_447[%mul3A_16, %dma_wait3A_448] : memref<10112x128xf32, #tpu.memory_space<hbm>> -> memref<632x128xf32, #tpu.memory_space<hbm>>
      %dma_wait3A_450 = arith.constant 0 : i32
      %dma_wait3A_451 = tpu.memref_slice %arg11[%mul3A_16, %dma_wait3A_450] : memref<10112x128xf32, #tpu.memory_space<vmem_shared>> -> memref<632x128xf32, #tpu.memory_space<vmem_shared>>
      tpu.wait_dma2 semaphore(%run_scoped3A : memref<!tpu.dma_semaphore, #tpu.memory_space<semaphore_mem>>) src(%dma_wait3A_451 : memref<632x128xf32, #tpu.memory_space<vmem_shared>>) dst(%dma_wait3A_449 : memref<632x128xf32, #tpu.memory_space<hbm>>)
      tpu.yield
    }) : () -> ()
    return
  }
}

module attributes {stable_mosaic.version = 14 : i64} {
  func.func @_prescale_body(%arg0: i32, %arg1: memref<1024x128xf32, #tpu.memory_space<vmem>>, %arg2: memref<1x1x1024xf32, #tpu.memory_space<vmem>>, %arg3: memref<1024x128xf32, #tpu.memory_space<vmem>>) attributes {dimension_semantics = [#tpu.dimension_semantics<arbitrary>], iteration_bounds = array<i64: 10>, scalar_prefetch = 0 : i64, scratch_operands = 0 : i64, tpu.core_type = #tpu.core_type<tc>, window_params = [{transform_indices = @transform_0, window_bounds = array<i64: 1024, 128>}, {transform_indices = @transform_1, window_bounds = array<i64: 1, 1, 1024>}, {transform_indices = @transform_2, window_bounds = array<i64: 1024, 128>}]} {
    %get3A = arith.constant 0 : index
    %get3A_0 = arith.constant 0 : index
    %get3A_1 = vector.load %arg1[%get3A, %get3A_0] : memref<1024x128xf32, #tpu.memory_space<vmem>>, vector<1024x128xf32>
    %get3A_2 = arith.constant 0 : index
    %get3A_3 = arith.constant 0 : index
    %get3A_4 = arith.constant 0 : index
    %get3A_5 = vector.load %arg2[%get3A_2, %get3A_3, %get3A_4] : memref<1x1x1024xf32, #tpu.memory_space<vmem>>, vector<1x1x1024xf32>
    %reshape3A = vector.shape_cast %get3A_5 : vector<1x1x1024xf32> to vector<1024x1xf32>
    %gt3A = arith.constant 0.000000e+00 : f32
    %gt3A_6 = vector.broadcast %gt3A : f32 to vector<1024x1xf32>
    %gt3A_7 = arith.cmpf ogt, %reshape3A, %gt3A_6 : vector<1024x1xf32>
    %max3A = arith.constant 1.000000e+00 : f32
    %max3A_8 = vector.broadcast %max3A : f32 to vector<1024x1xf32>
    %max3A_9 = arith.maximumf %reshape3A, %max3A_8 : vector<1024x1xf32>
    %rsqrt3A = math.rsqrt %max3A_9 : vector<1024x1xf32>
    %jit3A = arith.constant 0.000000e+00 : f32
    %broadcast_in_dim3A = vector.broadcast %jit3A : f32 to vector<1024x1xf32>
    %select_n3A = arith.select %gt3A_7, %rsqrt3A, %broadcast_in_dim3A : vector<1024x1xi1>, vector<1024x1xf32>
    %mul3A = vector.broadcast %select_n3A : vector<1024x1xf32> to vector<1024x128xf32>
    %mul3A_10 = arith.mulf %get3A_1, %mul3A : vector<1024x128xf32>
    %swap3A = arith.constant 0 : index
    %swap3A_11 = arith.constant 0 : index
    %swap3A_12 = vector.load %arg3[%swap3A, %swap3A_11] : memref<1024x128xf32, #tpu.memory_space<vmem>>, vector<1024x128xf32>
    tpu.vector_store %arg3[%swap3A, %swap3A_11], %mul3A_10 {strides = array<i32>} : memref<1024x128xf32, #tpu.memory_space<vmem>>, vector<1024x128xf32>,
    return
  }
  func.func @transform_0(%arg0: i32) -> (i32, i32) {
    %c0_i32 = arith.constant 0 : i32
    %c0_i32_0 = arith.constant 0 : i32
    return %arg0, %c0_i32 : i32, i32
  }
  func.func @transform_1(%arg0: i32) -> (i32, i32, i32) {
    %c0_i32 = arith.constant 0 : i32
    %c0_i32_0 = arith.constant 0 : i32
    %c0_i32_1 = arith.constant 0 : i32
    return %arg0, %c0_i32, %c0_i32_0 : i32, i32, i32
  }
  func.func @transform_2(%arg0: i32) -> (i32, i32) {
    %c0_i32 = arith.constant 0 : i32
    %c0_i32_0 = arith.constant 0 : i32
    return %arg0, %c0_i32 : i32, i32
  }
}

module attributes {stable_mosaic.version = 14 : i64} {
  func.func @_post1_body(%arg0: i32, %arg1: memref<2x1024x128xf32, #tpu.memory_space<vmem>>, %arg2: memref<1x1x1024xf32, #tpu.memory_space<vmem>>, %arg3: memref<1x1x1024xf32, #tpu.memory_space<vmem>>, %arg4: memref<128x128xf32, #tpu.memory_space<vmem>>, %arg5: memref<1x128xf32, #tpu.memory_space<vmem>>, %arg6: memref<1024x128xf32, #tpu.memory_space<vmem>>) attributes {dimension_semantics = [#tpu.dimension_semantics<arbitrary>], iteration_bounds = array<i64: 10>, scalar_prefetch = 0 : i64, scratch_operands = 0 : i64, tpu.core_type = #tpu.core_type<tc>, window_params = [{transform_indices = @transform_0, window_bounds = array<i64: 2, 1024, 128>}, {transform_indices = @transform_1, window_bounds = array<i64: 1, 1, 1024>}, {transform_indices = @transform_2, window_bounds = array<i64: 1, 1, 1024>}, {pipeline_mode = #tpu.pipeline_mode<synchronous>, transform_indices = @transform_3, window_bounds = array<i64: 128, 128>}, {pipeline_mode = #tpu.pipeline_mode<synchronous>, transform_indices = @transform_4, window_bounds = array<i64: 1, 128>}, {transform_indices = @transform_5, window_bounds = array<i64: 1024, 128>}]} {
    %get3A = arith.constant 0 : index
    %get3A_0 = arith.constant 0 : index
    %get3A_1 = arith.constant 0 : index
    %get3A_2 = vector.load %arg1[%get3A, %get3A_0, %get3A_1] : memref<2x1024x128xf32, #tpu.memory_space<vmem>>, vector<1x1024x128xf32>
    %get3A_3 = vector.shape_cast %get3A_2 : vector<1x1024x128xf32> to vector<1024x128xf32>
    %get3A_4 = arith.constant 1 : index
    %get3A_5 = arith.constant 0 : index
    %get3A_6 = arith.constant 0 : index
    %get3A_7 = vector.load %arg1[%get3A_4, %get3A_5, %get3A_6] : memref<2x1024x128xf32, #tpu.memory_space<vmem>>, vector<1x1024x128xf32>
    %get3A_8 = vector.shape_cast %get3A_7 : vector<1x1024x128xf32> to vector<1024x128xf32>
    %add3A = arith.addf %get3A_3, %get3A_8 : vector<1024x128xf32>
    %get3A_9 = arith.constant 0 : index
    %get3A_10 = arith.constant 0 : index
    %get3A_11 = arith.constant 0 : index
    %get3A_12 = vector.load %arg3[%get3A_9, %get3A_10, %get3A_11] : memref<1x1x1024xf32, #tpu.memory_space<vmem>>, vector<1x1x1024xf32>
    %reshape3A = vector.shape_cast %get3A_12 : vector<1x1x1024xf32> to vector<1024x1xf32>
    %gt3A = arith.constant 0.000000e+00 : f32
    %gt3A_13 = vector.broadcast %gt3A : f32 to vector<1024x1xf32>
    %gt3A_14 = arith.cmpf ogt, %reshape3A, %gt3A_13 : vector<1024x1xf32>
    %max3A = arith.constant 1.000000e+00 : f32
    %max3A_15 = vector.broadcast %max3A : f32 to vector<1024x1xf32>
    %max3A_16 = arith.maximumf %reshape3A, %max3A_15 : vector<1024x1xf32>
    %rsqrt3A = math.rsqrt %max3A_16 : vector<1024x1xf32>
    %jit3A = arith.constant 0.000000e+00 : f32
    %broadcast_in_dim3A = vector.broadcast %jit3A : f32 to vector<1024x1xf32>
    %select_n3A = arith.select %gt3A_14, %rsqrt3A, %broadcast_in_dim3A : vector<1024x1xi1>, vector<1024x1xf32>
    %mul3A = vector.broadcast %select_n3A : vector<1024x1xf32> to vector<1024x128xf32>
    %mul3A_17 = arith.mulf %add3A, %mul3A : vector<1024x128xf32>
    %get3A_18 = arith.constant 0 : index
    %get3A_19 = arith.constant 0 : index
    %get3A_20 = vector.load %arg4[%get3A_18, %get3A_19] : memref<128x128xf32, #tpu.memory_space<vmem>>, vector<128x128xf32>
    %dot_general3A = arith.constant dense<0.000000e+00> : vector<1024x128xf32>
    %dot_general3A_21 = tpu.matmul %mul3A_17, %get3A_20, %dot_general3A {dimension_numbers = #tpu.dot_dimension_numbers<[1], [0], [0], [1], [0, 0, 1, 1], [], []>, transpose_lhs_hint = false} : vector<1024x128xf32>, vector<128x128xf32>, vector<1024x128xf32> -> vector<1024x128xf32>
    %get3A_22 = arith.constant 0 : index
    %get3A_23 = arith.constant 0 : index
    %get3A_24 = vector.load %arg5[%get3A_22, %get3A_23] : memref<1x128xf32, #tpu.memory_space<vmem>>, vector<1x128xf32>
    %add3A_25 = vector.broadcast %get3A_24 : vector<1x128xf32> to vector<1024x128xf32>
    %add3A_26 = arith.addf %dot_general3A_21, %add3A_25 : vector<1024x128xf32>
    %logistic3A = arith.negf %add3A_26 : vector<1024x128xf32>
    %logistic3A_27 = math.exp %logistic3A : vector<1024x128xf32>
    %logistic3A_28 = arith.constant 1.000000e+00 : f32
    %logistic3A_29 = vector.broadcast %logistic3A_28 : f32 to vector<1024x128xf32>
    %logistic3A_30 = arith.addf %logistic3A_29, %logistic3A_27 : vector<1024x128xf32>
    %logistic3A_31 = arith.divf %logistic3A_29, %logistic3A_30 : vector<1024x128xf32>
    %mul3A_32 = arith.mulf %add3A_26, %logistic3A_31 : vector<1024x128xf32>
    %get3A_33 = arith.constant 0 : index
    %get3A_34 = arith.constant 0 : index
    %get3A_35 = arith.constant 0 : index
    %get3A_36 = vector.load %arg2[%get3A_33, %get3A_34, %get3A_35] : memref<1x1x1024xf32, #tpu.memory_space<vmem>>, vector<1x1x1024xf32>
    %reshape3A_37 = vector.shape_cast %get3A_36 : vector<1x1x1024xf32> to vector<1024x1xf32>
    %gt3A_38 = arith.constant 0.000000e+00 : f32
    %gt3A_39 = vector.broadcast %gt3A_38 : f32 to vector<1024x1xf32>
    %gt3A_40 = arith.cmpf ogt, %reshape3A_37, %gt3A_39 : vector<1024x1xf32>
    %max3A_41 = arith.constant 1.000000e+00 : f32
    %max3A_42 = vector.broadcast %max3A_41 : f32 to vector<1024x1xf32>
    %max3A_43 = arith.maximumf %reshape3A_37, %max3A_42 : vector<1024x1xf32>
    %rsqrt3A_44 = math.rsqrt %max3A_43 : vector<1024x1xf32>
    %jit3A_45 = arith.constant 0.000000e+00 : f32
    %broadcast_in_dim3A_46 = vector.broadcast %jit3A_45 : f32 to vector<1024x1xf32>
    %select_n3A_47 = arith.select %gt3A_40, %rsqrt3A_44, %broadcast_in_dim3A_46 : vector<1024x1xi1>, vector<1024x1xf32>
    %mul3A_48 = vector.broadcast %select_n3A_47 : vector<1024x1xf32> to vector<1024x128xf32>
    %mul3A_49 = arith.mulf %mul3A_32, %mul3A_48 : vector<1024x128xf32>
    %swap3A = arith.constant 0 : index
    %swap3A_50 = arith.constant 0 : index
    %swap3A_51 = vector.load %arg6[%swap3A, %swap3A_50] : memref<1024x128xf32, #tpu.memory_space<vmem>>, vector<1024x128xf32>
    tpu.vector_store %arg6[%swap3A, %swap3A_50], %mul3A_49 {strides = array<i32>} : memref<1024x128xf32, #tpu.memory_space<vmem>>, vector<1024x128xf32>,
    return
  }
  func.func @transform_0(%arg0: i32) -> (i32, i32, i32) {
    %c0_i32 = arith.constant 0 : i32
    %c0_i32_0 = arith.constant 0 : i32
    %c0_i32_1 = arith.constant 0 : i32
    return %c0_i32, %arg0, %c0_i32_0 : i32, i32, i32
  }
  func.func @transform_1(%arg0: i32) -> (i32, i32, i32) {
    %c0_i32 = arith.constant 0 : i32
    %c0_i32_0 = arith.constant 0 : i32
    %c0_i32_1 = arith.constant 0 : i32
    return %arg0, %c0_i32, %c0_i32_0 : i32, i32, i32
  }
  func.func @transform_2(%arg0: i32) -> (i32, i32, i32) {
    %c0_i32 = arith.constant 0 : i32
    %c0_i32_0 = arith.constant 0 : i32
    %c0_i32_1 = arith.constant 0 : i32
    return %arg0, %c0_i32, %c0_i32_0 : i32, i32, i32
  }
  func.func @transform_3(%arg0: i32) -> (i32, i32) {
    %c0_i32 = arith.constant 0 : i32
    %c0_i32_0 = arith.constant 0 : i32
    %c0_i32_1 = arith.constant 0 : i32
    return %c0_i32, %c0_i32_0 : i32, i32
  }
  func.func @transform_4(%arg0: i32) -> (i32, i32) {
    %c0_i32 = arith.constant 0 : i32
    %c0_i32_0 = arith.constant 0 : i32
    %c0_i32_1 = arith.constant 0 : i32
    return %c0_i32, %c0_i32_0 : i32, i32
  }
  func.func @transform_5(%arg0: i32) -> (i32, i32) {
    %c0_i32 = arith.constant 0 : i32
    %c0_i32_0 = arith.constant 0 : i32
    return %arg0, %c0_i32 : i32, i32
  }
}

module attributes {stable_mosaic.version = 14 : i64} {
  func.func @_post2_body(%arg0: i32, %arg1: memref<2x1024x128xf32, #tpu.memory_space<vmem>>, %arg2: memref<1x1x1024xf32, #tpu.memory_space<vmem>>, %arg3: memref<128x128xf32, #tpu.memory_space<vmem>>, %arg4: memref<1x128xf32, #tpu.memory_space<vmem>>, %arg5: memref<1024x128xf32, #tpu.memory_space<vmem>>) attributes {dimension_semantics = [#tpu.dimension_semantics<arbitrary>], iteration_bounds = array<i64: 10>, scalar_prefetch = 0 : i64, scratch_operands = 0 : i64, tpu.core_type = #tpu.core_type<tc>, window_params = [{transform_indices = @transform_0, window_bounds = array<i64: 2, 1024, 128>}, {transform_indices = @transform_1, window_bounds = array<i64: 1, 1, 1024>}, {pipeline_mode = #tpu.pipeline_mode<synchronous>, transform_indices = @transform_2, window_bounds = array<i64: 128, 128>}, {pipeline_mode = #tpu.pipeline_mode<synchronous>, transform_indices = @transform_3, window_bounds = array<i64: 1, 128>}, {transform_indices = @transform_4, window_bounds = array<i64: 1024, 128>}]} {
    %get3A = arith.constant 0 : index
    %get3A_0 = arith.constant 0 : index
    %get3A_1 = arith.constant 0 : index
    %get3A_2 = vector.load %arg1[%get3A, %get3A_0, %get3A_1] : memref<2x1024x128xf32, #tpu.memory_space<vmem>>, vector<1x1024x128xf32>
    %get3A_3 = vector.shape_cast %get3A_2 : vector<1x1024x128xf32> to vector<1024x128xf32>
    %get3A_4 = arith.constant 1 : index
    %get3A_5 = arith.constant 0 : index
    %get3A_6 = arith.constant 0 : index
    %get3A_7 = vector.load %arg1[%get3A_4, %get3A_5, %get3A_6] : memref<2x1024x128xf32, #tpu.memory_space<vmem>>, vector<1x1024x128xf32>
    %get3A_8 = vector.shape_cast %get3A_7 : vector<1x1024x128xf32> to vector<1024x128xf32>
    %add3A = arith.addf %get3A_3, %get3A_8 : vector<1024x128xf32>
    %get3A_9 = arith.constant 0 : index
    %get3A_10 = arith.constant 0 : index
    %get3A_11 = arith.constant 0 : index
    %get3A_12 = vector.load %arg2[%get3A_9, %get3A_10, %get3A_11] : memref<1x1x1024xf32, #tpu.memory_space<vmem>>, vector<1x1x1024xf32>
    %reshape3A = vector.shape_cast %get3A_12 : vector<1x1x1024xf32> to vector<1024x1xf32>
    %gt3A = arith.constant 0.000000e+00 : f32
    %gt3A_13 = vector.broadcast %gt3A : f32 to vector<1024x1xf32>
    %gt3A_14 = arith.cmpf ogt, %reshape3A, %gt3A_13 : vector<1024x1xf32>
    %max3A = arith.constant 1.000000e+00 : f32
    %max3A_15 = vector.broadcast %max3A : f32 to vector<1024x1xf32>
    %max3A_16 = arith.maximumf %reshape3A, %max3A_15 : vector<1024x1xf32>
    %rsqrt3A = math.rsqrt %max3A_16 : vector<1024x1xf32>
    %jit3A = arith.constant 0.000000e+00 : f32
    %broadcast_in_dim3A = vector.broadcast %jit3A : f32 to vector<1024x1xf32>
    %select_n3A = arith.select %gt3A_14, %rsqrt3A, %broadcast_in_dim3A : vector<1024x1xi1>, vector<1024x1xf32>
    %mul3A = vector.broadcast %select_n3A : vector<1024x1xf32> to vector<1024x128xf32>
    %mul3A_17 = arith.mulf %add3A, %mul3A : vector<1024x128xf32>
    %get3A_18 = arith.constant 0 : index
    %get3A_19 = arith.constant 0 : index
    %get3A_20 = vector.load %arg3[%get3A_18, %get3A_19] : memref<128x128xf32, #tpu.memory_space<vmem>>, vector<128x128xf32>
    %dot_general3A = arith.constant dense<0.000000e+00> : vector<1024x128xf32>
    %dot_general3A_21 = tpu.matmul %mul3A_17, %get3A_20, %dot_general3A {dimension_numbers = #tpu.dot_dimension_numbers<[1], [0], [0], [1], [0, 0, 1, 1], [], []>, transpose_lhs_hint = false} : vector<1024x128xf32>, vector<128x128xf32>, vector<1024x128xf32> -> vector<1024x128xf32>
    %get3A_22 = arith.constant 0 : index
    %get3A_23 = arith.constant 0 : index
    %get3A_24 = vector.load %arg4[%get3A_22, %get3A_23] : memref<1x128xf32, #tpu.memory_space<vmem>>, vector<1x128xf32>
    %add3A_25 = vector.broadcast %get3A_24 : vector<1x128xf32> to vector<1024x128xf32>
    %add3A_26 = arith.addf %dot_general3A_21, %add3A_25 : vector<1024x128xf32>
    %swap3A = arith.constant 0 : index
    %swap3A_27 = arith.constant 0 : index
    %swap3A_28 = vector.load %arg5[%swap3A, %swap3A_27] : memref<1024x128xf32, #tpu.memory_space<vmem>>, vector<1024x128xf32>
    tpu.vector_store %arg5[%swap3A, %swap3A_27], %add3A_26 {strides = array<i32>} : memref<1024x128xf32, #tpu.memory_space<vmem>>, vector<1024x128xf32>,
    return
  }
  func.func @transform_0(%arg0: i32) -> (i32, i32, i32) {
    %c0_i32 = arith.constant 0 : i32
    %c0_i32_0 = arith.constant 0 : i32
    %c0_i32_1 = arith.constant 0 : i32
    return %c0_i32, %arg0, %c0_i32_0 : i32, i32, i32
  }
  func.func @transform_1(%arg0: i32) -> (i32, i32, i32) {
    %c0_i32 = arith.constant 0 : i32
    %c0_i32_0 = arith.constant 0 : i32
    %c0_i32_1 = arith.constant 0 : i32
    return %arg0, %c0_i32, %c0_i32_0 : i32, i32, i32
  }
  func.func @transform_2(%arg0: i32) -> (i32, i32) {
    %c0_i32 = arith.constant 0 : i32
    %c0_i32_0 = arith.constant 0 : i32
    %c0_i32_1 = arith.constant 0 : i32
    return %c0_i32, %c0_i32_0 : i32, i32
  }
  func.func @transform_3(%arg0: i32) -> (i32, i32) {
    %c0_i32 = arith.constant 0 : i32
    %c0_i32_0 = arith.constant 0 : i32
    %c0_i32_1 = arith.constant 0 : i32
    return %c0_i32, %c0_i32_0 : i32, i32
  }
  func.func @transform_4(%arg0: i32) -> (i32, i32) {
    %c0_i32 = arith.constant 0 : i32
    %c0_i32_0 = arith.constant 0 : i32
    return %arg0, %c0_i32 : i32, i32
  }
}

</mosaic_0001>

<sc_bundles>
// kernel: gather_offload_async_start
scs
__scs_entry_jumppad:
0x0: {  	(pc) =	sbr.rel $0x88, $3  }
0x1: {  	(tag) =	ssettag $0x0;
	lr =	simm.s32 $0x1  }
0x2: {  	[smem:$0x3F9B] =	sst lr;
	_ =	strace $0xD0000000  }
0x3: {  	_ = 	snop  }
0x4: {  	_ = 	snop  }
0x5: {  	_ = 	snop  }
0x6: {  	_ = 	snop  }
0x7: {  	_ = 	snop  }
__scs_overlays_trampoline_lowered:
0x8: {  	[smem:$0x3FAA] =	sst s0  }
0x9: {  	[smem:$0x3FAB] =	sst s1  }
0xa: {  	[smem:$0x3FAC] =	sst s2  }
0xb: {  	[smem:$0x3FAD] =	sst s3  }
0xc: {  	[smem:$0x3FAE] =	sst s4  }
0xd: {  	[smem:$0x3FAF] =	sst s5  }
0xe: {  	[smem:$0x3FB0] =	sst s6  }
0xf: {  	[smem:$0x3FB1] =	sst s7  }
0x10: {  	[smem:$0x3FB2] =	sst s8  }
0x11: {  	[smem:$0x3FB3] =	sst s9;
	s0 =	simm.s32 @!p0 $0x0  }
0x12: {  	s1 =	sld [smem:$0x3F99];
	s0 =	simm.s32 @p0 $0x1  }
0x13: {  	[smem:$0x3FB4] =	sst s0;
	s0 =	simm.s32 @!p1 $0x0  }
0x14: {  	s2 =	sld [smem:$0x3F98];
	s0 =	simm.s32 @p1 $0x1  }
0x15: {  	[smem:$0x3FB5] =	sst s0;
	s0 =	simm.s32 @!p2 $0x0  }
0x16: {  	s3 =	sld [smem:$0x3FDB];
	s0 =	simm.s32 @p2 $0x1  }
0x17: {  	s4 =	simm.s32 $0x1BF5;
	[smem:$0x3FB7] =	sst s0  }
0x18: {  	s0 =	sld [smem:$0x3F9A];
	_ =	swait.ge [sflag:s4], $0x0  }
0x19: {  	s7 =	sld [smem:$0x3F9B]  }
0x1a: {  	s8 =	sadd.s32 $0xFFFFE003, lr  }
0x1b: {  	s9 =	sadd.s32 $0xFFFFFEF7, lr;
	s5 =	simm.s32 $0xFFFFFFFF;
	p2 =	slt.u32 s8, $0xFFFFF086  }
0x1c: {  	p1 =	slt.u32 s9, $0xF7A;
	s5 =	simm.s32 @!p2 $0x0  }
0x1d: {  	s5 =	simm.s32 @p1 $0x1;
	p0 =	seq.s32 s7, s2  }
0x1e: {  	s7 =	smul.u32 @!p0 $0xF7A, s2;
	p2 =	seq.s32 @!p0 s5, $0x0  }
0x1f: {  	s9 =	smul.u32 $0xF7A, s1;
	s8 =	simm.s32 @!p0 $0x1BF5;
	p2 =	por !p2, p0  }
0x20: {  	[sflag:s8] =	ssyncset.s32 @!p0 $0xFFFFF086;
	s6 =	sadd.s32 @!p0 s3, s7;
	s7 =	simm.s32 @!p0 $0x108  }
0x21: {  	s3 =	sadd.s32 s3, s9;
	s6 =	sadd.s32 @!p0 $0x88, s6;
	s7 =	simm.s32 @p2 $0x1082  }
0x22: {  	[simem:s7], [sflag:s8] =	dma.local @!p0 [hbm:s6], $0xF7A  }
0x23: {  	s9 =	sor.u32 $0xD0000000, s2;
	s6 =	simm.s32 $0x108;
	_ =	swait.ge @!p0 [sflag:s8], $0x0  }
0x24: {  	s3 =	sadd.s32 $0x88, s3;
	s6 =	simm.s32 @!p1 $0x1082;
	[sflag:s4] =	ssyncset.s32 $0xFFFFF086  }
0x25: {  	[simem:s6], [sflag:s4] =	dma.local [hbm:s3], $0xF7A  }
0x26: {  	[smem:$0x3F9B] =	sst s1;
	(tag) =	ssettag s2;
	_ =	strace s9  }
0x27: {  	s1 =	sld [smem:$0x3FAB]  }
0x28: {  	s2 =	sld [smem:$0x3FAC]  }
0x29: {  	s4 =	sld [smem:$0x3FAE]  }
0x2a: {  	p0 =	seq.s32 s5, $0x0;
	s5 =	sld [smem:$0x3FAF]  }
0x2b: {  	s6 =	sld [smem:$0x3FB0]  }
0x2c: {  	s7 =	sld [smem:$0x3FB1]  }
0x2d: {  	s3 =	simm.s32 $0x108;
	s8 =	sld [smem:$0x3FB2]  }
0x2e: {  	s3 =	simm.s32 @!p0 $0x1082;
	s9 =	sld [smem:$0x3FB3]  }
0x2f: {  	lr =	sadd.s32 s0, s3;
	s0 =	sld [smem:$0x3FAA]  }
0x30: {  	s3 =	sld [smem:$0x3FAD]  }
0x31: {  	[smem:$0x3FB6] =	sst s10  }
0x32: {  	s10 =	sld [smem:$0x3FB4];
	_ =	sdelay $0x3  }
0x33: {  	p0 =	seq.s32 s10, $0x1;
	s10 =	sld [smem:$0x3FB6];
	_ =	sdelay $0x3  }
0x34: {  	[smem:$0x3FB6] =	sst s10  }
0x35: {  	s10 =	sld [smem:$0x3FB5];
	_ =	sdelay $0x3  }
0x36: {  	p1 =	seq.s32 s10, $0x1;
	s10 =	sld [smem:$0x3FB6];
	_ =	sdelay $0x3  }
0x37: {  	[smem:$0x3FB6] =	sst s10  }
0x38: {  	s10 =	sld [smem:$0x3FB7]  }
0x39: {  	_ = 	snop;
	(pc) =	sbr.ind lr, $3  }
0x3a: {  	_ = 	snop  }
0x3b: {  	_ = 	snop  }
0x3c: {  	p2 =	seq.s32 s10, $0x1;
	s10 =	sld [smem:$0x3FB6]  }
0x3d: {  	_ =	shalt  }
0x3e: {  	_ =	shalt  }
0x3f: {  	_ =	shalt  }
0x40: {  	_ =	shalt  }
0x41: {  	_ =	shalt  }
0x42: {  	_ =	shalt  }
0x43: {  	_ =	shalt  }
0x44: {  	_ =	shalt  }
0x45: {  	_ =	shalt  }
0x46: {  	_ =	shalt  }
0x47: {  	_ =	shalt  }
0x48: {  	_ =	shalt  }
0x49: {  	_ =	shalt  }
0x4a: {  	_ =	shalt  }
0x4b: {  	_ =	shalt  }
0x4c: {  	_ =	shalt  }
0x4d: {  	_ =	shalt  }
0x4e: {  	_ =	shalt  }
0x4f: {  	_ =	shalt  }
0x50: {  	_ =	shalt  }
0x51: {  	_ =	shalt  }
0x52: {  	_ =	shalt  }
0x53: {  	_ =	shalt  }
0x54: {  	_ =	shalt  }
0x55: {  	_ =	shalt  }
0x56: {  	_ =	shalt  }
0x57: {  	_ =	shalt  }
0x58: {  	_ =	shalt  }
0x59: {  	_ =	shalt  }
0x5a: {  	_ =	shalt  }
0x5b: {  	_ =	shalt  }
0x5c: {  	_ =	shalt  }
0x5d: {  	_ =	shalt  }
0x5e: {  	_ =	shalt  }
0x5f: {  	_ =	shalt  }
0x60: {  	_ =	shalt  }
0x61: {  	_ =	shalt  }
0x62: {  	_ =	shalt  }
0x63: {  	_ =	shalt  }
0x64: {  	_ =	shalt  }
0x65: {  	_ =	shalt  }
0x66: {  	_ =	shalt  }
0x67: {  	_ =	shalt  }
0x68: {  	_ =	shalt  }
0x69: {  	_ =	shalt  }
0x6a: {  	_ =	shalt  }
0x6b: {  	_ =	shalt  }
0x6c: {  	_ =	shalt  }
0x6d: {  	_ =	shalt  }
0x6e: {  	_ =	shalt  }
0x6f: {  	_ =	shalt  }
0x70: {  	_ =	shalt  }
0x71: {  	_ =	shalt  }
0x72: {  	_ =	shalt  }
0x73: {  	_ =	shalt  }
0x74: {  	_ =	shalt  }
0x75: {  	_ =	shalt  }
0x76: {  	_ =	shalt  }
0x77: {  	_ =	shalt  }
0x78: {  	_ =	shalt  }
0x79: {  	_ =	shalt  }
0x7a: {  	_ =	shalt  }
0x7b: {  	_ =	shalt  }
0x7c: {  	_ =	shalt  }
0x7d: {  	_ =	shalt  }
0x7e: {  	_ =	shalt  }
0x7f: {  	_ =	shalt  }
0x80: {  	_ =	shalt  }
0x81: {  	_ =	shalt  }
0x82: {  	_ =	shalt  }
0x83: {  	_ =	shalt  }
0x84: {  	_ =	shalt  }
0x85: {  	_ =	shalt  }
0x86: {  	_ =	shalt  }
0x87: {  	_ =	shalt  }
.Lfunc_end0:
.L_simem_size_0:
called_computation_lowered:
.L_overlay_start_0:
0x88: {  	s2 =	sld [smem:$0x3FD9]  }
0x89: {  	s3 =	sld [smem:$0x3FFE];
	_ =	sdelay $0x1  }
0x8a: {  	s1 =	srdreg.scid  }
0x8b: {  	s0 =	sand.u32 $0x1, s1  }
0x8c: {  	s16 =	sshll.u32 s0, $0xA;
	s2 =	sadd.s32 s3, s2  }
0x8d: {  	s2 =	sadd.s32 s2, s16  }
0x8e: {  	[smem:$0x3FC2] =	sst s2  }
0x8f: {  	_ = 	snop  }
0x90: {  	(tm) =	ssettm $0x1  }
0x91: {  	s17 =	sld [smem:$0x3FFB];
	_ =	sdelay $0x3  }
0x92: {  	_ =	strace s17  }
0x93: {  	s2 =	sld [smem:$0x3FFC];
	_ =	sdelay $0x3  }
0x94: {  	_ =	strace s2  }
0x95: {  	s2 =	sld [smem:$0x3FFD];
	_ =	sdelay $0x3  }
0x96: {  	_ =	strace s2  }
0x97: {  	_ =	strace $0x8FFFFFFF  }
0x98: {  	s18 =	sld [smem:$0x3FDB];
	_ =	sdelay $0x1  }
0x99: {  	s19 =	simm.s32 $_scs_section_size  }
0x9a: {  	s4 =	simm.s32 $_size__tile_overlayer_lowered;
	s5 =	simm.s32 $_tile_overlayer_lowered  }
0x9b: {  	s22 =	simm.s32 $0x1BFF;
	s21 =	sshll.u32 s5, $0x1;
	s2 =	sadd.s32 s19, s18  }
0x9c: {  	s6 =	simm.s32 $0x0;
	s20 =	sshll.u32 s4, $0x1;
	s4 =	sadd.s32 s21, s2  }
0x9d: {  	[timem:s6], [sflag:s22] =	dma.local [hbm:s4], s20  }
0x9e: {  	_ =	swait.ge [sflag:s22], s20  }
0x9f: {  	s3 =	ssub.s32 $0x0, s20;
	[sflag:s22] =	ssyncset.done $0x0  }
0xa0: {  	[sflag:s22] =	ssyncadd.s32 s3;
	_ =	sdelay $0x1  }
0xa1: {  	s23 =	simm.s32 $0x1B8B  }
0xa2: {  	_ =	swait.ge [sflag:s23], $0x1  }
0xa3: {  	[sflag:s23] =	ssyncset.done $0x0  }
0xa4: {  	s25 =	simm.s32 $0x1B8E;
	s24 =	sld [smem:$0x3FFE];
	[sflag:s23] =	ssyncadd.s32 $0xFFFFFFFF  }
0xa5: {  	s26 =	simm.s32 $execute0_lowered;
	[smem:$0x3FD2] =	sst s25  }
0xa6: {  	s4 =	sshll.u32 s26, $0x1;
	_ =	strace $0x80000046;
	[dreg:$0x1] =	wrdreg $0xFFFFFFFF  }
0xa7: {  	s28 =	simm.s32 $_size_execute0_lowered;
	s2 =	sadd.s32 s2, s4;
	[dreg:$0x0] =	wrdreg $0x0  }
0xa8: {  	s4 =	sshll.u32 s28, $0x1;
	[dreg:$0x2] =	wrdreg s2  }
0xa9: {  	[dreg:$0x3] =	wrdreg s4  }
0xaa: {  	[dreg:$0x4] =	wrdreg $0xC0  }
0xab: {  	_ =	task [dreg:s6], $0x5FFFF  }
0xac: {  	[dreg:$0x1] =	wrdreg $0xFFFFFFFF  }
0xad: {  	[dreg:$0x0] =	wrdreg $0x60  }
0xae: {  	[dreg:$0x2] =	wrdreg s24  }
0xaf: {  	[dreg:$0x3] =	wrdreg $0x9  }
0xb0: {  	_ =	task.clear_ibuf [dreg:s6], $0x4FFFF;
	_ =	strace $0x90000046  }
0xb1: {  	s29 =	simm.s32 $0x9;
	_ =	strace $0x80000048  }
0xb2: {  	_ =	swait.ge [sflag:s29], $0x1  }
0xb3: {  	[sflag:s29] =	ssyncadd.s32 $0xFFFFFFFF  }
0xb4: {  	_ =	strace $0x90000048  }
0xb5: {  	_ =	sfence  }
0xb6: {  	s30 =	sld [smem:$0x0];
	_ =	sdelay $0x2  }
0xb7: {  	s31 =	sshll.u32 s1, $0xD;
	s1 =	sshrl.u32 s1, $0x2  }
0xb8: {  	s3 =	sand.u32 $0x4000, s31;
	s1 =	sadd.s32 s1, s30  }
0xb9: {  	s0 =	sor.u32 s3, s0;
	s1 =	sshll.u32 s1, $0x11  }
0xba: {  	s0 =	sor.u32 s1, s0  }
0xbb: {  	s0 =	sadd.s32 $0x8F2B, s0  }
0xbc: {  	[sflag:s0] =	ssyncadd.remote.s32 $0x1  }
0xbd: {  	_ =	sfence.sel $0xFFFF  }
0xbe: {  	[dreg:$0x0] =	wrdreg $0xFFFFFFFF;
	(pc) =	sbr.abs _section_cstart, $3  }
0xbf: {  	[dreg:$0x1] =	wrdreg $0xFFFFFFFF  }
0xc0: {  	_ =	task.clear_ibuf [dreg:s6], $0x2FFFF;
	_ =	strace $0x9FFFFFFF  }
0xc1: {  	(tm) =	ssettm $0x7FFFFFFF  }
tec
execute0_lowered:
.L_overlay_start_1:
0x0: {  	(tag) =	ssettag $0x1  }
0x1: {  	s0 =	srdreg.scid;
	s5 =	rddreg [dreg:$0x0]  }
0x2: {  	s1 =	stileid.u32;
	s6 =	simm.s32 $0x1;
	s9 =	simm.s32 $0x1  }
0x3: {  	s10 =	simm.s32 $0x3;
	s13 =	simm.s32 $0x0;
	s2 =	sshll.u32 s0, $0xC  }
0x4: {  	s12 =	simm.s32 $0x0;
	s3 =	sshll.u32 s1, $0xD;
	s2 =	sand.u32 $0x1000, s2  }
0x5: {  	s0 =	rddreg [dreg:$0x1];
	_ =	strace $0x80000047;
	s2 =	sor.u32 s3, s2  }
0x6: {  	s4 =	sadd.s32 $0xC400, s5;
	[sflag:s6] =	ssyncpa.u1 $0x0;
	s8 =	ssub.s32 $0x28000, s2  }
.Ltmp0:
0x7: {  	s3 =	sadd.s32 $0x11400, s5;
	s7 =	sand.u32 $0x1F000, s8;
	(pc) =	sbr.rel .LBB2_1-.Ltmp0, $4  }
0x8: {  	s5 =	sadd.s32 $0x1B200, s5;
	s11 =	smov.u32 s2;
	p0 =	sne.s32 s7, $0x0  }
0x9: {  	s8 =	sshrl.u32 s8, $0x11;
	s7 =	simm.s32 $0x2;
	s9 =	simm.s32 @!p0 $0x0  }
0xa: {  	[sflag:s7] =	ssyncpa.u1 $0x0;
	p0 =	por $0x0, $0x0;
	s8 =	sadd.s32 s9, s8  }
0xb: {  	vm0 =	vmmov $0xffff;
	[sflag:s10] =	ssyncpa.u1 $0x0;
	s10 =	simm.s32 $0x0;
	s9 =	sadd.s32 $0x1, s8  }
.LBB2_4:
0xc: {  	v2 =	vnsel vm1, $0x0, v2  }
0xd: {  	vm1 =	vgt.s32 v0, $0x0;
	v2 =	vmin.u32 v2, $0x4E200  }
0xe: {  	v0 =	vnsel vm1, $0x0, v0  }
0xf: {  	v0 =	vmin.u32 v0, $0x4E200  }
0x10: {  	[tilespmem:s15], [sflag:$0x1] =	stream.indirect_vreg.gather [hbm4b:s3+s10], $0x1, v1, vm0, $0x4038;
	[tilespmem:$0x4000] =	vst v63  }
0x11: {  	(ifvalue) =	ssetifvalue $0x7FFFFFFF  }
0x12: {  	[tilespmem:s16], [sflag:$0x1] =	stream.indirect_vreg.gather [hbm4b:s3+s10], $0x1, v2, vm0, $0x4038;
	[tilespmem:$0x4000] =	vst v63  }
0x13: {  	s29 =	sadd.s32 $0x10, s16;
	(ifvalue) =	ssetifvalue $0x7FFFFFFF  }
0x14: {  	[tilespmem:s29], [sflag:$0x1] =	stream.indirect_vreg.gather [hbm4b:s3+s10], $0x1, v0, vm0, $0x4038;
	[tilespmem:$0x4000] =	vst v63  }
0x15: {  	_ =	swait.ge [sflag:s6], $0x1000  }
0x16: {  	s30 =	sshrl.u32 s13, $0x3;
	[sflag:s6] =	ssyncset.done $0x0  }
0x17: {  	s31 =	sand.u32 $0x7, s13;
	s15 =	sadd.s32 s5, s30;
	[sflag:s6] =	ssyncadd.s32 $0xFFFFF000  }
0x18: {  	[hbm4b:s15+s31] =	stream.linear.scatter [tilespmem:s14], [sflag:$0x3], $0x1000, $0x38;
	[tilespmem:$0x4000] =	vst v63  }
.LBB2_5:
0x19: {  	s15 =	sadd.s32 $0x20000, s11  }
0x1a: {  	p2 =	sgt.s32 s15, $0x27FFF  }
0x1b: {  	s15 =	smov.u32 @p2 s2;
	p2 =	sne.s32 s12, s9  }
.Ltmp1:
0x1c: {  	p1 =	slt.u32 s12, $0x2;
	(pc) =	sbr.rel @!p2 .LBB2_6-.Ltmp1, $4  }
0x1d: {  	s14 =	simm.s32 @!p1 $0x3  }
0x1e: {  	s16 =	sadd.s32 $0x1, s12;
	_ =	swait.ge @!p1 [sflag:s14], $0x1000  }
0x1f: {  	s13 =	smov.u32 s11;
	p0 =	por !p0, !p0;
	[sflag:s14] =	ssyncset.done @!p1 $0x0  }
0x20: {  	s12 =	smov.u32 s16;
	s11 =	smov.u32 s15;
	[sflag:s14] =	ssyncadd.s32 @!p1 $0xFFFFF000  }
.LBB2_1:
0x21: {  	p1 =	sge.u32 s12, s8  }
0x22: {  	s14 =	sxor.u32 @!p1 $0xFFFFFFFF, s12  }
0x23: {  	s31 =	sadd.s32 $0xFFFFFFFF, s12;
	s15 =	sshrl.u32 @!p1 s11, $0x3;
	s14 =	sshll.u32 @!p1 s14, $0xC  }
0x24: {  	s16 =	sand.u32 @!p1 $0x7, s11;
	s15 =	sadd.s32 @!p1 s4, s15;
	s14 =	sand.u32 @!p1 $0x1000, s14  }
0x25: {  	[tilespmem:s14], [sflag:$0x2] =	stream.linear.gather @!p1 [hbm4b:s15+s16], $0x1000, $0x38;
	[tilespmem:$0x4000] =	vst v63  }
0x26: {  	p1 =	sge.u32 s31, s8  }
.Ltmp2:
0x27: {  	_ = 	snop;
	(pc) =	sbr.rel @p1 .LBB2_5-.Ltmp2, $1  }
0x28: {  	_ =	sdelay $0x3  }
0x29: {  	s14 =	simm.s32 $0x1  }
0x2a: {  	_ =	swait.ge [sflag:s7], $0x1000;
	s14 =	simm.s32 @!p0 $0x0  }
0x2b: {  	[sflag:s7] =	ssyncset.done $0x0;
	s14 =	sshll.u32 s14, $0xC  }
0x2c: {  	[sflag:s7] =	ssyncadd.s32 $0xFFFFF000;
	(ifvalue) =	ssetifvalue $0x7FFFFFFF;
	v0 =	vld.msk [tilespmem:s14+$0x0 ss:$0x1], $0xffff;
	_ =	sdelay $0x4  }
0x2d: {  	s15 =	sadd.s32 $0x10, s14;
	vm1 =	vgt.s32 v0, $0x0  }
0x2e: {  	v2 =	vld.msk [tilespmem:s15+$0x0 ss:$0x1], $0xffff;
	v1 =	vnsel vm1, $0x0, v0  }
0x2f: {  	v1 =	vmin.u32 v1, $0x4E200;
	_ =	sdelay $0x1  }
0x30: {  	s16 =	sshll.u32 s12, $0xC;
	s18 =	simm.s32 $0x20  }
0x31: {  	s16 =	sand.u32 $0x1000, s16;
	s17 =	sadd.s32 $0x10, s15;
	s15 =	sor.u32 $0x2000, s14  }
0x32: {  	s14 =	sor.u32 $0x2000, s16;
	s16 =	sadd.s32 $0x10, s15;
	v0 =	vld.msk [tilespmem:s17+$0x0 ss:$0x1], $0xffff;
	vm1 =	vgt.s32 v2, $0x0;
	(ifvalue) =	ssetifvalue $0x7FFFFFFF  }
.LBB2_3:
0x33: {  	[tilespmem:s15], [sflag:$0x1] =	stream.indirect_vreg.gather [hbm4b:s3+s10], $0x1, v1, vm0, $0x4038;
	[tilespmem:$0x4000] =	vst v63  }
0x34: {  	s18 =	sadd.s32 $0x10, s18  }
0x35: {  	v2 =	vnsel vm1, $0x0, v2;
	p1 =	slt.u32 s18, $0xFF0  }
.Ltmp3:
0x36: {  	s15 =	smov.u32 s16;
	v1 =	vmin.u32 v2, $0x4E200;
	(pc) =	sbr.rel @p1 .LBB2_3-.Ltmp3, $3  }
0x37: {  	_ =	sdelay $0x1  }
0x38: {  	s17 =	sadd.s32 $0x10, s17  }
0x39: {  	vm1 =	vgt.s32 v0, $0x0;
	s16 =	sadd.s32 $0x10, s16;
	v2 =	vmov v0;
	(ifvalue) =	ssetifvalue $0x7FFFFFFF;
	v0 =	vld.msk [tilespmem:s17+$0x0 ss:$0x1], $0xffff  }
.Ltmp4:
0x3a: {  	_ = 	snop;
	(pc) =	sbr.rel .LBB2_4-.Ltmp4, $1  }
0x3b: {  	_ =	sdelay $0x3  }
.LBB2_6:
0x3c: {  	_ =	sfence.sel $0x180000  }
0x3d: {  	s2 =	simm.s32 $0x2;
	[bflag:$0x0] =	sbarrier.arrive $0xFFFF  }
0x3e: {  	s30 =	simm.s32 $0x3;
	[sflag:s2] =	ssyncpa.u1 $0x1  }
0x3f: {  	s31 =	simm.s32 $0x1;
	[sflag:s30] =	ssyncpa.u1 $0x1  }
0x40: {  	[sflag:s31] =	ssyncpa.u1 $0x1  }
0x41: {  	p0 =	sne.s32 s1, $0x0;
	_ =	strace $0x90000047  }
0x42: {  	s0 =	sadd.s32 @!p0 $0x100000, s0;
	[bflag:$0x2] =	sbarrier.arrive $0xFFFF  }
0x43: {  	[sflag:s0] =	ssyncadd.tile.s32 @!p0 $0x1;
	_ =	shalt  }
.Lfunc_end2:
_tile_overlayer_lowered:
.L_overlay_start_2:
0x44: {  	(tag) =	ssettag $0x2  }
0x45: {  	s0 =	rddreg [dreg:$0x0];
	s2 =	stileid.u32  }
0x46: {  	s1 =	rddreg [dreg:$0x1];
	p0 =	sne.s32 s2, $0x0  }
0x47: {  	s3 =	rddreg [dreg:$0x2];
	[bflag:$0x3] =	sbarrier.arrive $0xFFFF;
	s2 =	simm.s32 @!p0 $0x1C01  }
0x48: {  	[timem:s3], [sflag:s2] =	dma.local @!p0 [hbm:s0], s1  }
0x49: {  	s0 =	simm.s32 @!p0 $0x1  }
0x4a: {  	_ =	swait.ge @!p0 [sflag:s0], s1  }
0x4b: {  	s1 =	ssub.s32 @!p0 $0x0, s1;
	[sflag:s0] =	ssyncset.done @!p0 $0x0  }
0x4c: {  	[sflag:s0] =	ssyncadd.s32 @!p0 s1  }
0x4d: {  	[bflag:$0x3] =	sbarrier.arrive $0xFFFF  }
0x4e: {  	_ =	shalt  }

// kernel: kernel.11.cloned.1.call-start
scs
__scs_entry_jumppad:
0x0: {  	(pc) =	sbr.rel $0x88, $3  }
0x1: {  	(tag) =	ssettag $0x0;
	lr =	simm.s32 $0x1  }
0x2: {  	[smem:$0x3F9B] =	sst lr;
	_ =	strace $0xD0000000  }
0x3: {  	_ = 	snop  }
0x4: {  	_ = 	snop  }
0x5: {  	_ = 	snop  }
0x6: {  	_ = 	snop  }
0x7: {  	_ = 	snop  }
__scs_overlays_trampoline_lowered:
0x8: {  	[smem:$0x3FAA] =	sst s0  }
0x9: {  	[smem:$0x3FAB] =	sst s1  }
0xa: {  	[smem:$0x3FAC] =	sst s2  }
0xb: {  	[smem:$0x3FAD] =	sst s3  }
0xc: {  	[smem:$0x3FAE] =	sst s4  }
0xd: {  	[smem:$0x3FAF] =	sst s5  }
0xe: {  	[smem:$0x3FB0] =	sst s6  }
0xf: {  	[smem:$0x3FB1] =	sst s7  }
0x10: {  	[smem:$0x3FB2] =	sst s8  }
0x11: {  	[smem:$0x3FB3] =	sst s9;
	s0 =	simm.s32 @!p0 $0x0  }
0x12: {  	s1 =	sld [smem:$0x3F99];
	s0 =	simm.s32 @p0 $0x1  }
0x13: {  	[smem:$0x3FB4] =	sst s0;
	s0 =	simm.s32 @!p1 $0x0  }
0x14: {  	s2 =	sld [smem:$0x3F98];
	s0 =	simm.s32 @p1 $0x1  }
0x15: {  	[smem:$0x3FB5] =	sst s0;
	s0 =	simm.s32 @!p2 $0x0  }
0x16: {  	s3 =	sld [smem:$0x3FDB];
	s0 =	simm.s32 @p2 $0x1  }
0x17: {  	s4 =	simm.s32 $0x1BF5;
	[smem:$0x3FB7] =	sst s0  }
0x18: {  	s0 =	sld [smem:$0x3F9A];
	_ =	swait.ge [sflag:s4], $0x0  }
0x19: {  	s7 =	sld [smem:$0x3F9B]  }
0x1a: {  	s8 =	sadd.s32 $0xFFFFE003, lr  }
0x1b: {  	s9 =	sadd.s32 $0xFFFFFEF7, lr;
	s5 =	simm.s32 $0xFFFFFFFF;
	p2 =	slt.u32 s8, $0xFFFFF086  }
0x1c: {  	p1 =	slt.u32 s9, $0xF7A;
	s5 =	simm.s32 @!p2 $0x0  }
0x1d: {  	s5 =	simm.s32 @p1 $0x1;
	p0 =	seq.s32 s7, s2  }
0x1e: {  	s7 =	smul.u32 @!p0 $0xF7A, s2;
	p2 =	seq.s32 @!p0 s5, $0x0  }
0x1f: {  	s9 =	smul.u32 $0xF7A, s1;
	s8 =	simm.s32 @!p0 $0x1BF5;
	p2 =	por !p2, p0  }
0x20: {  	[sflag:s8] =	ssyncset.s32 @!p0 $0xFFFFF086;
	s6 =	sadd.s32 @!p0 s3, s7;
	s7 =	simm.s32 @!p0 $0x108  }
0x21: {  	s3 =	sadd.s32 s3, s9;
	s6 =	sadd.s32 @!p0 $0x88, s6;
	s7 =	simm.s32 @p2 $0x1082  }
0x22: {  	[simem:s7], [sflag:s8] =	dma.local @!p0 [hbm:s6], $0xF7A  }
0x23: {  	s9 =	sor.u32 $0xD0000000, s2;
	s6 =	simm.s32 $0x108;
	_ =	swait.ge @!p0 [sflag:s8], $0x0  }
0x24: {  	s3 =	sadd.s32 $0x88, s3;
	s6 =	simm.s32 @!p1 $0x1082;
	[sflag:s4] =	ssyncset.s32 $0xFFFFF086  }
0x25: {  	[simem:s6], [sflag:s4] =	dma.local [hbm:s3], $0xF7A  }
0x26: {  	[smem:$0x3F9B] =	sst s1;
	(tag) =	ssettag s2;
	_ =	strace s9  }
0x27: {  	s1 =	sld [smem:$0x3FAB]  }
0x28: {  	s2 =	sld [smem:$0x3FAC]  }
0x29: {  	s4 =	sld [smem:$0x3FAE]  }
0x2a: {  	p0 =	seq.s32 s5, $0x0;
	s5 =	sld [smem:$0x3FAF]  }
0x2b: {  	s6 =	sld [smem:$0x3FB0]  }
0x2c: {  	s7 =	sld [smem:$0x3FB1]  }
0x2d: {  	s3 =	simm.s32 $0x108;
	s8 =	sld [smem:$0x3FB2]  }
0x2e: {  	s3 =	simm.s32 @!p0 $0x1082;
	s9 =	sld [smem:$0x3FB3]  }
0x2f: {  	lr =	sadd.s32 s0, s3;
	s0 =	sld [smem:$0x3FAA]  }
0x30: {  	s3 =	sld [smem:$0x3FAD]  }
0x31: {  	[smem:$0x3FB6] =	sst s10  }
0x32: {  	s10 =	sld [smem:$0x3FB4];
	_ =	sdelay $0x3  }
0x33: {  	p0 =	seq.s32 s10, $0x1;
	s10 =	sld [smem:$0x3FB6];
	_ =	sdelay $0x3  }
0x34: {  	[smem:$0x3FB6] =	sst s10  }
0x35: {  	s10 =	sld [smem:$0x3FB5];
	_ =	sdelay $0x3  }
0x36: {  	p1 =	seq.s32 s10, $0x1;
	s10 =	sld [smem:$0x3FB6];
	_ =	sdelay $0x3  }
0x37: {  	[smem:$0x3FB6] =	sst s10  }
0x38: {  	s10 =	sld [smem:$0x3FB7]  }
0x39: {  	_ = 	snop;
	(pc) =	sbr.ind lr, $3  }
0x3a: {  	_ = 	snop  }
0x3b: {  	_ = 	snop  }
0x3c: {  	p2 =	seq.s32 s10, $0x1;
	s10 =	sld [smem:$0x3FB6]  }
0x3d: {  	_ =	shalt  }
0x3e: {  	_ =	shalt  }
0x3f: {  	_ =	shalt  }
0x40: {  	_ =	shalt  }
0x41: {  	_ =	shalt  }
0x42: {  	_ =	shalt  }
0x43: {  	_ =	shalt  }
0x44: {  	_ =	shalt  }
0x45: {  	_ =	shalt  }
0x46: {  	_ =	shalt  }
0x47: {  	_ =	shalt  }
0x48: {  	_ =	shalt  }
0x49: {  	_ =	shalt  }
0x4a: {  	_ =	shalt  }
0x4b: {  	_ =	shalt  }
0x4c: {  	_ =	shalt  }
0x4d: {  	_ =	shalt  }
0x4e: {  	_ =	shalt  }
0x4f: {  	_ =	shalt  }
0x50: {  	_ =	shalt  }
0x51: {  	_ =	shalt  }
0x52: {  	_ =	shalt  }
0x53: {  	_ =	shalt  }
0x54: {  	_ =	shalt  }
0x55: {  	_ =	shalt  }
0x56: {  	_ =	shalt  }
0x57: {  	_ =	shalt  }
0x58: {  	_ =	shalt  }
0x59: {  	_ =	shalt  }
0x5a: {  	_ =	shalt  }
0x5b: {  	_ =	shalt  }
0x5c: {  	_ =	shalt  }
0x5d: {  	_ =	shalt  }
0x5e: {  	_ =	shalt  }
0x5f: {  	_ =	shalt  }
0x60: {  	_ =	shalt  }
0x61: {  	_ =	shalt  }
0x62: {  	_ =	shalt  }
0x63: {  	_ =	shalt  }
0x64: {  	_ =	shalt  }
0x65: {  	_ =	shalt  }
0x66: {  	_ =	shalt  }
0x67: {  	_ =	shalt  }
0x68: {  	_ =	shalt  }
0x69: {  	_ =	shalt  }
0x6a: {  	_ =	shalt  }
0x6b: {  	_ =	shalt  }
0x6c: {  	_ =	shalt  }
0x6d: {  	_ =	shalt  }
0x6e: {  	_ =	shalt  }
0x6f: {  	_ =	shalt  }
0x70: {  	_ =	shalt  }
0x71: {  	_ =	shalt  }
0x72: {  	_ =	shalt  }
0x73: {  	_ =	shalt  }
0x74: {  	_ =	shalt  }
0x75: {  	_ =	shalt  }
0x76: {  	_ =	shalt  }
0x77: {  	_ =	shalt  }
0x78: {  	_ =	shalt  }
0x79: {  	_ =	shalt  }
0x7a: {  	_ =	shalt  }
0x7b: {  	_ =	shalt  }
0x7c: {  	_ =	shalt  }
0x7d: {  	_ =	shalt  }
0x7e: {  	_ =	shalt  }
0x7f: {  	_ =	shalt  }
0x80: {  	_ =	shalt  }
0x81: {  	_ =	shalt  }
0x82: {  	_ =	shalt  }
0x83: {  	_ =	shalt  }
0x84: {  	_ =	shalt  }
0x85: {  	_ =	shalt  }
0x86: {  	_ =	shalt  }
0x87: {  	_ =	shalt  }
.Lfunc_end0:
.L_simem_size_0:
called_computation.2_lowered:
.L_overlay_start_0:
0x88: {  	s2 =	sld [smem:$0x3FD9]  }
0x89: {  	s3 =	sld [smem:$0x3FFE];
	_ =	sdelay $0x1  }
0x8a: {  	s1 =	srdreg.scid  }
0x8b: {  	s0 =	sand.u32 $0x1, s1  }
0x8c: {  	s17 =	sshll.u32 s0, $0xA;
	s2 =	sadd.s32 s3, s2  }
0x8d: {  	s2 =	sadd.s32 s2, s17  }
0x8e: {  	[smem:$0x3FC2] =	sst s2  }
0x8f: {  	_ = 	snop  }
0x90: {  	s2 =	sld [smem:$0x3FD0];
	(tm) =	ssettm $0x1  }
0x91: {  	s18 =	sld [smem:$0x3FFB];
	_ =	sdelay $0x3  }
0x92: {  	_ =	strace s18  }
0x93: {  	s3 =	sld [smem:$0x3FFC];
	_ =	sdelay $0x3  }
0x94: {  	_ =	strace s3  }
0x95: {  	s3 =	sld [smem:$0x3FFD];
	_ =	sdelay $0x3  }
0x96: {  	_ =	strace s3  }
0x97: {  	_ =	strace $0x8FFFFFFF  }
0x98: {  	s19 =	sld [smem:$0x3FDB];
	_ =	sdelay $0x1  }
0x99: {  	s4 =	simm.s32 $_scs_section_size  }
0x9a: {  	s5 =	simm.s32 $_size__tile_overlayer_lowered;
	s6 =	simm.s32 $_tile_overlayer_lowered  }
0x9b: {  	s22 =	simm.s32 $0x1BFF;
	s21 =	sshll.u32 s6, $0x1;
	s3 =	sadd.s32 s4, s19  }
0x9c: {  	s7 =	simm.s32 $0x0;
	s20 =	sshll.u32 s5, $0x1;
	s5 =	sadd.s32 s21, s3  }
0x9d: {  	[timem:s7], [sflag:s22] =	dma.local [hbm:s5], s20  }
0x9e: {  	_ =	swait.ge [sflag:s22], s20  }
0x9f: {  	s4 =	ssub.s32 $0x0, s20;
	[sflag:s22] =	ssyncset.done $0x0  }
0xa0: {  	[sflag:s22] =	ssyncadd.s32 s4;
	_ =	sdelay $0x1  }
0xa1: {  	s23 =	simm.s32 $0x1B8B  }
0xa2: {  	_ =	swait.ge [sflag:s23], $0x1  }
0xa3: {  	[sflag:s23] =	ssyncset.done $0x0  }
0xa4: {  	s25 =	simm.s32 $0x1B8E;
	s24 =	sld [smem:$0x3FFE];
	[sflag:s23] =	ssyncadd.s32 $0xFFFFFFFF  }
0xa5: {  	s26 =	simm.s32 $execute0_lowered;
	[smem:$0x3FD2] =	sst s25  }
0xa6: {  	s5 =	sshll.u32 s26, $0x1;
	_ =	strace $0x8000004C;
	[dreg:$0x1] =	wrdreg $0xFFFFFFFF  }
0xa7: {  	s28 =	simm.s32 $_size_execute0_lowered;
	s3 =	sadd.s32 s3, s5;
	[dreg:$0x0] =	wrdreg $0x0  }
0xa8: {  	s5 =	sshll.u32 s28, $0x1;
	[dreg:$0x2] =	wrdreg s3  }
0xa9: {  	[dreg:$0x3] =	wrdreg s5  }
0xaa: {  	[dreg:$0x4] =	wrdreg $0xC0  }
0xab: {  	_ =	task [dreg:s7], $0x5FFFF  }
0xac: {  	[dreg:$0x1] =	wrdreg $0xFFFFFFFF  }
0xad: {  	[dreg:$0x0] =	wrdreg $0x60  }
0xae: {  	[dreg:$0x2] =	wrdreg s2  }
0xaf: {  	[dreg:$0x3] =	wrdreg s24  }
0xb0: {  	[dreg:$0x4] =	wrdreg $0xAA000  }
0xb1: {  	[dreg:$0x5] =	wrdreg $0x9  }
0xb2: {  	_ =	task.clear_ibuf [dreg:s7], $0x6FFFF;
	_ =	strace $0x9000004C  }
0xb3: {  	s29 =	simm.s32 $0x9;
	_ =	strace $0x8000004E  }
0xb4: {  	_ =	swait.ge [sflag:s29], $0x1  }
0xb5: {  	[sflag:s29] =	ssyncadd.s32 $0xFFFFFFFF  }
0xb6: {  	_ =	strace $0x9000004E  }
0xb7: {  	_ =	sfence  }
0xb8: {  	s30 =	sld [smem:$0x0];
	_ =	sdelay $0x2  }
0xb9: {  	s31 =	sshll.u32 s1, $0xD;
	s1 =	sshrl.u32 s1, $0x2  }
0xba: {  	s3 =	sand.u32 $0x4000, s31;
	s1 =	sadd.s32 s1, s30  }
0xbb: {  	s0 =	sor.u32 s3, s0;
	s1 =	sshll.u32 s1, $0x11  }
0xbc: {  	s0 =	sor.u32 s1, s0  }
0xbd: {  	s0 =	sadd.s32 $0x8F2B, s0  }
0xbe: {  	[sflag:s0] =	ssyncadd.remote.s32 $0x1  }
0xbf: {  	_ =	sfence.sel $0xFFFF  }
0xc0: {  	[dreg:$0x0] =	wrdreg $0xFFFFFFFF;
	(pc) =	sbr.abs _section_cstart, $3  }
0xc1: {  	[dreg:$0x1] =	wrdreg $0xFFFFFFFF  }
0xc2: {  	_ =	task.clear_ibuf [dreg:s7], $0x2FFFF;
	_ =	strace $0x9FFFFFFF  }
0xc3: {  	(tm) =	ssettm $0x7FFFFFFF  }
tec
execute0_lowered:
.L_overlay_start_1:
0x0: {  	(tag) =	ssettag $0x1  }
0x1: {  	s1 =	rddreg [dreg:$0x0]  }
0x2: {  	s6 =	rddreg [dreg:$0x1]  }
0x3: {  	s3 =	rddreg [dreg:$0x2]  }
0x4: {  	s0 =	rddreg [dreg:$0x3]  }
0x5: {  	s4 =	simm.s32 $0x0;
	s2 =	stileid.u32;
	s5 =	srdreg.scid  }
0x6: {  	s16 =	simm.s32 $0x80;
	s17 =	simm.s32 $0x2800;
	s18 =	simm.s32 $0x2880  }
0x7: {  	s19 =	simm.s32 $0x6A00;
	s20 =	simm.s32 $0x1;
	s7 =	smul.u32 $0x500, s2  }
0x8: {  	s21 =	simm.s32 $0x2900;
	s22 =	simm.s32 $0x2980;
	s10 =	smul.u32 $0x4F000, s2  }
0x9: {  	[smem:$0x7FF] =	sst s4;
	s14 =	sand.u32 $0x1, s5;
	s24 =	smul.u32 $0x2780, s2  }
0xa: {  	s5 =	sshll.u32 s2, $0x6;
	_ =	strace $0x8000004D;
	s8 =	smul.u32 $0x27800, s14  }
0xb: {  	s9 =	ssub.s32 $0x2, s14;
	s11 =	sadd.s32 s5, s6;
	p0 =	sne.s32 s14, $0x0  }
0xc: {  	s14 =	simm.s32 $0x2A00;
	s7 =	sadd.s32 s7, s6;
	s12 =	sshrl.u32 s9, $0x1  }
.Ltmp0:
0xd: {  	s31 =	sshrl.u32 s10, $0x2;
	s13 =	sadd.s32 s8, s6;
	(pc) =	sbr.rel .LBB2_1-.Ltmp0, $4  }
0xe: {  	s15 =	ssub.s32 s9, s12;
	s6 =	sadd.s32 $0x3A00, s11;
	s8 =	sadd.s32 s31, s3  }
0xf: {  	s7 =	sadd.s32 $0x3E00, s7;
	s9 =	sadd.s32 $0x4000, s8;
	s10 =	sadd.s32 $0x8000, s8  }
0x10: {  	s11 =	sadd.s32 $0xC000, s8;
	s12 =	sadd.s32 $0x10000, s8;
	s23 =	sadd.s32 $0x8E00, s13  }
0x11: {  	v0 =	vimm.f32 $0.0e+00;
	s13 =	smax.u32 s15, $0x1;
	s15 =	simm.s32 $0x3;
	s23 =	sadd.s32 s24, s23  }
.LBB2_8:
0x12: {  	s4 =	sadd.s32 $0x1, s4  }
0x13: {  	[bflag:$0x0] =	sbarrier.arrive $0xFFFF;
	p1 =	sne.s32 s4, s13  }
.Ltmp1:
0x14: {  	s24 =	sor.u32 $0x1C03, s5;
	s25 =	sshrl.u32 s8, $0x3;
	(pc) =	sbr.rel @!p1 .LBB2_9-.Ltmp1, $4  }
0x15: {  	[hbm:s23], [sflag:s24] =	dma.local [spmem:s25], $0x2780  }
0x16: {  	_ =	swait.ge [sflag:s15], $0x2780  }
0x17: {  	[sflag:s15] =	ssyncset.done $0x0  }
0x18: {  	[sflag:s15] =	ssyncadd.s32 $0xFFFFD880  }
.LBB2_1:
0x19: {  	s24 =	simm.s32 @p0 $0x0  }
0x1a: {  	[tilespmem:s24], [sflag:$0x2] =	stream.linear.gather @p0 [hbm4b:s6+s24], $0x200, $0x38;
	[tilespmem:$0x1E600] =	vst v63  }
0x1b: {  	s24 =	simm.s32 @!p0 $0x0  }
0x1c: {  	[tilespmem:s24], [sflag:$0x2] =	stream.linear.gather @!p0 [hbm4b:s7+s24], $0x2600, $0x38;
	[tilespmem:$0x1E600] =	vst v63  }
0x1d: {  	s25 =	simm.s32 $0x200;
	s24 =	simm.s32 $0x0  }
.LBB2_2:
0x1e: {  	p1 =	sne.s32 s25, $0xFE00;
	[tilespmem:s24+$0x2A70] =	vst v0  }
0x1f: {  	[tilespmem:s24+$0x2A00] =	vst v0  }
0x20: {  	[tilespmem:s24+$0x2A10] =	vst v0  }
.Ltmp2:
0x21: {  	[tilespmem:s24+$0x2A20] =	vst v0;
	(pc) =	sbr.rel @p1 .LBB2_2-.Ltmp2, $4  }
0x22: {  	[tilespmem:s24+$0x2A30] =	vst v0  }
0x23: {  	[tilespmem:s24+$0x2A40] =	vst v0  }
0x24: {  	[tilespmem:s24+$0x2A50] =	vst v0  }
0x25: {  	[tilespmem:s24+$0x2A60] =	vst v0;
	s24 =	sshra.s32 s25, $0x2;
	s25 =	sadd.s32 $0x200, s25  }
0x26: {  	[tilespmem:s24+$0x2A70] =	vst v0  }
0x27: {  	[tilespmem:s24+$0x2A00] =	vst v0  }
0x28: {  	[tilespmem:s24+$0x2A10] =	vst v0  }
0x29: {  	[tilespmem:s24+$0x2A20] =	vst v0  }
0x2a: {  	[tilespmem:s24+$0x2A30] =	vst v0  }
0x2b: {  	[tilespmem:s24+$0x2A40] =	vst v0  }
0x2c: {  	[tilespmem:s24+$0x2A50] =	vst v0  }
0x2d: {  	[tilespmem:s24+$0x2A60] =	vst v0  }
0x2e: {  	[spmem:s8] =	stream.linear.scatter [tilespmem:s14], [sflag:$0x3], $0x4000, $0x38;
	[tilespmem:$0x1E600] =	vst v63  }
0x2f: {  	_ =	swait.ge [sflag:s15], $0x4000  }
0x30: {  	[sflag:s15] =	ssyncset.done $0x0  }
0x31: {  	[sflag:s15] =	ssyncadd.s32 $0xFFFFC000  }
0x32: {  	[spmem:s9] =	stream.linear.scatter [tilespmem:s14], [sflag:$0x3], $0x4000, $0x38;
	[tilespmem:$0x1E600] =	vst v63  }
0x33: {  	_ =	swait.ge [sflag:s15], $0x4000  }
0x34: {  	[sflag:s15] =	ssyncset.done $0x0  }
0x35: {  	[sflag:s15] =	ssyncadd.s32 $0xFFFFC000  }
0x36: {  	[spmem:s10] =	stream.linear.scatter [tilespmem:s14], [sflag:$0x3], $0x4000, $0x38;
	[tilespmem:$0x1E600] =	vst v63  }
0x37: {  	_ =	swait.ge [sflag:s15], $0x4000  }
0x38: {  	[sflag:s15] =	ssyncset.done $0x0  }
0x39: {  	[sflag:s15] =	ssyncadd.s32 $0xFFFFC000  }
0x3a: {  	[spmem:s11] =	stream.linear.scatter [tilespmem:s14], [sflag:$0x3], $0x4000, $0x38;
	[tilespmem:$0x1E600] =	vst v63  }
0x3b: {  	_ =	swait.ge [sflag:s15], $0x4000  }
0x3c: {  	[sflag:s15] =	ssyncset.done $0x0  }
0x3d: {  	[sflag:s15] =	ssyncadd.s32 $0xFFFFC000  }
0x3e: {  	[spmem:s12] =	stream.linear.scatter [tilespmem:s14], [sflag:$0x3], $0x3C00, $0x38;
	[tilespmem:$0x1E600] =	vst v63  }
0x3f: {  	_ =	swait.ge [sflag:s15], $0x3C00  }
0x40: {  	[sflag:s15] =	ssyncset.done $0x0  }
0x41: {  	s24 =	simm.s32 @p0 $0x2;
	[sflag:s15] =	ssyncadd.s32 $0xFFFFC400  }
0x42: {  	_ =	swait.ge @p0 [sflag:s24], $0x200  }
0x43: {  	[sflag:s24] =	ssyncset.done @p0 $0x0  }
0x44: {  	[sflag:s24] =	ssyncadd.s32 @p0 $0xFFFFFE00;
	s24 =	simm.s32 @!p0 $0x2  }
0x45: {  	_ =	swait.ge @!p0 [sflag:s24], $0x2600  }
0x46: {  	[sflag:s24] =	ssyncset.done @!p0 $0x0  }
0x47: {  	[sflag:s24] =	ssyncadd.s32 @!p0 $0xFFFFDA00  }
0x48: {  	[bflag:$0x0] =	sbarrier.arrive $0xFFFF  }
0x49: {  	v1 =	vld [tilespmem:$0x0];
	_ =	sdelay $0x1  }
0x4a: {  	v2 =	vld [tilespmem:$0x10];
	_ =	sdelay $0x1  }
0x4b: {  	v3 =	vld [tilespmem:$0x20]  }
0x4c: {  	v4 =	vand.u32 $0x3FFF, v1  }
0x4d: {  	v59 =	vld [tilespmem:$0x30];
	v1 =	vshrl.u32 v1, $0xE;
	[tilespmem:$0x2800] =	vst v4  }
0x4e: {  	[tilespmem:$0x2900] =	vst v1;
	v1 =	vand.u32 $0x3FFF, v2  }
0x4f: {  	[tilespmem:$0x2810] =	vst v1;
	v1 =	vshrl.u32 v2, $0xE;
	v2 =	vld [tilespmem:$0x40]  }
0x50: {  	[tilespmem:$0x2910] =	vst v1;
	v1 =	vand.u32 $0x3FFF, v3  }
0x51: {  	[tilespmem:$0x2820] =	vst v1;
	v1 =	vshrl.u32 v3, $0xE;
	v3 =	vld [tilespmem:$0x50]  }
0x52: {  	[tilespmem:$0x2920] =	vst v1;
	v1 =	vand.u32 $0x3FFF, v59  }
0x53: {  	v60 =	vld [tilespmem:$0x60];
	[tilespmem:$0x2830] =	vst v1;
	v1 =	vshrl.u32 v59, $0xE  }
0x54: {  	[tilespmem:$0x2930] =	vst v1;
	v1 =	vand.u32 $0x3FFF, v2  }
0x55: {  	[tilespmem:$0x2840] =	vst v1;
	v1 =	vshrl.u32 v2, $0xE;
	v2 =	vld [tilespmem:$0x70]  }
0x56: {  	[tilespmem:$0x2940] =	vst v1;
	v1 =	vand.u32 $0x3FFF, v3  }
0x57: {  	[tilespmem:$0x2850] =	vst v1;
	v1 =	vshrl.u32 v3, $0xE  }
0x58: {  	[tilespmem:$0x2950] =	vst v1;
	v1 =	vand.u32 $0x3FFF, v60  }
0x59: {  	[tilespmem:$0x2860] =	vst v1;
	v1 =	vshrl.u32 v60, $0xE  }
0x5a: {  	[tilespmem:$0x2960] =	vst v1;
	v1 =	vand.u32 $0x3FFF, v2  }
0x5b: {  	[tilespmem:$0x2870] =	vst v1;
	v1 =	vshrl.u32 v2, $0xE  }
0x5c: {  	[tilespmem:$0x2970] =	vst v1  }
0x5d: {  	[tilespmem:s14], [sflag:$0x1] =	stream.indirect.gather [hbm4b:s1+s16], $0x80, s17, s16, $0xb8;
	[tilespmem:$0x1E600] =	vst v63  }
0x5e: {  	v1 =	vld [tilespmem:$0x80];
	_ =	sdelay $0x1  }
0x5f: {  	v2 =	vld [tilespmem:$0x90];
	_ =	sdelay $0x1  }
0x60: {  	v3 =	vld [tilespmem:$0xA0]  }
0x61: {  	v61 =	vand.u32 $0x3FFF, v1  }
0x62: {  	v62 =	vld [tilespmem:$0xB0];
	v1 =	vshrl.u32 v1, $0xE;
	[tilespmem:$0x2880] =	vst v61  }
0x63: {  	[tilespmem:$0x2980] =	vst v1;
	v1 =	vand.u32 $0x3FFF, v2  }
0x64: {  	[tilespmem:$0x2890] =	vst v1;
	v1 =	vshrl.u32 v2, $0xE;
	v2 =	vld [tilespmem:$0xC0]  }
0x65: {  	[tilespmem:$0x2990] =	vst v1;
	v1 =	vand.u32 $0x3FFF, v3  }
0x66: {  	[tilespmem:$0x28A0] =	vst v1;
	v1 =	vshrl.u32 v3, $0xE;
	v3 =	vld [tilespmem:$0xD0]  }
0x67: {  	[tilespmem:$0x29A0] =	vst v1;
	v1 =	vand.u32 $0x3FFF, v62  }
0x68: {  	v63 =	vld [tilespmem:$0xE0];
	[tilespmem:$0x28B0] =	vst v1;
	v1 =	vshrl.u32 v62, $0xE  }
0x69: {  	[tilespmem:$0x29B0] =	vst v1;
	v1 =	vand.u32 $0x3FFF, v2  }
0x6a: {  	[tilespmem:$0x28C0] =	vst v1;
	v1 =	vshrl.u32 v2, $0xE;
	v2 =	vld [tilespmem:$0xF0]  }
0x6b: {  	[tilespmem:$0x29C0] =	vst v1;
	v1 =	vand.u32 $0x3FFF, v3  }
0x6c: {  	[tilespmem:$0x28D0] =	vst v1;
	v1 =	vshrl.u32 v3, $0xE  }
.Ltmp3:
0x6d: {  	[tilespmem:$0x29D0] =	vst v1;
	v1 =	vand.u32 $0x3FFF, v63;
	(pc) =	sbr.rel .LBB2_4-.Ltmp3, $4  }
0x6e: {  	[tilespmem:$0x28E0] =	vst v1;
	v1 =	vshrl.u32 v63, $0xE  }
0x6f: {  	s24 =	simm.s32 @!p0 $0x26;
	[tilespmem:$0x29E0] =	vst v1;
	v1 =	vand.u32 $0x3FFF, v2  }
0x70: {  	s24 =	simm.s32 @p0 $0x2;
	[tilespmem:$0x28F0] =	vst v1;
	v1 =	vshrl.u32 v2, $0xE  }
0x71: {  	s26 =	simm.s32 $0x0;
	s28 =	simm.s32 $0x1F0;
	s25 =	sadd.s32 $0xFFFFFFFF, s24;
	[tilespmem:$0x29F0] =	vst v1  }
.LBB2_6:
0x72: {  	_ =	swait.ge [sflag:s20], $0x4000  }
0x73: {  	[sflag:s20] =	ssyncset.done $0x0  }
0x74: {  	[sflag:s20] =	ssyncadd.s32 $0xFFFFC000  }
0x75: {  	[spmem:s3] =	stream.indirect.scatter.add.f32 [tilespmem:s19], [sflag:$0x3], $0x80, s22, s16, $0xb8;
	[tilespmem:$0x1E600] =	vst v63  }
0x76: {  	_ =	swait.ge [sflag:s15], $0x4000  }
0x77: {  	[sflag:s15] =	ssyncset.done $0x0  }
0x78: {  	[sflag:s15] =	ssyncadd.s32 $0xFFFFC000  }
.LBB2_7:
0x79: {  	s26 =	sadd.s32 $0x1, s26  }
0x7a: {  	p1 =	sne.s32 s24, s26  }
.Ltmp4:
0x7b: {  	_ = 	snop;
	(pc) =	sbr.rel @!p1 .LBB2_8-.Ltmp4, $2  }
0x7c: {  	_ =	sdelay $0x2  }
0x7d: {  	s28 =	sadd.s32 $0x100, s28  }
.LBB2_4:
0x7e: {  	[tilespmem:s19], [sflag:$0x1] =	stream.indirect.gather [hbm4b:s1+s16], $0x80, s18, s16, $0xb8;
	[tilespmem:$0x1E600] =	vst v63  }
0x7f: {  	_ =	swait.ge [sflag:s20], $0x4000  }
0x80: {  	p1 =	sge.u32 s26, s25;
	[sflag:s20] =	ssyncset.done $0x0  }
.Ltmp5:
0x81: {  	[sflag:s20] =	ssyncadd.s32 $0xFFFFC000;
	(pc) =	sbr.rel @p1 .LBB2_6-.Ltmp5, $4  }
0x82: {  	[spmem:s3] =	stream.indirect.scatter.add.f32 [tilespmem:s14], [sflag:$0x3], $0x80, s21, s16, $0xb8;
	[tilespmem:$0x1E600] =	vst v63  }
0x83: {  	_ =	swait.ge [sflag:s15], $0x4000  }
0x84: {  	[sflag:s15] =	ssyncset.done $0x0  }
0x85: {  	[sflag:s15] =	ssyncadd.s32 $0xFFFFC000  }
0x86: {  	v1 =	vld [tilespmem:s28+$0xFFFFFF10];
	_ =	sdelay $0x4  }
0x87: {  	v2 =	vand.u32 $0x3FFF, v1  }
0x88: {  	v1 =	vshrl.u32 v1, $0xE;
	[tilespmem:$0x2800] =	vst v2  }
0x89: {  	[tilespmem:$0x2900] =	vst v1  }
0x8a: {  	v1 =	vld [tilespmem:s28+$0xFFFFFF20];
	_ =	sdelay $0x4  }
0x8b: {  	v2 =	vand.u32 $0x3FFF, v1  }
0x8c: {  	v1 =	vshrl.u32 v1, $0xE;
	[tilespmem:$0x2810] =	vst v2  }
0x8d: {  	[tilespmem:$0x2910] =	vst v1  }
0x8e: {  	v1 =	vld [tilespmem:s28+$0xFFFFFF30];
	_ =	sdelay $0x4  }
0x8f: {  	v2 =	vand.u32 $0x3FFF, v1  }
0x90: {  	v1 =	vshrl.u32 v1, $0xE;
	[tilespmem:$0x2820] =	vst v2  }
0x91: {  	[tilespmem:$0x2920] =	vst v1  }
0x92: {  	v1 =	vld [tilespmem:s28+$0xFFFFFF40];
	_ =	sdelay $0x4  }
0x93: {  	v2 =	vand.u32 $0x3FFF, v1  }
0x94: {  	v1 =	vshrl.u32 v1, $0xE;
	[tilespmem:$0x2830] =	vst v2  }
0x95: {  	[tilespmem:$0x2930] =	vst v1  }
0x96: {  	v1 =	vld [tilespmem:s28+$0xFFFFFF50];
	_ =	sdelay $0x4  }
0x97: {  	v2 =	vand.u32 $0x3FFF, v1  }
0x98: {  	v1 =	vshrl.u32 v1, $0xE;
	[tilespmem:$0x2840] =	vst v2  }
0x99: {  	[tilespmem:$0x2940] =	vst v1  }
0x9a: {  	v1 =	vld [tilespmem:s28+$0xFFFFFF60];
	_ =	sdelay $0x4  }
0x9b: {  	v2 =	vand.u32 $0x3FFF, v1  }
0x9c: {  	v1 =	vshrl.u32 v1, $0xE;
	[tilespmem:$0x2850] =	vst v2  }
0x9d: {  	[tilespmem:$0x2950] =	vst v1  }
0x9e: {  	v1 =	vld [tilespmem:s28+$0xFFFFFF70];
	_ =	sdelay $0x4  }
0x9f: {  	v2 =	vand.u32 $0x3FFF, v1  }
0xa0: {  	v1 =	vshrl.u32 v1, $0xE;
	[tilespmem:$0x2860] =	vst v2  }
0xa1: {  	[tilespmem:$0x2960] =	vst v1  }
0xa2: {  	v1 =	vld [tilespmem:s28+$0xFFFFFF80];
	_ =	sdelay $0x4  }
0xa3: {  	v2 =	vand.u32 $0x3FFF, v1  }
0xa4: {  	v1 =	vshrl.u32 v1, $0xE;
	[tilespmem:$0x2870] =	vst v2  }
0xa5: {  	[tilespmem:$0x2970] =	vst v1  }
0xa6: {  	[tilespmem:s14], [sflag:$0x1] =	stream.indirect.gather [hbm4b:s1+s16], $0x80, s17, s16, $0xb8;
	[tilespmem:$0x1E600] =	vst v63  }
0xa7: {  	_ =	swait.ge [sflag:s20], $0x4000  }
0xa8: {  	[sflag:s20] =	ssyncset.done $0x0  }
0xa9: {  	[sflag:s20] =	ssyncadd.s32 $0xFFFFC000  }
0xaa: {  	[spmem:s3] =	stream.indirect.scatter.add.f32 [tilespmem:s19], [sflag:$0x3], $0x80, s22, s16, $0xb8;
	[tilespmem:$0x1E600] =	vst v63  }
0xab: {  	_ =	swait.ge [sflag:s15], $0x4000  }
0xac: {  	[sflag:s15] =	ssyncset.done $0x0  }
0xad: {  	[sflag:s15] =	ssyncadd.s32 $0xFFFFC000  }
0xae: {  	v1 =	vld [tilespmem:s28+$0xFFFFFF90];
	_ =	sdelay $0x4  }
0xaf: {  	v2 =	vand.u32 $0x3FFF, v1  }
0xb0: {  	v1 =	vshrl.u32 v1, $0xE;
	[tilespmem:$0x2880] =	vst v2  }
0xb1: {  	[tilespmem:$0x2980] =	vst v1  }
0xb2: {  	v1 =	vld [tilespmem:s28+$0xFFFFFFA0];
	_ =	sdelay $0x4  }
0xb3: {  	v2 =	vand.u32 $0x3FFF, v1  }
0xb4: {  	v1 =	vshrl.u32 v1, $0xE;
	[tilespmem:$0x2890] =	vst v2  }
0xb5: {  	[tilespmem:$0x2990] =	vst v1  }
0xb6: {  	v1 =	vld [tilespmem:s28+$0xFFFFFFB0];
	_ =	sdelay $0x4  }
0xb7: {  	v2 =	vand.u32 $0x3FFF, v1  }
0xb8: {  	v1 =	vshrl.u32 v1, $0xE;
	[tilespmem:$0x28A0] =	vst v2  }
0xb9: {  	[tilespmem:$0x29A0] =	vst v1  }
0xba: {  	v1 =	vld [tilespmem:s28+$0xFFFFFFC0];
	_ =	sdelay $0x4  }
0xbb: {  	v2 =	vand.u32 $0x3FFF, v1  }
0xbc: {  	v1 =	vshrl.u32 v1, $0xE;
	[tilespmem:$0x28B0] =	vst v2  }
0xbd: {  	[tilespmem:$0x29B0] =	vst v1  }
0xbe: {  	v1 =	vld [tilespmem:s28+$0xFFFFFFD0];
	_ =	sdelay $0x4  }
0xbf: {  	v2 =	vand.u32 $0x3FFF, v1  }
0xc0: {  	v1 =	vshrl.u32 v1, $0xE;
	[tilespmem:$0x28C0] =	vst v2  }
0xc1: {  	[tilespmem:$0x29C0] =	vst v1  }
0xc2: {  	v1 =	vld [tilespmem:s28+$0xFFFFFFE0];
	_ =	sdelay $0x4  }
0xc3: {  	v2 =	vand.u32 $0x3FFF, v1  }
0xc4: {  	v1 =	vshrl.u32 v1, $0xE;
	[tilespmem:$0x28D0] =	vst v2  }
0xc5: {  	[tilespmem:$0x29D0] =	vst v1  }
0xc6: {  	v1 =	vld [tilespmem:s28+$0xFFFFFFF0];
	_ =	sdelay $0x4  }
0xc7: {  	v2 =	vand.u32 $0x3FFF, v1  }
0xc8: {  	v1 =	vshrl.u32 v1, $0xE;
	[tilespmem:$0x28E0] =	vst v2  }
0xc9: {  	[tilespmem:$0x29E0] =	vst v1  }
0xca: {  	v1 =	vld [tilespmem:s28+$0x0];
	_ =	sdelay $0x2  }
.Ltmp6:
0xcb: {  	_ = 	snop;
	(pc) =	sbr.rel .LBB2_7-.Ltmp6, $4  }
0xcc: {  	_ = 	snop  }
0xcd: {  	v2 =	vand.u32 $0x3FFF, v1  }
0xce: {  	v1 =	vshrl.u32 v1, $0xE;
	[tilespmem:$0x28F0] =	vst v2  }
0xcf: {  	[tilespmem:$0x29F0] =	vst v1  }
.LBB2_9:
0xd0: {  	_ =	sfence.sel $0x180000  }
0xd1: {  	[bflag:$0x0] =	sbarrier.arrive $0xFFFF  }
0xd2: {  	p0 =	sne.s32 s2, $0x0;
	_ =	strace $0x9000004D  }
0xd3: {  	s0 =	sadd.s32 @!p0 $0x100000, s0;
	[bflag:$0x2] =	sbarrier.arrive $0xFFFF  }
0xd4: {  	[sflag:s0] =	ssyncadd.tile.s32 @!p0 $0x1;
	_ =	shalt  }
.Lfunc_end2:
_tile_overlayer_lowered:
.L_overlay_start_2:
0xd5: {  	(tag) =	ssettag $0x2  }
0xd6: {  	s0 =	rddreg [dreg:$0x0];
	s2 =	stileid.u32  }
0xd7: {  	s1 =	rddreg [dreg:$0x1];
	p0 =	sne.s32 s2, $0x0  }
0xd8: {  	s3 =	rddreg [dreg:$0x2];
	[bflag:$0x3] =	sbarrier.arrive $0xFFFF;
	s2 =	simm.s32 @!p0 $0x1C03  }
0xd9: {  	[timem:s3], [sflag:s2] =	dma.local @!p0 [hbm:s0], s1  }
0xda: {  	s0 =	simm.s32 @!p0 $0x3  }
0xdb: {  	_ =	swait.ge @!p0 [sflag:s0], s1  }
0xdc: {  	s1 =	ssub.s32 @!p0 $0x0, s1;
	[sflag:s0] =	ssyncset.done @!p0 $0x0  }
0xdd: {  	[sflag:s0] =	ssyncadd.s32 @!p0 s1  }
0xde: {  	[bflag:$0x3] =	sbarrier.arrive $0xFFFF  }
0xdf: {  	_ =	shalt  }

// kernel: kernel.14.cloned.1.call-start
scs
__scs_entry_jumppad:
0x0: {  	(pc) =	sbr.rel $0x88, $3  }
0x1: {  	(tag) =	ssettag $0x0;
	lr =	simm.s32 $0x1  }
0x2: {  	[smem:$0x3F9B] =	sst lr;
	_ =	strace $0xD0000000  }
0x3: {  	_ = 	snop  }
0x4: {  	_ = 	snop  }
0x5: {  	_ = 	snop  }
0x6: {  	_ = 	snop  }
0x7: {  	_ = 	snop  }
__scs_overlays_trampoline_lowered:
0x8: {  	[smem:$0x3FAA] =	sst s0  }
0x9: {  	[smem:$0x3FAB] =	sst s1  }
0xa: {  	[smem:$0x3FAC] =	sst s2  }
0xb: {  	[smem:$0x3FAD] =	sst s3  }
0xc: {  	[smem:$0x3FAE] =	sst s4  }
0xd: {  	[smem:$0x3FAF] =	sst s5  }
0xe: {  	[smem:$0x3FB0] =	sst s6  }
0xf: {  	[smem:$0x3FB1] =	sst s7  }
0x10: {  	[smem:$0x3FB2] =	sst s8  }
0x11: {  	[smem:$0x3FB3] =	sst s9;
	s0 =	simm.s32 @!p0 $0x0  }
0x12: {  	s1 =	sld [smem:$0x3F99];
	s0 =	simm.s32 @p0 $0x1  }
0x13: {  	[smem:$0x3FB4] =	sst s0;
	s0 =	simm.s32 @!p1 $0x0  }
0x14: {  	s2 =	sld [smem:$0x3F98];
	s0 =	simm.s32 @p1 $0x1  }
0x15: {  	[smem:$0x3FB5] =	sst s0;
	s0 =	simm.s32 @!p2 $0x0  }
0x16: {  	s3 =	sld [smem:$0x3FDB];
	s0 =	simm.s32 @p2 $0x1  }
0x17: {  	s4 =	simm.s32 $0x1BF5;
	[smem:$0x3FB7] =	sst s0  }
0x18: {  	s0 =	sld [smem:$0x3F9A];
	_ =	swait.ge [sflag:s4], $0x0  }
0x19: {  	s7 =	sld [smem:$0x3F9B]  }
0x1a: {  	s8 =	sadd.s32 $0xFFFFE003, lr  }
0x1b: {  	s9 =	sadd.s32 $0xFFFFFEF7, lr;
	s5 =	simm.s32 $0xFFFFFFFF;
	p2 =	slt.u32 s8, $0xFFFFF086  }
0x1c: {  	p1 =	slt.u32 s9, $0xF7A;
	s5 =	simm.s32 @!p2 $0x0  }
0x1d: {  	s5 =	simm.s32 @p1 $0x1;
	p0 =	seq.s32 s7, s2  }
0x1e: {  	s7 =	smul.u32 @!p0 $0xF7A, s2;
	p2 =	seq.s32 @!p0 s5, $0x0  }
0x1f: {  	s9 =	smul.u32 $0xF7A, s1;
	s8 =	simm.s32 @!p0 $0x1BF5;
	p2 =	por !p2, p0  }
0x20: {  	[sflag:s8] =	ssyncset.s32 @!p0 $0xFFFFF086;
	s6 =	sadd.s32 @!p0 s3, s7;
	s7 =	simm.s32 @!p0 $0x108  }
0x21: {  	s3 =	sadd.s32 s3, s9;
	s6 =	sadd.s32 @!p0 $0x88, s6;
	s7 =	simm.s32 @p2 $0x1082  }
0x22: {  	[simem:s7], [sflag:s8] =	dma.local @!p0 [hbm:s6], $0xF7A  }
0x23: {  	s9 =	sor.u32 $0xD0000000, s2;
	s6 =	simm.s32 $0x108;
	_ =	swait.ge @!p0 [sflag:s8], $0x0  }
0x24: {  	s3 =	sadd.s32 $0x88, s3;
	s6 =	simm.s32 @!p1 $0x1082;
	[sflag:s4] =	ssyncset.s32 $0xFFFFF086  }
0x25: {  	[simem:s6], [sflag:s4] =	dma.local [hbm:s3], $0xF7A  }
0x26: {  	[smem:$0x3F9B] =	sst s1;
	(tag) =	ssettag s2;
	_ =	strace s9  }
0x27: {  	s1 =	sld [smem:$0x3FAB]  }
0x28: {  	s2 =	sld [smem:$0x3FAC]  }
0x29: {  	s4 =	sld [smem:$0x3FAE]  }
0x2a: {  	p0 =	seq.s32 s5, $0x0;
	s5 =	sld [smem:$0x3FAF]  }
0x2b: {  	s6 =	sld [smem:$0x3FB0]  }
0x2c: {  	s7 =	sld [smem:$0x3FB1]  }
0x2d: {  	s3 =	simm.s32 $0x108;
	s8 =	sld [smem:$0x3FB2]  }
0x2e: {  	s3 =	simm.s32 @!p0 $0x1082;
	s9 =	sld [smem:$0x3FB3]  }
0x2f: {  	lr =	sadd.s32 s0, s3;
	s0 =	sld [smem:$0x3FAA]  }
0x30: {  	s3 =	sld [smem:$0x3FAD]  }
0x31: {  	[smem:$0x3FB6] =	sst s10  }
0x32: {  	s10 =	sld [smem:$0x3FB4];
	_ =	sdelay $0x3  }
0x33: {  	p0 =	seq.s32 s10, $0x1;
	s10 =	sld [smem:$0x3FB6];
	_ =	sdelay $0x3  }
0x34: {  	[smem:$0x3FB6] =	sst s10  }
0x35: {  	s10 =	sld [smem:$0x3FB5];
	_ =	sdelay $0x3  }
0x36: {  	p1 =	seq.s32 s10, $0x1;
	s10 =	sld [smem:$0x3FB6];
	_ =	sdelay $0x3  }
0x37: {  	[smem:$0x3FB6] =	sst s10  }
0x38: {  	s10 =	sld [smem:$0x3FB7]  }
0x39: {  	_ = 	snop;
	(pc) =	sbr.ind lr, $3  }
0x3a: {  	_ = 	snop  }
0x3b: {  	_ = 	snop  }
0x3c: {  	p2 =	seq.s32 s10, $0x1;
	s10 =	sld [smem:$0x3FB6]  }
0x3d: {  	_ =	shalt  }
0x3e: {  	_ =	shalt  }
0x3f: {  	_ =	shalt  }
0x40: {  	_ =	shalt  }
0x41: {  	_ =	shalt  }
0x42: {  	_ =	shalt  }
0x43: {  	_ =	shalt  }
0x44: {  	_ =	shalt  }
0x45: {  	_ =	shalt  }
0x46: {  	_ =	shalt  }
0x47: {  	_ =	shalt  }
0x48: {  	_ =	shalt  }
0x49: {  	_ =	shalt  }
0x4a: {  	_ =	shalt  }
0x4b: {  	_ =	shalt  }
0x4c: {  	_ =	shalt  }
0x4d: {  	_ =	shalt  }
0x4e: {  	_ =	shalt  }
0x4f: {  	_ =	shalt  }
0x50: {  	_ =	shalt  }
0x51: {  	_ =	shalt  }
0x52: {  	_ =	shalt  }
0x53: {  	_ =	shalt  }
0x54: {  	_ =	shalt  }
0x55: {  	_ =	shalt  }
0x56: {  	_ =	shalt  }
0x57: {  	_ =	shalt  }
0x58: {  	_ =	shalt  }
0x59: {  	_ =	shalt  }
0x5a: {  	_ =	shalt  }
0x5b: {  	_ =	shalt  }
0x5c: {  	_ =	shalt  }
0x5d: {  	_ =	shalt  }
0x5e: {  	_ =	shalt  }
0x5f: {  	_ =	shalt  }
0x60: {  	_ =	shalt  }
0x61: {  	_ =	shalt  }
0x62: {  	_ =	shalt  }
0x63: {  	_ =	shalt  }
0x64: {  	_ =	shalt  }
0x65: {  	_ =	shalt  }
0x66: {  	_ =	shalt  }
0x67: {  	_ =	shalt  }
0x68: {  	_ =	shalt  }
0x69: {  	_ =	shalt  }
0x6a: {  	_ =	shalt  }
0x6b: {  	_ =	shalt  }
0x6c: {  	_ =	shalt  }
0x6d: {  	_ =	shalt  }
0x6e: {  	_ =	shalt  }
0x6f: {  	_ =	shalt  }
0x70: {  	_ =	shalt  }
0x71: {  	_ =	shalt  }
0x72: {  	_ =	shalt  }
0x73: {  	_ =	shalt  }
0x74: {  	_ =	shalt  }
0x75: {  	_ =	shalt  }
0x76: {  	_ =	shalt  }
0x77: {  	_ =	shalt  }
0x78: {  	_ =	shalt  }
0x79: {  	_ =	shalt  }
0x7a: {  	_ =	shalt  }
0x7b: {  	_ =	shalt  }
0x7c: {  	_ =	shalt  }
0x7d: {  	_ =	shalt  }
0x7e: {  	_ =	shalt  }
0x7f: {  	_ =	shalt  }
0x80: {  	_ =	shalt  }
0x81: {  	_ =	shalt  }
0x82: {  	_ =	shalt  }
0x83: {  	_ =	shalt  }
0x84: {  	_ =	shalt  }
0x85: {  	_ =	shalt  }
0x86: {  	_ =	shalt  }
0x87: {  	_ =	shalt  }
.Lfunc_end0:
.L_simem_size_0:
called_computation.3_lowered:
.L_overlay_start_0:
0x88: {  	s2 =	sld [smem:$0x3FD9]  }
0x89: {  	s3 =	sld [smem:$0x3FFE];
	_ =	sdelay $0x1  }
0x8a: {  	s1 =	srdreg.scid  }
0x8b: {  	s0 =	sand.u32 $0x1, s1  }
0x8c: {  	s17 =	sshll.u32 s0, $0xA;
	s2 =	sadd.s32 s3, s2  }
0x8d: {  	s2 =	sadd.s32 s2, s17  }
0x8e: {  	[smem:$0x3FC2] =	sst s2  }
0x8f: {  	_ = 	snop  }
0x90: {  	s2 =	sld [smem:$0x3FD0];
	(tm) =	ssettm $0x1  }
0x91: {  	s18 =	sld [smem:$0x3FFB];
	_ =	sdelay $0x3  }
0x92: {  	_ =	strace s18  }
0x93: {  	s3 =	sld [smem:$0x3FFC];
	_ =	sdelay $0x3  }
0x94: {  	_ =	strace s3  }
0x95: {  	s3 =	sld [smem:$0x3FFD];
	_ =	sdelay $0x3  }
0x96: {  	_ =	strace s3  }
0x97: {  	_ =	strace $0x8FFFFFFF  }
0x98: {  	s19 =	sld [smem:$0x3FDB];
	_ =	sdelay $0x1  }
0x99: {  	s4 =	simm.s32 $_scs_section_size  }
0x9a: {  	s5 =	simm.s32 $_size__tile_overlayer_lowered;
	s6 =	simm.s32 $_tile_overlayer_lowered  }
0x9b: {  	s22 =	simm.s32 $0x1BFF;
	s21 =	sshll.u32 s6, $0x1;
	s3 =	sadd.s32 s4, s19  }
0x9c: {  	s7 =	simm.s32 $0x0;
	s20 =	sshll.u32 s5, $0x1;
	s5 =	sadd.s32 s21, s3  }
0x9d: {  	[timem:s7], [sflag:s22] =	dma.local [hbm:s5], s20  }
0x9e: {  	_ =	swait.ge [sflag:s22], s20  }
0x9f: {  	s4 =	ssub.s32 $0x0, s20;
	[sflag:s22] =	ssyncset.done $0x0  }
0xa0: {  	[sflag:s22] =	ssyncadd.s32 s4;
	_ =	sdelay $0x1  }
0xa1: {  	s23 =	simm.s32 $0x1B8B  }
0xa2: {  	_ =	swait.ge [sflag:s23], $0x1  }
0xa3: {  	[sflag:s23] =	ssyncset.done $0x0  }
0xa4: {  	s25 =	simm.s32 $0x1B8E;
	s24 =	sld [smem:$0x3FFE];
	[sflag:s23] =	ssyncadd.s32 $0xFFFFFFFF  }
0xa5: {  	s26 =	simm.s32 $execute0_lowered;
	[smem:$0x3FD2] =	sst s25  }
0xa6: {  	s5 =	sshll.u32 s26, $0x1;
	_ =	strace $0x8000004F;
	[dreg:$0x1] =	wrdreg $0xFFFFFFFF  }
0xa7: {  	s28 =	simm.s32 $_size_execute0_lowered;
	s3 =	sadd.s32 s3, s5;
	[dreg:$0x0] =	wrdreg $0x0  }
0xa8: {  	s5 =	sshll.u32 s28, $0x1;
	[dreg:$0x2] =	wrdreg s3  }
0xa9: {  	[dreg:$0x3] =	wrdreg s5  }
0xaa: {  	[dreg:$0x4] =	wrdreg $0xC0  }
0xab: {  	_ =	task [dreg:s7], $0x5FFFF  }
0xac: {  	[dreg:$0x1] =	wrdreg $0xFFFFFFFF  }
0xad: {  	[dreg:$0x0] =	wrdreg $0x60  }
0xae: {  	[dreg:$0x2] =	wrdreg s2  }
0xaf: {  	[dreg:$0x3] =	wrdreg s24  }
0xb0: {  	[dreg:$0x4] =	wrdreg $0xAA000  }
0xb1: {  	[dreg:$0x5] =	wrdreg $0x9  }
0xb2: {  	_ =	task.clear_ibuf [dreg:s7], $0x6FFFF;
	_ =	strace $0x9000004F  }
0xb3: {  	s29 =	simm.s32 $0x9;
	_ =	strace $0x80000051  }
0xb4: {  	_ =	swait.ge [sflag:s29], $0x1  }
0xb5: {  	[sflag:s29] =	ssyncadd.s32 $0xFFFFFFFF  }
0xb6: {  	_ =	strace $0x90000051  }
0xb7: {  	_ =	sfence  }
0xb8: {  	s30 =	sld [smem:$0x0];
	_ =	sdelay $0x2  }
0xb9: {  	s31 =	sshll.u32 s1, $0xD;
	s1 =	sshrl.u32 s1, $0x2  }
0xba: {  	s3 =	sand.u32 $0x4000, s31;
	s1 =	sadd.s32 s1, s30  }
0xbb: {  	s0 =	sor.u32 s3, s0;
	s1 =	sshll.u32 s1, $0x11  }
0xbc: {  	s0 =	sor.u32 s1, s0  }
0xbd: {  	s0 =	sadd.s32 $0x8F2B, s0  }
0xbe: {  	[sflag:s0] =	ssyncadd.remote.s32 $0x1  }
0xbf: {  	_ =	sfence.sel $0xFFFF  }
0xc0: {  	[dreg:$0x0] =	wrdreg $0xFFFFFFFF;
	(pc) =	sbr.abs _section_cstart, $3  }
0xc1: {  	[dreg:$0x1] =	wrdreg $0xFFFFFFFF  }
0xc2: {  	_ =	task.clear_ibuf [dreg:s7], $0x2FFFF;
	_ =	strace $0x9FFFFFFF  }
0xc3: {  	(tm) =	ssettm $0x7FFFFFFF  }
tec
execute0_lowered:
.L_overlay_start_1:
0x0: {  	(tag) =	ssettag $0x1  }
0x1: {  	s1 =	rddreg [dreg:$0x0]  }
0x2: {  	s6 =	rddreg [dreg:$0x1]  }
0x3: {  	s3 =	rddreg [dreg:$0x2]  }
0x4: {  	s0 =	rddreg [dreg:$0x3]  }
0x5: {  	s4 =	simm.s32 $0x0;
	s2 =	stileid.u32;
	s5 =	srdreg.scid  }
0x6: {  	s16 =	simm.s32 $0x80;
	s17 =	simm.s32 $0x2800;
	s18 =	simm.s32 $0x2880  }
0x7: {  	s19 =	simm.s32 $0x6A00;
	s20 =	simm.s32 $0x1;
	s7 =	smul.u32 $0x500, s2  }
0x8: {  	s21 =	simm.s32 $0x2900;
	s22 =	simm.s32 $0x2980;
	s10 =	smul.u32 $0x4F000, s2  }
0x9: {  	[smem:$0x7FF] =	sst s4;
	s14 =	sand.u32 $0x1, s5;
	s24 =	smul.u32 $0x2780, s2  }
0xa: {  	s5 =	sshll.u32 s2, $0x6;
	_ =	strace $0x80000050;
	s8 =	smul.u32 $0x27800, s14  }
0xb: {  	s9 =	ssub.s32 $0x2, s14;
	s11 =	sadd.s32 s5, s6;
	p0 =	sne.s32 s14, $0x0  }
0xc: {  	s14 =	simm.s32 $0x2A00;
	s7 =	sadd.s32 s7, s6;
	s12 =	sshrl.u32 s9, $0x1  }
.Ltmp0:
0xd: {  	s31 =	sshrl.u32 s10, $0x2;
	s13 =	sadd.s32 s8, s6;
	(pc) =	sbr.rel .LBB2_1-.Ltmp0, $4  }
0xe: {  	s15 =	ssub.s32 s9, s12;
	s6 =	sadd.s32 $0x3A00, s11;
	s8 =	sadd.s32 s31, s3  }
0xf: {  	s7 =	sadd.s32 $0x3E00, s7;
	s9 =	sadd.s32 $0x4000, s8;
	s10 =	sadd.s32 $0x8000, s8  }
0x10: {  	s11 =	sadd.s32 $0xC000, s8;
	s12 =	sadd.s32 $0x10000, s8;
	s23 =	sadd.s32 $0x8E00, s13  }
0x11: {  	v0 =	vimm.f32 $0.0e+00;
	s13 =	smax.u32 s15, $0x1;
	s15 =	simm.s32 $0x3;
	s23 =	sadd.s32 s24, s23  }
.LBB2_8:
0x12: {  	s4 =	sadd.s32 $0x1, s4  }
0x13: {  	[bflag:$0x0] =	sbarrier.arrive $0xFFFF;
	p1 =	sne.s32 s4, s13  }
.Ltmp1:
0x14: {  	s24 =	sor.u32 $0x1C03, s5;
	s25 =	sshrl.u32 s8, $0x3;
	(pc) =	sbr.rel @!p1 .LBB2_9-.Ltmp1, $4  }
0x15: {  	[hbm:s23], [sflag:s24] =	dma.local [spmem:s25], $0x2780  }
0x16: {  	_ =	swait.ge [sflag:s15], $0x2780  }
0x17: {  	[sflag:s15] =	ssyncset.done $0x0  }
0x18: {  	[sflag:s15] =	ssyncadd.s32 $0xFFFFD880  }
.LBB2_1:
0x19: {  	s24 =	simm.s32 @p0 $0x0  }
0x1a: {  	[tilespmem:s24], [sflag:$0x2] =	stream.linear.gather @p0 [hbm4b:s6+s24], $0x200, $0x38;
	[tilespmem:$0x1E600] =	vst v63  }
0x1b: {  	s24 =	simm.s32 @!p0 $0x0  }
0x1c: {  	[tilespmem:s24], [sflag:$0x2] =	stream.linear.gather @!p0 [hbm4b:s7+s24], $0x2600, $0x38;
	[tilespmem:$0x1E600] =	vst v63  }
0x1d: {  	s25 =	simm.s32 $0x200;
	s24 =	simm.s32 $0x0  }
.LBB2_2:
0x1e: {  	p1 =	sne.s32 s25, $0xFE00;
	[tilespmem:s24+$0x2A70] =	vst v0  }
0x1f: {  	[tilespmem:s24+$0x2A00] =	vst v0  }
0x20: {  	[tilespmem:s24+$0x2A10] =	vst v0  }
.Ltmp2:
0x21: {  	[tilespmem:s24+$0x2A20] =	vst v0;
	(pc) =	sbr.rel @p1 .LBB2_2-.Ltmp2, $4  }
0x22: {  	[tilespmem:s24+$0x2A30] =	vst v0  }
0x23: {  	[tilespmem:s24+$0x2A40] =	vst v0  }
0x24: {  	[tilespmem:s24+$0x2A50] =	vst v0  }
0x25: {  	[tilespmem:s24+$0x2A60] =	vst v0;
	s24 =	sshra.s32 s25, $0x2;
	s25 =	sadd.s32 $0x200, s25  }
0x26: {  	[tilespmem:s24+$0x2A70] =	vst v0  }
0x27: {  	[tilespmem:s24+$0x2A00] =	vst v0  }
0x28: {  	[tilespmem:s24+$0x2A10] =	vst v0  }
0x29: {  	[tilespmem:s24+$0x2A20] =	vst v0  }
0x2a: {  	[tilespmem:s24+$0x2A30] =	vst v0  }
0x2b: {  	[tilespmem:s24+$0x2A40] =	vst v0  }
0x2c: {  	[tilespmem:s24+$0x2A50] =	vst v0  }
0x2d: {  	[tilespmem:s24+$0x2A60] =	vst v0  }
0x2e: {  	[spmem:s8] =	stream.linear.scatter [tilespmem:s14], [sflag:$0x3], $0x4000, $0x38;
	[tilespmem:$0x1E600] =	vst v63  }
0x2f: {  	_ =	swait.ge [sflag:s15], $0x4000  }
0x30: {  	[sflag:s15] =	ssyncset.done $0x0  }
0x31: {  	[sflag:s15] =	ssyncadd.s32 $0xFFFFC000  }
0x32: {  	[spmem:s9] =	stream.linear.scatter [tilespmem:s14], [sflag:$0x3], $0x4000, $0x38;
	[tilespmem:$0x1E600] =	vst v63  }
0x33: {  	_ =	swait.ge [sflag:s15], $0x4000  }
0x34: {  	[sflag:s15] =	ssyncset.done $0x0  }
0x35: {  	[sflag:s15] =	ssyncadd.s32 $0xFFFFC000  }
0x36: {  	[spmem:s10] =	stream.linear.scatter [tilespmem:s14], [sflag:$0x3], $0x4000, $0x38;
	[tilespmem:$0x1E600] =	vst v63  }
0x37: {  	_ =	swait.ge [sflag:s15], $0x4000  }
0x38: {  	[sflag:s15] =	ssyncset.done $0x0  }
0x39: {  	[sflag:s15] =	ssyncadd.s32 $0xFFFFC000  }
0x3a: {  	[spmem:s11] =	stream.linear.scatter [tilespmem:s14], [sflag:$0x3], $0x4000, $0x38;
	[tilespmem:$0x1E600] =	vst v63  }
0x3b: {  	_ =	swait.ge [sflag:s15], $0x4000  }
0x3c: {  	[sflag:s15] =	ssyncset.done $0x0  }
0x3d: {  	[sflag:s15] =	ssyncadd.s32 $0xFFFFC000  }
0x3e: {  	[spmem:s12] =	stream.linear.scatter [tilespmem:s14], [sflag:$0x3], $0x3C00, $0x38;
	[tilespmem:$0x1E600] =	vst v63  }
0x3f: {  	_ =	swait.ge [sflag:s15], $0x3C00  }
0x40: {  	[sflag:s15] =	ssyncset.done $0x0  }
0x41: {  	s24 =	simm.s32 @p0 $0x2;
	[sflag:s15] =	ssyncadd.s32 $0xFFFFC400  }
0x42: {  	_ =	swait.ge @p0 [sflag:s24], $0x200  }
0x43: {  	[sflag:s24] =	ssyncset.done @p0 $0x0  }
0x44: {  	[sflag:s24] =	ssyncadd.s32 @p0 $0xFFFFFE00;
	s24 =	simm.s32 @!p0 $0x2  }
0x45: {  	_ =	swait.ge @!p0 [sflag:s24], $0x2600  }
0x46: {  	[sflag:s24] =	ssyncset.done @!p0 $0x0  }
0x47: {  	[sflag:s24] =	ssyncadd.s32 @!p0 $0xFFFFDA00  }
0x48: {  	[bflag:$0x0] =	sbarrier.arrive $0xFFFF  }
0x49: {  	v1 =	vld [tilespmem:$0x0];
	_ =	sdelay $0x1  }
0x4a: {  	v2 =	vld [tilespmem:$0x10];
	_ =	sdelay $0x1  }
0x4b: {  	v3 =	vld [tilespmem:$0x20]  }
0x4c: {  	v4 =	vand.u32 $0x3FFF, v1  }
0x4d: {  	v59 =	vld [tilespmem:$0x30];
	v1 =	vshrl.u32 v1, $0xE;
	[tilespmem:$0x2800] =	vst v4  }
0x4e: {  	[tilespmem:$0x2900] =	vst v1;
	v1 =	vand.u32 $0x3FFF, v2  }
0x4f: {  	[tilespmem:$0x2810] =	vst v1;
	v1 =	vshrl.u32 v2, $0xE;
	v2 =	vld [tilespmem:$0x40]  }
0x50: {  	[tilespmem:$0x2910] =	vst v1;
	v1 =	vand.u32 $0x3FFF, v3  }
0x51: {  	[tilespmem:$0x2820] =	vst v1;
	v1 =	vshrl.u32 v3, $0xE;
	v3 =	vld [tilespmem:$0x50]  }
0x52: {  	[tilespmem:$0x2920] =	vst v1;
	v1 =	vand.u32 $0x3FFF, v59  }
0x53: {  	v60 =	vld [tilespmem:$0x60];
	[tilespmem:$0x2830] =	vst v1;
	v1 =	vshrl.u32 v59, $0xE  }
0x54: {  	[tilespmem:$0x2930] =	vst v1;
	v1 =	vand.u32 $0x3FFF, v2  }
0x55: {  	[tilespmem:$0x2840] =	vst v1;
	v1 =	vshrl.u32 v2, $0xE;
	v2 =	vld [tilespmem:$0x70]  }
0x56: {  	[tilespmem:$0x2940] =	vst v1;
	v1 =	vand.u32 $0x3FFF, v3  }
0x57: {  	[tilespmem:$0x2850] =	vst v1;
	v1 =	vshrl.u32 v3, $0xE  }
0x58: {  	[tilespmem:$0x2950] =	vst v1;
	v1 =	vand.u32 $0x3FFF, v60  }
0x59: {  	[tilespmem:$0x2860] =	vst v1;
	v1 =	vshrl.u32 v60, $0xE  }
0x5a: {  	[tilespmem:$0x2960] =	vst v1;
	v1 =	vand.u32 $0x3FFF, v2  }
0x5b: {  	[tilespmem:$0x2870] =	vst v1;
	v1 =	vshrl.u32 v2, $0xE  }
0x5c: {  	[tilespmem:$0x2970] =	vst v1  }
0x5d: {  	[tilespmem:s14], [sflag:$0x1] =	stream.indirect.gather [hbm4b:s1+s16], $0x80, s17, s16, $0xb8;
	[tilespmem:$0x1E600] =	vst v63  }
0x5e: {  	v1 =	vld [tilespmem:$0x80];
	_ =	sdelay $0x1  }
0x5f: {  	v2 =	vld [tilespmem:$0x90];
	_ =	sdelay $0x1  }
0x60: {  	v3 =	vld [tilespmem:$0xA0]  }
0x61: {  	v61 =	vand.u32 $0x3FFF, v1  }
0x62: {  	v62 =	vld [tilespmem:$0xB0];
	v1 =	vshrl.u32 v1, $0xE;
	[tilespmem:$0x2880] =	vst v61  }
0x63: {  	[tilespmem:$0x2980] =	vst v1;
	v1 =	vand.u32 $0x3FFF, v2  }
0x64: {  	[tilespmem:$0x2890] =	vst v1;
	v1 =	vshrl.u32 v2, $0xE;
	v2 =	vld [tilespmem:$0xC0]  }
0x65: {  	[tilespmem:$0x2990] =	vst v1;
	v1 =	vand.u32 $0x3FFF, v3  }
0x66: {  	[tilespmem:$0x28A0] =	vst v1;
	v1 =	vshrl.u32 v3, $0xE;
	v3 =	vld [tilespmem:$0xD0]  }
0x67: {  	[tilespmem:$0x29A0] =	vst v1;
	v1 =	vand.u32 $0x3FFF, v62  }
0x68: {  	v63 =	vld [tilespmem:$0xE0];
	[tilespmem:$0x28B0] =	vst v1;
	v1 =	vshrl.u32 v62, $0xE  }
0x69: {  	[tilespmem:$0x29B0] =	vst v1;
	v1 =	vand.u32 $0x3FFF, v2  }
0x6a: {  	[tilespmem:$0x28C0] =	vst v1;
	v1 =	vshrl.u32 v2, $0xE;
	v2 =	vld [tilespmem:$0xF0]  }
0x6b: {  	[tilespmem:$0x29C0] =	vst v1;
	v1 =	vand.u32 $0x3FFF, v3  }
0x6c: {  	[tilespmem:$0x28D0] =	vst v1;
	v1 =	vshrl.u32 v3, $0xE  }
.Ltmp3:
0x6d: {  	[tilespmem:$0x29D0] =	vst v1;
	v1 =	vand.u32 $0x3FFF, v63;
	(pc) =	sbr.rel .LBB2_4-.Ltmp3, $4  }
0x6e: {  	[tilespmem:$0x28E0] =	vst v1;
	v1 =	vshrl.u32 v63, $0xE  }
0x6f: {  	s24 =	simm.s32 @!p0 $0x26;
	[tilespmem:$0x29E0] =	vst v1;
	v1 =	vand.u32 $0x3FFF, v2  }
0x70: {  	s24 =	simm.s32 @p0 $0x2;
	[tilespmem:$0x28F0] =	vst v1;
	v1 =	vshrl.u32 v2, $0xE  }
0x71: {  	s26 =	simm.s32 $0x0;
	s28 =	simm.s32 $0x1F0;
	s25 =	sadd.s32 $0xFFFFFFFF, s24;
	[tilespmem:$0x29F0] =	vst v1  }
.LBB2_6:
0x72: {  	_ =	swait.ge [sflag:s20], $0x4000  }
0x73: {  	[sflag:s20] =	ssyncset.done $0x0  }
0x74: {  	[sflag:s20] =	ssyncadd.s32 $0xFFFFC000  }
0x75: {  	[spmem:s3] =	stream.indirect.scatter.add.f32 [tilespmem:s19], [sflag:$0x3], $0x80, s22, s16, $0xb8;
	[tilespmem:$0x1E600] =	vst v63  }
0x76: {  	_ =	swait.ge [sflag:s15], $0x4000  }
0x77: {  	[sflag:s15] =	ssyncset.done $0x0  }
0x78: {  	[sflag:s15] =	ssyncadd.s32 $0xFFFFC000  }
.LBB2_7:
0x79: {  	s26 =	sadd.s32 $0x1, s26  }
0x7a: {  	p1 =	sne.s32 s24, s26  }
.Ltmp4:
0x7b: {  	_ = 	snop;
	(pc) =	sbr.rel @!p1 .LBB2_8-.Ltmp4, $2  }
0x7c: {  	_ =	sdelay $0x2  }
0x7d: {  	s28 =	sadd.s32 $0x100, s28  }
.LBB2_4:
0x7e: {  	[tilespmem:s19], [sflag:$0x1] =	stream.indirect.gather [hbm4b:s1+s16], $0x80, s18, s16, $0xb8;
	[tilespmem:$0x1E600] =	vst v63  }
0x7f: {  	_ =	swait.ge [sflag:s20], $0x4000  }
0x80: {  	p1 =	sge.u32 s26, s25;
	[sflag:s20] =	ssyncset.done $0x0  }
.Ltmp5:
0x81: {  	[sflag:s20] =	ssyncadd.s32 $0xFFFFC000;
	(pc) =	sbr.rel @p1 .LBB2_6-.Ltmp5, $4  }
0x82: {  	[spmem:s3] =	stream.indirect.scatter.add.f32 [tilespmem:s14], [sflag:$0x3], $0x80, s21, s16, $0xb8;
	[tilespmem:$0x1E600] =	vst v63  }
0x83: {  	_ =	swait.ge [sflag:s15], $0x4000  }
0x84: {  	[sflag:s15] =	ssyncset.done $0x0  }
0x85: {  	[sflag:s15] =	ssyncadd.s32 $0xFFFFC000  }
0x86: {  	v1 =	vld [tilespmem:s28+$0xFFFFFF10];
	_ =	sdelay $0x4  }
0x87: {  	v2 =	vand.u32 $0x3FFF, v1  }
0x88: {  	v1 =	vshrl.u32 v1, $0xE;
	[tilespmem:$0x2800] =	vst v2  }
0x89: {  	[tilespmem:$0x2900] =	vst v1  }
0x8a: {  	v1 =	vld [tilespmem:s28+$0xFFFFFF20];
	_ =	sdelay $0x4  }
0x8b: {  	v2 =	vand.u32 $0x3FFF, v1  }
0x8c: {  	v1 =	vshrl.u32 v1, $0xE;
	[tilespmem:$0x2810] =	vst v2  }
0x8d: {  	[tilespmem:$0x2910] =	vst v1  }
0x8e: {  	v1 =	vld [tilespmem:s28+$0xFFFFFF30];
	_ =	sdelay $0x4  }
0x8f: {  	v2 =	vand.u32 $0x3FFF, v1  }
0x90: {  	v1 =	vshrl.u32 v1, $0xE;
	[tilespmem:$0x2820] =	vst v2  }
0x91: {  	[tilespmem:$0x2920] =	vst v1  }
0x92: {  	v1 =	vld [tilespmem:s28+$0xFFFFFF40];
	_ =	sdelay $0x4  }
0x93: {  	v2 =	vand.u32 $0x3FFF, v1  }
0x94: {  	v1 =	vshrl.u32 v1, $0xE;
	[tilespmem:$0x2830] =	vst v2  }
0x95: {  	[tilespmem:$0x2930] =	vst v1  }
0x96: {  	v1 =	vld [tilespmem:s28+$0xFFFFFF50];
	_ =	sdelay $0x4  }
0x97: {  	v2 =	vand.u32 $0x3FFF, v1  }
0x98: {  	v1 =	vshrl.u32 v1, $0xE;
	[tilespmem:$0x2840] =	vst v2  }
0x99: {  	[tilespmem:$0x2940] =	vst v1  }
0x9a: {  	v1 =	vld [tilespmem:s28+$0xFFFFFF60];
	_ =	sdelay $0x4  }
0x9b: {  	v2 =	vand.u32 $0x3FFF, v1  }
0x9c: {  	v1 =	vshrl.u32 v1, $0xE;
	[tilespmem:$0x2850] =	vst v2  }
0x9d: {  	[tilespmem:$0x2950] =	vst v1  }
0x9e: {  	v1 =	vld [tilespmem:s28+$0xFFFFFF70];
	_ =	sdelay $0x4  }
0x9f: {  	v2 =	vand.u32 $0x3FFF, v1  }
0xa0: {  	v1 =	vshrl.u32 v1, $0xE;
	[tilespmem:$0x2860] =	vst v2  }
0xa1: {  	[tilespmem:$0x2960] =	vst v1  }
0xa2: {  	v1 =	vld [tilespmem:s28+$0xFFFFFF80];
	_ =	sdelay $0x4  }
0xa3: {  	v2 =	vand.u32 $0x3FFF, v1  }
0xa4: {  	v1 =	vshrl.u32 v1, $0xE;
	[tilespmem:$0x2870] =	vst v2  }
0xa5: {  	[tilespmem:$0x2970] =	vst v1  }
0xa6: {  	[tilespmem:s14], [sflag:$0x1] =	stream.indirect.gather [hbm4b:s1+s16], $0x80, s17, s16, $0xb8;
	[tilespmem:$0x1E600] =	vst v63  }
0xa7: {  	_ =	swait.ge [sflag:s20], $0x4000  }
0xa8: {  	[sflag:s20] =	ssyncset.done $0x0  }
0xa9: {  	[sflag:s20] =	ssyncadd.s32 $0xFFFFC000  }
0xaa: {  	[spmem:s3] =	stream.indirect.scatter.add.f32 [tilespmem:s19], [sflag:$0x3], $0x80, s22, s16, $0xb8;
	[tilespmem:$0x1E600] =	vst v63  }
0xab: {  	_ =	swait.ge [sflag:s15], $0x4000  }
0xac: {  	[sflag:s15] =	ssyncset.done $0x0  }
0xad: {  	[sflag:s15] =	ssyncadd.s32 $0xFFFFC000  }
0xae: {  	v1 =	vld [tilespmem:s28+$0xFFFFFF90];
	_ =	sdelay $0x4  }
0xaf: {  	v2 =	vand.u32 $0x3FFF, v1  }
0xb0: {  	v1 =	vshrl.u32 v1, $0xE;
	[tilespmem:$0x2880] =	vst v2  }
0xb1: {  	[tilespmem:$0x2980] =	vst v1  }
0xb2: {  	v1 =	vld [tilespmem:s28+$0xFFFFFFA0];
	_ =	sdelay $0x4  }
0xb3: {  	v2 =	vand.u32 $0x3FFF, v1  }
0xb4: {  	v1 =	vshrl.u32 v1, $0xE;
	[tilespmem:$0x2890] =	vst v2  }
0xb5: {  	[tilespmem:$0x2990] =	vst v1  }
0xb6: {  	v1 =	vld [tilespmem:s28+$0xFFFFFFB0];
	_ =	sdelay $0x4  }
0xb7: {  	v2 =	vand.u32 $0x3FFF, v1  }
0xb8: {  	v1 =	vshrl.u32 v1, $0xE;
	[tilespmem:$0x28A0] =	vst v2  }
0xb9: {  	[tilespmem:$0x29A0] =	vst v1  }
0xba: {  	v1 =	vld [tilespmem:s28+$0xFFFFFFC0];
	_ =	sdelay $0x4  }
0xbb: {  	v2 =	vand.u32 $0x3FFF, v1  }
0xbc: {  	v1 =	vshrl.u32 v1, $0xE;
	[tilespmem:$0x28B0] =	vst v2  }
0xbd: {  	[tilespmem:$0x29B0] =	vst v1  }
0xbe: {  	v1 =	vld [tilespmem:s28+$0xFFFFFFD0];
	_ =	sdelay $0x4  }
0xbf: {  	v2 =	vand.u32 $0x3FFF, v1  }
0xc0: {  	v1 =	vshrl.u32 v1, $0xE;
	[tilespmem:$0x28C0] =	vst v2  }
0xc1: {  	[tilespmem:$0x29C0] =	vst v1  }
0xc2: {  	v1 =	vld [tilespmem:s28+$0xFFFFFFE0];
	_ =	sdelay $0x4  }
0xc3: {  	v2 =	vand.u32 $0x3FFF, v1  }
0xc4: {  	v1 =	vshrl.u32 v1, $0xE;
	[tilespmem:$0x28D0] =	vst v2  }
0xc5: {  	[tilespmem:$0x29D0] =	vst v1  }
0xc6: {  	v1 =	vld [tilespmem:s28+$0xFFFFFFF0];
	_ =	sdelay $0x4  }
0xc7: {  	v2 =	vand.u32 $0x3FFF, v1  }
0xc8: {  	v1 =	vshrl.u32 v1, $0xE;
	[tilespmem:$0x28E0] =	vst v2  }
0xc9: {  	[tilespmem:$0x29E0] =	vst v1  }
0xca: {  	v1 =	vld [tilespmem:s28+$0x0];
	_ =	sdelay $0x2  }
.Ltmp6:
0xcb: {  	_ = 	snop;
	(pc) =	sbr.rel .LBB2_7-.Ltmp6, $4  }
0xcc: {  	_ = 	snop  }
0xcd: {  	v2 =	vand.u32 $0x3FFF, v1  }
0xce: {  	v1 =	vshrl.u32 v1, $0xE;
	[tilespmem:$0x28F0] =	vst v2  }
0xcf: {  	[tilespmem:$0x29F0] =	vst v1  }
.LBB2_9:
0xd0: {  	_ =	sfence.sel $0x180000  }
0xd1: {  	[bflag:$0x0] =	sbarrier.arrive $0xFFFF  }
0xd2: {  	p0 =	sne.s32 s2, $0x0;
	_ =	strace $0x90000050  }
0xd3: {  	s0 =	sadd.s32 @!p0 $0x100000, s0;
	[bflag:$0x2] =	sbarrier.arrive $0xFFFF  }
0xd4: {  	[sflag:s0] =	ssyncadd.tile.s32 @!p0 $0x1;
	_ =	shalt  }
.Lfunc_end2:
_tile_overlayer_lowered:
.L_overlay_start_2:
0xd5: {  	(tag) =	ssettag $0x2  }
0xd6: {  	s0 =	rddreg [dreg:$0x0];
	s2 =	stileid.u32  }
0xd7: {  	s1 =	rddreg [dreg:$0x1];
	p0 =	sne.s32 s2, $0x0  }
0xd8: {  	s3 =	rddreg [dreg:$0x2];
	[bflag:$0x3] =	sbarrier.arrive $0xFFFF;
	s2 =	simm.s32 @!p0 $0x1C03  }
0xd9: {  	[timem:s3], [sflag:s2] =	dma.local @!p0 [hbm:s0], s1  }
0xda: {  	s0 =	simm.s32 @!p0 $0x3  }
0xdb: {  	_ =	swait.ge @!p0 [sflag:s0], s1  }
0xdc: {  	s1 =	ssub.s32 @!p0 $0x0, s1;
	[sflag:s0] =	ssyncset.done @!p0 $0x0  }
0xdd: {  	[sflag:s0] =	ssyncadd.s32 @!p0 s1  }
0xde: {  	[bflag:$0x3] =	sbarrier.arrive $0xFFFF  }
0xdf: {  	_ =	shalt  }

// kernel: kernel.8.cloned.1.call-start
scs
__scs_entry_jumppad:
0x0: {  	(pc) =	sbr.rel $0x88, $3  }
0x1: {  	(tag) =	ssettag $0x0;
	lr =	simm.s32 $0x1  }
0x2: {  	[smem:$0x3F9B] =	sst lr;
	_ =	strace $0xD0000000  }
0x3: {  	_ = 	snop  }
0x4: {  	_ = 	snop  }
0x5: {  	_ = 	snop  }
0x6: {  	_ = 	snop  }
0x7: {  	_ = 	snop  }
__scs_overlays_trampoline_lowered:
0x8: {  	[smem:$0x3FAA] =	sst s0  }
0x9: {  	[smem:$0x3FAB] =	sst s1  }
0xa: {  	[smem:$0x3FAC] =	sst s2  }
0xb: {  	[smem:$0x3FAD] =	sst s3  }
0xc: {  	[smem:$0x3FAE] =	sst s4  }
0xd: {  	[smem:$0x3FAF] =	sst s5  }
0xe: {  	[smem:$0x3FB0] =	sst s6  }
0xf: {  	[smem:$0x3FB1] =	sst s7  }
0x10: {  	[smem:$0x3FB2] =	sst s8  }
0x11: {  	[smem:$0x3FB3] =	sst s9;
	s0 =	simm.s32 @!p0 $0x0  }
0x12: {  	s1 =	sld [smem:$0x3F99];
	s0 =	simm.s32 @p0 $0x1  }
0x13: {  	[smem:$0x3FB4] =	sst s0;
	s0 =	simm.s32 @!p1 $0x0  }
0x14: {  	s2 =	sld [smem:$0x3F98];
	s0 =	simm.s32 @p1 $0x1  }
0x15: {  	[smem:$0x3FB5] =	sst s0;
	s0 =	simm.s32 @!p2 $0x0  }
0x16: {  	s3 =	sld [smem:$0x3FDB];
	s0 =	simm.s32 @p2 $0x1  }
0x17: {  	s4 =	simm.s32 $0x1BF5;
	[smem:$0x3FB7] =	sst s0  }
0x18: {  	s0 =	sld [smem:$0x3F9A];
	_ =	swait.ge [sflag:s4], $0x0  }
0x19: {  	s7 =	sld [smem:$0x3F9B]  }
0x1a: {  	s8 =	sadd.s32 $0xFFFFE003, lr  }
0x1b: {  	s9 =	sadd.s32 $0xFFFFFEF7, lr;
	s5 =	simm.s32 $0xFFFFFFFF;
	p2 =	slt.u32 s8, $0xFFFFF086  }
0x1c: {  	p1 =	slt.u32 s9, $0xF7A;
	s5 =	simm.s32 @!p2 $0x0  }
0x1d: {  	s5 =	simm.s32 @p1 $0x1;
	p0 =	seq.s32 s7, s2  }
0x1e: {  	s7 =	smul.u32 @!p0 $0xF7A, s2;
	p2 =	seq.s32 @!p0 s5, $0x0  }
0x1f: {  	s9 =	smul.u32 $0xF7A, s1;
	s8 =	simm.s32 @!p0 $0x1BF5;
	p2 =	por !p2, p0  }
0x20: {  	[sflag:s8] =	ssyncset.s32 @!p0 $0xFFFFF086;
	s6 =	sadd.s32 @!p0 s3, s7;
	s7 =	simm.s32 @!p0 $0x108  }
0x21: {  	s3 =	sadd.s32 s3, s9;
	s6 =	sadd.s32 @!p0 $0x88, s6;
	s7 =	simm.s32 @p2 $0x1082  }
0x22: {  	[simem:s7], [sflag:s8] =	dma.local @!p0 [hbm:s6], $0xF7A  }
0x23: {  	s9 =	sor.u32 $0xD0000000, s2;
	s6 =	simm.s32 $0x108;
	_ =	swait.ge @!p0 [sflag:s8], $0x0  }
0x24: {  	s3 =	sadd.s32 $0x88, s3;
	s6 =	simm.s32 @!p1 $0x1082;
	[sflag:s4] =	ssyncset.s32 $0xFFFFF086  }
0x25: {  	[simem:s6], [sflag:s4] =	dma.local [hbm:s3], $0xF7A  }
0x26: {  	[smem:$0x3F9B] =	sst s1;
	(tag) =	ssettag s2;
	_ =	strace s9  }
0x27: {  	s1 =	sld [smem:$0x3FAB]  }
0x28: {  	s2 =	sld [smem:$0x3FAC]  }
0x29: {  	s4 =	sld [smem:$0x3FAE]  }
0x2a: {  	p0 =	seq.s32 s5, $0x0;
	s5 =	sld [smem:$0x3FAF]  }
0x2b: {  	s6 =	sld [smem:$0x3FB0]  }
0x2c: {  	s7 =	sld [smem:$0x3FB1]  }
0x2d: {  	s3 =	simm.s32 $0x108;
	s8 =	sld [smem:$0x3FB2]  }
0x2e: {  	s3 =	simm.s32 @!p0 $0x1082;
	s9 =	sld [smem:$0x3FB3]  }
0x2f: {  	lr =	sadd.s32 s0, s3;
	s0 =	sld [smem:$0x3FAA]  }
0x30: {  	s3 =	sld [smem:$0x3FAD]  }
0x31: {  	[smem:$0x3FB6] =	sst s10  }
0x32: {  	s10 =	sld [smem:$0x3FB4];
	_ =	sdelay $0x3  }
0x33: {  	p0 =	seq.s32 s10, $0x1;
	s10 =	sld [smem:$0x3FB6];
	_ =	sdelay $0x3  }
0x34: {  	[smem:$0x3FB6] =	sst s10  }
0x35: {  	s10 =	sld [smem:$0x3FB5];
	_ =	sdelay $0x3  }
0x36: {  	p1 =	seq.s32 s10, $0x1;
	s10 =	sld [smem:$0x3FB6];
	_ =	sdelay $0x3  }
0x37: {  	[smem:$0x3FB6] =	sst s10  }
0x38: {  	s10 =	sld [smem:$0x3FB7]  }
0x39: {  	_ = 	snop;
	(pc) =	sbr.ind lr, $3  }
0x3a: {  	_ = 	snop  }
0x3b: {  	_ = 	snop  }
0x3c: {  	p2 =	seq.s32 s10, $0x1;
	s10 =	sld [smem:$0x3FB6]  }
0x3d: {  	_ =	shalt  }
0x3e: {  	_ =	shalt  }
0x3f: {  	_ =	shalt  }
0x40: {  	_ =	shalt  }
0x41: {  	_ =	shalt  }
0x42: {  	_ =	shalt  }
0x43: {  	_ =	shalt  }
0x44: {  	_ =	shalt  }
0x45: {  	_ =	shalt  }
0x46: {  	_ =	shalt  }
0x47: {  	_ =	shalt  }
0x48: {  	_ =	shalt  }
0x49: {  	_ =	shalt  }
0x4a: {  	_ =	shalt  }
0x4b: {  	_ =	shalt  }
0x4c: {  	_ =	shalt  }
0x4d: {  	_ =	shalt  }
0x4e: {  	_ =	shalt  }
0x4f: {  	_ =	shalt  }
0x50: {  	_ =	shalt  }
0x51: {  	_ =	shalt  }
0x52: {  	_ =	shalt  }
0x53: {  	_ =	shalt  }
0x54: {  	_ =	shalt  }
0x55: {  	_ =	shalt  }
0x56: {  	_ =	shalt  }
0x57: {  	_ =	shalt  }
0x58: {  	_ =	shalt  }
0x59: {  	_ =	shalt  }
0x5a: {  	_ =	shalt  }
0x5b: {  	_ =	shalt  }
0x5c: {  	_ =	shalt  }
0x5d: {  	_ =	shalt  }
0x5e: {  	_ =	shalt  }
0x5f: {  	_ =	shalt  }
0x60: {  	_ =	shalt  }
0x61: {  	_ =	shalt  }
0x62: {  	_ =	shalt  }
0x63: {  	_ =	shalt  }
0x64: {  	_ =	shalt  }
0x65: {  	_ =	shalt  }
0x66: {  	_ =	shalt  }
0x67: {  	_ =	shalt  }
0x68: {  	_ =	shalt  }
0x69: {  	_ =	shalt  }
0x6a: {  	_ =	shalt  }
0x6b: {  	_ =	shalt  }
0x6c: {  	_ =	shalt  }
0x6d: {  	_ =	shalt  }
0x6e: {  	_ =	shalt  }
0x6f: {  	_ =	shalt  }
0x70: {  	_ =	shalt  }
0x71: {  	_ =	shalt  }
0x72: {  	_ =	shalt  }
0x73: {  	_ =	shalt  }
0x74: {  	_ =	shalt  }
0x75: {  	_ =	shalt  }
0x76: {  	_ =	shalt  }
0x77: {  	_ =	shalt  }
0x78: {  	_ =	shalt  }
0x79: {  	_ =	shalt  }
0x7a: {  	_ =	shalt  }
0x7b: {  	_ =	shalt  }
0x7c: {  	_ =	shalt  }
0x7d: {  	_ =	shalt  }
0x7e: {  	_ =	shalt  }
0x7f: {  	_ =	shalt  }
0x80: {  	_ =	shalt  }
0x81: {  	_ =	shalt  }
0x82: {  	_ =	shalt  }
0x83: {  	_ =	shalt  }
0x84: {  	_ =	shalt  }
0x85: {  	_ =	shalt  }
0x86: {  	_ =	shalt  }
0x87: {  	_ =	shalt  }
.Lfunc_end0:
.L_simem_size_0:
called_computation.1_lowered:
.L_overlay_start_0:
0x88: {  	s2 =	sld [smem:$0x3FD9]  }
0x89: {  	s3 =	sld [smem:$0x3FFE];
	_ =	sdelay $0x1  }
0x8a: {  	s1 =	srdreg.scid  }
0x8b: {  	s0 =	sand.u32 $0x1, s1  }
0x8c: {  	s17 =	sshll.u32 s0, $0xA;
	s2 =	sadd.s32 s3, s2  }
0x8d: {  	s2 =	sadd.s32 s2, s17  }
0x8e: {  	[smem:$0x3FC2] =	sst s2  }
0x8f: {  	_ = 	snop  }
0x90: {  	s18 =	sld [smem:$0x3FD0];
	(tm) =	ssettm $0x1  }
0x91: {  	s19 =	sld [smem:$0x3FFB];
	_ =	sdelay $0x3  }
0x92: {  	_ =	strace s19  }
0x93: {  	s2 =	sld [smem:$0x3FFC];
	_ =	sdelay $0x3  }
0x94: {  	_ =	strace s2  }
0x95: {  	s2 =	sld [smem:$0x3FFD];
	_ =	sdelay $0x3  }
0x96: {  	_ =	strace s2  }
0x97: {  	_ =	strace $0x8FFFFFFF  }
0x98: {  	s20 =	sld [smem:$0x3FDB];
	_ =	sdelay $0x1  }
0x99: {  	s4 =	simm.s32 $_scs_section_size  }
0x9a: {  	s5 =	simm.s32 $_size__tile_overlayer_lowered;
	s6 =	simm.s32 $_tile_overlayer_lowered  }
0x9b: {  	s7 =	simm.s32 $0x1BFF;
	s21 =	sshll.u32 s6, $0x1;
	s4 =	sadd.s32 s4, s20  }
0x9c: {  	s22 =	simm.s32 $0x0;
	s5 =	sshll.u32 s5, $0x1;
	s6 =	sadd.s32 s21, s4  }
0x9d: {  	[timem:s22], [sflag:s7] =	dma.local [hbm:s6], s5  }
0x9e: {  	_ =	swait.ge [sflag:s7], s5  }
0x9f: {  	s5 =	ssub.s32 $0x0, s5;
	[sflag:s7] =	ssyncset.done $0x0  }
0xa0: {  	[sflag:s7] =	ssyncadd.s32 s5;
	_ =	sdelay $0x1  }
0xa1: {  	s23 =	simm.s32 $0x1B8B  }
0xa2: {  	_ =	swait.ge [sflag:s23], $0x1  }
0xa3: {  	[sflag:s23] =	ssyncset.done $0x0  }
0xa4: {  	[sflag:s23] =	ssyncadd.s32 $0xFFFFFFFF  }
0xa5: {  	s5 =	sld [smem:$0x0]  }
0xa6: {  	s6 =	sand.u32 $0xFFFFFFFE, s1  }
0xa7: {  	p0 =	sne.s32 s1, s6  }
0xa8: {  	s6 =	sshll.u32 @p0 s6, $0xE  }
0xa9: {  	s6 =	sadd.s32 @p0 $0x11B8D, s6;
	s7 =	sshll.u32 @p0 s5, $0x11  }
0xaa: {  	s6 =	sor.u32 @p0 s7, s6  }
0xab: {  	[sflag:s6] =	ssyncadd.remote.s32 @p0 $0x1;
	_ =	sdelay $0x1  }
0xac: {  	s6 =	simm.s32 @p0 $0x1B8D  }
0xad: {  	_ =	swait.eq @p0 [sflag:s6], $0x1  }
0xae: {  	[sflag:s6] =	ssyncadd.s32 @p0 $0xFFFFFFFF  }
0xaf: {  	s7 =	sshll.u32 @!p0 s1, $0xE  }
0xb0: {  	s7 =	sor.u32 @!p0 $0x4000, s7;
	s6 =	simm.s32 @!p0 $0x1B8D  }
0xb1: {  	s5 =	sshll.u32 @!p0 s5, $0x11;
	s7 =	sadd.s32 @!p0 $0x11B8D, s7;
	_ =	swait.eq @!p0 [sflag:s6], $0x1  }
0xb2: {  	s5 =	sor.u32 @!p0 s5, s7;
	[sflag:s6] =	ssyncadd.s32 @!p0 $0xFFFFFFFF  }
0xb3: {  	s25 =	simm.s32 $0x1B8E;
	s24 =	sld [smem:$0x3FFE];
	[sflag:s5] =	ssyncadd.remote.s32 @!p0 $0x1  }
0xb4: {  	s26 =	simm.s32 $execute0_lowered;
	[smem:$0x3FD2] =	sst s25  }
0xb5: {  	s6 =	sshll.u32 s26, $0x1;
	_ =	strace $0x80000049;
	[dreg:$0x1] =	wrdreg $0xFFFFFFFF  }
0xb6: {  	s28 =	simm.s32 $_size_execute0_lowered;
	s4 =	sadd.s32 s4, s6;
	[dreg:$0x0] =	wrdreg $0x0  }
0xb7: {  	s6 =	sshll.u32 s28, $0x1;
	[dreg:$0x2] =	wrdreg s4  }
0xb8: {  	[dreg:$0x3] =	wrdreg s6  }
0xb9: {  	[dreg:$0x4] =	wrdreg $0xC0  }
0xba: {  	_ =	task [dreg:s22], $0x5FFFF  }
0xbb: {  	[dreg:$0x1] =	wrdreg $0xFFFFFFFF  }
0xbc: {  	[dreg:$0x0] =	wrdreg $0x60  }
0xbd: {  	[dreg:$0x2] =	wrdreg s18  }
0xbe: {  	[dreg:$0x3] =	wrdreg s24  }
0xbf: {  	[dreg:$0x4] =	wrdreg $0x53000  }
0xc0: {  	[dreg:$0x5] =	wrdreg $0x55800  }
0xc1: {  	[dreg:$0x6] =	wrdreg $0xA  }
0xc2: {  	_ =	task.clear_ibuf [dreg:s22], $0x7FFFF;
	_ =	strace $0x90000049  }
0xc3: {  	s29 =	simm.s32 $0xA;
	_ =	strace $0x8000004B  }
0xc4: {  	_ =	swait.ge [sflag:s29], $0x1  }
0xc5: {  	[sflag:s29] =	ssyncadd.s32 $0xFFFFFFFF  }
0xc6: {  	_ =	strace $0x9000004B  }
0xc7: {  	_ =	sfence  }
0xc8: {  	s30 =	sld [smem:$0x0];
	_ =	sdelay $0x2  }
0xc9: {  	s31 =	sshll.u32 s1, $0xD;
	s1 =	sshrl.u32 s1, $0x2  }
0xca: {  	s4 =	sand.u32 $0x4000, s31;
	s1 =	sadd.s32 s1, s30  }
0xcb: {  	s0 =	sor.u32 s4, s0;
	s1 =	sshll.u32 s1, $0x11  }
0xcc: {  	s0 =	sor.u32 s1, s0  }
0xcd: {  	s0 =	sadd.s32 $0x8F2B, s0  }
0xce: {  	[sflag:s0] =	ssyncadd.remote.s32 $0x1  }
0xcf: {  	_ =	sfence.sel $0xFFFF  }
0xd0: {  	[dreg:$0x0] =	wrdreg $0xFFFFFFFF;
	(pc) =	sbr.abs _section_cstart, $3  }
0xd1: {  	[dreg:$0x1] =	wrdreg $0xFFFFFFFF  }
0xd2: {  	_ =	task.clear_ibuf [dreg:s22], $0x2FFFF;
	_ =	strace $0x9FFFFFFF  }
0xd3: {  	(tm) =	ssettm $0x7FFFFFFF  }
tec
execute0_lowered:
.L_overlay_start_1:
0x0: {  	(tag) =	ssettag $0x1  }
0x1: {  	s5 =	rddreg [dreg:$0x0]  }
0x2: {  	s6 =	rddreg [dreg:$0x1]  }
0x3: {  	s1 =	srdreg.scid;
	s2 =	rddreg [dreg:$0x2]  }
0x4: {  	s0 =	stileid.u32;
	s3 =	rddreg [dreg:$0x3];
	s4 =	simm.s32 $0x0  }
0x5: {  	s13 =	simm.s32 $0x2800;
	s14 =	simm.s32 $0x5080;
	s15 =	simm.s32 $0x80  }
0x6: {  	s16 =	simm.s32 $0x5000;
	s7 =	sand.u32 $0x1, s1;
	s1 =	rddreg [dreg:$0x4]  }
0x7: {  	s20 =	simm.s32 $0x0;
	s8 =	smul.u32 $0x280, s0;
	[smem:$0x7FF] =	sst s4  }
0x8: {  	s17 =	sshll.u32 s0, $0x6;
	s9 =	sshll.u32 s7, $0x4;
	s10 =	smul.u32 $0x5000, s7  }
0x9: {  	_ =	strace $0x8000004A;
	s7 =	ssub.s32 $0x2, s7;
	s9 =	sor.u32 s0, s9  }
0xa: {  	s17 =	sor.u32 $0x1C01, s17;
	s31 =	sshrl.u32 s7, $0x1;
	s9 =	smul.u32 $0x500, s9  }
0xb: {  	s10 =	sadd.s32 s8, s10;
	s12 =	ssub.s32 s7, s31;
	s7 =	sadd.s32 s8, s2  }
0xc: {  	s8 =	sadd.s32 s8, s3;
	s10 =	sshrl.u32 s10, $0x3;
	s18 =	sshrl.u32 s7, $0x3  }
0xd: {  	s19 =	sshrl.u32 s8, $0x3;
	s11 =	sadd.s32 s9, s6;
	s10 =	sadd.s32 s10, s6  }
0xe: {  	s5 =	sadd.s32 s5, s9;
	s6 =	sadd.s32 $0x20200, s11;
	s9 =	sadd.s32 $0x2600, s10  }
0xf: {  	v0 =	vimm.f32 $1.000000000e+00;
	v1 =	vimm.f32 $0.0e+00;
	s10 =	sadd.s32 $0x2B00, s10;
	s11 =	smax.u32 s12, $0x1;
	s12 =	simm.s32 $0x1  }
.LBB2_1:
0x10: {  	[tilespmem:s4], [sflag:$0x1] =	stream.linear.gather [hbm4b:s5+s4], $0x2780, $0x38;
	[tilespmem:$0x5800] =	vst v63  }
0x11: {  	_ =	swait.ge [sflag:s12], $0x2780  }
0x12: {  	[sflag:s12] =	ssyncset.done $0x0  }
0x13: {  	[sflag:s12] =	ssyncadd.s32 $0xFFFFD880  }
0x14: {  	[tilespmem:s13], [sflag:$0x1] =	stream.linear.gather [hbm4b:s6+s4], $0x2780, $0x38;
	[tilespmem:$0x5800] =	vst v63  }
0x15: {  	_ =	swait.ge [sflag:s12], $0x2780  }
0x16: {  	[sflag:s12] =	ssyncset.done $0x0  }
0x17: {  	[sflag:s12] =	ssyncadd.s32 $0xFFFFD880  }
0x18: {  	[tilespmem:$0x5000] =	vst v0  }
0x19: {  	[tilespmem:$0x5010] =	vst v0  }
0x1a: {  	[tilespmem:$0x5020] =	vst v0  }
0x1b: {  	[tilespmem:$0x5030] =	vst v0  }
0x1c: {  	[tilespmem:$0x5040] =	vst v0  }
0x1d: {  	[tilespmem:$0x5050] =	vst v0  }
0x1e: {  	[tilespmem:$0x5060] =	vst v0  }
0x1f: {  	[tilespmem:$0x5070] =	vst v0  }
0x20: {  	[tilespmem:$0x5080] =	vst v1  }
0x21: {  	[tilespmem:$0x5090] =	vst v1  }
0x22: {  	[tilespmem:$0x50A0] =	vst v1  }
0x23: {  	[tilespmem:$0x50B0] =	vst v1  }
0x24: {  	[tilespmem:$0x50C0] =	vst v1  }
0x25: {  	[tilespmem:$0x50D0] =	vst v1  }
0x26: {  	[tilespmem:$0x50E0] =	vst v1  }
0x27: {  	[tilespmem:$0x50F0] =	vst v1  }
0x28: {  	[tilespmem:$0x5100] =	vst v1  }
0x29: {  	[tilespmem:$0x5110] =	vst v1  }
0x2a: {  	[tilespmem:$0x5120] =	vst v1  }
0x2b: {  	[tilespmem:$0x5130] =	vst v1  }
0x2c: {  	[tilespmem:$0x5140] =	vst v1  }
0x2d: {  	[tilespmem:$0x5150] =	vst v1  }
0x2e: {  	[tilespmem:$0x5160] =	vst v1  }
0x2f: {  	[tilespmem:$0x5170] =	vst v1  }
0x30: {  	[tilespmem:$0x5180] =	vst v1  }
0x31: {  	[tilespmem:$0x5190] =	vst v1  }
0x32: {  	[tilespmem:$0x51A0] =	vst v1  }
0x33: {  	[tilespmem:$0x51B0] =	vst v1  }
0x34: {  	[tilespmem:$0x51C0] =	vst v1  }
0x35: {  	[tilespmem:$0x51D0] =	vst v1  }
0x36: {  	[tilespmem:$0x51E0] =	vst v1  }
0x37: {  	[tilespmem:$0x51F0] =	vst v1  }
0x38: {  	[tilespmem:$0x5200] =	vst v1  }
0x39: {  	[tilespmem:$0x5210] =	vst v1  }
0x3a: {  	[tilespmem:$0x5220] =	vst v1  }
0x3b: {  	[tilespmem:$0x5230] =	vst v1  }
0x3c: {  	[tilespmem:$0x5240] =	vst v1  }
0x3d: {  	[tilespmem:$0x5250] =	vst v1  }
0x3e: {  	[tilespmem:$0x5260] =	vst v1  }
0x3f: {  	[tilespmem:$0x5270] =	vst v1  }
0x40: {  	[tilespmem:$0x5280] =	vst v1  }
0x41: {  	[tilespmem:$0x5290] =	vst v1  }
0x42: {  	[tilespmem:$0x52A0] =	vst v1  }
0x43: {  	[tilespmem:$0x52B0] =	vst v1  }
0x44: {  	[tilespmem:$0x52C0] =	vst v1  }
0x45: {  	[tilespmem:$0x52D0] =	vst v1  }
0x46: {  	[tilespmem:$0x52E0] =	vst v1  }
0x47: {  	[tilespmem:$0x52F0] =	vst v1  }
0x48: {  	[spmem:s7] =	stream.linear.scatter [tilespmem:s14], [sflag:$0x1], $0x280, $0x38;
	[tilespmem:$0x5800] =	vst v63  }
0x49: {  	_ =	swait.ge [sflag:s12], $0x280  }
0x4a: {  	[sflag:s12] =	ssyncset.done $0x0  }
0x4b: {  	[sflag:s12] =	ssyncadd.s32 $0xFFFFFD80  }
0x4c: {  	[spmem:s8] =	stream.linear.scatter [tilespmem:s14], [sflag:$0x1], $0x280, $0x38;
	[tilespmem:$0x5800] =	vst v63  }
0x4d: {  	_ =	swait.ge [sflag:s12], $0x280  }
0x4e: {  	[sflag:s12] =	ssyncset.done $0x0  }
0x4f: {  	[sflag:s12] =	ssyncadd.s32 $0xFFFFFD80  }
0x50: {  	s21 =	simm.s32 $0x0;
	[bflag:$0x0] =	sbarrier.arrive $0xFFFF  }
0x51: {  	[spmem:s2] =	stream.indirect.scatter.add.f32 [tilespmem:s16], [sflag:$0x1], $0x1, s21, s15, $0xb8;
	[tilespmem:$0x5800] =	vst v63  }
0x52: {  	_ =	swait.ge [sflag:s12], $0x80  }
0x53: {  	[sflag:s12] =	ssyncset.done $0x0  }
0x54: {  	s31 =	simm.s32 $0x2800;
	[sflag:s12] =	ssyncadd.s32 $0xFFFFFF80  }
0x55: {  	[spmem:s3] =	stream.indirect.scatter.add.f32 [tilespmem:s16], [sflag:$0x1], $0x1, s31, s15, $0xb8;
	[tilespmem:$0x5800] =	vst v63  }
0x56: {  	_ =	swait.ge [sflag:s12], $0x80  }
0x57: {  	s22 =	simm.s32 $0x400;
	s21 =	simm.s32 $0x200;
	[sflag:s12] =	ssyncset.done $0x0  }
.LBB2_2:
0x58: {  	s23 =	sshra.s32 s21, $0x2  }
0x59: {  	[sflag:s12] =	ssyncadd.s32 $0xFFFFFF80;
	s21 =	smov.u32 s22;
	s24 =	sadd.s32 $0x200, s22  }
0x5a: {  	[spmem:s2] =	stream.indirect.scatter.add.f32 [tilespmem:s16], [sflag:$0x1], $0x1, s23, s15, $0xb8;
	[tilespmem:$0x5800] =	vst v63  }
0x5b: {  	p0 =	sne.s32 s22, $0x9C00;
	_ =	swait.ge [sflag:s12], $0x80  }
.Ltmp0:
0x5c: {  	[sflag:s12] =	ssyncset.done $0x0;
	(pc) =	sbr.rel @p0 .LBB2_2-.Ltmp0, $4  }
0x5d: {  	s22 =	sadd.s32 $0x2800, s23;
	[sflag:s12] =	ssyncadd.s32 $0xFFFFFF80  }
0x5e: {  	[spmem:s3] =	stream.indirect.scatter.add.f32 [tilespmem:s16], [sflag:$0x1], $0x1, s22, s15, $0xb8;
	[tilespmem:$0x5800] =	vst v63  }
0x5f: {  	_ =	swait.ge [sflag:s12], $0x80  }
0x60: {  	s22 =	smov.u32 s24;
	[sflag:s12] =	ssyncset.done $0x0  }
0x61: {  	s21 =	sshra.s32 s21, $0x2;
	[sflag:s12] =	ssyncadd.s32 $0xFFFFFF80  }
0x62: {  	[spmem:s2] =	stream.indirect.scatter.add.f32 [tilespmem:s16], [sflag:$0x1], $0x1, s21, s15, $0xb8;
	[tilespmem:$0x5800] =	vst v63  }
0x63: {  	_ =	swait.ge [sflag:s12], $0x80  }
0x64: {  	[sflag:s12] =	ssyncset.done $0x0  }
0x65: {  	s21 =	sadd.s32 $0x2800, s21;
	[sflag:s12] =	ssyncadd.s32 $0xFFFFFF80  }
0x66: {  	[spmem:s3] =	stream.indirect.scatter.add.f32 [tilespmem:s16], [sflag:$0x1], $0x1, s21, s15, $0xb8;
	[tilespmem:$0x5800] =	vst v63  }
0x67: {  	_ =	swait.ge [sflag:s12], $0x80  }
0x68: {  	[sflag:s12] =	ssyncset.done $0x0  }
0x69: {  	[sflag:s12] =	ssyncadd.s32 $0xFFFFFF80  }
0x6a: {  	[bflag:$0x0] =	sbarrier.arrive $0xFFFF  }
0x6b: {  	[hbm:s9], [sflag:s17] =	dma.local [spmem:s18], $0x50  }
0x6c: {  	s20 =	sadd.s32 $0x1, s20;
	_ =	swait.ge [sflag:s12], $0x50  }
0x6d: {  	p0 =	sne.s32 s20, s11;
	[sflag:s12] =	ssyncset.done $0x0  }
.Ltmp1:
0x6e: {  	[sflag:s12] =	ssyncadd.s32 $0xFFFFFFB0;
	(pc) =	sbr.rel @p0 .LBB2_1-.Ltmp1, $4  }
0x6f: {  	[hbm:s10], [sflag:s17] =	dma.local [spmem:s19], $0x50  }
0x70: {  	_ =	swait.ge [sflag:s12], $0x50  }
0x71: {  	[sflag:s12] =	ssyncset.done $0x0  }
0x72: {  	[sflag:s12] =	ssyncadd.s32 $0xFFFFFFB0  }
0x73: {  	_ =	sfence.sel $0x180000  }
0x74: {  	[bflag:$0x0] =	sbarrier.arrive $0xFFFF  }
0x75: {  	p0 =	sne.s32 s0, $0x0;
	_ =	strace $0x9000004A  }
0x76: {  	s0 =	sadd.s32 @!p0 $0x100000, s1;
	[bflag:$0x2] =	sbarrier.arrive $0xFFFF  }
0x77: {  	[sflag:s0] =	ssyncadd.tile.s32 @!p0 $0x1;
	_ =	shalt  }
.Lfunc_end2:
_tile_overlayer_lowered:
.L_overlay_start_2:
0x78: {  	(tag) =	ssettag $0x2  }
0x79: {  	s0 =	rddreg [dreg:$0x0];
	s2 =	stileid.u32  }
0x7a: {  	s1 =	rddreg [dreg:$0x1];
	p0 =	sne.s32 s2, $0x0  }
0x7b: {  	s3 =	rddreg [dreg:$0x2];
	[bflag:$0x3] =	sbarrier.arrive $0xFFFF;
	s2 =	simm.s32 @!p0 $0x1C01  }
0x7c: {  	[timem:s3], [sflag:s2] =	dma.local @!p0 [hbm:s0], s1  }
0x7d: {  	s0 =	simm.s32 @!p0 $0x1  }
0x7e: {  	_ =	swait.ge @!p0 [sflag:s0], s1  }
0x7f: {  	s1 =	ssub.s32 @!p0 $0x0, s1;
	[sflag:s0] =	ssyncset.done @!p0 $0x0  }
0x80: {  	[sflag:s0] =	ssyncadd.s32 @!p0 s1  }
0x81: {  	[bflag:$0x3] =	sbarrier.arrive $0xFFFF  }
0x82: {  	_ =	shalt  }

</sc_bundles>
